<compile_context>
chip_gen: v7x
topology: tpu7x:2x2x1
jax: 0.10.2.dev20260603
libtpu: 0.0.44.dev20260713+nightly
codegen_flags: <defaults>
</compile_context>

<pallas_src>
import jax
import jax.numpy as jnp
from jax import lax
from jax.experimental import pallas as pl
from jax.experimental.pallas import tpu as pltpu
from jax.experimental.pallas import tpu_sc as plsc

N = 10000
E = 320000
D = 128

NC = 2
NS = 16
NW = NC * NS

CB = 80
SUBS = E // CB
PER_W = SUBS // NW
G = 25
NB = PER_W // G
FR = 80
FCHUNKS = N // FR


def _sc_body(h_hbm, src_hbm, dst_hbm, ea_hbm, out_hbm,
             sidx, didx, gbuf0, gbuf1, ebuf0, ebuf1, acc,
             gsem0, gsem1, esem0, esem1):
    c = lax.axis_index("c")
    s = lax.axis_index("s")
    wid = s * NC + c
    gbufs = (gbuf0, gbuf1)
    ebufs = (ebuf0, ebuf1)
    gsems = (gsem0, gsem1)
    esems = (esem0, esem1)

    zero = jnp.zeros((16,), jnp.float32)

    def zrow(r, carry):
        for k in range(D // 16):
            gbuf0[r, pl.ds(k * 16, 16)] = zero
        return carry

    lax.fori_loop(0, FR, zrow, 0)
    for i in range(pl.cdiv(FCHUNKS, NS)):
        cid = s + NS * i

        @pl.when(cid < FCHUNKS)
        def _():
            pltpu.sync_copy(gbuf0.at[pl.ds(0, FR)],
                            acc.at[pl.ds(cid * FR, FR)])

    plsc.subcore_barrier()

    def issue(b, i, p):
        jg = (wid * NB + b) * G + i
        pltpu.async_copy(ea_hbm.at[jg], ebufs[p], esems[p])
        pltpu.async_copy(h_hbm.at[sidx.at[i]], gbufs[p], gsems[p])

    def step(b, i, p):
        gbuf = gbufs[p]
        ebuf = ebufs[p]
        pltpu.make_async_copy(ea_hbm.at[0], ebuf, esems[p]).wait()
        pltpu.make_async_copy(ea_hbm.at[0], gbuf, gsems[p]).wait()

        @pl.when(i + 1 < G)
        def _():
            issue(b, i + 1, 1 - p)

        def mrow(r, inner):
            for k in range(D // 16):
                sl = pl.ds(k * 16, 16)
                gbuf[r, sl] = jnp.maximum(gbuf[r, sl] + ebuf[r, sl], 0.0)
            return inner

        lax.fori_loop(0, CB, mrow, 0)
        pltpu.sync_copy(gbuf, acc.at[didx.at[i]], add=True)

    def block(b, carry):
        pltpu.sync_copy(src_hbm.at[wid, b], sidx)
        pltpu.sync_copy(dst_hbm.at[wid, b], didx)
        issue(b, 0, 0)

        def pair(i2, inner):
            step(b, 2 * i2, 0)
            step(b, 2 * i2 + 1, 1)
            return inner

        lax.fori_loop(0, G // 2, pair, 0)
        step(b, G - 1, 0)
        return carry

    lax.fori_loop(0, NB, block, 0)
    plsc.subcore_barrier()

    for i in range(pl.cdiv(FCHUNKS, NS)):
        cid = s + NS * i

        @pl.when(cid < FCHUNKS)
        def _():
            pltpu.sync_copy(acc.at[pl.ds(cid * FR, FR)],
                            out_hbm.at[c, pl.ds(cid * FR, FR)])


def _make_sc_aggregate():
    mesh = plsc.VectorSubcoreMesh(core_axis_name="c", subcore_axis_name="s",
                                  num_cores=NC, num_subcores=NS)
    return pl.kernel(
        _sc_body,
        out_type=jax.ShapeDtypeStruct((NC, N, D), jnp.float32),
        mesh=mesh,
        scratch_types=[
            pltpu.VMEM((G, CB), jnp.int32),
            pltpu.VMEM((G, CB), jnp.int32),
            pltpu.VMEM((CB, D), jnp.float32),
            pltpu.VMEM((CB, D), jnp.float32),
            pltpu.VMEM((CB, D), jnp.float32),
            pltpu.VMEM((CB, D), jnp.float32),
            pltpu.VMEM_SHARED((N, D), jnp.float32),
            pltpu.SemaphoreType.DMA,
            pltpu.SemaphoreType.DMA,
            pltpu.SemaphoreType.DMA,
            pltpu.SemaphoreType.DMA,
        ],
    )


def _mlp_body(h_ref, a0_ref, a1_ref, w1_ref, b1_ref, w2_ref, b2_ref, o_ref):
    t = h_ref[...] + a0_ref[...] + a1_ref[...]
    u = jnp.maximum(
        jnp.dot(t, w1_ref[...], preferred_element_type=jnp.float32)
        + b1_ref[...], 0.0)
    v = jnp.maximum(
        jnp.dot(u, w2_ref[...], preferred_element_type=jnp.float32)
        + b2_ref[...], 0.0)
    o_ref[...] = v


def _jk_body(h1_ref, h2_ref, h3_ref, wc1_ref, wc2_ref, wc3_ref, bc_ref, o_ref):
    acc = jnp.dot(h1_ref[...], wc1_ref[...], preferred_element_type=jnp.float32)
    acc += jnp.dot(h2_ref[...], wc2_ref[...], preferred_element_type=jnp.float32)
    acc += jnp.dot(h3_ref[...], wc3_ref[...], preferred_element_type=jnp.float32)
    o_ref[...] = jnp.maximum(acc + bc_ref[...], 0.0)


_ROWS = 1000
_GRID = N // _ROWS


def _row_spec():
    return pl.BlockSpec((_ROWS, D), lambda i: (i, 0))


def _full_spec():
    return pl.BlockSpec((D, D), lambda i: (0, 0))


def _bias_spec():
    return pl.BlockSpec((1, D), lambda i: (0, 0))


def _mlp(h, a0, a1, w1, b1, w2, b2):
    return pl.pallas_call(
        _mlp_body,
        grid=(_GRID,),
        in_specs=[_row_spec(), _row_spec(), _row_spec(),
                  _full_spec(), _bias_spec(), _full_spec(), _bias_spec()],
        out_specs=_row_spec(),
        out_shape=jax.ShapeDtypeStruct((N, D), jnp.float32),
    )(h, a0, a1, w1, b1.reshape(1, D), w2, b2.reshape(1, D))


def _jk(h1, h2, h3, wc, bc):
    return pl.pallas_call(
        _jk_body,
        grid=(_GRID,),
        in_specs=[_row_spec(), _row_spec(), _row_spec(),
                  _full_spec(), _full_spec(), _full_spec(), _bias_spec()],
        out_specs=_row_spec(),
        out_shape=jax.ShapeDtypeStruct((N, D), jnp.float32),
    )(h1, h2, h3, wc[:D], wc[D:2 * D], wc[2 * D:], bc.reshape(1, D))


@jax.jit
def kernel(x, edge_index, edge_attr,
           W1_0, b1_0, W2_0, b2_0,
           W1_1, b1_1, W2_1, b2_1,
           W1_2, b1_2, W2_2, b2_2,
           Wc, bc):
    src = edge_index[0].astype(jnp.int32).reshape(NW, NB, G, CB)
    dst = edge_index[1].astype(jnp.int32).reshape(NW, NB, G, CB)
    ea = edge_attr.reshape(SUBS, CB, D)

    aggregate = _make_sc_aggregate()

    params = [(W1_0, b1_0, W2_0, b2_0),
              (W1_1, b1_1, W2_1, b2_1),
              (W1_2, b1_2, W2_2, b2_2)]
    h = x
    xs = []
    for (w1, b1, w2, b2) in params:
        agg = aggregate(h, src, dst, ea)
        h = _mlp(h, agg[0], agg[1], w1, b1, w2, b2)
        xs.append(h)
    return _jk(xs[0], xs[1], xs[2], Wc, bc)

# --- scband reference (transcript-rebuilt; emitter-appended) ---
"""Pipeline reference for scband-gine-multi-layer-58007828300389 (READ-ONLY COPY).

The authoritative reference and input builder live on the scoring server;
editing this copy changes nothing except your own understanding.
"""

import jax, jax.numpy as jnp
import numpy as np

N = 10000
E = 320000
D = 128
L = 3


def setup_inputs(seed: int = 0) -> dict:
    key = jax.random.key(seed)
    ks = jax.random.split(key, 4 * L + 5)
    inp = {}
    inp["x"] = jax.random.normal(ks[0], (N, D), dtype=jnp.float32)
    inp["edge_index"] = jax.random.randint(ks[1], (2, E), 0, N)
    inp["edge_attr"] = jax.random.normal(ks[2], (E, D), dtype=jnp.float32)
    s = 1.0 / np.sqrt(D)
    kidx = 3
    for i in range(L):
        inp[f"W1_{i}"] = jax.random.normal(ks[kidx], (D, D), dtype=jnp.float32) * s; kidx += 1
        inp[f"b1_{i}"] = jnp.zeros((D,), dtype=jnp.float32)
        inp[f"W2_{i}"] = jax.random.normal(ks[kidx], (D, D), dtype=jnp.float32) * s; kidx += 1
        inp[f"b2_{i}"] = jnp.zeros((D,), dtype=jnp.float32)
    inp["Wc"] = jax.random.normal(ks[kidx], (L * D, D), dtype=jnp.float32) * (1.0 / np.sqrt(L * D))
    inp["bc"] = jnp.zeros((D,), dtype=jnp.float32)
    return inp


def _gine_conv(x, edge_index, edge_attr, W1, b1, W2, b2, eps=0.0):
    src = edge_index[0]
    dst = edge_index[1]
    # message: ReLU(x_j + edge_attr), aggregated by sum at destination node
    m = jax.nn.relu(x[src] + edge_attr)
    aggr = jnp.zeros_like(x).at[dst].add(m)
    h = (1.0 + eps) * x + aggr
    # nn: Linear -> ReLU -> Linear
    h = jnp.maximum(h @ W1 + b1, 0.0) @ W2 + b2
    return h


def reference(x, edge_index, edge_attr,
              W1_0, b1_0, W2_0, b2_0,
              W1_1, b1_1, W2_1, b2_1,
              W1_2, b1_2, W2_2, b2_2,
              Wc, bc):
    params = [(W1_0, b1_0, W2_0, b2_0), (W1_1, b1_1, W2_1, b2_1), (W1_2, b1_2, W2_2, b2_2)]
    xs = []
    h = x
    for (W1, b1, W2, b2) in params:
        h = jax.nn.relu(_gine_conv(h, edge_index, edge_attr, W1, b1, W2, b2))
        # dropout p=0.0 -> no-op
        xs.append(h)
    cat = jnp.concatenate(xs, axis=1)
    out = jnp.maximum(cat @ Wc + bc, 0.0)
    return out


if False:  # reference __main__ guard neutralized (emitter)
    out = reference(**setup_inputs())
    print(out.shape, out.dtype)

if __name__ == "__main__":
    import jax
    _d = setup_inputs()
    print(jax.jit(kernel)(*tuple(_d.values())))

</pallas_src>

<mosaic_0001>
#map = affine_map<(d0, d1) -> (0, 0)>
#map1 = affine_map<(d0, d1) -> (0, 0, 0, 0)>
#map2 = affine_map<(d0, d1) -> (0, 0, 0)>
module attributes {stable_mosaic.version = 14 : i64} {
  func.func @_sc_body(%arg0: i32, %arg1: i32, %arg2: memref<10000x128xf32, #tpu.memory_space<hbm>>, %arg3: memref<32x5x25x80xi32, #tpu.memory_space<hbm>>, %arg4: memref<32x5x25x80xi32, #tpu.memory_space<hbm>>, %arg5: memref<4000x80x128xf32, #tpu.memory_space<hbm>>, %arg6: memref<2x10000x128xf32, #tpu.memory_space<hbm>>, %arg7: memref<25x80xi32, #tpu.memory_space<vmem>>, %arg8: memref<25x80xi32, #tpu.memory_space<vmem>>, %arg9: memref<80x128xf32, #tpu.memory_space<vmem>>, %arg10: memref<80x128xf32, #tpu.memory_space<vmem>>, %arg11: memref<80x128xf32, #tpu.memory_space<vmem>>, %arg12: memref<80x128xf32, #tpu.memory_space<vmem>>, %arg13: memref<10000x128xf32, #tpu.memory_space<vmem_shared>>, %arg14: memref<!tpu.dma_semaphore, #tpu.memory_space<semaphore_mem>>, %arg15: memref<!tpu.dma_semaphore, #tpu.memory_space<semaphore_mem>>, %arg16: memref<!tpu.dma_semaphore, #tpu.memory_space<semaphore_mem>>, %arg17: memref<!tpu.dma_semaphore, #tpu.memory_space<semaphore_mem>>) attributes {dimension_semantics = [#tpu.dimension_semantics<core_parallel>, #tpu.dimension_semantics<subcore_parallel>], iteration_bounds = array<i64: 2, 16>, scalar_prefetch = 0 : i64, scratch_operands = 11 : i64, tpu.core_type = #tpu.core_type<sc_vector_subcore>, window_params = [{transform_indices = #map}, {transform_indices = #map1}, {transform_indices = #map1}, {transform_indices = #map2}, {transform_indices = #map2}]} {
    %mul3A = arith.constant 2 : i32
    %mul3A_0 = arith.muli %arg1, %mul3A : i32
    %add3A = arith.addi %mul3A_0, %arg0 : i32
    %broadcast_in_dim3A = arith.constant 0.000000e+00 : f32
    %broadcast_in_dim3A_1 = vector.broadcast %broadcast_in_dim3A : f32 to vector<16xf32>
    %scan3A = arith.constant 0 : i32
    %scan3A_2 = arith.constant 0 : i32
    %scan3A_3 = arith.constant 80 : i32
    %scan3A_4 = arith.addi %scan3A_2, %scan3A_3 : i32
    %scan3A_5 = arith.constant 1 : i32
    scf.for %scan3A_123 = %scan3A_2 to %scan3A_4 step %scan3A_5  : i32 {
      %swap3A = arith.index_cast %scan3A_123 : i32 to index
      %swap3A_124 = arith.constant 0 : index
      %swap3A_125 = tpu.vector_load %arg9[%swap3A, %swap3A_124] {strides = array<i32>} : memref<80x128xf32, #tpu.memory_space<vmem>>, vector<1x16xf32>,
      %swap3A_126 = vector.shape_cast %swap3A_125 : vector<1x16xf32> to vector<16xf32>
      %swap3A_127 = vector.shape_cast %broadcast_in_dim3A_1 : vector<16xf32> to vector<1x16xf32>
      tpu.vector_store %arg9[%swap3A, %swap3A_124], %swap3A_127 {strides = array<i32>} : memref<80x128xf32, #tpu.memory_space<vmem>>, vector<1x16xf32>,
      %swap3A_128 = arith.index_cast %scan3A_123 : i32 to index
      %swap3A_129 = arith.constant 16 : index
      %swap3A_130 = tpu.vector_load %arg9[%swap3A_128, %swap3A_129] {strides = array<i32>} : memref<80x128xf32, #tpu.memory_space<vmem>>, vector<1x16xf32>,
      %swap3A_131 = vector.shape_cast %swap3A_130 : vector<1x16xf32> to vector<16xf32>
      %swap3A_132 = vector.shape_cast %broadcast_in_dim3A_1 : vector<16xf32> to vector<1x16xf32>
      tpu.vector_store %arg9[%swap3A_128, %swap3A_129], %swap3A_132 {strides = array<i32>} : memref<80x128xf32, #tpu.memory_space<vmem>>, vector<1x16xf32>,
      %swap3A_133 = arith.index_cast %scan3A_123 : i32 to index
      %swap3A_134 = arith.constant 32 : index
      %swap3A_135 = tpu.vector_load %arg9[%swap3A_133, %swap3A_134] {strides = array<i32>} : memref<80x128xf32, #tpu.memory_space<vmem>>, vector<1x16xf32>,
      %swap3A_136 = vector.shape_cast %swap3A_135 : vector<1x16xf32> to vector<16xf32>
      %swap3A_137 = vector.shape_cast %broadcast_in_dim3A_1 : vector<16xf32> to vector<1x16xf32>
      tpu.vector_store %arg9[%swap3A_133, %swap3A_134], %swap3A_137 {strides = array<i32>} : memref<80x128xf32, #tpu.memory_space<vmem>>, vector<1x16xf32>,
      %swap3A_138 = arith.index_cast %scan3A_123 : i32 to index
      %swap3A_139 = arith.constant 48 : index
      %swap3A_140 = tpu.vector_load %arg9[%swap3A_138, %swap3A_139] {strides = array<i32>} : memref<80x128xf32, #tpu.memory_space<vmem>>, vector<1x16xf32>,
      %swap3A_141 = vector.shape_cast %swap3A_140 : vector<1x16xf32> to vector<16xf32>
      %swap3A_142 = vector.shape_cast %broadcast_in_dim3A_1 : vector<16xf32> to vector<1x16xf32>
      tpu.vector_store %arg9[%swap3A_138, %swap3A_139], %swap3A_142 {strides = array<i32>} : memref<80x128xf32, #tpu.memory_space<vmem>>, vector<1x16xf32>,
      %swap3A_143 = arith.index_cast %scan3A_123 : i32 to index
      %swap3A_144 = arith.constant 64 : index
      %swap3A_145 = tpu.vector_load %arg9[%swap3A_143, %swap3A_144] {strides = array<i32>} : memref<80x128xf32, #tpu.memory_space<vmem>>, vector<1x16xf32>,
      %swap3A_146 = vector.shape_cast %swap3A_145 : vector<1x16xf32> to vector<16xf32>
      %swap3A_147 = vector.shape_cast %broadcast_in_dim3A_1 : vector<16xf32> to vector<1x16xf32>
      tpu.vector_store %arg9[%swap3A_143, %swap3A_144], %swap3A_147 {strides = array<i32>} : memref<80x128xf32, #tpu.memory_space<vmem>>, vector<1x16xf32>,
      %swap3A_148 = arith.index_cast %scan3A_123 : i32 to index
      %swap3A_149 = arith.constant 80 : index
      %swap3A_150 = tpu.vector_load %arg9[%swap3A_148, %swap3A_149] {strides = array<i32>} : memref<80x128xf32, #tpu.memory_space<vmem>>, vector<1x16xf32>,
      %swap3A_151 = vector.shape_cast %swap3A_150 : vector<1x16xf32> to vector<16xf32>
      %swap3A_152 = vector.shape_cast %broadcast_in_dim3A_1 : vector<16xf32> to vector<1x16xf32>
      tpu.vector_store %arg9[%swap3A_148, %swap3A_149], %swap3A_152 {strides = array<i32>} : memref<80x128xf32, #tpu.memory_space<vmem>>, vector<1x16xf32>,
      %swap3A_153 = arith.index_cast %scan3A_123 : i32 to index
      %swap3A_154 = arith.constant 96 : index
      %swap3A_155 = tpu.vector_load %arg9[%swap3A_153, %swap3A_154] {strides = array<i32>} : memref<80x128xf32, #tpu.memory_space<vmem>>, vector<1x16xf32>,
      %swap3A_156 = vector.shape_cast %swap3A_155 : vector<1x16xf32> to vector<16xf32>
      %swap3A_157 = vector.shape_cast %broadcast_in_dim3A_1 : vector<16xf32> to vector<1x16xf32>
      tpu.vector_store %arg9[%swap3A_153, %swap3A_154], %swap3A_157 {strides = array<i32>} : memref<80x128xf32, #tpu.memory_space<vmem>>, vector<1x16xf32>,
      %swap3A_158 = arith.index_cast %scan3A_123 : i32 to index
      %swap3A_159 = arith.constant 112 : index
      %swap3A_160 = tpu.vector_load %arg9[%swap3A_158, %swap3A_159] {strides = array<i32>} : memref<80x128xf32, #tpu.memory_space<vmem>>, vector<1x16xf32>,
      %swap3A_161 = vector.shape_cast %swap3A_160 : vector<1x16xf32> to vector<16xf32>
      %swap3A_162 = vector.shape_cast %broadcast_in_dim3A_1 : vector<16xf32> to vector<1x16xf32>
      tpu.vector_store %arg9[%swap3A_158, %swap3A_159], %swap3A_162 {strides = array<i32>} : memref<80x128xf32, #tpu.memory_space<vmem>>, vector<1x16xf32>,
    }
    %scan3A_6 = arith.constant 80 : i32
    %add3A_7 = arith.constant 0 : i32
    %add3A_8 = arith.addi %arg1, %add3A_7 : i32
    %lt3A = arith.constant 125 : i32
    %lt3A_9 = arith.cmpi slt, %add3A_8, %lt3A : i32
    %convert_element_type3A = arith.extui %lt3A_9 : i1 to i32
    %cond3A = arith.constant 0 : i32
    %cond3A_10 = arith.cmpi ne, %convert_element_type3A, %cond3A : i32
    scf.if %cond3A_10 {
      %mul3A_123 = arith.constant 80 : i32
      %mul3A_124 = arith.muli %add3A_8, %mul3A_123 : i32
      "tpu.region"() ({
        %run_scoped3A = tpu.sem_alloc : memref<!tpu.dma_semaphore, #tpu.memory_space<semaphore_mem>>
        %dma_start3A = arith.constant 0 : i32
        %dma_start3A_125 = arith.constant 0 : i32
        %dma_start3A_126 = tpu.memref_slice %arg9[%dma_start3A, %dma_start3A_125] : memref<80x128xf32, #tpu.memory_space<vmem>> -> memref<80x128xf32, #tpu.memory_space<vmem>>
        %dma_start3A_127 = arith.constant 0 : i32
        %dma_start3A_128 = tpu.memref_slice %arg13[%mul3A_124, %dma_start3A_127] : memref<10000x128xf32, #tpu.memory_space<vmem_shared>> -> memref<80x128xf32, #tpu.memory_space<vmem_shared>>
        %dma_start3A_129 = arith.constant 0 : i32
        %dma_start3A_130 = tpu.memref_slice %arg13[%mul3A_124, %dma_start3A_129] : memref<10000x128xf32, #tpu.memory_space<vmem_shared>> -> memref<80x128xf32, #tpu.memory_space<vmem_shared>>
        %dma_start3A_131 = arith.constant 0 : i32
        %dma_start3A_132 = arith.constant 0 : i32
        %dma_start3A_133 = tpu.memref_slice %arg9[%dma_start3A_131, %dma_start3A_132] : memref<80x128xf32, #tpu.memory_space<vmem>> -> memref<80x128xf32, #tpu.memory_space<vmem>>
        tpu.enqueue_dma source(%dma_start3A_133 : memref<80x128xf32, #tpu.memory_space<vmem>>) target(%dma_start3A_130 : memref<80x128xf32, #tpu.memory_space<vmem_shared>>) target_semaphore(%run_scoped3A : memref<!tpu.dma_semaphore, #tpu.memory_space<semaphore_mem>>)
        %dma_wait3A = arith.constant 0 : i32
        %dma_wait3A_134 = arith.constant 0 : i32
        %dma_wait3A_135 = tpu.memref_slice %arg9[%dma_wait3A, %dma_wait3A_134] : memref<80x128xf32, #tpu.memory_space<vmem>> -> memref<80x128xf32, #tpu.memory_space<vmem>>
        %dma_wait3A_136 = arith.constant 0 : i32
        %dma_wait3A_137 = tpu.memref_slice %arg13[%mul3A_124, %dma_wait3A_136] : memref<10000x128xf32, #tpu.memory_space<vmem_shared>> -> memref<80x128xf32, #tpu.memory_space<vmem_shared>>
        %dma_wait3A_138 = arith.constant 0 : i32
        %dma_wait3A_139 = tpu.memref_slice %arg13[%mul3A_124, %dma_wait3A_138] : memref<10000x128xf32, #tpu.memory_space<vmem_shared>> -> memref<80x128xf32, #tpu.memory_space<vmem_shared>>
        %dma_wait3A_140 = arith.constant 0 : i32
        %dma_wait3A_141 = arith.constant 0 : i32
        %dma_wait3A_142 = tpu.memref_slice %arg9[%dma_wait3A_140, %dma_wait3A_141] : memref<80x128xf32, #tpu.memory_space<vmem>> -> memref<80x128xf32, #tpu.memory_space<vmem>>
        tpu.wait_dma2 semaphore(%run_scoped3A : memref<!tpu.dma_semaphore, #tpu.memory_space<semaphore_mem>>) src(%dma_wait3A_142 : memref<80x128xf32, #tpu.memory_space<vmem>>) dst(%dma_wait3A_139 : memref<80x128xf32, #tpu.memory_space<vmem_shared>>)
        tpu.yield
      }) : () -> ()
    } else {
    }
    %add3A_11 = arith.constant 16 : i32
    %add3A_12 = arith.addi %arg1, %add3A_11 : i32
    %lt3A_13 = arith.constant 125 : i32
    %lt3A_14 = arith.cmpi slt, %add3A_12, %lt3A_13 : i32
    %convert_element_type3A_15 = arith.extui %lt3A_14 : i1 to i32
    %cond3A_16 = arith.constant 0 : i32
    %cond3A_17 = arith.cmpi ne, %convert_element_type3A_15, %cond3A_16 : i32
    scf.if %cond3A_17 {
      %mul3A_123 = arith.constant 80 : i32
      %mul3A_124 = arith.muli %add3A_12, %mul3A_123 : i32
      "tpu.region"() ({
        %run_scoped3A = tpu.sem_alloc : memref<!tpu.dma_semaphore, #tpu.memory_space<semaphore_mem>>
        %dma_start3A = arith.constant 0 : i32
        %dma_start3A_125 = arith.constant 0 : i32
        %dma_start3A_126 = tpu.memref_slice %arg9[%dma_start3A, %dma_start3A_125] : memref<80x128xf32, #tpu.memory_space<vmem>> -> memref<80x128xf32, #tpu.memory_space<vmem>>
        %dma_start3A_127 = arith.constant 0 : i32
        %dma_start3A_128 = tpu.memref_slice %arg13[%mul3A_124, %dma_start3A_127] : memref<10000x128xf32, #tpu.memory_space<vmem_shared>> -> memref<80x128xf32, #tpu.memory_space<vmem_shared>>
        %dma_start3A_129 = arith.constant 0 : i32
        %dma_start3A_130 = tpu.memref_slice %arg13[%mul3A_124, %dma_start3A_129] : memref<10000x128xf32, #tpu.memory_space<vmem_shared>> -> memref<80x128xf32, #tpu.memory_space<vmem_shared>>
        %dma_start3A_131 = arith.constant 0 : i32
        %dma_start3A_132 = arith.constant 0 : i32
        %dma_start3A_133 = tpu.memref_slice %arg9[%dma_start3A_131, %dma_start3A_132] : memref<80x128xf32, #tpu.memory_space<vmem>> -> memref<80x128xf32, #tpu.memory_space<vmem>>
        tpu.enqueue_dma source(%dma_start3A_133 : memref<80x128xf32, #tpu.memory_space<vmem>>) target(%dma_start3A_130 : memref<80x128xf32, #tpu.memory_space<vmem_shared>>) target_semaphore(%run_scoped3A : memref<!tpu.dma_semaphore, #tpu.memory_space<semaphore_mem>>)
        %dma_wait3A = arith.constant 0 : i32
        %dma_wait3A_134 = arith.constant 0 : i32
        %dma_wait3A_135 = tpu.memref_slice %arg9[%dma_wait3A, %dma_wait3A_134] : memref<80x128xf32, #tpu.memory_space<vmem>> -> memref<80x128xf32, #tpu.memory_space<vmem>>
        %dma_wait3A_136 = arith.constant 0 : i32
        %dma_wait3A_137 = tpu.memref_slice %arg13[%mul3A_124, %dma_wait3A_136] : memref<10000x128xf32, #tpu.memory_space<vmem_shared>> -> memref<80x128xf32, #tpu.memory_space<vmem_shared>>
        %dma_wait3A_138 = arith.constant 0 : i32
        %dma_wait3A_139 = tpu.memref_slice %arg13[%mul3A_124, %dma_wait3A_138] : memref<10000x128xf32, #tpu.memory_space<vmem_shared>> -> memref<80x128xf32, #tpu.memory_space<vmem_shared>>
        %dma_wait3A_140 = arith.constant 0 : i32
        %dma_wait3A_141 = arith.constant 0 : i32
        %dma_wait3A_142 = tpu.memref_slice %arg9[%dma_wait3A_140, %dma_wait3A_141] : memref<80x128xf32, #tpu.memory_space<vmem>> -> memref<80x128xf32, #tpu.memory_space<vmem>>
        tpu.wait_dma2 semaphore(%run_scoped3A : memref<!tpu.dma_semaphore, #tpu.memory_space<semaphore_mem>>) src(%dma_wait3A_142 : memref<80x128xf32, #tpu.memory_space<vmem>>) dst(%dma_wait3A_139 : memref<80x128xf32, #tpu.memory_space<vmem_shared>>)
        tpu.yield
      }) : () -> ()
    } else {
    }
    %add3A_18 = arith.constant 32 : i32
    %add3A_19 = arith.addi %arg1, %add3A_18 : i32
    %lt3A_20 = arith.constant 125 : i32
    %lt3A_21 = arith.cmpi slt, %add3A_19, %lt3A_20 : i32
    %convert_element_type3A_22 = arith.extui %lt3A_21 : i1 to i32
    %cond3A_23 = arith.constant 0 : i32
    %cond3A_24 = arith.cmpi ne, %convert_element_type3A_22, %cond3A_23 : i32
    scf.if %cond3A_24 {
      %mul3A_123 = arith.constant 80 : i32
      %mul3A_124 = arith.muli %add3A_19, %mul3A_123 : i32
      "tpu.region"() ({
        %run_scoped3A = tpu.sem_alloc : memref<!tpu.dma_semaphore, #tpu.memory_space<semaphore_mem>>
        %dma_start3A = arith.constant 0 : i32
        %dma_start3A_125 = arith.constant 0 : i32
        %dma_start3A_126 = tpu.memref_slice %arg9[%dma_start3A, %dma_start3A_125] : memref<80x128xf32, #tpu.memory_space<vmem>> -> memref<80x128xf32, #tpu.memory_space<vmem>>
        %dma_start3A_127 = arith.constant 0 : i32
        %dma_start3A_128 = tpu.memref_slice %arg13[%mul3A_124, %dma_start3A_127] : memref<10000x128xf32, #tpu.memory_space<vmem_shared>> -> memref<80x128xf32, #tpu.memory_space<vmem_shared>>
        %dma_start3A_129 = arith.constant 0 : i32
        %dma_start3A_130 = tpu.memref_slice %arg13[%mul3A_124, %dma_start3A_129] : memref<10000x128xf32, #tpu.memory_space<vmem_shared>> -> memref<80x128xf32, #tpu.memory_space<vmem_shared>>
        %dma_start3A_131 = arith.constant 0 : i32
        %dma_start3A_132 = arith.constant 0 : i32
        %dma_start3A_133 = tpu.memref_slice %arg9[%dma_start3A_131, %dma_start3A_132] : memref<80x128xf32, #tpu.memory_space<vmem>> -> memref<80x128xf32, #tpu.memory_space<vmem>>
        tpu.enqueue_dma source(%dma_start3A_133 : memref<80x128xf32, #tpu.memory_space<vmem>>) target(%dma_start3A_130 : memref<80x128xf32, #tpu.memory_space<vmem_shared>>) target_semaphore(%run_scoped3A : memref<!tpu.dma_semaphore, #tpu.memory_space<semaphore_mem>>)
        %dma_wait3A = arith.constant 0 : i32
        %dma_wait3A_134 = arith.constant 0 : i32
        %dma_wait3A_135 = tpu.memref_slice %arg9[%dma_wait3A, %dma_wait3A_134] : memref<80x128xf32, #tpu.memory_space<vmem>> -> memref<80x128xf32, #tpu.memory_space<vmem>>
        %dma_wait3A_136 = arith.constant 0 : i32
        %dma_wait3A_137 = tpu.memref_slice %arg13[%mul3A_124, %dma_wait3A_136] : memref<10000x128xf32, #tpu.memory_space<vmem_shared>> -> memref<80x128xf32, #tpu.memory_space<vmem_shared>>
        %dma_wait3A_138 = arith.constant 0 : i32
        %dma_wait3A_139 = tpu.memref_slice %arg13[%mul3A_124, %dma_wait3A_138] : memref<10000x128xf32, #tpu.memory_space<vmem_shared>> -> memref<80x128xf32, #tpu.memory_space<vmem_shared>>
        %dma_wait3A_140 = arith.constant 0 : i32
        %dma_wait3A_141 = arith.constant 0 : i32
        %dma_wait3A_142 = tpu.memref_slice %arg9[%dma_wait3A_140, %dma_wait3A_141] : memref<80x128xf32, #tpu.memory_space<vmem>> -> memref<80x128xf32, #tpu.memory_space<vmem>>
        tpu.wait_dma2 semaphore(%run_scoped3A : memref<!tpu.dma_semaphore, #tpu.memory_space<semaphore_mem>>) src(%dma_wait3A_142 : memref<80x128xf32, #tpu.memory_space<vmem>>) dst(%dma_wait3A_139 : memref<80x128xf32, #tpu.memory_space<vmem_shared>>)
        tpu.yield
      }) : () -> ()
    } else {
    }
    %add3A_25 = arith.constant 48 : i32
    %add3A_26 = arith.addi %arg1, %add3A_25 : i32
    %lt3A_27 = arith.constant 125 : i32
    %lt3A_28 = arith.cmpi slt, %add3A_26, %lt3A_27 : i32
    %convert_element_type3A_29 = arith.extui %lt3A_28 : i1 to i32
    %cond3A_30 = arith.constant 0 : i32
    %cond3A_31 = arith.cmpi ne, %convert_element_type3A_29, %cond3A_30 : i32
    scf.if %cond3A_31 {
      %mul3A_123 = arith.constant 80 : i32
      %mul3A_124 = arith.muli %add3A_26, %mul3A_123 : i32
      "tpu.region"() ({
        %run_scoped3A = tpu.sem_alloc : memref<!tpu.dma_semaphore, #tpu.memory_space<semaphore_mem>>
        %dma_start3A = arith.constant 0 : i32
        %dma_start3A_125 = arith.constant 0 : i32
        %dma_start3A_126 = tpu.memref_slice %arg9[%dma_start3A, %dma_start3A_125] : memref<80x128xf32, #tpu.memory_space<vmem>> -> memref<80x128xf32, #tpu.memory_space<vmem>>
        %dma_start3A_127 = arith.constant 0 : i32
        %dma_start3A_128 = tpu.memref_slice %arg13[%mul3A_124, %dma_start3A_127] : memref<10000x128xf32, #tpu.memory_space<vmem_shared>> -> memref<80x128xf32, #tpu.memory_space<vmem_shared>>
        %dma_start3A_129 = arith.constant 0 : i32
        %dma_start3A_130 = tpu.memref_slice %arg13[%mul3A_124, %dma_start3A_129] : memref<10000x128xf32, #tpu.memory_space<vmem_shared>> -> memref<80x128xf32, #tpu.memory_space<vmem_shared>>
        %dma_start3A_131 = arith.constant 0 : i32
        %dma_start3A_132 = arith.constant 0 : i32
        %dma_start3A_133 = tpu.memref_slice %arg9[%dma_start3A_131, %dma_start3A_132] : memref<80x128xf32, #tpu.memory_space<vmem>> -> memref<80x128xf32, #tpu.memory_space<vmem>>
        tpu.enqueue_dma source(%dma_start3A_133 : memref<80x128xf32, #tpu.memory_space<vmem>>) target(%dma_start3A_130 : memref<80x128xf32, #tpu.memory_space<vmem_shared>>) target_semaphore(%run_scoped3A : memref<!tpu.dma_semaphore, #tpu.memory_space<semaphore_mem>>)
        %dma_wait3A = arith.constant 0 : i32
        %dma_wait3A_134 = arith.constant 0 : i32
        %dma_wait3A_135 = tpu.memref_slice %arg9[%dma_wait3A, %dma_wait3A_134] : memref<80x128xf32, #tpu.memory_space<vmem>> -> memref<80x128xf32, #tpu.memory_space<vmem>>
        %dma_wait3A_136 = arith.constant 0 : i32
        %dma_wait3A_137 = tpu.memref_slice %arg13[%mul3A_124, %dma_wait3A_136] : memref<10000x128xf32, #tpu.memory_space<vmem_shared>> -> memref<80x128xf32, #tpu.memory_space<vmem_shared>>
        %dma_wait3A_138 = arith.constant 0 : i32
        %dma_wait3A_139 = tpu.memref_slice %arg13[%mul3A_124, %dma_wait3A_138] : memref<10000x128xf32, #tpu.memory_space<vmem_shared>> -> memref<80x128xf32, #tpu.memory_space<vmem_shared>>
        %dma_wait3A_140 = arith.constant 0 : i32
        %dma_wait3A_141 = arith.constant 0 : i32
        %dma_wait3A_142 = tpu.memref_slice %arg9[%dma_wait3A_140, %dma_wait3A_141] : memref<80x128xf32, #tpu.memory_space<vmem>> -> memref<80x128xf32, #tpu.memory_space<vmem>>
        tpu.wait_dma2 semaphore(%run_scoped3A : memref<!tpu.dma_semaphore, #tpu.memory_space<semaphore_mem>>) src(%dma_wait3A_142 : memref<80x128xf32, #tpu.memory_space<vmem>>) dst(%dma_wait3A_139 : memref<80x128xf32, #tpu.memory_space<vmem_shared>>)
        tpu.yield
      }) : () -> ()
    } else {
    }
    %add3A_32 = arith.constant 64 : i32
    %add3A_33 = arith.addi %arg1, %add3A_32 : i32
    %lt3A_34 = arith.constant 125 : i32
    %lt3A_35 = arith.cmpi slt, %add3A_33, %lt3A_34 : i32
    %convert_element_type3A_36 = arith.extui %lt3A_35 : i1 to i32
    %cond3A_37 = arith.constant 0 : i32
    %cond3A_38 = arith.cmpi ne, %convert_element_type3A_36, %cond3A_37 : i32
    scf.if %cond3A_38 {
      %mul3A_123 = arith.constant 80 : i32
      %mul3A_124 = arith.muli %add3A_33, %mul3A_123 : i32
      "tpu.region"() ({
        %run_scoped3A = tpu.sem_alloc : memref<!tpu.dma_semaphore, #tpu.memory_space<semaphore_mem>>
        %dma_start3A = arith.constant 0 : i32
        %dma_start3A_125 = arith.constant 0 : i32
        %dma_start3A_126 = tpu.memref_slice %arg9[%dma_start3A, %dma_start3A_125] : memref<80x128xf32, #tpu.memory_space<vmem>> -> memref<80x128xf32, #tpu.memory_space<vmem>>
        %dma_start3A_127 = arith.constant 0 : i32
        %dma_start3A_128 = tpu.memref_slice %arg13[%mul3A_124, %dma_start3A_127] : memref<10000x128xf32, #tpu.memory_space<vmem_shared>> -> memref<80x128xf32, #tpu.memory_space<vmem_shared>>
        %dma_start3A_129 = arith.constant 0 : i32
        %dma_start3A_130 = tpu.memref_slice %arg13[%mul3A_124, %dma_start3A_129] : memref<10000x128xf32, #tpu.memory_space<vmem_shared>> -> memref<80x128xf32, #tpu.memory_space<vmem_shared>>
        %dma_start3A_131 = arith.constant 0 : i32
        %dma_start3A_132 = arith.constant 0 : i32
        %dma_start3A_133 = tpu.memref_slice %arg9[%dma_start3A_131, %dma_start3A_132] : memref<80x128xf32, #tpu.memory_space<vmem>> -> memref<80x128xf32, #tpu.memory_space<vmem>>
        tpu.enqueue_dma source(%dma_start3A_133 : memref<80x128xf32, #tpu.memory_space<vmem>>) target(%dma_start3A_130 : memref<80x128xf32, #tpu.memory_space<vmem_shared>>) target_semaphore(%run_scoped3A : memref<!tpu.dma_semaphore, #tpu.memory_space<semaphore_mem>>)
        %dma_wait3A = arith.constant 0 : i32
        %dma_wait3A_134 = arith.constant 0 : i32
        %dma_wait3A_135 = tpu.memref_slice %arg9[%dma_wait3A, %dma_wait3A_134] : memref<80x128xf32, #tpu.memory_space<vmem>> -> memref<80x128xf32, #tpu.memory_space<vmem>>
        %dma_wait3A_136 = arith.constant 0 : i32
        %dma_wait3A_137 = tpu.memref_slice %arg13[%mul3A_124, %dma_wait3A_136] : memref<10000x128xf32, #tpu.memory_space<vmem_shared>> -> memref<80x128xf32, #tpu.memory_space<vmem_shared>>
        %dma_wait3A_138 = arith.constant 0 : i32
        %dma_wait3A_139 = tpu.memref_slice %arg13[%mul3A_124, %dma_wait3A_138] : memref<10000x128xf32, #tpu.memory_space<vmem_shared>> -> memref<80x128xf32, #tpu.memory_space<vmem_shared>>
        %dma_wait3A_140 = arith.constant 0 : i32
        %dma_wait3A_141 = arith.constant 0 : i32
        %dma_wait3A_142 = tpu.memref_slice %arg9[%dma_wait3A_140, %dma_wait3A_141] : memref<80x128xf32, #tpu.memory_space<vmem>> -> memref<80x128xf32, #tpu.memory_space<vmem>>
        tpu.wait_dma2 semaphore(%run_scoped3A : memref<!tpu.dma_semaphore, #tpu.memory_space<semaphore_mem>>) src(%dma_wait3A_142 : memref<80x128xf32, #tpu.memory_space<vmem>>) dst(%dma_wait3A_139 : memref<80x128xf32, #tpu.memory_space<vmem_shared>>)
        tpu.yield
      }) : () -> ()
    } else {
    }
    %add3A_39 = arith.constant 80 : i32
    %add3A_40 = arith.addi %arg1, %add3A_39 : i32
    %lt3A_41 = arith.constant 125 : i32
    %lt3A_42 = arith.cmpi slt, %add3A_40, %lt3A_41 : i32
    %convert_element_type3A_43 = arith.extui %lt3A_42 : i1 to i32
    %cond3A_44 = arith.constant 0 : i32
    %cond3A_45 = arith.cmpi ne, %convert_element_type3A_43, %cond3A_44 : i32
    scf.if %cond3A_45 {
      %mul3A_123 = arith.constant 80 : i32
      %mul3A_124 = arith.muli %add3A_40, %mul3A_123 : i32
      "tpu.region"() ({
        %run_scoped3A = tpu.sem_alloc : memref<!tpu.dma_semaphore, #tpu.memory_space<semaphore_mem>>
        %dma_start3A = arith.constant 0 : i32
        %dma_start3A_125 = arith.constant 0 : i32
        %dma_start3A_126 = tpu.memref_slice %arg9[%dma_start3A, %dma_start3A_125] : memref<80x128xf32, #tpu.memory_space<vmem>> -> memref<80x128xf32, #tpu.memory_space<vmem>>
        %dma_start3A_127 = arith.constant 0 : i32
        %dma_start3A_128 = tpu.memref_slice %arg13[%mul3A_124, %dma_start3A_127] : memref<10000x128xf32, #tpu.memory_space<vmem_shared>> -> memref<80x128xf32, #tpu.memory_space<vmem_shared>>
        %dma_start3A_129 = arith.constant 0 : i32
        %dma_start3A_130 = tpu.memref_slice %arg13[%mul3A_124, %dma_start3A_129] : memref<10000x128xf32, #tpu.memory_space<vmem_shared>> -> memref<80x128xf32, #tpu.memory_space<vmem_shared>>
        %dma_start3A_131 = arith.constant 0 : i32
        %dma_start3A_132 = arith.constant 0 : i32
        %dma_start3A_133 = tpu.memref_slice %arg9[%dma_start3A_131, %dma_start3A_132] : memref<80x128xf32, #tpu.memory_space<vmem>> -> memref<80x128xf32, #tpu.memory_space<vmem>>
        tpu.enqueue_dma source(%dma_start3A_133 : memref<80x128xf32, #tpu.memory_space<vmem>>) target(%dma_start3A_130 : memref<80x128xf32, #tpu.memory_space<vmem_shared>>) target_semaphore(%run_scoped3A : memref<!tpu.dma_semaphore, #tpu.memory_space<semaphore_mem>>)
        %dma_wait3A = arith.constant 0 : i32
        %dma_wait3A_134 = arith.constant 0 : i32
        %dma_wait3A_135 = tpu.memref_slice %arg9[%dma_wait3A, %dma_wait3A_134] : memref<80x128xf32, #tpu.memory_space<vmem>> -> memref<80x128xf32, #tpu.memory_space<vmem>>
        %dma_wait3A_136 = arith.constant 0 : i32
        %dma_wait3A_137 = tpu.memref_slice %arg13[%mul3A_124, %dma_wait3A_136] : memref<10000x128xf32, #tpu.memory_space<vmem_shared>> -> memref<80x128xf32, #tpu.memory_space<vmem_shared>>
        %dma_wait3A_138 = arith.constant 0 : i32
        %dma_wait3A_139 = tpu.memref_slice %arg13[%mul3A_124, %dma_wait3A_138] : memref<10000x128xf32, #tpu.memory_space<vmem_shared>> -> memref<80x128xf32, #tpu.memory_space<vmem_shared>>
        %dma_wait3A_140 = arith.constant 0 : i32
        %dma_wait3A_141 = arith.constant 0 : i32
        %dma_wait3A_142 = tpu.memref_slice %arg9[%dma_wait3A_140, %dma_wait3A_141] : memref<80x128xf32, #tpu.memory_space<vmem>> -> memref<80x128xf32, #tpu.memory_space<vmem>>
        tpu.wait_dma2 semaphore(%run_scoped3A : memref<!tpu.dma_semaphore, #tpu.memory_space<semaphore_mem>>) src(%dma_wait3A_142 : memref<80x128xf32, #tpu.memory_space<vmem>>) dst(%dma_wait3A_139 : memref<80x128xf32, #tpu.memory_space<vmem_shared>>)
        tpu.yield
      }) : () -> ()
    } else {
    }
    %add3A_46 = arith.constant 96 : i32
    %add3A_47 = arith.addi %arg1, %add3A_46 : i32
    %lt3A_48 = arith.constant 125 : i32
    %lt3A_49 = arith.cmpi slt, %add3A_47, %lt3A_48 : i32
    %convert_element_type3A_50 = arith.extui %lt3A_49 : i1 to i32
    %cond3A_51 = arith.constant 0 : i32
    %cond3A_52 = arith.cmpi ne, %convert_element_type3A_50, %cond3A_51 : i32
    scf.if %cond3A_52 {
      %mul3A_123 = arith.constant 80 : i32
      %mul3A_124 = arith.muli %add3A_47, %mul3A_123 : i32
      "tpu.region"() ({
        %run_scoped3A = tpu.sem_alloc : memref<!tpu.dma_semaphore, #tpu.memory_space<semaphore_mem>>
        %dma_start3A = arith.constant 0 : i32
        %dma_start3A_125 = arith.constant 0 : i32
        %dma_start3A_126 = tpu.memref_slice %arg9[%dma_start3A, %dma_start3A_125] : memref<80x128xf32, #tpu.memory_space<vmem>> -> memref<80x128xf32, #tpu.memory_space<vmem>>
        %dma_start3A_127 = arith.constant 0 : i32
        %dma_start3A_128 = tpu.memref_slice %arg13[%mul3A_124, %dma_start3A_127] : memref<10000x128xf32, #tpu.memory_space<vmem_shared>> -> memref<80x128xf32, #tpu.memory_space<vmem_shared>>
        %dma_start3A_129 = arith.constant 0 : i32
        %dma_start3A_130 = tpu.memref_slice %arg13[%mul3A_124, %dma_start3A_129] : memref<10000x128xf32, #tpu.memory_space<vmem_shared>> -> memref<80x128xf32, #tpu.memory_space<vmem_shared>>
        %dma_start3A_131 = arith.constant 0 : i32
        %dma_start3A_132 = arith.constant 0 : i32
        %dma_start3A_133 = tpu.memref_slice %arg9[%dma_start3A_131, %dma_start3A_132] : memref<80x128xf32, #tpu.memory_space<vmem>> -> memref<80x128xf32, #tpu.memory_space<vmem>>
        tpu.enqueue_dma source(%dma_start3A_133 : memref<80x128xf32, #tpu.memory_space<vmem>>) target(%dma_start3A_130 : memref<80x128xf32, #tpu.memory_space<vmem_shared>>) target_semaphore(%run_scoped3A : memref<!tpu.dma_semaphore, #tpu.memory_space<semaphore_mem>>)
        %dma_wait3A = arith.constant 0 : i32
        %dma_wait3A_134 = arith.constant 0 : i32
        %dma_wait3A_135 = tpu.memref_slice %arg9[%dma_wait3A, %dma_wait3A_134] : memref<80x128xf32, #tpu.memory_space<vmem>> -> memref<80x128xf32, #tpu.memory_space<vmem>>
        %dma_wait3A_136 = arith.constant 0 : i32
        %dma_wait3A_137 = tpu.memref_slice %arg13[%mul3A_124, %dma_wait3A_136] : memref<10000x128xf32, #tpu.memory_space<vmem_shared>> -> memref<80x128xf32, #tpu.memory_space<vmem_shared>>
        %dma_wait3A_138 = arith.constant 0 : i32
        %dma_wait3A_139 = tpu.memref_slice %arg13[%mul3A_124, %dma_wait3A_138] : memref<10000x128xf32, #tpu.memory_space<vmem_shared>> -> memref<80x128xf32, #tpu.memory_space<vmem_shared>>
        %dma_wait3A_140 = arith.constant 0 : i32
        %dma_wait3A_141 = arith.constant 0 : i32
        %dma_wait3A_142 = tpu.memref_slice %arg9[%dma_wait3A_140, %dma_wait3A_141] : memref<80x128xf32, #tpu.memory_space<vmem>> -> memref<80x128xf32, #tpu.memory_space<vmem>>
        tpu.wait_dma2 semaphore(%run_scoped3A : memref<!tpu.dma_semaphore, #tpu.memory_space<semaphore_mem>>) src(%dma_wait3A_142 : memref<80x128xf32, #tpu.memory_space<vmem>>) dst(%dma_wait3A_139 : memref<80x128xf32, #tpu.memory_space<vmem_shared>>)
        tpu.yield
      }) : () -> ()
    } else {
    }
    %add3A_53 = arith.constant 112 : i32
    %add3A_54 = arith.addi %arg1, %add3A_53 : i32
    %lt3A_55 = arith.constant 125 : i32
    %lt3A_56 = arith.cmpi slt, %add3A_54, %lt3A_55 : i32
    %convert_element_type3A_57 = arith.extui %lt3A_56 : i1 to i32
    %cond3A_58 = arith.constant 0 : i32
    %cond3A_59 = arith.cmpi ne, %convert_element_type3A_57, %cond3A_58 : i32
    scf.if %cond3A_59 {
      %mul3A_123 = arith.constant 80 : i32
      %mul3A_124 = arith.muli %add3A_54, %mul3A_123 : i32
      "tpu.region"() ({
        %run_scoped3A = tpu.sem_alloc : memref<!tpu.dma_semaphore, #tpu.memory_space<semaphore_mem>>
        %dma_start3A = arith.constant 0 : i32
        %dma_start3A_125 = arith.constant 0 : i32
        %dma_start3A_126 = tpu.memref_slice %arg9[%dma_start3A, %dma_start3A_125] : memref<80x128xf32, #tpu.memory_space<vmem>> -> memref<80x128xf32, #tpu.memory_space<vmem>>
        %dma_start3A_127 = arith.constant 0 : i32
        %dma_start3A_128 = tpu.memref_slice %arg13[%mul3A_124, %dma_start3A_127] : memref<10000x128xf32, #tpu.memory_space<vmem_shared>> -> memref<80x128xf32, #tpu.memory_space<vmem_shared>>
        %dma_start3A_129 = arith.constant 0 : i32
        %dma_start3A_130 = tpu.memref_slice %arg13[%mul3A_124, %dma_start3A_129] : memref<10000x128xf32, #tpu.memory_space<vmem_shared>> -> memref<80x128xf32, #tpu.memory_space<vmem_shared>>
        %dma_start3A_131 = arith.constant 0 : i32
        %dma_start3A_132 = arith.constant 0 : i32
        %dma_start3A_133 = tpu.memref_slice %arg9[%dma_start3A_131, %dma_start3A_132] : memref<80x128xf32, #tpu.memory_space<vmem>> -> memref<80x128xf32, #tpu.memory_space<vmem>>
        tpu.enqueue_dma source(%dma_start3A_133 : memref<80x128xf32, #tpu.memory_space<vmem>>) target(%dma_start3A_130 : memref<80x128xf32, #tpu.memory_space<vmem_shared>>) target_semaphore(%run_scoped3A : memref<!tpu.dma_semaphore, #tpu.memory_space<semaphore_mem>>)
        %dma_wait3A = arith.constant 0 : i32
        %dma_wait3A_134 = arith.constant 0 : i32
        %dma_wait3A_135 = tpu.memref_slice %arg9[%dma_wait3A, %dma_wait3A_134] : memref<80x128xf32, #tpu.memory_space<vmem>> -> memref<80x128xf32, #tpu.memory_space<vmem>>
        %dma_wait3A_136 = arith.constant 0 : i32
        %dma_wait3A_137 = tpu.memref_slice %arg13[%mul3A_124, %dma_wait3A_136] : memref<10000x128xf32, #tpu.memory_space<vmem_shared>> -> memref<80x128xf32, #tpu.memory_space<vmem_shared>>
        %dma_wait3A_138 = arith.constant 0 : i32
        %dma_wait3A_139 = tpu.memref_slice %arg13[%mul3A_124, %dma_wait3A_138] : memref<10000x128xf32, #tpu.memory_space<vmem_shared>> -> memref<80x128xf32, #tpu.memory_space<vmem_shared>>
        %dma_wait3A_140 = arith.constant 0 : i32
        %dma_wait3A_141 = arith.constant 0 : i32
        %dma_wait3A_142 = tpu.memref_slice %arg9[%dma_wait3A_140, %dma_wait3A_141] : memref<80x128xf32, #tpu.memory_space<vmem>> -> memref<80x128xf32, #tpu.memory_space<vmem>>
        tpu.wait_dma2 semaphore(%run_scoped3A : memref<!tpu.dma_semaphore, #tpu.memory_space<semaphore_mem>>) src(%dma_wait3A_142 : memref<80x128xf32, #tpu.memory_space<vmem>>) dst(%dma_wait3A_139 : memref<80x128xf32, #tpu.memory_space<vmem_shared>>)
        tpu.yield
      }) : () -> ()
    } else {
    }
    %barrier3A = arith.constant 0 : index
    tpu.barrier barrier_id(%barrier3A)
    %scan3A_60 = arith.constant 0 : i32
    %scan3A_61 = arith.constant 0 : i32
    %scan3A_62 = arith.constant 5 : i32
    %scan3A_63 = arith.addi %scan3A_61, %scan3A_62 : i32
    %scan3A_64 = arith.constant 1 : i32
    scf.for %scan3A_123 = %scan3A_61 to %scan3A_63 step %scan3A_64  : i32 {
      "tpu.region"() ({
        %run_scoped3A_174 = tpu.sem_alloc : memref<!tpu.dma_semaphore, #tpu.memory_space<semaphore_mem>>
        %dma_start3A_175 = arith.constant 0 : i32
        %dma_start3A_176 = arith.constant 0 : i32
        %dma_start3A_177 = tpu.memref_slice %arg3[%add3A, %scan3A_123, %dma_start3A_175, %dma_start3A_176] : memref<32x5x25x80xi32, #tpu.memory_space<hbm>> -> memref<1x1x25x80xi32, #tpu.memory_space<hbm>>
        %dma_start3A_178 = tpu.memref_squeeze %dma_start3A_177 : memref<1x1x25x80xi32, #tpu.memory_space<hbm>> -> memref<25x80xi32, #tpu.memory_space<hbm>>
        %dma_start3A_179 = arith.constant 0 : i32
        %dma_start3A_180 = arith.constant 0 : i32
        %dma_start3A_181 = tpu.memref_slice %arg3[%add3A, %scan3A_123, %dma_start3A_179, %dma_start3A_180] : memref<32x5x25x80xi32, #tpu.memory_space<hbm>> -> memref<1x1x25x80xi32, #tpu.memory_space<hbm>>
        %dma_start3A_182 = tpu.memref_squeeze %dma_start3A_181 : memref<1x1x25x80xi32, #tpu.memory_space<hbm>> -> memref<25x80xi32, #tpu.memory_space<hbm>>
        tpu.enqueue_dma source(%dma_start3A_182 : memref<25x80xi32, #tpu.memory_space<hbm>>) target(%arg7 : memref<25x80xi32, #tpu.memory_space<vmem>>) target_semaphore(%run_scoped3A_174 : memref<!tpu.dma_semaphore, #tpu.memory_space<semaphore_mem>>)
        %dma_wait3A_183 = arith.constant 0 : i32
        %dma_wait3A_184 = arith.constant 0 : i32
        %dma_wait3A_185 = tpu.memref_slice %arg3[%add3A, %scan3A_123, %dma_wait3A_183, %dma_wait3A_184] : memref<32x5x25x80xi32, #tpu.memory_space<hbm>> -> memref<1x1x25x80xi32, #tpu.memory_space<hbm>>
        %dma_wait3A_186 = tpu.memref_squeeze %dma_wait3A_185 : memref<1x1x25x80xi32, #tpu.memory_space<hbm>> -> memref<25x80xi32, #tpu.memory_space<hbm>>
        %dma_wait3A_187 = arith.constant 0 : i32
        %dma_wait3A_188 = arith.constant 0 : i32
        %dma_wait3A_189 = tpu.memref_slice %arg3[%add3A, %scan3A_123, %dma_wait3A_187, %dma_wait3A_188] : memref<32x5x25x80xi32, #tpu.memory_space<hbm>> -> memref<1x1x25x80xi32, #tpu.memory_space<hbm>>
        %dma_wait3A_190 = tpu.memref_squeeze %dma_wait3A_189 : memref<1x1x25x80xi32, #tpu.memory_space<hbm>> -> memref<25x80xi32, #tpu.memory_space<hbm>>
        tpu.wait_dma2 semaphore(%run_scoped3A_174 : memref<!tpu.dma_semaphore, #tpu.memory_space<semaphore_mem>>) src(%dma_wait3A_190 : memref<25x80xi32, #tpu.memory_space<hbm>>) dst(%arg7 : memref<25x80xi32, #tpu.memory_space<vmem>>)
        tpu.yield
      }) : () -> ()
      "tpu.region"() ({
        %run_scoped3A_174 = tpu.sem_alloc : memref<!tpu.dma_semaphore, #tpu.memory_space<semaphore_mem>>
        %dma_start3A_175 = arith.constant 0 : i32
        %dma_start3A_176 = arith.constant 0 : i32
        %dma_start3A_177 = tpu.memref_slice %arg4[%add3A, %scan3A_123, %dma_start3A_175, %dma_start3A_176] : memref<32x5x25x80xi32, #tpu.memory_space<hbm>> -> memref<1x1x25x80xi32, #tpu.memory_space<hbm>>
        %dma_start3A_178 = tpu.memref_squeeze %dma_start3A_177 : memref<1x1x25x80xi32, #tpu.memory_space<hbm>> -> memref<25x80xi32, #tpu.memory_space<hbm>>
        %dma_start3A_179 = arith.constant 0 : i32
        %dma_start3A_180 = arith.constant 0 : i32
        %dma_start3A_181 = tpu.memref_slice %arg4[%add3A, %scan3A_123, %dma_start3A_179, %dma_start3A_180] : memref<32x5x25x80xi32, #tpu.memory_space<hbm>> -> memref<1x1x25x80xi32, #tpu.memory_space<hbm>>
        %dma_start3A_182 = tpu.memref_squeeze %dma_start3A_181 : memref<1x1x25x80xi32, #tpu.memory_space<hbm>> -> memref<25x80xi32, #tpu.memory_space<hbm>>
        tpu.enqueue_dma source(%dma_start3A_182 : memref<25x80xi32, #tpu.memory_space<hbm>>) target(%arg8 : memref<25x80xi32, #tpu.memory_space<vmem>>) target_semaphore(%run_scoped3A_174 : memref<!tpu.dma_semaphore, #tpu.memory_space<semaphore_mem>>)
        %dma_wait3A_183 = arith.constant 0 : i32
        %dma_wait3A_184 = arith.constant 0 : i32
        %dma_wait3A_185 = tpu.memref_slice %arg4[%add3A, %scan3A_123, %dma_wait3A_183, %dma_wait3A_184] : memref<32x5x25x80xi32, #tpu.memory_space<hbm>> -> memref<1x1x25x80xi32, #tpu.memory_space<hbm>>
        %dma_wait3A_186 = tpu.memref_squeeze %dma_wait3A_185 : memref<1x1x25x80xi32, #tpu.memory_space<hbm>> -> memref<25x80xi32, #tpu.memory_space<hbm>>
        %dma_wait3A_187 = arith.constant 0 : i32
        %dma_wait3A_188 = arith.constant 0 : i32
        %dma_wait3A_189 = tpu.memref_slice %arg4[%add3A, %scan3A_123, %dma_wait3A_187, %dma_wait3A_188] : memref<32x5x25x80xi32, #tpu.memory_space<hbm>> -> memref<1x1x25x80xi32, #tpu.memory_space<hbm>>
        %dma_wait3A_190 = tpu.memref_squeeze %dma_wait3A_189 : memref<1x1x25x80xi32, #tpu.memory_space<hbm>> -> memref<25x80xi32, #tpu.memory_space<hbm>>
        tpu.wait_dma2 semaphore(%run_scoped3A_174 : memref<!tpu.dma_semaphore, #tpu.memory_space<semaphore_mem>>) src(%dma_wait3A_190 : memref<25x80xi32, #tpu.memory_space<hbm>>) dst(%arg8 : memref<25x80xi32, #tpu.memory_space<vmem>>)
        tpu.yield
      }) : () -> ()
      %mul3A_124 = arith.constant 5 : i32
      %mul3A_125 = arith.muli %add3A, %mul3A_124 : i32
      %add3A_126 = arith.addi %mul3A_125, %scan3A_123 : i32
      %mul3A_127 = arith.constant 25 : i32
      %mul3A_128 = arith.muli %add3A_126, %mul3A_127 : i32
      %add3A_129 = arith.constant 0 : i32
      %add3A_130 = arith.addi %mul3A_128, %add3A_129 : i32
      %dma_start3A = arith.constant 0 : i32
      %dma_start3A_131 = arith.constant 0 : i32
      %dma_start3A_132 = tpu.memref_slice %arg5[%add3A_130, %dma_start3A, %dma_start3A_131] : memref<4000x80x128xf32, #tpu.memory_space<hbm>> -> memref<1x80x128xf32, #tpu.memory_space<hbm>>
      %dma_start3A_133 = tpu.memref_squeeze %dma_start3A_132 : memref<1x80x128xf32, #tpu.memory_space<hbm>> -> memref<80x128xf32, #tpu.memory_space<hbm>>
      %dma_start3A_134 = arith.constant 0 : i32
      %dma_start3A_135 = arith.constant 0 : i32
      %dma_start3A_136 = tpu.memref_slice %arg5[%add3A_130, %dma_start3A_134, %dma_start3A_135] : memref<4000x80x128xf32, #tpu.memory_space<hbm>> -> memref<1x80x128xf32, #tpu.memory_space<hbm>>
      %dma_start3A_137 = tpu.memref_squeeze %dma_start3A_136 : memref<1x80x128xf32, #tpu.memory_space<hbm>> -> memref<80x128xf32, #tpu.memory_space<hbm>>
      tpu.enqueue_dma source(%dma_start3A_137 : memref<80x128xf32, #tpu.memory_space<hbm>>) target(%arg11 : memref<80x128xf32, #tpu.memory_space<vmem>>) target_semaphore(%arg16 : memref<!tpu.dma_semaphore, #tpu.memory_space<semaphore_mem>>)
      %dma_start3A_138 = arith.constant 0 : i32
      %dma_start3A_139 = arith.constant 0 : i32
      %dma_start3A_140 = tpu.memref_slice %arg7[%dma_start3A_138, %dma_start3A_139] : memref<25x80xi32, #tpu.memory_space<vmem>> -> memref<1x80xi32, #tpu.memory_space<vmem>>
      %dma_start3A_141 = tpu.memref_squeeze %dma_start3A_140 : memref<1x80xi32, #tpu.memory_space<vmem>> -> memref<80xi32, #tpu.memory_space<vmem>>
      %dma_start3A_142 = arith.constant 0 : i32
      %dma_start3A_143 = arith.constant 0 : i32
      %dma_start3A_144 = tpu.memref_slice %arg2[%dma_start3A_142, %dma_start3A_143] : memref<10000x128xf32, #tpu.memory_space<hbm>> -> memref<10000x128xf32, #tpu.memory_space<hbm>>
      tpu.enqueue_indirect_dma source(%dma_start3A_144 : memref<10000x128xf32, #tpu.memory_space<hbm>>) target(%arg9 : memref<80x128xf32, #tpu.memory_space<vmem>>) offsets(%dma_start3A_141 : memref<80xi32, #tpu.memory_space<vmem>>) semaphore(%arg14 : memref<!tpu.dma_semaphore, #tpu.memory_space<semaphore_mem>>)
      %scan3A_145 = arith.constant 0 : i32
      %scan3A_146 = arith.constant 0 : i32
      %scan3A_147 = arith.constant 12 : i32
      %scan3A_148 = arith.addi %scan3A_146, %scan3A_147 : i32
      %scan3A_149 = arith.constant 1 : i32
      scf.for %scan3A_174 = %scan3A_146 to %scan3A_148 step %scan3A_149  : i32 {
        %mul3A_175 = arith.constant 2 : i32
        %mul3A_176 = arith.muli %mul3A_175, %scan3A_174 : i32
        %dma_wait3A_177 = arith.constant 0 : i32
        %dma_wait3A_178 = arith.constant 0 : i32
        %dma_wait3A_179 = arith.constant 0 : i32
        %dma_wait3A_180 = tpu.memref_slice %arg5[%dma_wait3A_177, %dma_wait3A_178, %dma_wait3A_179] : memref<4000x80x128xf32, #tpu.memory_space<hbm>> -> memref<1x80x128xf32, #tpu.memory_space<hbm>>
        %dma_wait3A_181 = tpu.memref_squeeze %dma_wait3A_180 : memref<1x80x128xf32, #tpu.memory_space<hbm>> -> memref<80x128xf32, #tpu.memory_space<hbm>>
        %dma_wait3A_182 = arith.constant 0 : i32
        %dma_wait3A_183 = arith.constant 0 : i32
        %dma_wait3A_184 = tpu.memref_slice %arg5[%dma_wait3A_177, %dma_wait3A_182, %dma_wait3A_183] : memref<4000x80x128xf32, #tpu.memory_space<hbm>> -> memref<1x80x128xf32, #tpu.memory_space<hbm>>
        %dma_wait3A_185 = tpu.memref_squeeze %dma_wait3A_184 : memref<1x80x128xf32, #tpu.memory_space<hbm>> -> memref<80x128xf32, #tpu.memory_space<hbm>>
        tpu.wait_dma2 semaphore(%arg16 : memref<!tpu.dma_semaphore, #tpu.memory_space<semaphore_mem>>) src(%dma_wait3A_185 : memref<80x128xf32, #tpu.memory_space<hbm>>) dst(%arg11 : memref<80x128xf32, #tpu.memory_space<vmem>>)
        %dma_wait3A_186 = arith.constant 0 : i32
        %dma_wait3A_187 = arith.constant 0 : i32
        %dma_wait3A_188 = arith.constant 0 : i32
        %dma_wait3A_189 = tpu.memref_slice %arg5[%dma_wait3A_186, %dma_wait3A_187, %dma_wait3A_188] : memref<4000x80x128xf32, #tpu.memory_space<hbm>> -> memref<1x80x128xf32, #tpu.memory_space<hbm>>
        %dma_wait3A_190 = tpu.memref_squeeze %dma_wait3A_189 : memref<1x80x128xf32, #tpu.memory_space<hbm>> -> memref<80x128xf32, #tpu.memory_space<hbm>>
        %dma_wait3A_191 = arith.constant 0 : i32
        %dma_wait3A_192 = arith.constant 0 : i32
        %dma_wait3A_193 = tpu.memref_slice %arg5[%dma_wait3A_186, %dma_wait3A_191, %dma_wait3A_192] : memref<4000x80x128xf32, #tpu.memory_space<hbm>> -> memref<1x80x128xf32, #tpu.memory_space<hbm>>
        %dma_wait3A_194 = tpu.memref_squeeze %dma_wait3A_193 : memref<1x80x128xf32, #tpu.memory_space<hbm>> -> memref<80x128xf32, #tpu.memory_space<hbm>>
        tpu.wait_dma2 semaphore(%arg14 : memref<!tpu.dma_semaphore, #tpu.memory_space<semaphore_mem>>) src(%dma_wait3A_194 : memref<80x128xf32, #tpu.memory_space<hbm>>) dst(%arg9 : memref<80x128xf32, #tpu.memory_space<vmem>>)
        %add3A_195 = arith.constant 1 : i32
        %add3A_196 = arith.addi %mul3A_176, %add3A_195 : i32
        %lt3A_197 = arith.constant 25 : i32
        %lt3A_198 = arith.cmpi slt, %add3A_196, %lt3A_197 : i32
        %convert_element_type3A_199 = arith.extui %lt3A_198 : i1 to i32
        %cond3A_200 = arith.constant 0 : i32
        %cond3A_201 = arith.cmpi ne, %convert_element_type3A_199, %cond3A_200 : i32
        scf.if %cond3A_201 {
          %add3A_243 = arith.constant 1 : i32
          %add3A_244 = arith.addi %mul3A_176, %add3A_243 : i32
          %mul3A_245 = arith.constant 5 : i32
          %mul3A_246 = arith.muli %add3A, %mul3A_245 : i32
          %add3A_247 = arith.addi %mul3A_246, %scan3A_123 : i32
          %mul3A_248 = arith.constant 25 : i32
          %mul3A_249 = arith.muli %add3A_247, %mul3A_248 : i32
          %add3A_250 = arith.addi %mul3A_249, %add3A_244 : i32
          %dma_start3A_251 = arith.constant 0 : i32
          %dma_start3A_252 = arith.constant 0 : i32
          %dma_start3A_253 = tpu.memref_slice %arg5[%add3A_250, %dma_start3A_251, %dma_start3A_252] : memref<4000x80x128xf32, #tpu.memory_space<hbm>> -> memref<1x80x128xf32, #tpu.memory_space<hbm>>
          %dma_start3A_254 = tpu.memref_squeeze %dma_start3A_253 : memref<1x80x128xf32, #tpu.memory_space<hbm>> -> memref<80x128xf32, #tpu.memory_space<hbm>>
          %dma_start3A_255 = arith.constant 0 : i32
          %dma_start3A_256 = arith.constant 0 : i32
          %dma_start3A_257 = tpu.memref_slice %arg5[%add3A_250, %dma_start3A_255, %dma_start3A_256] : memref<4000x80x128xf32, #tpu.memory_space<hbm>> -> memref<1x80x128xf32, #tpu.memory_space<hbm>>
          %dma_start3A_258 = tpu.memref_squeeze %dma_start3A_257 : memref<1x80x128xf32, #tpu.memory_space<hbm>> -> memref<80x128xf32, #tpu.memory_space<hbm>>
          tpu.enqueue_dma source(%dma_start3A_258 : memref<80x128xf32, #tpu.memory_space<hbm>>) target(%arg12 : memref<80x128xf32, #tpu.memory_space<vmem>>) target_semaphore(%arg17 : memref<!tpu.dma_semaphore, #tpu.memory_space<semaphore_mem>>)
          %dma_start3A_259 = arith.constant 0 : i32
          %dma_start3A_260 = tpu.memref_slice %arg7[%add3A_244, %dma_start3A_259] : memref<25x80xi32, #tpu.memory_space<vmem>> -> memref<1x80xi32, #tpu.memory_space<vmem>>
          %dma_start3A_261 = tpu.memref_squeeze %dma_start3A_260 : memref<1x80xi32, #tpu.memory_space<vmem>> -> memref<80xi32, #tpu.memory_space<vmem>>
          %dma_start3A_262 = arith.constant 0 : i32
          %dma_start3A_263 = arith.constant 0 : i32
          %dma_start3A_264 = tpu.memref_slice %arg2[%dma_start3A_262, %dma_start3A_263] : memref<10000x128xf32, #tpu.memory_space<hbm>> -> memref<10000x128xf32, #tpu.memory_space<hbm>>
          tpu.enqueue_indirect_dma source(%dma_start3A_264 : memref<10000x128xf32, #tpu.memory_space<hbm>>) target(%arg10 : memref<80x128xf32, #tpu.memory_space<vmem>>) offsets(%dma_start3A_261 : memref<80xi32, #tpu.memory_space<vmem>>) semaphore(%arg15 : memref<!tpu.dma_semaphore, #tpu.memory_space<semaphore_mem>>)
        } else {
        }
        %scan3A_202 = arith.constant 0 : i32
        %scan3A_203 = arith.constant 0 : i32
        %scan3A_204 = arith.constant 80 : i32
        %scan3A_205 = arith.addi %scan3A_203, %scan3A_204 : i32
        %scan3A_206 = arith.constant 1 : i32
        scf.for %scan3A_243 = %scan3A_203 to %scan3A_205 step %scan3A_206  : i32 {
          %get3A = arith.index_cast %scan3A_243 : i32 to index
          %get3A_244 = arith.constant 0 : index
          %get3A_245 = tpu.vector_load %arg9[%get3A, %get3A_244] {strides = array<i32>} : memref<80x128xf32, #tpu.memory_space<vmem>>, vector<1x16xf32>,
          %get3A_246 = vector.shape_cast %get3A_245 : vector<1x16xf32> to vector<16xf32>
          %get3A_247 = arith.index_cast %scan3A_243 : i32 to index
          %get3A_248 = arith.constant 0 : index
          %get3A_249 = tpu.vector_load %arg11[%get3A_247, %get3A_248] {strides = array<i32>} : memref<80x128xf32, #tpu.memory_space<vmem>>, vector<1x16xf32>,
          %get3A_250 = vector.shape_cast %get3A_249 : vector<1x16xf32> to vector<16xf32>
          %add3A_251 = arith.addf %get3A_246, %get3A_250 : vector<16xf32>
          %max3A = arith.constant 0.000000e+00 : f32
          %max3A_252 = vector.broadcast %max3A : f32 to vector<16xf32>
          %max3A_253 = arith.maximumf %add3A_251, %max3A_252 : vector<16xf32>
          %swap3A = arith.index_cast %scan3A_243 : i32 to index
          %swap3A_254 = arith.constant 0 : index
          %swap3A_255 = tpu.vector_load %arg9[%swap3A, %swap3A_254] {strides = array<i32>} : memref<80x128xf32, #tpu.memory_space<vmem>>, vector<1x16xf32>,
          %swap3A_256 = vector.shape_cast %swap3A_255 : vector<1x16xf32> to vector<16xf32>
          %swap3A_257 = vector.shape_cast %max3A_253 : vector<16xf32> to vector<1x16xf32>
          tpu.vector_store %arg9[%swap3A, %swap3A_254], %swap3A_257 {strides = array<i32>} : memref<80x128xf32, #tpu.memory_space<vmem>>, vector<1x16xf32>,
          %get3A_258 = arith.index_cast %scan3A_243 : i32 to index
          %get3A_259 = arith.constant 16 : index
          %get3A_260 = tpu.vector_load %arg9[%get3A_258, %get3A_259] {strides = array<i32>} : memref<80x128xf32, #tpu.memory_space<vmem>>, vector<1x16xf32>,
          %get3A_261 = vector.shape_cast %get3A_260 : vector<1x16xf32> to vector<16xf32>
          %get3A_262 = arith.index_cast %scan3A_243 : i32 to index
          %get3A_263 = arith.constant 16 : index
          %get3A_264 = tpu.vector_load %arg11[%get3A_262, %get3A_263] {strides = array<i32>} : memref<80x128xf32, #tpu.memory_space<vmem>>, vector<1x16xf32>,
          %get3A_265 = vector.shape_cast %get3A_264 : vector<1x16xf32> to vector<16xf32>
          %add3A_266 = arith.addf %get3A_261, %get3A_265 : vector<16xf32>
          %max3A_267 = arith.constant 0.000000e+00 : f32
          %max3A_268 = vector.broadcast %max3A_267 : f32 to vector<16xf32>
          %max3A_269 = arith.maximumf %add3A_266, %max3A_268 : vector<16xf32>
          %swap3A_270 = arith.index_cast %scan3A_243 : i32 to index
          %swap3A_271 = arith.constant 16 : index
          %swap3A_272 = tpu.vector_load %arg9[%swap3A_270, %swap3A_271] {strides = array<i32>} : memref<80x128xf32, #tpu.memory_space<vmem>>, vector<1x16xf32>,
          %swap3A_273 = vector.shape_cast %swap3A_272 : vector<1x16xf32> to vector<16xf32>
          %swap3A_274 = vector.shape_cast %max3A_269 : vector<16xf32> to vector<1x16xf32>
          tpu.vector_store %arg9[%swap3A_270, %swap3A_271], %swap3A_274 {strides = array<i32>} : memref<80x128xf32, #tpu.memory_space<vmem>>, vector<1x16xf32>,
          %get3A_275 = arith.index_cast %scan3A_243 : i32 to index
          %get3A_276 = arith.constant 32 : index
          %get3A_277 = tpu.vector_load %arg9[%get3A_275, %get3A_276] {strides = array<i32>} : memref<80x128xf32, #tpu.memory_space<vmem>>, vector<1x16xf32>,
          %get3A_278 = vector.shape_cast %get3A_277 : vector<1x16xf32> to vector<16xf32>
          %get3A_279 = arith.index_cast %scan3A_243 : i32 to index
          %get3A_280 = arith.constant 32 : index
          %get3A_281 = tpu.vector_load %arg11[%get3A_279, %get3A_280] {strides = array<i32>} : memref<80x128xf32, #tpu.memory_space<vmem>>, vector<1x16xf32>,
          %get3A_282 = vector.shape_cast %get3A_281 : vector<1x16xf32> to vector<16xf32>
          %add3A_283 = arith.addf %get3A_278, %get3A_282 : vector<16xf32>
          %max3A_284 = arith.constant 0.000000e+00 : f32
          %max3A_285 = vector.broadcast %max3A_284 : f32 to vector<16xf32>
          %max3A_286 = arith.maximumf %add3A_283, %max3A_285 : vector<16xf32>
          %swap3A_287 = arith.index_cast %scan3A_243 : i32 to index
          %swap3A_288 = arith.constant 32 : index
          %swap3A_289 = tpu.vector_load %arg9[%swap3A_287, %swap3A_288] {strides = array<i32>} : memref<80x128xf32, #tpu.memory_space<vmem>>, vector<1x16xf32>,
          %swap3A_290 = vector.shape_cast %swap3A_289 : vector<1x16xf32> to vector<16xf32>
          %swap3A_291 = vector.shape_cast %max3A_286 : vector<16xf32> to vector<1x16xf32>
          tpu.vector_store %arg9[%swap3A_287, %swap3A_288], %swap3A_291 {strides = array<i32>} : memref<80x128xf32, #tpu.memory_space<vmem>>, vector<1x16xf32>,
          %get3A_292 = arith.index_cast %scan3A_243 : i32 to index
          %get3A_293 = arith.constant 48 : index
          %get3A_294 = tpu.vector_load %arg9[%get3A_292, %get3A_293] {strides = array<i32>} : memref<80x128xf32, #tpu.memory_space<vmem>>, vector<1x16xf32>,
          %get3A_295 = vector.shape_cast %get3A_294 : vector<1x16xf32> to vector<16xf32>
          %get3A_296 = arith.index_cast %scan3A_243 : i32 to index
          %get3A_297 = arith.constant 48 : index
          %get3A_298 = tpu.vector_load %arg11[%get3A_296, %get3A_297] {strides = array<i32>} : memref<80x128xf32, #tpu.memory_space<vmem>>, vector<1x16xf32>,
          %get3A_299 = vector.shape_cast %get3A_298 : vector<1x16xf32> to vector<16xf32>
          %add3A_300 = arith.addf %get3A_295, %get3A_299 : vector<16xf32>
          %max3A_301 = arith.constant 0.000000e+00 : f32
          %max3A_302 = vector.broadcast %max3A_301 : f32 to vector<16xf32>
          %max3A_303 = arith.maximumf %add3A_300, %max3A_302 : vector<16xf32>
          %swap3A_304 = arith.index_cast %scan3A_243 : i32 to index
          %swap3A_305 = arith.constant 48 : index
          %swap3A_306 = tpu.vector_load %arg9[%swap3A_304, %swap3A_305] {strides = array<i32>} : memref<80x128xf32, #tpu.memory_space<vmem>>, vector<1x16xf32>,
          %swap3A_307 = vector.shape_cast %swap3A_306 : vector<1x16xf32> to vector<16xf32>
          %swap3A_308 = vector.shape_cast %max3A_303 : vector<16xf32> to vector<1x16xf32>
          tpu.vector_store %arg9[%swap3A_304, %swap3A_305], %swap3A_308 {strides = array<i32>} : memref<80x128xf32, #tpu.memory_space<vmem>>, vector<1x16xf32>,
          %get3A_309 = arith.index_cast %scan3A_243 : i32 to index
          %get3A_310 = arith.constant 64 : index
          %get3A_311 = tpu.vector_load %arg9[%get3A_309, %get3A_310] {strides = array<i32>} : memref<80x128xf32, #tpu.memory_space<vmem>>, vector<1x16xf32>,
          %get3A_312 = vector.shape_cast %get3A_311 : vector<1x16xf32> to vector<16xf32>
          %get3A_313 = arith.index_cast %scan3A_243 : i32 to index
          %get3A_314 = arith.constant 64 : index
          %get3A_315 = tpu.vector_load %arg11[%get3A_313, %get3A_314] {strides = array<i32>} : memref<80x128xf32, #tpu.memory_space<vmem>>, vector<1x16xf32>,
          %get3A_316 = vector.shape_cast %get3A_315 : vector<1x16xf32> to vector<16xf32>
          %add3A_317 = arith.addf %get3A_312, %get3A_316 : vector<16xf32>
          %max3A_318 = arith.constant 0.000000e+00 : f32
          %max3A_319 = vector.broadcast %max3A_318 : f32 to vector<16xf32>
          %max3A_320 = arith.maximumf %add3A_317, %max3A_319 : vector<16xf32>
          %swap3A_321 = arith.index_cast %scan3A_243 : i32 to index
          %swap3A_322 = arith.constant 64 : index
          %swap3A_323 = tpu.vector_load %arg9[%swap3A_321, %swap3A_322] {strides = array<i32>} : memref<80x128xf32, #tpu.memory_space<vmem>>, vector<1x16xf32>,
          %swap3A_324 = vector.shape_cast %swap3A_323 : vector<1x16xf32> to vector<16xf32>
          %swap3A_325 = vector.shape_cast %max3A_320 : vector<16xf32> to vector<1x16xf32>
          tpu.vector_store %arg9[%swap3A_321, %swap3A_322], %swap3A_325 {strides = array<i32>} : memref<80x128xf32, #tpu.memory_space<vmem>>, vector<1x16xf32>,
          %get3A_326 = arith.index_cast %scan3A_243 : i32 to index
          %get3A_327 = arith.constant 80 : index
          %get3A_328 = tpu.vector_load %arg9[%get3A_326, %get3A_327] {strides = array<i32>} : memref<80x128xf32, #tpu.memory_space<vmem>>, vector<1x16xf32>,
          %get3A_329 = vector.shape_cast %get3A_328 : vector<1x16xf32> to vector<16xf32>
          %get3A_330 = arith.index_cast %scan3A_243 : i32 to index
          %get3A_331 = arith.constant 80 : index
          %get3A_332 = tpu.vector_load %arg11[%get3A_330, %get3A_331] {strides = array<i32>} : memref<80x128xf32, #tpu.memory_space<vmem>>, vector<1x16xf32>,
          %get3A_333 = vector.shape_cast %get3A_332 : vector<1x16xf32> to vector<16xf32>
          %add3A_334 = arith.addf %get3A_329, %get3A_333 : vector<16xf32>
          %max3A_335 = arith.constant 0.000000e+00 : f32
          %max3A_336 = vector.broadcast %max3A_335 : f32 to vector<16xf32>
          %max3A_337 = arith.maximumf %add3A_334, %max3A_336 : vector<16xf32>
          %swap3A_338 = arith.index_cast %scan3A_243 : i32 to index
          %swap3A_339 = arith.constant 80 : index
          %swap3A_340 = tpu.vector_load %arg9[%swap3A_338, %swap3A_339] {strides = array<i32>} : memref<80x128xf32, #tpu.memory_space<vmem>>, vector<1x16xf32>,
          %swap3A_341 = vector.shape_cast %swap3A_340 : vector<1x16xf32> to vector<16xf32>
          %swap3A_342 = vector.shape_cast %max3A_337 : vector<16xf32> to vector<1x16xf32>
          tpu.vector_store %arg9[%swap3A_338, %swap3A_339], %swap3A_342 {strides = array<i32>} : memref<80x128xf32, #tpu.memory_space<vmem>>, vector<1x16xf32>,
          %get3A_343 = arith.index_cast %scan3A_243 : i32 to index
          %get3A_344 = arith.constant 96 : index
          %get3A_345 = tpu.vector_load %arg9[%get3A_343, %get3A_344] {strides = array<i32>} : memref<80x128xf32, #tpu.memory_space<vmem>>, vector<1x16xf32>,
          %get3A_346 = vector.shape_cast %get3A_345 : vector<1x16xf32> to vector<16xf32>
          %get3A_347 = arith.index_cast %scan3A_243 : i32 to index
          %get3A_348 = arith.constant 96 : index
          %get3A_349 = tpu.vector_load %arg11[%get3A_347, %get3A_348] {strides = array<i32>} : memref<80x128xf32, #tpu.memory_space<vmem>>, vector<1x16xf32>,
          %get3A_350 = vector.shape_cast %get3A_349 : vector<1x16xf32> to vector<16xf32>
          %add3A_351 = arith.addf %get3A_346, %get3A_350 : vector<16xf32>
          %max3A_352 = arith.constant 0.000000e+00 : f32
          %max3A_353 = vector.broadcast %max3A_352 : f32 to vector<16xf32>
          %max3A_354 = arith.maximumf %add3A_351, %max3A_353 : vector<16xf32>
          %swap3A_355 = arith.index_cast %scan3A_243 : i32 to index
          %swap3A_356 = arith.constant 96 : index
          %swap3A_357 = tpu.vector_load %arg9[%swap3A_355, %swap3A_356] {strides = array<i32>} : memref<80x128xf32, #tpu.memory_space<vmem>>, vector<1x16xf32>,
          %swap3A_358 = vector.shape_cast %swap3A_357 : vector<1x16xf32> to vector<16xf32>
          %swap3A_359 = vector.shape_cast %max3A_354 : vector<16xf32> to vector<1x16xf32>
          tpu.vector_store %arg9[%swap3A_355, %swap3A_356], %swap3A_359 {strides = array<i32>} : memref<80x128xf32, #tpu.memory_space<vmem>>, vector<1x16xf32>,
          %get3A_360 = arith.index_cast %scan3A_243 : i32 to index
          %get3A_361 = arith.constant 112 : index
          %get3A_362 = tpu.vector_load %arg9[%get3A_360, %get3A_361] {strides = array<i32>} : memref<80x128xf32, #tpu.memory_space<vmem>>, vector<1x16xf32>,
          %get3A_363 = vector.shape_cast %get3A_362 : vector<1x16xf32> to vector<16xf32>
          %get3A_364 = arith.index_cast %scan3A_243 : i32 to index
          %get3A_365 = arith.constant 112 : index
          %get3A_366 = tpu.vector_load %arg11[%get3A_364, %get3A_365] {strides = array<i32>} : memref<80x128xf32, #tpu.memory_space<vmem>>, vector<1x16xf32>,
          %get3A_367 = vector.shape_cast %get3A_366 : vector<1x16xf32> to vector<16xf32>
          %add3A_368 = arith.addf %get3A_363, %get3A_367 : vector<16xf32>
          %max3A_369 = arith.constant 0.000000e+00 : f32
          %max3A_370 = vector.broadcast %max3A_369 : f32 to vector<16xf32>
          %max3A_371 = arith.maximumf %add3A_368, %max3A_370 : vector<16xf32>
          %swap3A_372 = arith.index_cast %scan3A_243 : i32 to index
          %swap3A_373 = arith.constant 112 : index
          %swap3A_374 = tpu.vector_load %arg9[%swap3A_372, %swap3A_373] {strides = array<i32>} : memref<80x128xf32, #tpu.memory_space<vmem>>, vector<1x16xf32>,
          %swap3A_375 = vector.shape_cast %swap3A_374 : vector<1x16xf32> to vector<16xf32>
          %swap3A_376 = vector.shape_cast %max3A_371 : vector<16xf32> to vector<1x16xf32>
          tpu.vector_store %arg9[%swap3A_372, %swap3A_373], %swap3A_376 {strides = array<i32>} : memref<80x128xf32, #tpu.memory_space<vmem>>, vector<1x16xf32>,
        }
        %scan3A_207 = arith.constant 80 : i32
        "tpu.region"() ({
          %run_scoped3A_243 = tpu.sem_alloc : memref<!tpu.dma_semaphore, #tpu.memory_space<semaphore_mem>>
          %dma_start3A_244 = arith.constant 0 : i32
          %dma_start3A_245 = tpu.memref_slice %arg8[%mul3A_176, %dma_start3A_244] : memref<25x80xi32, #tpu.memory_space<vmem>> -> memref<1x80xi32, #tpu.memory_space<vmem>>
          %dma_start3A_246 = tpu.memref_squeeze %dma_start3A_245 : memref<1x80xi32, #tpu.memory_space<vmem>> -> memref<80xi32, #tpu.memory_space<vmem>>
          %dma_start3A_247 = arith.constant 0 : i32
          %dma_start3A_248 = arith.constant 0 : i32
          %dma_start3A_249 = tpu.memref_slice %arg13[%dma_start3A_247, %dma_start3A_248] : memref<10000x128xf32, #tpu.memory_space<vmem_shared>> -> memref<10000x128xf32, #tpu.memory_space<vmem_shared>>
          tpu.enqueue_indirect_dma source(%arg9 : memref<80x128xf32, #tpu.memory_space<vmem>>) target(%dma_start3A_249 : memref<10000x128xf32, #tpu.memory_space<vmem_shared>>) offsets(%dma_start3A_246 : memref<80xi32, #tpu.memory_space<vmem>>) semaphore(%run_scoped3A_243 : memref<!tpu.dma_semaphore, #tpu.memory_space<semaphore_mem>>) {add = true}
          %dma_wait3A_250 = arith.constant 0 : i32
          %dma_wait3A_251 = tpu.memref_slice %arg8[%mul3A_176, %dma_wait3A_250] : memref<25x80xi32, #tpu.memory_space<vmem>> -> memref<1x80xi32, #tpu.memory_space<vmem>>
          %dma_wait3A_252 = tpu.memref_squeeze %dma_wait3A_251 : memref<1x80xi32, #tpu.memory_space<vmem>> -> memref<80xi32, #tpu.memory_space<vmem>>
          %dma_wait3A_253 = arith.constant 0 : i32
          %dma_wait3A_254 = arith.constant 0 : i32
          %dma_wait3A_255 = tpu.memref_slice %arg13[%dma_wait3A_253, %dma_wait3A_254] : memref<10000x128xf32, #tpu.memory_space<vmem_shared>> -> memref<10000x128xf32, #tpu.memory_space<vmem_shared>>
          tpu.wait_indirect_dma semaphore(%run_scoped3A_243 : memref<!tpu.dma_semaphore, #tpu.memory_space<semaphore_mem>>) src(%arg9 : memref<80x128xf32, #tpu.memory_space<vmem>>) dst(%dma_wait3A_255 : memref<10000x128xf32, #tpu.memory_space<vmem_shared>>)
          tpu.yield
        }) : () -> ()
        %mul3A_208 = arith.constant 2 : i32
        %mul3A_209 = arith.muli %mul3A_208, %scan3A_174 : i32
        %add3A_210 = arith.constant 1 : i32
        %add3A_211 = arith.addi %mul3A_209, %add3A_210 : i32
        %dma_wait3A_212 = arith.constant 0 : i32
        %dma_wait3A_213 = arith.constant 0 : i32
        %dma_wait3A_214 = arith.constant 0 : i32
        %dma_wait3A_215 = tpu.memref_slice %arg5[%dma_wait3A_212, %dma_wait3A_213, %dma_wait3A_214] : memref<4000x80x128xf32, #tpu.memory_space<hbm>> -> memref<1x80x128xf32, #tpu.memory_space<hbm>>
        %dma_wait3A_216 = tpu.memref_squeeze %dma_wait3A_215 : memref<1x80x128xf32, #tpu.memory_space<hbm>> -> memref<80x128xf32, #tpu.memory_space<hbm>>
        %dma_wait3A_217 = arith.constant 0 : i32
        %dma_wait3A_218 = arith.constant 0 : i32
        %dma_wait3A_219 = tpu.memref_slice %arg5[%dma_wait3A_212, %dma_wait3A_217, %dma_wait3A_218] : memref<4000x80x128xf32, #tpu.memory_space<hbm>> -> memref<1x80x128xf32, #tpu.memory_space<hbm>>
        %dma_wait3A_220 = tpu.memref_squeeze %dma_wait3A_219 : memref<1x80x128xf32, #tpu.memory_space<hbm>> -> memref<80x128xf32, #tpu.memory_space<hbm>>
        tpu.wait_dma2 semaphore(%arg17 : memref<!tpu.dma_semaphore, #tpu.memory_space<semaphore_mem>>) src(%dma_wait3A_220 : memref<80x128xf32, #tpu.memory_space<hbm>>) dst(%arg12 : memref<80x128xf32, #tpu.memory_space<vmem>>)
        %dma_wait3A_221 = arith.constant 0 : i32
        %dma_wait3A_222 = arith.constant 0 : i32
        %dma_wait3A_223 = arith.constant 0 : i32
        %dma_wait3A_224 = tpu.memref_slice %arg5[%dma_wait3A_221, %dma_wait3A_222, %dma_wait3A_223] : memref<4000x80x128xf32, #tpu.memory_space<hbm>> -> memref<1x80x128xf32, #tpu.memory_space<hbm>>
        %dma_wait3A_225 = tpu.memref_squeeze %dma_wait3A_224 : memref<1x80x128xf32, #tpu.memory_space<hbm>> -> memref<80x128xf32, #tpu.memory_space<hbm>>
        %dma_wait3A_226 = arith.constant 0 : i32
        %dma_wait3A_227 = arith.constant 0 : i32
        %dma_wait3A_228 = tpu.memref_slice %arg5[%dma_wait3A_221, %dma_wait3A_226, %dma_wait3A_227] : memref<4000x80x128xf32, #tpu.memory_space<hbm>> -> memref<1x80x128xf32, #tpu.memory_space<hbm>>
        %dma_wait3A_229 = tpu.memref_squeeze %dma_wait3A_228 : memref<1x80x128xf32, #tpu.memory_space<hbm>> -> memref<80x128xf32, #tpu.memory_space<hbm>>
        tpu.wait_dma2 semaphore(%arg15 : memref<!tpu.dma_semaphore, #tpu.memory_space<semaphore_mem>>) src(%dma_wait3A_229 : memref<80x128xf32, #tpu.memory_space<hbm>>) dst(%arg10 : memref<80x128xf32, #tpu.memory_space<vmem>>)
        %add3A_230 = arith.constant 1 : i32
        %add3A_231 = arith.addi %add3A_211, %add3A_230 : i32
        %lt3A_232 = arith.constant 25 : i32
        %lt3A_233 = arith.cmpi slt, %add3A_231, %lt3A_232 : i32
        %convert_element_type3A_234 = arith.extui %lt3A_233 : i1 to i32
        %cond3A_235 = arith.constant 0 : i32
        %cond3A_236 = arith.cmpi ne, %convert_element_type3A_234, %cond3A_235 : i32
        scf.if %cond3A_236 {
          %add3A_243 = arith.constant 1 : i32
          %add3A_244 = arith.addi %add3A_211, %add3A_243 : i32
          %mul3A_245 = arith.constant 5 : i32
          %mul3A_246 = arith.muli %add3A, %mul3A_245 : i32
          %add3A_247 = arith.addi %mul3A_246, %scan3A_123 : i32
          %mul3A_248 = arith.constant 25 : i32
          %mul3A_249 = arith.muli %add3A_247, %mul3A_248 : i32
          %add3A_250 = arith.addi %mul3A_249, %add3A_244 : i32
          %dma_start3A_251 = arith.constant 0 : i32
          %dma_start3A_252 = arith.constant 0 : i32
          %dma_start3A_253 = tpu.memref_slice %arg5[%add3A_250, %dma_start3A_251, %dma_start3A_252] : memref<4000x80x128xf32, #tpu.memory_space<hbm>> -> memref<1x80x128xf32, #tpu.memory_space<hbm>>
          %dma_start3A_254 = tpu.memref_squeeze %dma_start3A_253 : memref<1x80x128xf32, #tpu.memory_space<hbm>> -> memref<80x128xf32, #tpu.memory_space<hbm>>
          %dma_start3A_255 = arith.constant 0 : i32
          %dma_start3A_256 = arith.constant 0 : i32
          %dma_start3A_257 = tpu.memref_slice %arg5[%add3A_250, %dma_start3A_255, %dma_start3A_256] : memref<4000x80x128xf32, #tpu.memory_space<hbm>> -> memref<1x80x128xf32, #tpu.memory_space<hbm>>
          %dma_start3A_258 = tpu.memref_squeeze %dma_start3A_257 : memref<1x80x128xf32, #tpu.memory_space<hbm>> -> memref<80x128xf32, #tpu.memory_space<hbm>>
          tpu.enqueue_dma source(%dma_start3A_258 : memref<80x128xf32, #tpu.memory_space<hbm>>) target(%arg11 : memref<80x128xf32, #tpu.memory_space<vmem>>) target_semaphore(%arg16 : memref<!tpu.dma_semaphore, #tpu.memory_space<semaphore_mem>>)
          %dma_start3A_259 = arith.constant 0 : i32
          %dma_start3A_260 = tpu.memref_slice %arg7[%add3A_244, %dma_start3A_259] : memref<25x80xi32, #tpu.memory_space<vmem>> -> memref<1x80xi32, #tpu.memory_space<vmem>>
          %dma_start3A_261 = tpu.memref_squeeze %dma_start3A_260 : memref<1x80xi32, #tpu.memory_space<vmem>> -> memref<80xi32, #tpu.memory_space<vmem>>
          %dma_start3A_262 = arith.constant 0 : i32
          %dma_start3A_263 = arith.constant 0 : i32
          %dma_start3A_264 = tpu.memref_slice %arg2[%dma_start3A_262, %dma_start3A_263] : memref<10000x128xf32, #tpu.memory_space<hbm>> -> memref<10000x128xf32, #tpu.memory_space<hbm>>
          tpu.enqueue_indirect_dma source(%dma_start3A_264 : memref<10000x128xf32, #tpu.memory_space<hbm>>) target(%arg9 : memref<80x128xf32, #tpu.memory_space<vmem>>) offsets(%dma_start3A_261 : memref<80xi32, #tpu.memory_space<vmem>>) semaphore(%arg14 : memref<!tpu.dma_semaphore, #tpu.memory_space<semaphore_mem>>)
        } else {
        }
        %scan3A_237 = arith.constant 0 : i32
        %scan3A_238 = arith.constant 0 : i32
        %scan3A_239 = arith.constant 80 : i32
        %scan3A_240 = arith.addi %scan3A_238, %scan3A_239 : i32
        %scan3A_241 = arith.constant 1 : i32
        scf.for %scan3A_243 = %scan3A_238 to %scan3A_240 step %scan3A_241  : i32 {
          %get3A = arith.index_cast %scan3A_243 : i32 to index
          %get3A_244 = arith.constant 0 : index
          %get3A_245 = tpu.vector_load %arg10[%get3A, %get3A_244] {strides = array<i32>} : memref<80x128xf32, #tpu.memory_space<vmem>>, vector<1x16xf32>,
          %get3A_246 = vector.shape_cast %get3A_245 : vector<1x16xf32> to vector<16xf32>
          %get3A_247 = arith.index_cast %scan3A_243 : i32 to index
          %get3A_248 = arith.constant 0 : index
          %get3A_249 = tpu.vector_load %arg12[%get3A_247, %get3A_248] {strides = array<i32>} : memref<80x128xf32, #tpu.memory_space<vmem>>, vector<1x16xf32>,
          %get3A_250 = vector.shape_cast %get3A_249 : vector<1x16xf32> to vector<16xf32>
          %add3A_251 = arith.addf %get3A_246, %get3A_250 : vector<16xf32>
          %max3A = arith.constant 0.000000e+00 : f32
          %max3A_252 = vector.broadcast %max3A : f32 to vector<16xf32>
          %max3A_253 = arith.maximumf %add3A_251, %max3A_252 : vector<16xf32>
          %swap3A = arith.index_cast %scan3A_243 : i32 to index
          %swap3A_254 = arith.constant 0 : index
          %swap3A_255 = tpu.vector_load %arg10[%swap3A, %swap3A_254] {strides = array<i32>} : memref<80x128xf32, #tpu.memory_space<vmem>>, vector<1x16xf32>,
          %swap3A_256 = vector.shape_cast %swap3A_255 : vector<1x16xf32> to vector<16xf32>
          %swap3A_257 = vector.shape_cast %max3A_253 : vector<16xf32> to vector<1x16xf32>
          tpu.vector_store %arg10[%swap3A, %swap3A_254], %swap3A_257 {strides = array<i32>} : memref<80x128xf32, #tpu.memory_space<vmem>>, vector<1x16xf32>,
          %get3A_258 = arith.index_cast %scan3A_243 : i32 to index
          %get3A_259 = arith.constant 16 : index
          %get3A_260 = tpu.vector_load %arg10[%get3A_258, %get3A_259] {strides = array<i32>} : memref<80x128xf32, #tpu.memory_space<vmem>>, vector<1x16xf32>,
          %get3A_261 = vector.shape_cast %get3A_260 : vector<1x16xf32> to vector<16xf32>
          %get3A_262 = arith.index_cast %scan3A_243 : i32 to index
          %get3A_263 = arith.constant 16 : index
          %get3A_264 = tpu.vector_load %arg12[%get3A_262, %get3A_263] {strides = array<i32>} : memref<80x128xf32, #tpu.memory_space<vmem>>, vector<1x16xf32>,
          %get3A_265 = vector.shape_cast %get3A_264 : vector<1x16xf32> to vector<16xf32>
          %add3A_266 = arith.addf %get3A_261, %get3A_265 : vector<16xf32>
          %max3A_267 = arith.constant 0.000000e+00 : f32
          %max3A_268 = vector.broadcast %max3A_267 : f32 to vector<16xf32>
          %max3A_269 = arith.maximumf %add3A_266, %max3A_268 : vector<16xf32>
          %swap3A_270 = arith.index_cast %scan3A_243 : i32 to index
          %swap3A_271 = arith.constant 16 : index
          %swap3A_272 = tpu.vector_load %arg10[%swap3A_270, %swap3A_271] {strides = array<i32>} : memref<80x128xf32, #tpu.memory_space<vmem>>, vector<1x16xf32>,
          %swap3A_273 = vector.shape_cast %swap3A_272 : vector<1x16xf32> to vector<16xf32>
          %swap3A_274 = vector.shape_cast %max3A_269 : vector<16xf32> to vector<1x16xf32>
          tpu.vector_store %arg10[%swap3A_270, %swap3A_271], %swap3A_274 {strides = array<i32>} : memref<80x128xf32, #tpu.memory_space<vmem>>, vector<1x16xf32>,
          %get3A_275 = arith.index_cast %scan3A_243 : i32 to index
          %get3A_276 = arith.constant 32 : index
          %get3A_277 = tpu.vector_load %arg10[%get3A_275, %get3A_276] {strides = array<i32>} : memref<80x128xf32, #tpu.memory_space<vmem>>, vector<1x16xf32>,
          %get3A_278 = vector.shape_cast %get3A_277 : vector<1x16xf32> to vector<16xf32>
          %get3A_279 = arith.index_cast %scan3A_243 : i32 to index
          %get3A_280 = arith.constant 32 : index
          %get3A_281 = tpu.vector_load %arg12[%get3A_279, %get3A_280] {strides = array<i32>} : memref<80x128xf32, #tpu.memory_space<vmem>>, vector<1x16xf32>,
          %get3A_282 = vector.shape_cast %get3A_281 : vector<1x16xf32> to vector<16xf32>
          %add3A_283 = arith.addf %get3A_278, %get3A_282 : vector<16xf32>
          %max3A_284 = arith.constant 0.000000e+00 : f32
          %max3A_285 = vector.broadcast %max3A_284 : f32 to vector<16xf32>
          %max3A_286 = arith.maximumf %add3A_283, %max3A_285 : vector<16xf32>
          %swap3A_287 = arith.index_cast %scan3A_243 : i32 to index
          %swap3A_288 = arith.constant 32 : index
          %swap3A_289 = tpu.vector_load %arg10[%swap3A_287, %swap3A_288] {strides = array<i32>} : memref<80x128xf32, #tpu.memory_space<vmem>>, vector<1x16xf32>,
          %swap3A_290 = vector.shape_cast %swap3A_289 : vector<1x16xf32> to vector<16xf32>
          %swap3A_291 = vector.shape_cast %max3A_286 : vector<16xf32> to vector<1x16xf32>
          tpu.vector_store %arg10[%swap3A_287, %swap3A_288], %swap3A_291 {strides = array<i32>} : memref<80x128xf32, #tpu.memory_space<vmem>>, vector<1x16xf32>,
          %get3A_292 = arith.index_cast %scan3A_243 : i32 to index
          %get3A_293 = arith.constant 48 : index
          %get3A_294 = tpu.vector_load %arg10[%get3A_292, %get3A_293] {strides = array<i32>} : memref<80x128xf32, #tpu.memory_space<vmem>>, vector<1x16xf32>,
          %get3A_295 = vector.shape_cast %get3A_294 : vector<1x16xf32> to vector<16xf32>
          %get3A_296 = arith.index_cast %scan3A_243 : i32 to index
          %get3A_297 = arith.constant 48 : index
          %get3A_298 = tpu.vector_load %arg12[%get3A_296, %get3A_297] {strides = array<i32>} : memref<80x128xf32, #tpu.memory_space<vmem>>, vector<1x16xf32>,
          %get3A_299 = vector.shape_cast %get3A_298 : vector<1x16xf32> to vector<16xf32>
          %add3A_300 = arith.addf %get3A_295, %get3A_299 : vector<16xf32>
          %max3A_301 = arith.constant 0.000000e+00 : f32
          %max3A_302 = vector.broadcast %max3A_301 : f32 to vector<16xf32>
          %max3A_303 = arith.maximumf %add3A_300, %max3A_302 : vector<16xf32>
          %swap3A_304 = arith.index_cast %scan3A_243 : i32 to index
          %swap3A_305 = arith.constant 48 : index
          %swap3A_306 = tpu.vector_load %arg10[%swap3A_304, %swap3A_305] {strides = array<i32>} : memref<80x128xf32, #tpu.memory_space<vmem>>, vector<1x16xf32>,
          %swap3A_307 = vector.shape_cast %swap3A_306 : vector<1x16xf32> to vector<16xf32>
          %swap3A_308 = vector.shape_cast %max3A_303 : vector<16xf32> to vector<1x16xf32>
          tpu.vector_store %arg10[%swap3A_304, %swap3A_305], %swap3A_308 {strides = array<i32>} : memref<80x128xf32, #tpu.memory_space<vmem>>, vector<1x16xf32>,
          %get3A_309 = arith.index_cast %scan3A_243 : i32 to index
          %get3A_310 = arith.constant 64 : index
          %get3A_311 = tpu.vector_load %arg10[%get3A_309, %get3A_310] {strides = array<i32>} : memref<80x128xf32, #tpu.memory_space<vmem>>, vector<1x16xf32>,
          %get3A_312 = vector.shape_cast %get3A_311 : vector<1x16xf32> to vector<16xf32>
          %get3A_313 = arith.index_cast %scan3A_243 : i32 to index
          %get3A_314 = arith.constant 64 : index
          %get3A_315 = tpu.vector_load %arg12[%get3A_313, %get3A_314] {strides = array<i32>} : memref<80x128xf32, #tpu.memory_space<vmem>>, vector<1x16xf32>,
          %get3A_316 = vector.shape_cast %get3A_315 : vector<1x16xf32> to vector<16xf32>
          %add3A_317 = arith.addf %get3A_312, %get3A_316 : vector<16xf32>
          %max3A_318 = arith.constant 0.000000e+00 : f32
          %max3A_319 = vector.broadcast %max3A_318 : f32 to vector<16xf32>
          %max3A_320 = arith.maximumf %add3A_317, %max3A_319 : vector<16xf32>
          %swap3A_321 = arith.index_cast %scan3A_243 : i32 to index
          %swap3A_322 = arith.constant 64 : index
          %swap3A_323 = tpu.vector_load %arg10[%swap3A_321, %swap3A_322] {strides = array<i32>} : memref<80x128xf32, #tpu.memory_space<vmem>>, vector<1x16xf32>,
          %swap3A_324 = vector.shape_cast %swap3A_323 : vector<1x16xf32> to vector<16xf32>
          %swap3A_325 = vector.shape_cast %max3A_320 : vector<16xf32> to vector<1x16xf32>
          tpu.vector_store %arg10[%swap3A_321, %swap3A_322], %swap3A_325 {strides = array<i32>} : memref<80x128xf32, #tpu.memory_space<vmem>>, vector<1x16xf32>,
          %get3A_326 = arith.index_cast %scan3A_243 : i32 to index
          %get3A_327 = arith.constant 80 : index
          %get3A_328 = tpu.vector_load %arg10[%get3A_326, %get3A_327] {strides = array<i32>} : memref<80x128xf32, #tpu.memory_space<vmem>>, vector<1x16xf32>,
          %get3A_329 = vector.shape_cast %get3A_328 : vector<1x16xf32> to vector<16xf32>
          %get3A_330 = arith.index_cast %scan3A_243 : i32 to index
          %get3A_331 = arith.constant 80 : index
          %get3A_332 = tpu.vector_load %arg12[%get3A_330, %get3A_331] {strides = array<i32>} : memref<80x128xf32, #tpu.memory_space<vmem>>, vector<1x16xf32>,
          %get3A_333 = vector.shape_cast %get3A_332 : vector<1x16xf32> to vector<16xf32>
          %add3A_334 = arith.addf %get3A_329, %get3A_333 : vector<16xf32>
          %max3A_335 = arith.constant 0.000000e+00 : f32
          %max3A_336 = vector.broadcast %max3A_335 : f32 to vector<16xf32>
          %max3A_337 = arith.maximumf %add3A_334, %max3A_336 : vector<16xf32>
          %swap3A_338 = arith.index_cast %scan3A_243 : i32 to index
          %swap3A_339 = arith.constant 80 : index
          %swap3A_340 = tpu.vector_load %arg10[%swap3A_338, %swap3A_339] {strides = array<i32>} : memref<80x128xf32, #tpu.memory_space<vmem>>, vector<1x16xf32>,
          %swap3A_341 = vector.shape_cast %swap3A_340 : vector<1x16xf32> to vector<16xf32>
          %swap3A_342 = vector.shape_cast %max3A_337 : vector<16xf32> to vector<1x16xf32>
          tpu.vector_store %arg10[%swap3A_338, %swap3A_339], %swap3A_342 {strides = array<i32>} : memref<80x128xf32, #tpu.memory_space<vmem>>, vector<1x16xf32>,
          %get3A_343 = arith.index_cast %scan3A_243 : i32 to index
          %get3A_344 = arith.constant 96 : index
          %get3A_345 = tpu.vector_load %arg10[%get3A_343, %get3A_344] {strides = array<i32>} : memref<80x128xf32, #tpu.memory_space<vmem>>, vector<1x16xf32>,
          %get3A_346 = vector.shape_cast %get3A_345 : vector<1x16xf32> to vector<16xf32>
          %get3A_347 = arith.index_cast %scan3A_243 : i32 to index
          %get3A_348 = arith.constant 96 : index
          %get3A_349 = tpu.vector_load %arg12[%get3A_347, %get3A_348] {strides = array<i32>} : memref<80x128xf32, #tpu.memory_space<vmem>>, vector<1x16xf32>,
          %get3A_350 = vector.shape_cast %get3A_349 : vector<1x16xf32> to vector<16xf32>
          %add3A_351 = arith.addf %get3A_346, %get3A_350 : vector<16xf32>
          %max3A_352 = arith.constant 0.000000e+00 : f32
          %max3A_353 = vector.broadcast %max3A_352 : f32 to vector<16xf32>
          %max3A_354 = arith.maximumf %add3A_351, %max3A_353 : vector<16xf32>
          %swap3A_355 = arith.index_cast %scan3A_243 : i32 to index
          %swap3A_356 = arith.constant 96 : index
          %swap3A_357 = tpu.vector_load %arg10[%swap3A_355, %swap3A_356] {strides = array<i32>} : memref<80x128xf32, #tpu.memory_space<vmem>>, vector<1x16xf32>,
          %swap3A_358 = vector.shape_cast %swap3A_357 : vector<1x16xf32> to vector<16xf32>
          %swap3A_359 = vector.shape_cast %max3A_354 : vector<16xf32> to vector<1x16xf32>
          tpu.vector_store %arg10[%swap3A_355, %swap3A_356], %swap3A_359 {strides = array<i32>} : memref<80x128xf32, #tpu.memory_space<vmem>>, vector<1x16xf32>,
          %get3A_360 = arith.index_cast %scan3A_243 : i32 to index
          %get3A_361 = arith.constant 112 : index
          %get3A_362 = tpu.vector_load %arg10[%get3A_360, %get3A_361] {strides = array<i32>} : memref<80x128xf32, #tpu.memory_space<vmem>>, vector<1x16xf32>,
          %get3A_363 = vector.shape_cast %get3A_362 : vector<1x16xf32> to vector<16xf32>
          %get3A_364 = arith.index_cast %scan3A_243 : i32 to index
          %get3A_365 = arith.constant 112 : index
          %get3A_366 = tpu.vector_load %arg12[%get3A_364, %get3A_365] {strides = array<i32>} : memref<80x128xf32, #tpu.memory_space<vmem>>, vector<1x16xf32>,
          %get3A_367 = vector.shape_cast %get3A_366 : vector<1x16xf32> to vector<16xf32>
          %add3A_368 = arith.addf %get3A_363, %get3A_367 : vector<16xf32>
          %max3A_369 = arith.constant 0.000000e+00 : f32
          %max3A_370 = vector.broadcast %max3A_369 : f32 to vector<16xf32>
          %max3A_371 = arith.maximumf %add3A_368, %max3A_370 : vector<16xf32>
          %swap3A_372 = arith.index_cast %scan3A_243 : i32 to index
          %swap3A_373 = arith.constant 112 : index
          %swap3A_374 = tpu.vector_load %arg10[%swap3A_372, %swap3A_373] {strides = array<i32>} : memref<80x128xf32, #tpu.memory_space<vmem>>, vector<1x16xf32>,
          %swap3A_375 = vector.shape_cast %swap3A_374 : vector<1x16xf32> to vector<16xf32>
          %swap3A_376 = vector.shape_cast %max3A_371 : vector<16xf32> to vector<1x16xf32>
          tpu.vector_store %arg10[%swap3A_372, %swap3A_373], %swap3A_376 {strides = array<i32>} : memref<80x128xf32, #tpu.memory_space<vmem>>, vector<1x16xf32>,
        }
        %scan3A_242 = arith.constant 80 : i32
        "tpu.region"() ({
          %run_scoped3A_243 = tpu.sem_alloc : memref<!tpu.dma_semaphore, #tpu.memory_space<semaphore_mem>>
          %dma_start3A_244 = arith.constant 0 : i32
          %dma_start3A_245 = tpu.memref_slice %arg8[%add3A_211, %dma_start3A_244] : memref<25x80xi32, #tpu.memory_space<vmem>> -> memref<1x80xi32, #tpu.memory_space<vmem>>
          %dma_start3A_246 = tpu.memref_squeeze %dma_start3A_245 : memref<1x80xi32, #tpu.memory_space<vmem>> -> memref<80xi32, #tpu.memory_space<vmem>>
          %dma_start3A_247 = arith.constant 0 : i32
          %dma_start3A_248 = arith.constant 0 : i32
          %dma_start3A_249 = tpu.memref_slice %arg13[%dma_start3A_247, %dma_start3A_248] : memref<10000x128xf32, #tpu.memory_space<vmem_shared>> -> memref<10000x128xf32, #tpu.memory_space<vmem_shared>>
          tpu.enqueue_indirect_dma source(%arg10 : memref<80x128xf32, #tpu.memory_space<vmem>>) target(%dma_start3A_249 : memref<10000x128xf32, #tpu.memory_space<vmem_shared>>) offsets(%dma_start3A_246 : memref<80xi32, #tpu.memory_space<vmem>>) semaphore(%run_scoped3A_243 : memref<!tpu.dma_semaphore, #tpu.memory_space<semaphore_mem>>) {add = true}
          %dma_wait3A_250 = arith.constant 0 : i32
          %dma_wait3A_251 = tpu.memref_slice %arg8[%add3A_211, %dma_wait3A_250] : memref<25x80xi32, #tpu.memory_space<vmem>> -> memref<1x80xi32, #tpu.memory_space<vmem>>
          %dma_wait3A_252 = tpu.memref_squeeze %dma_wait3A_251 : memref<1x80xi32, #tpu.memory_space<vmem>> -> memref<80xi32, #tpu.memory_space<vmem>>
          %dma_wait3A_253 = arith.constant 0 : i32
          %dma_wait3A_254 = arith.constant 0 : i32
          %dma_wait3A_255 = tpu.memref_slice %arg13[%dma_wait3A_253, %dma_wait3A_254] : memref<10000x128xf32, #tpu.memory_space<vmem_shared>> -> memref<10000x128xf32, #tpu.memory_space<vmem_shared>>
          tpu.wait_indirect_dma semaphore(%run_scoped3A_243 : memref<!tpu.dma_semaphore, #tpu.memory_space<semaphore_mem>>) src(%arg10 : memref<80x128xf32, #tpu.memory_space<vmem>>) dst(%dma_wait3A_255 : memref<10000x128xf32, #tpu.memory_space<vmem_shared>>)
          tpu.yield
        }) : () -> ()
      }
      %scan3A_150 = arith.constant 12 : i32
      %dma_wait3A = arith.constant 0 : i32
      %dma_wait3A_151 = arith.constant 0 : i32
      %dma_wait3A_152 = arith.constant 0 : i32
      %dma_wait3A_153 = tpu.memref_slice %arg5[%dma_wait3A, %dma_wait3A_151, %dma_wait3A_152] : memref<4000x80x128xf32, #tpu.memory_space<hbm>> -> memref<1x80x128xf32, #tpu.memory_space<hbm>>
      %dma_wait3A_154 = tpu.memref_squeeze %dma_wait3A_153 : memref<1x80x128xf32, #tpu.memory_space<hbm>> -> memref<80x128xf32, #tpu.memory_space<hbm>>
      %dma_wait3A_155 = arith.constant 0 : i32
      %dma_wait3A_156 = arith.constant 0 : i32
      %dma_wait3A_157 = tpu.memref_slice %arg5[%dma_wait3A, %dma_wait3A_155, %dma_wait3A_156] : memref<4000x80x128xf32, #tpu.memory_space<hbm>> -> memref<1x80x128xf32, #tpu.memory_space<hbm>>
      %dma_wait3A_158 = tpu.memref_squeeze %dma_wait3A_157 : memref<1x80x128xf32, #tpu.memory_space<hbm>> -> memref<80x128xf32, #tpu.memory_space<hbm>>
      tpu.wait_dma2 semaphore(%arg16 : memref<!tpu.dma_semaphore, #tpu.memory_space<semaphore_mem>>) src(%dma_wait3A_158 : memref<80x128xf32, #tpu.memory_space<hbm>>) dst(%arg11 : memref<80x128xf32, #tpu.memory_space<vmem>>)
      %dma_wait3A_159 = arith.constant 0 : i32
      %dma_wait3A_160 = arith.constant 0 : i32
      %dma_wait3A_161 = arith.constant 0 : i32
      %dma_wait3A_162 = tpu.memref_slice %arg5[%dma_wait3A_159, %dma_wait3A_160, %dma_wait3A_161] : memref<4000x80x128xf32, #tpu.memory_space<hbm>> -> memref<1x80x128xf32, #tpu.memory_space<hbm>>
      %dma_wait3A_163 = tpu.memref_squeeze %dma_wait3A_162 : memref<1x80x128xf32, #tpu.memory_space<hbm>> -> memref<80x128xf32, #tpu.memory_space<hbm>>
      %dma_wait3A_164 = arith.constant 0 : i32
      %dma_wait3A_165 = arith.constant 0 : i32
      %dma_wait3A_166 = tpu.memref_slice %arg5[%dma_wait3A_159, %dma_wait3A_164, %dma_wait3A_165] : memref<4000x80x128xf32, #tpu.memory_space<hbm>> -> memref<1x80x128xf32, #tpu.memory_space<hbm>>
      %dma_wait3A_167 = tpu.memref_squeeze %dma_wait3A_166 : memref<1x80x128xf32, #tpu.memory_space<hbm>> -> memref<80x128xf32, #tpu.memory_space<hbm>>
      tpu.wait_dma2 semaphore(%arg14 : memref<!tpu.dma_semaphore, #tpu.memory_space<semaphore_mem>>) src(%dma_wait3A_167 : memref<80x128xf32, #tpu.memory_space<hbm>>) dst(%arg9 : memref<80x128xf32, #tpu.memory_space<vmem>>)
      %scan3A_168 = arith.constant 0 : i32
      %scan3A_169 = arith.constant 0 : i32
      %scan3A_170 = arith.constant 80 : i32
      %scan3A_171 = arith.addi %scan3A_169, %scan3A_170 : i32
      %scan3A_172 = arith.constant 1 : i32
      scf.for %scan3A_174 = %scan3A_169 to %scan3A_171 step %scan3A_172  : i32 {
        %get3A = arith.index_cast %scan3A_174 : i32 to index
        %get3A_175 = arith.constant 0 : index
        %get3A_176 = tpu.vector_load %arg9[%get3A, %get3A_175] {strides = array<i32>} : memref<80x128xf32, #tpu.memory_space<vmem>>, vector<1x16xf32>,
        %get3A_177 = vector.shape_cast %get3A_176 : vector<1x16xf32> to vector<16xf32>
        %get3A_178 = arith.index_cast %scan3A_174 : i32 to index
        %get3A_179 = arith.constant 0 : index
        %get3A_180 = tpu.vector_load %arg11[%get3A_178, %get3A_179] {strides = array<i32>} : memref<80x128xf32, #tpu.memory_space<vmem>>, vector<1x16xf32>,
        %get3A_181 = vector.shape_cast %get3A_180 : vector<1x16xf32> to vector<16xf32>
        %add3A_182 = arith.addf %get3A_177, %get3A_181 : vector<16xf32>
        %max3A = arith.constant 0.000000e+00 : f32
        %max3A_183 = vector.broadcast %max3A : f32 to vector<16xf32>
        %max3A_184 = arith.maximumf %add3A_182, %max3A_183 : vector<16xf32>
        %swap3A = arith.index_cast %scan3A_174 : i32 to index
        %swap3A_185 = arith.constant 0 : index
        %swap3A_186 = tpu.vector_load %arg9[%swap3A, %swap3A_185] {strides = array<i32>} : memref<80x128xf32, #tpu.memory_space<vmem>>, vector<1x16xf32>,
        %swap3A_187 = vector.shape_cast %swap3A_186 : vector<1x16xf32> to vector<16xf32>
        %swap3A_188 = vector.shape_cast %max3A_184 : vector<16xf32> to vector<1x16xf32>
        tpu.vector_store %arg9[%swap3A, %swap3A_185], %swap3A_188 {strides = array<i32>} : memref<80x128xf32, #tpu.memory_space<vmem>>, vector<1x16xf32>,
        %get3A_189 = arith.index_cast %scan3A_174 : i32 to index
        %get3A_190 = arith.constant 16 : index
        %get3A_191 = tpu.vector_load %arg9[%get3A_189, %get3A_190] {strides = array<i32>} : memref<80x128xf32, #tpu.memory_space<vmem>>, vector<1x16xf32>,
        %get3A_192 = vector.shape_cast %get3A_191 : vector<1x16xf32> to vector<16xf32>
        %get3A_193 = arith.index_cast %scan3A_174 : i32 to index
        %get3A_194 = arith.constant 16 : index
        %get3A_195 = tpu.vector_load %arg11[%get3A_193, %get3A_194] {strides = array<i32>} : memref<80x128xf32, #tpu.memory_space<vmem>>, vector<1x16xf32>,
        %get3A_196 = vector.shape_cast %get3A_195 : vector<1x16xf32> to vector<16xf32>
        %add3A_197 = arith.addf %get3A_192, %get3A_196 : vector<16xf32>
        %max3A_198 = arith.constant 0.000000e+00 : f32
        %max3A_199 = vector.broadcast %max3A_198 : f32 to vector<16xf32>
        %max3A_200 = arith.maximumf %add3A_197, %max3A_199 : vector<16xf32>
        %swap3A_201 = arith.index_cast %scan3A_174 : i32 to index
        %swap3A_202 = arith.constant 16 : index
        %swap3A_203 = tpu.vector_load %arg9[%swap3A_201, %swap3A_202] {strides = array<i32>} : memref<80x128xf32, #tpu.memory_space<vmem>>, vector<1x16xf32>,
        %swap3A_204 = vector.shape_cast %swap3A_203 : vector<1x16xf32> to vector<16xf32>
        %swap3A_205 = vector.shape_cast %max3A_200 : vector<16xf32> to vector<1x16xf32>
        tpu.vector_store %arg9[%swap3A_201, %swap3A_202], %swap3A_205 {strides = array<i32>} : memref<80x128xf32, #tpu.memory_space<vmem>>, vector<1x16xf32>,
        %get3A_206 = arith.index_cast %scan3A_174 : i32 to index
        %get3A_207 = arith.constant 32 : index
        %get3A_208 = tpu.vector_load %arg9[%get3A_206, %get3A_207] {strides = array<i32>} : memref<80x128xf32, #tpu.memory_space<vmem>>, vector<1x16xf32>,
        %get3A_209 = vector.shape_cast %get3A_208 : vector<1x16xf32> to vector<16xf32>
        %get3A_210 = arith.index_cast %scan3A_174 : i32 to index
        %get3A_211 = arith.constant 32 : index
        %get3A_212 = tpu.vector_load %arg11[%get3A_210, %get3A_211] {strides = array<i32>} : memref<80x128xf32, #tpu.memory_space<vmem>>, vector<1x16xf32>,
        %get3A_213 = vector.shape_cast %get3A_212 : vector<1x16xf32> to vector<16xf32>
        %add3A_214 = arith.addf %get3A_209, %get3A_213 : vector<16xf32>
        %max3A_215 = arith.constant 0.000000e+00 : f32
        %max3A_216 = vector.broadcast %max3A_215 : f32 to vector<16xf32>
        %max3A_217 = arith.maximumf %add3A_214, %max3A_216 : vector<16xf32>
        %swap3A_218 = arith.index_cast %scan3A_174 : i32 to index
        %swap3A_219 = arith.constant 32 : index
        %swap3A_220 = tpu.vector_load %arg9[%swap3A_218, %swap3A_219] {strides = array<i32>} : memref<80x128xf32, #tpu.memory_space<vmem>>, vector<1x16xf32>,
        %swap3A_221 = vector.shape_cast %swap3A_220 : vector<1x16xf32> to vector<16xf32>
        %swap3A_222 = vector.shape_cast %max3A_217 : vector<16xf32> to vector<1x16xf32>
        tpu.vector_store %arg9[%swap3A_218, %swap3A_219], %swap3A_222 {strides = array<i32>} : memref<80x128xf32, #tpu.memory_space<vmem>>, vector<1x16xf32>,
        %get3A_223 = arith.index_cast %scan3A_174 : i32 to index
        %get3A_224 = arith.constant 48 : index
        %get3A_225 = tpu.vector_load %arg9[%get3A_223, %get3A_224] {strides = array<i32>} : memref<80x128xf32, #tpu.memory_space<vmem>>, vector<1x16xf32>,
        %get3A_226 = vector.shape_cast %get3A_225 : vector<1x16xf32> to vector<16xf32>
        %get3A_227 = arith.index_cast %scan3A_174 : i32 to index
        %get3A_228 = arith.constant 48 : index
        %get3A_229 = tpu.vector_load %arg11[%get3A_227, %get3A_228] {strides = array<i32>} : memref<80x128xf32, #tpu.memory_space<vmem>>, vector<1x16xf32>,
        %get3A_230 = vector.shape_cast %get3A_229 : vector<1x16xf32> to vector<16xf32>
        %add3A_231 = arith.addf %get3A_226, %get3A_230 : vector<16xf32>
        %max3A_232 = arith.constant 0.000000e+00 : f32
        %max3A_233 = vector.broadcast %max3A_232 : f32 to vector<16xf32>
        %max3A_234 = arith.maximumf %add3A_231, %max3A_233 : vector<16xf32>
        %swap3A_235 = arith.index_cast %scan3A_174 : i32 to index
        %swap3A_236 = arith.constant 48 : index
        %swap3A_237 = tpu.vector_load %arg9[%swap3A_235, %swap3A_236] {strides = array<i32>} : memref<80x128xf32, #tpu.memory_space<vmem>>, vector<1x16xf32>,
        %swap3A_238 = vector.shape_cast %swap3A_237 : vector<1x16xf32> to vector<16xf32>
        %swap3A_239 = vector.shape_cast %max3A_234 : vector<16xf32> to vector<1x16xf32>
        tpu.vector_store %arg9[%swap3A_235, %swap3A_236], %swap3A_239 {strides = array<i32>} : memref<80x128xf32, #tpu.memory_space<vmem>>, vector<1x16xf32>,
        %get3A_240 = arith.index_cast %scan3A_174 : i32 to index
        %get3A_241 = arith.constant 64 : index
        %get3A_242 = tpu.vector_load %arg9[%get3A_240, %get3A_241] {strides = array<i32>} : memref<80x128xf32, #tpu.memory_space<vmem>>, vector<1x16xf32>,
        %get3A_243 = vector.shape_cast %get3A_242 : vector<1x16xf32> to vector<16xf32>
        %get3A_244 = arith.index_cast %scan3A_174 : i32 to index
        %get3A_245 = arith.constant 64 : index
        %get3A_246 = tpu.vector_load %arg11[%get3A_244, %get3A_245] {strides = array<i32>} : memref<80x128xf32, #tpu.memory_space<vmem>>, vector<1x16xf32>,
        %get3A_247 = vector.shape_cast %get3A_246 : vector<1x16xf32> to vector<16xf32>
        %add3A_248 = arith.addf %get3A_243, %get3A_247 : vector<16xf32>
        %max3A_249 = arith.constant 0.000000e+00 : f32
        %max3A_250 = vector.broadcast %max3A_249 : f32 to vector<16xf32>
        %max3A_251 = arith.maximumf %add3A_248, %max3A_250 : vector<16xf32>
        %swap3A_252 = arith.index_cast %scan3A_174 : i32 to index
        %swap3A_253 = arith.constant 64 : index
        %swap3A_254 = tpu.vector_load %arg9[%swap3A_252, %swap3A_253] {strides = array<i32>} : memref<80x128xf32, #tpu.memory_space<vmem>>, vector<1x16xf32>,
        %swap3A_255 = vector.shape_cast %swap3A_254 : vector<1x16xf32> to vector<16xf32>
        %swap3A_256 = vector.shape_cast %max3A_251 : vector<16xf32> to vector<1x16xf32>
        tpu.vector_store %arg9[%swap3A_252, %swap3A_253], %swap3A_256 {strides = array<i32>} : memref<80x128xf32, #tpu.memory_space<vmem>>, vector<1x16xf32>,
        %get3A_257 = arith.index_cast %scan3A_174 : i32 to index
        %get3A_258 = arith.constant 80 : index
        %get3A_259 = tpu.vector_load %arg9[%get3A_257, %get3A_258] {strides = array<i32>} : memref<80x128xf32, #tpu.memory_space<vmem>>, vector<1x16xf32>,
        %get3A_260 = vector.shape_cast %get3A_259 : vector<1x16xf32> to vector<16xf32>
        %get3A_261 = arith.index_cast %scan3A_174 : i32 to index
        %get3A_262 = arith.constant 80 : index
        %get3A_263 = tpu.vector_load %arg11[%get3A_261, %get3A_262] {strides = array<i32>} : memref<80x128xf32, #tpu.memory_space<vmem>>, vector<1x16xf32>,
        %get3A_264 = vector.shape_cast %get3A_263 : vector<1x16xf32> to vector<16xf32>
        %add3A_265 = arith.addf %get3A_260, %get3A_264 : vector<16xf32>
        %max3A_266 = arith.constant 0.000000e+00 : f32
        %max3A_267 = vector.broadcast %max3A_266 : f32 to vector<16xf32>
        %max3A_268 = arith.maximumf %add3A_265, %max3A_267 : vector<16xf32>
        %swap3A_269 = arith.index_cast %scan3A_174 : i32 to index
        %swap3A_270 = arith.constant 80 : index
        %swap3A_271 = tpu.vector_load %arg9[%swap3A_269, %swap3A_270] {strides = array<i32>} : memref<80x128xf32, #tpu.memory_space<vmem>>, vector<1x16xf32>,
        %swap3A_272 = vector.shape_cast %swap3A_271 : vector<1x16xf32> to vector<16xf32>
        %swap3A_273 = vector.shape_cast %max3A_268 : vector<16xf32> to vector<1x16xf32>
        tpu.vector_store %arg9[%swap3A_269, %swap3A_270], %swap3A_273 {strides = array<i32>} : memref<80x128xf32, #tpu.memory_space<vmem>>, vector<1x16xf32>,
        %get3A_274 = arith.index_cast %scan3A_174 : i32 to index
        %get3A_275 = arith.constant 96 : index
        %get3A_276 = tpu.vector_load %arg9[%get3A_274, %get3A_275] {strides = array<i32>} : memref<80x128xf32, #tpu.memory_space<vmem>>, vector<1x16xf32>,
        %get3A_277 = vector.shape_cast %get3A_276 : vector<1x16xf32> to vector<16xf32>
        %get3A_278 = arith.index_cast %scan3A_174 : i32 to index
        %get3A_279 = arith.constant 96 : index
        %get3A_280 = tpu.vector_load %arg11[%get3A_278, %get3A_279] {strides = array<i32>} : memref<80x128xf32, #tpu.memory_space<vmem>>, vector<1x16xf32>,
        %get3A_281 = vector.shape_cast %get3A_280 : vector<1x16xf32> to vector<16xf32>
        %add3A_282 = arith.addf %get3A_277, %get3A_281 : vector<16xf32>
        %max3A_283 = arith.constant 0.000000e+00 : f32
        %max3A_284 = vector.broadcast %max3A_283 : f32 to vector<16xf32>
        %max3A_285 = arith.maximumf %add3A_282, %max3A_284 : vector<16xf32>
        %swap3A_286 = arith.index_cast %scan3A_174 : i32 to index
        %swap3A_287 = arith.constant 96 : index
        %swap3A_288 = tpu.vector_load %arg9[%swap3A_286, %swap3A_287] {strides = array<i32>} : memref<80x128xf32, #tpu.memory_space<vmem>>, vector<1x16xf32>,
        %swap3A_289 = vector.shape_cast %swap3A_288 : vector<1x16xf32> to vector<16xf32>
        %swap3A_290 = vector.shape_cast %max3A_285 : vector<16xf32> to vector<1x16xf32>
        tpu.vector_store %arg9[%swap3A_286, %swap3A_287], %swap3A_290 {strides = array<i32>} : memref<80x128xf32, #tpu.memory_space<vmem>>, vector<1x16xf32>,
        %get3A_291 = arith.index_cast %scan3A_174 : i32 to index
        %get3A_292 = arith.constant 112 : index
        %get3A_293 = tpu.vector_load %arg9[%get3A_291, %get3A_292] {strides = array<i32>} : memref<80x128xf32, #tpu.memory_space<vmem>>, vector<1x16xf32>,
        %get3A_294 = vector.shape_cast %get3A_293 : vector<1x16xf32> to vector<16xf32>
        %get3A_295 = arith.index_cast %scan3A_174 : i32 to index
        %get3A_296 = arith.constant 112 : index
        %get3A_297 = tpu.vector_load %arg11[%get3A_295, %get3A_296] {strides = array<i32>} : memref<80x128xf32, #tpu.memory_space<vmem>>, vector<1x16xf32>,
        %get3A_298 = vector.shape_cast %get3A_297 : vector<1x16xf32> to vector<16xf32>
        %add3A_299 = arith.addf %get3A_294, %get3A_298 : vector<16xf32>
        %max3A_300 = arith.constant 0.000000e+00 : f32
        %max3A_301 = vector.broadcast %max3A_300 : f32 to vector<16xf32>
        %max3A_302 = arith.maximumf %add3A_299, %max3A_301 : vector<16xf32>
        %swap3A_303 = arith.index_cast %scan3A_174 : i32 to index
        %swap3A_304 = arith.constant 112 : index
        %swap3A_305 = tpu.vector_load %arg9[%swap3A_303, %swap3A_304] {strides = array<i32>} : memref<80x128xf32, #tpu.memory_space<vmem>>, vector<1x16xf32>,
        %swap3A_306 = vector.shape_cast %swap3A_305 : vector<1x16xf32> to vector<16xf32>
        %swap3A_307 = vector.shape_cast %max3A_302 : vector<16xf32> to vector<1x16xf32>
        tpu.vector_store %arg9[%swap3A_303, %swap3A_304], %swap3A_307 {strides = array<i32>} : memref<80x128xf32, #tpu.memory_space<vmem>>, vector<1x16xf32>,
      }
      %scan3A_173 = arith.constant 80 : i32
      %run_scoped3A = arith.constant 24 : i32
      "tpu.region"() ({
        %run_scoped3A_174 = tpu.sem_alloc : memref<!tpu.dma_semaphore, #tpu.memory_space<semaphore_mem>>
        %dma_start3A_175 = arith.constant 0 : i32
        %dma_start3A_176 = tpu.memref_slice %arg8[%run_scoped3A, %dma_start3A_175] : memref<25x80xi32, #tpu.memory_space<vmem>> -> memref<1x80xi32, #tpu.memory_space<vmem>>
        %dma_start3A_177 = tpu.memref_squeeze %dma_start3A_176 : memref<1x80xi32, #tpu.memory_space<vmem>> -> memref<80xi32, #tpu.memory_space<vmem>>
        %dma_start3A_178 = arith.constant 0 : i32
        %dma_start3A_179 = arith.constant 0 : i32
        %dma_start3A_180 = tpu.memref_slice %arg13[%dma_start3A_178, %dma_start3A_179] : memref<10000x128xf32, #tpu.memory_space<vmem_shared>> -> memref<10000x128xf32, #tpu.memory_space<vmem_shared>>
        tpu.enqueue_indirect_dma source(%arg9 : memref<80x128xf32, #tpu.memory_space<vmem>>) target(%dma_start3A_180 : memref<10000x128xf32, #tpu.memory_space<vmem_shared>>) offsets(%dma_start3A_177 : memref<80xi32, #tpu.memory_space<vmem>>) semaphore(%run_scoped3A_174 : memref<!tpu.dma_semaphore, #tpu.memory_space<semaphore_mem>>) {add = true}
        %dma_wait3A_181 = arith.constant 0 : i32
        %dma_wait3A_182 = tpu.memref_slice %arg8[%run_scoped3A, %dma_wait3A_181] : memref<25x80xi32, #tpu.memory_space<vmem>> -> memref<1x80xi32, #tpu.memory_space<vmem>>
        %dma_wait3A_183 = tpu.memref_squeeze %dma_wait3A_182 : memref<1x80xi32, #tpu.memory_space<vmem>> -> memref<80xi32, #tpu.memory_space<vmem>>
        %dma_wait3A_184 = arith.constant 0 : i32
        %dma_wait3A_185 = arith.constant 0 : i32
        %dma_wait3A_186 = tpu.memref_slice %arg13[%dma_wait3A_184, %dma_wait3A_185] : memref<10000x128xf32, #tpu.memory_space<vmem_shared>> -> memref<10000x128xf32, #tpu.memory_space<vmem_shared>>
        tpu.wait_indirect_dma semaphore(%run_scoped3A_174 : memref<!tpu.dma_semaphore, #tpu.memory_space<semaphore_mem>>) src(%arg9 : memref<80x128xf32, #tpu.memory_space<vmem>>) dst(%dma_wait3A_186 : memref<10000x128xf32, #tpu.memory_space<vmem_shared>>)
        tpu.yield
      }) : () -> ()
    }
    %scan3A_65 = arith.constant 5 : i32
    %barrier3A_66 = arith.constant 0 : index
    tpu.barrier barrier_id(%barrier3A_66)
    %add3A_67 = arith.constant 0 : i32
    %add3A_68 = arith.addi %arg1, %add3A_67 : i32
    %lt3A_69 = arith.constant 125 : i32
    %lt3A_70 = arith.cmpi slt, %add3A_68, %lt3A_69 : i32
    %convert_element_type3A_71 = arith.extui %lt3A_70 : i1 to i32
    %cond3A_72 = arith.constant 0 : i32
    %cond3A_73 = arith.cmpi ne, %convert_element_type3A_71, %cond3A_72 : i32
    scf.if %cond3A_73 {
      %mul3A_123 = arith.constant 80 : i32
      %mul3A_124 = arith.muli %add3A_68, %mul3A_123 : i32
      %mul3A_125 = arith.constant 80 : i32
      %mul3A_126 = arith.muli %add3A_68, %mul3A_125 : i32
      "tpu.region"() ({
        %run_scoped3A = tpu.sem_alloc : memref<!tpu.dma_semaphore, #tpu.memory_space<semaphore_mem>>
        %dma_start3A = arith.constant 0 : i32
        %dma_start3A_127 = tpu.memref_slice %arg6[%arg0, %mul3A_126, %dma_start3A] : memref<2x10000x128xf32, #tpu.memory_space<hbm>> -> memref<1x80x128xf32, #tpu.memory_space<hbm>>
        %dma_start3A_128 = tpu.memref_squeeze %dma_start3A_127 : memref<1x80x128xf32, #tpu.memory_space<hbm>> -> memref<80x128xf32, #tpu.memory_space<hbm>>
        %dma_start3A_129 = arith.constant 0 : i32
        %dma_start3A_130 = tpu.memref_slice %arg13[%mul3A_124, %dma_start3A_129] : memref<10000x128xf32, #tpu.memory_space<vmem_shared>> -> memref<80x128xf32, #tpu.memory_space<vmem_shared>>
        tpu.enqueue_dma source(%dma_start3A_130 : memref<80x128xf32, #tpu.memory_space<vmem_shared>>) target(%dma_start3A_128 : memref<80x128xf32, #tpu.memory_space<hbm>>) target_semaphore(%run_scoped3A : memref<!tpu.dma_semaphore, #tpu.memory_space<semaphore_mem>>)
        %dma_wait3A = arith.constant 0 : i32
        %dma_wait3A_131 = tpu.memref_slice %arg6[%arg0, %mul3A_126, %dma_wait3A] : memref<2x10000x128xf32, #tpu.memory_space<hbm>> -> memref<1x80x128xf32, #tpu.memory_space<hbm>>
        %dma_wait3A_132 = tpu.memref_squeeze %dma_wait3A_131 : memref<1x80x128xf32, #tpu.memory_space<hbm>> -> memref<80x128xf32, #tpu.memory_space<hbm>>
        %dma_wait3A_133 = arith.constant 0 : i32
        %dma_wait3A_134 = tpu.memref_slice %arg13[%mul3A_124, %dma_wait3A_133] : memref<10000x128xf32, #tpu.memory_space<vmem_shared>> -> memref<80x128xf32, #tpu.memory_space<vmem_shared>>
        tpu.wait_dma2 semaphore(%run_scoped3A : memref<!tpu.dma_semaphore, #tpu.memory_space<semaphore_mem>>) src(%dma_wait3A_134 : memref<80x128xf32, #tpu.memory_space<vmem_shared>>) dst(%dma_wait3A_132 : memref<80x128xf32, #tpu.memory_space<hbm>>)
        tpu.yield
      }) : () -> ()
    } else {
    }
    %add3A_74 = arith.constant 16 : i32
    %add3A_75 = arith.addi %arg1, %add3A_74 : i32
    %lt3A_76 = arith.constant 125 : i32
    %lt3A_77 = arith.cmpi slt, %add3A_75, %lt3A_76 : i32
    %convert_element_type3A_78 = arith.extui %lt3A_77 : i1 to i32
    %cond3A_79 = arith.constant 0 : i32
    %cond3A_80 = arith.cmpi ne, %convert_element_type3A_78, %cond3A_79 : i32
    scf.if %cond3A_80 {
      %mul3A_123 = arith.constant 80 : i32
      %mul3A_124 = arith.muli %add3A_75, %mul3A_123 : i32
      %mul3A_125 = arith.constant 80 : i32
      %mul3A_126 = arith.muli %add3A_75, %mul3A_125 : i32
      "tpu.region"() ({
        %run_scoped3A = tpu.sem_alloc : memref<!tpu.dma_semaphore, #tpu.memory_space<semaphore_mem>>
        %dma_start3A = arith.constant 0 : i32
        %dma_start3A_127 = tpu.memref_slice %arg6[%arg0, %mul3A_126, %dma_start3A] : memref<2x10000x128xf32, #tpu.memory_space<hbm>> -> memref<1x80x128xf32, #tpu.memory_space<hbm>>
        %dma_start3A_128 = tpu.memref_squeeze %dma_start3A_127 : memref<1x80x128xf32, #tpu.memory_space<hbm>> -> memref<80x128xf32, #tpu.memory_space<hbm>>
        %dma_start3A_129 = arith.constant 0 : i32
        %dma_start3A_130 = tpu.memref_slice %arg13[%mul3A_124, %dma_start3A_129] : memref<10000x128xf32, #tpu.memory_space<vmem_shared>> -> memref<80x128xf32, #tpu.memory_space<vmem_shared>>
        tpu.enqueue_dma source(%dma_start3A_130 : memref<80x128xf32, #tpu.memory_space<vmem_shared>>) target(%dma_start3A_128 : memref<80x128xf32, #tpu.memory_space<hbm>>) target_semaphore(%run_scoped3A : memref<!tpu.dma_semaphore, #tpu.memory_space<semaphore_mem>>)
        %dma_wait3A = arith.constant 0 : i32
        %dma_wait3A_131 = tpu.memref_slice %arg6[%arg0, %mul3A_126, %dma_wait3A] : memref<2x10000x128xf32, #tpu.memory_space<hbm>> -> memref<1x80x128xf32, #tpu.memory_space<hbm>>
        %dma_wait3A_132 = tpu.memref_squeeze %dma_wait3A_131 : memref<1x80x128xf32, #tpu.memory_space<hbm>> -> memref<80x128xf32, #tpu.memory_space<hbm>>
        %dma_wait3A_133 = arith.constant 0 : i32
        %dma_wait3A_134 = tpu.memref_slice %arg13[%mul3A_124, %dma_wait3A_133] : memref<10000x128xf32, #tpu.memory_space<vmem_shared>> -> memref<80x128xf32, #tpu.memory_space<vmem_shared>>
        tpu.wait_dma2 semaphore(%run_scoped3A : memref<!tpu.dma_semaphore, #tpu.memory_space<semaphore_mem>>) src(%dma_wait3A_134 : memref<80x128xf32, #tpu.memory_space<vmem_shared>>) dst(%dma_wait3A_132 : memref<80x128xf32, #tpu.memory_space<hbm>>)
        tpu.yield
      }) : () -> ()
    } else {
    }
    %add3A_81 = arith.constant 32 : i32
    %add3A_82 = arith.addi %arg1, %add3A_81 : i32
    %lt3A_83 = arith.constant 125 : i32
    %lt3A_84 = arith.cmpi slt, %add3A_82, %lt3A_83 : i32
    %convert_element_type3A_85 = arith.extui %lt3A_84 : i1 to i32
    %cond3A_86 = arith.constant 0 : i32
    %cond3A_87 = arith.cmpi ne, %convert_element_type3A_85, %cond3A_86 : i32
    scf.if %cond3A_87 {
      %mul3A_123 = arith.constant 80 : i32
      %mul3A_124 = arith.muli %add3A_82, %mul3A_123 : i32
      %mul3A_125 = arith.constant 80 : i32
      %mul3A_126 = arith.muli %add3A_82, %mul3A_125 : i32
      "tpu.region"() ({
        %run_scoped3A = tpu.sem_alloc : memref<!tpu.dma_semaphore, #tpu.memory_space<semaphore_mem>>
        %dma_start3A = arith.constant 0 : i32
        %dma_start3A_127 = tpu.memref_slice %arg6[%arg0, %mul3A_126, %dma_start3A] : memref<2x10000x128xf32, #tpu.memory_space<hbm>> -> memref<1x80x128xf32, #tpu.memory_space<hbm>>
        %dma_start3A_128 = tpu.memref_squeeze %dma_start3A_127 : memref<1x80x128xf32, #tpu.memory_space<hbm>> -> memref<80x128xf32, #tpu.memory_space<hbm>>
        %dma_start3A_129 = arith.constant 0 : i32
        %dma_start3A_130 = tpu.memref_slice %arg13[%mul3A_124, %dma_start3A_129] : memref<10000x128xf32, #tpu.memory_space<vmem_shared>> -> memref<80x128xf32, #tpu.memory_space<vmem_shared>>
        tpu.enqueue_dma source(%dma_start3A_130 : memref<80x128xf32, #tpu.memory_space<vmem_shared>>) target(%dma_start3A_128 : memref<80x128xf32, #tpu.memory_space<hbm>>) target_semaphore(%run_scoped3A : memref<!tpu.dma_semaphore, #tpu.memory_space<semaphore_mem>>)
        %dma_wait3A = arith.constant 0 : i32
        %dma_wait3A_131 = tpu.memref_slice %arg6[%arg0, %mul3A_126, %dma_wait3A] : memref<2x10000x128xf32, #tpu.memory_space<hbm>> -> memref<1x80x128xf32, #tpu.memory_space<hbm>>
        %dma_wait3A_132 = tpu.memref_squeeze %dma_wait3A_131 : memref<1x80x128xf32, #tpu.memory_space<hbm>> -> memref<80x128xf32, #tpu.memory_space<hbm>>
        %dma_wait3A_133 = arith.constant 0 : i32
        %dma_wait3A_134 = tpu.memref_slice %arg13[%mul3A_124, %dma_wait3A_133] : memref<10000x128xf32, #tpu.memory_space<vmem_shared>> -> memref<80x128xf32, #tpu.memory_space<vmem_shared>>
        tpu.wait_dma2 semaphore(%run_scoped3A : memref<!tpu.dma_semaphore, #tpu.memory_space<semaphore_mem>>) src(%dma_wait3A_134 : memref<80x128xf32, #tpu.memory_space<vmem_shared>>) dst(%dma_wait3A_132 : memref<80x128xf32, #tpu.memory_space<hbm>>)
        tpu.yield
      }) : () -> ()
    } else {
    }
    %add3A_88 = arith.constant 48 : i32
    %add3A_89 = arith.addi %arg1, %add3A_88 : i32
    %lt3A_90 = arith.constant 125 : i32
    %lt3A_91 = arith.cmpi slt, %add3A_89, %lt3A_90 : i32
    %convert_element_type3A_92 = arith.extui %lt3A_91 : i1 to i32
    %cond3A_93 = arith.constant 0 : i32
    %cond3A_94 = arith.cmpi ne, %convert_element_type3A_92, %cond3A_93 : i32
    scf.if %cond3A_94 {
      %mul3A_123 = arith.constant 80 : i32
      %mul3A_124 = arith.muli %add3A_89, %mul3A_123 : i32
      %mul3A_125 = arith.constant 80 : i32
      %mul3A_126 = arith.muli %add3A_89, %mul3A_125 : i32
      "tpu.region"() ({
        %run_scoped3A = tpu.sem_alloc : memref<!tpu.dma_semaphore, #tpu.memory_space<semaphore_mem>>
        %dma_start3A = arith.constant 0 : i32
        %dma_start3A_127 = tpu.memref_slice %arg6[%arg0, %mul3A_126, %dma_start3A] : memref<2x10000x128xf32, #tpu.memory_space<hbm>> -> memref<1x80x128xf32, #tpu.memory_space<hbm>>
        %dma_start3A_128 = tpu.memref_squeeze %dma_start3A_127 : memref<1x80x128xf32, #tpu.memory_space<hbm>> -> memref<80x128xf32, #tpu.memory_space<hbm>>
        %dma_start3A_129 = arith.constant 0 : i32
        %dma_start3A_130 = tpu.memref_slice %arg13[%mul3A_124, %dma_start3A_129] : memref<10000x128xf32, #tpu.memory_space<vmem_shared>> -> memref<80x128xf32, #tpu.memory_space<vmem_shared>>
        tpu.enqueue_dma source(%dma_start3A_130 : memref<80x128xf32, #tpu.memory_space<vmem_shared>>) target(%dma_start3A_128 : memref<80x128xf32, #tpu.memory_space<hbm>>) target_semaphore(%run_scoped3A : memref<!tpu.dma_semaphore, #tpu.memory_space<semaphore_mem>>)
        %dma_wait3A = arith.constant 0 : i32
        %dma_wait3A_131 = tpu.memref_slice %arg6[%arg0, %mul3A_126, %dma_wait3A] : memref<2x10000x128xf32, #tpu.memory_space<hbm>> -> memref<1x80x128xf32, #tpu.memory_space<hbm>>
        %dma_wait3A_132 = tpu.memref_squeeze %dma_wait3A_131 : memref<1x80x128xf32, #tpu.memory_space<hbm>> -> memref<80x128xf32, #tpu.memory_space<hbm>>
        %dma_wait3A_133 = arith.constant 0 : i32
        %dma_wait3A_134 = tpu.memref_slice %arg13[%mul3A_124, %dma_wait3A_133] : memref<10000x128xf32, #tpu.memory_space<vmem_shared>> -> memref<80x128xf32, #tpu.memory_space<vmem_shared>>
        tpu.wait_dma2 semaphore(%run_scoped3A : memref<!tpu.dma_semaphore, #tpu.memory_space<semaphore_mem>>) src(%dma_wait3A_134 : memref<80x128xf32, #tpu.memory_space<vmem_shared>>) dst(%dma_wait3A_132 : memref<80x128xf32, #tpu.memory_space<hbm>>)
        tpu.yield
      }) : () -> ()
    } else {
    }
    %add3A_95 = arith.constant 64 : i32
    %add3A_96 = arith.addi %arg1, %add3A_95 : i32
    %lt3A_97 = arith.constant 125 : i32
    %lt3A_98 = arith.cmpi slt, %add3A_96, %lt3A_97 : i32
    %convert_element_type3A_99 = arith.extui %lt3A_98 : i1 to i32
    %cond3A_100 = arith.constant 0 : i32
    %cond3A_101 = arith.cmpi ne, %convert_element_type3A_99, %cond3A_100 : i32
    scf.if %cond3A_101 {
      %mul3A_123 = arith.constant 80 : i32
      %mul3A_124 = arith.muli %add3A_96, %mul3A_123 : i32
      %mul3A_125 = arith.constant 80 : i32
      %mul3A_126 = arith.muli %add3A_96, %mul3A_125 : i32
      "tpu.region"() ({
        %run_scoped3A = tpu.sem_alloc : memref<!tpu.dma_semaphore, #tpu.memory_space<semaphore_mem>>
        %dma_start3A = arith.constant 0 : i32
        %dma_start3A_127 = tpu.memref_slice %arg6[%arg0, %mul3A_126, %dma_start3A] : memref<2x10000x128xf32, #tpu.memory_space<hbm>> -> memref<1x80x128xf32, #tpu.memory_space<hbm>>
        %dma_start3A_128 = tpu.memref_squeeze %dma_start3A_127 : memref<1x80x128xf32, #tpu.memory_space<hbm>> -> memref<80x128xf32, #tpu.memory_space<hbm>>
        %dma_start3A_129 = arith.constant 0 : i32
        %dma_start3A_130 = tpu.memref_slice %arg13[%mul3A_124, %dma_start3A_129] : memref<10000x128xf32, #tpu.memory_space<vmem_shared>> -> memref<80x128xf32, #tpu.memory_space<vmem_shared>>
        tpu.enqueue_dma source(%dma_start3A_130 : memref<80x128xf32, #tpu.memory_space<vmem_shared>>) target(%dma_start3A_128 : memref<80x128xf32, #tpu.memory_space<hbm>>) target_semaphore(%run_scoped3A : memref<!tpu.dma_semaphore, #tpu.memory_space<semaphore_mem>>)
        %dma_wait3A = arith.constant 0 : i32
        %dma_wait3A_131 = tpu.memref_slice %arg6[%arg0, %mul3A_126, %dma_wait3A] : memref<2x10000x128xf32, #tpu.memory_space<hbm>> -> memref<1x80x128xf32, #tpu.memory_space<hbm>>
        %dma_wait3A_132 = tpu.memref_squeeze %dma_wait3A_131 : memref<1x80x128xf32, #tpu.memory_space<hbm>> -> memref<80x128xf32, #tpu.memory_space<hbm>>
        %dma_wait3A_133 = arith.constant 0 : i32
        %dma_wait3A_134 = tpu.memref_slice %arg13[%mul3A_124, %dma_wait3A_133] : memref<10000x128xf32, #tpu.memory_space<vmem_shared>> -> memref<80x128xf32, #tpu.memory_space<vmem_shared>>
        tpu.wait_dma2 semaphore(%run_scoped3A : memref<!tpu.dma_semaphore, #tpu.memory_space<semaphore_mem>>) src(%dma_wait3A_134 : memref<80x128xf32, #tpu.memory_space<vmem_shared>>) dst(%dma_wait3A_132 : memref<80x128xf32, #tpu.memory_space<hbm>>)
        tpu.yield
      }) : () -> ()
    } else {
    }
    %add3A_102 = arith.constant 80 : i32
    %add3A_103 = arith.addi %arg1, %add3A_102 : i32
    %lt3A_104 = arith.constant 125 : i32
    %lt3A_105 = arith.cmpi slt, %add3A_103, %lt3A_104 : i32
    %convert_element_type3A_106 = arith.extui %lt3A_105 : i1 to i32
    %cond3A_107 = arith.constant 0 : i32
    %cond3A_108 = arith.cmpi ne, %convert_element_type3A_106, %cond3A_107 : i32
    scf.if %cond3A_108 {
      %mul3A_123 = arith.constant 80 : i32
      %mul3A_124 = arith.muli %add3A_103, %mul3A_123 : i32
      %mul3A_125 = arith.constant 80 : i32
      %mul3A_126 = arith.muli %add3A_103, %mul3A_125 : i32
      "tpu.region"() ({
        %run_scoped3A = tpu.sem_alloc : memref<!tpu.dma_semaphore, #tpu.memory_space<semaphore_mem>>
        %dma_start3A = arith.constant 0 : i32
        %dma_start3A_127 = tpu.memref_slice %arg6[%arg0, %mul3A_126, %dma_start3A] : memref<2x10000x128xf32, #tpu.memory_space<hbm>> -> memref<1x80x128xf32, #tpu.memory_space<hbm>>
        %dma_start3A_128 = tpu.memref_squeeze %dma_start3A_127 : memref<1x80x128xf32, #tpu.memory_space<hbm>> -> memref<80x128xf32, #tpu.memory_space<hbm>>
        %dma_start3A_129 = arith.constant 0 : i32
        %dma_start3A_130 = tpu.memref_slice %arg13[%mul3A_124, %dma_start3A_129] : memref<10000x128xf32, #tpu.memory_space<vmem_shared>> -> memref<80x128xf32, #tpu.memory_space<vmem_shared>>
        tpu.enqueue_dma source(%dma_start3A_130 : memref<80x128xf32, #tpu.memory_space<vmem_shared>>) target(%dma_start3A_128 : memref<80x128xf32, #tpu.memory_space<hbm>>) target_semaphore(%run_scoped3A : memref<!tpu.dma_semaphore, #tpu.memory_space<semaphore_mem>>)
        %dma_wait3A = arith.constant 0 : i32
        %dma_wait3A_131 = tpu.memref_slice %arg6[%arg0, %mul3A_126, %dma_wait3A] : memref<2x10000x128xf32, #tpu.memory_space<hbm>> -> memref<1x80x128xf32, #tpu.memory_space<hbm>>
        %dma_wait3A_132 = tpu.memref_squeeze %dma_wait3A_131 : memref<1x80x128xf32, #tpu.memory_space<hbm>> -> memref<80x128xf32, #tpu.memory_space<hbm>>
        %dma_wait3A_133 = arith.constant 0 : i32
        %dma_wait3A_134 = tpu.memref_slice %arg13[%mul3A_124, %dma_wait3A_133] : memref<10000x128xf32, #tpu.memory_space<vmem_shared>> -> memref<80x128xf32, #tpu.memory_space<vmem_shared>>
        tpu.wait_dma2 semaphore(%run_scoped3A : memref<!tpu.dma_semaphore, #tpu.memory_space<semaphore_mem>>) src(%dma_wait3A_134 : memref<80x128xf32, #tpu.memory_space<vmem_shared>>) dst(%dma_wait3A_132 : memref<80x128xf32, #tpu.memory_space<hbm>>)
        tpu.yield
      }) : () -> ()
    } else {
    }
    %add3A_109 = arith.constant 96 : i32
    %add3A_110 = arith.addi %arg1, %add3A_109 : i32
    %lt3A_111 = arith.constant 125 : i32
    %lt3A_112 = arith.cmpi slt, %add3A_110, %lt3A_111 : i32
    %convert_element_type3A_113 = arith.extui %lt3A_112 : i1 to i32
    %cond3A_114 = arith.constant 0 : i32
    %cond3A_115 = arith.cmpi ne, %convert_element_type3A_113, %cond3A_114 : i32
    scf.if %cond3A_115 {
      %mul3A_123 = arith.constant 80 : i32
      %mul3A_124 = arith.muli %add3A_110, %mul3A_123 : i32
      %mul3A_125 = arith.constant 80 : i32
      %mul3A_126 = arith.muli %add3A_110, %mul3A_125 : i32
      "tpu.region"() ({
        %run_scoped3A = tpu.sem_alloc : memref<!tpu.dma_semaphore, #tpu.memory_space<semaphore_mem>>
        %dma_start3A = arith.constant 0 : i32
        %dma_start3A_127 = tpu.memref_slice %arg6[%arg0, %mul3A_126, %dma_start3A] : memref<2x10000x128xf32, #tpu.memory_space<hbm>> -> memref<1x80x128xf32, #tpu.memory_space<hbm>>
        %dma_start3A_128 = tpu.memref_squeeze %dma_start3A_127 : memref<1x80x128xf32, #tpu.memory_space<hbm>> -> memref<80x128xf32, #tpu.memory_space<hbm>>
        %dma_start3A_129 = arith.constant 0 : i32
        %dma_start3A_130 = tpu.memref_slice %arg13[%mul3A_124, %dma_start3A_129] : memref<10000x128xf32, #tpu.memory_space<vmem_shared>> -> memref<80x128xf32, #tpu.memory_space<vmem_shared>>
        tpu.enqueue_dma source(%dma_start3A_130 : memref<80x128xf32, #tpu.memory_space<vmem_shared>>) target(%dma_start3A_128 : memref<80x128xf32, #tpu.memory_space<hbm>>) target_semaphore(%run_scoped3A : memref<!tpu.dma_semaphore, #tpu.memory_space<semaphore_mem>>)
        %dma_wait3A = arith.constant 0 : i32
        %dma_wait3A_131 = tpu.memref_slice %arg6[%arg0, %mul3A_126, %dma_wait3A] : memref<2x10000x128xf32, #tpu.memory_space<hbm>> -> memref<1x80x128xf32, #tpu.memory_space<hbm>>
        %dma_wait3A_132 = tpu.memref_squeeze %dma_wait3A_131 : memref<1x80x128xf32, #tpu.memory_space<hbm>> -> memref<80x128xf32, #tpu.memory_space<hbm>>
        %dma_wait3A_133 = arith.constant 0 : i32
        %dma_wait3A_134 = tpu.memref_slice %arg13[%mul3A_124, %dma_wait3A_133] : memref<10000x128xf32, #tpu.memory_space<vmem_shared>> -> memref<80x128xf32, #tpu.memory_space<vmem_shared>>
        tpu.wait_dma2 semaphore(%run_scoped3A : memref<!tpu.dma_semaphore, #tpu.memory_space<semaphore_mem>>) src(%dma_wait3A_134 : memref<80x128xf32, #tpu.memory_space<vmem_shared>>) dst(%dma_wait3A_132 : memref<80x128xf32, #tpu.memory_space<hbm>>)
        tpu.yield
      }) : () -> ()
    } else {
    }
    %add3A_116 = arith.constant 112 : i32
    %add3A_117 = arith.addi %arg1, %add3A_116 : i32
    %lt3A_118 = arith.constant 125 : i32
    %lt3A_119 = arith.cmpi slt, %add3A_117, %lt3A_118 : i32
    %convert_element_type3A_120 = arith.extui %lt3A_119 : i1 to i32
    %cond3A_121 = arith.constant 0 : i32
    %cond3A_122 = arith.cmpi ne, %convert_element_type3A_120, %cond3A_121 : i32
    scf.if %cond3A_122 {
      %mul3A_123 = arith.constant 80 : i32
      %mul3A_124 = arith.muli %add3A_117, %mul3A_123 : i32
      %mul3A_125 = arith.constant 80 : i32
      %mul3A_126 = arith.muli %add3A_117, %mul3A_125 : i32
      "tpu.region"() ({
        %run_scoped3A = tpu.sem_alloc : memref<!tpu.dma_semaphore, #tpu.memory_space<semaphore_mem>>
        %dma_start3A = arith.constant 0 : i32
        %dma_start3A_127 = tpu.memref_slice %arg6[%arg0, %mul3A_126, %dma_start3A] : memref<2x10000x128xf32, #tpu.memory_space<hbm>> -> memref<1x80x128xf32, #tpu.memory_space<hbm>>
        %dma_start3A_128 = tpu.memref_squeeze %dma_start3A_127 : memref<1x80x128xf32, #tpu.memory_space<hbm>> -> memref<80x128xf32, #tpu.memory_space<hbm>>
        %dma_start3A_129 = arith.constant 0 : i32
        %dma_start3A_130 = tpu.memref_slice %arg13[%mul3A_124, %dma_start3A_129] : memref<10000x128xf32, #tpu.memory_space<vmem_shared>> -> memref<80x128xf32, #tpu.memory_space<vmem_shared>>
        tpu.enqueue_dma source(%dma_start3A_130 : memref<80x128xf32, #tpu.memory_space<vmem_shared>>) target(%dma_start3A_128 : memref<80x128xf32, #tpu.memory_space<hbm>>) target_semaphore(%run_scoped3A : memref<!tpu.dma_semaphore, #tpu.memory_space<semaphore_mem>>)
        %dma_wait3A = arith.constant 0 : i32
        %dma_wait3A_131 = tpu.memref_slice %arg6[%arg0, %mul3A_126, %dma_wait3A] : memref<2x10000x128xf32, #tpu.memory_space<hbm>> -> memref<1x80x128xf32, #tpu.memory_space<hbm>>
        %dma_wait3A_132 = tpu.memref_squeeze %dma_wait3A_131 : memref<1x80x128xf32, #tpu.memory_space<hbm>> -> memref<80x128xf32, #tpu.memory_space<hbm>>
        %dma_wait3A_133 = arith.constant 0 : i32
        %dma_wait3A_134 = tpu.memref_slice %arg13[%mul3A_124, %dma_wait3A_133] : memref<10000x128xf32, #tpu.memory_space<vmem_shared>> -> memref<80x128xf32, #tpu.memory_space<vmem_shared>>
        tpu.wait_dma2 semaphore(%run_scoped3A : memref<!tpu.dma_semaphore, #tpu.memory_space<semaphore_mem>>) src(%dma_wait3A_134 : memref<80x128xf32, #tpu.memory_space<vmem_shared>>) dst(%dma_wait3A_132 : memref<80x128xf32, #tpu.memory_space<hbm>>)
        tpu.yield
      }) : () -> ()
    } else {
    }
    return
  }
}

#map = affine_map<(d0, d1) -> (0, 0)>
#map1 = affine_map<(d0, d1) -> (0, 0, 0, 0)>
#map2 = affine_map<(d0, d1) -> (0, 0, 0)>
module attributes {stable_mosaic.version = 14 : i64} {
  func.func @_sc_body(%arg0: i32, %arg1: i32, %arg2: memref<10000x128xf32, #tpu.memory_space<hbm>>, %arg3: memref<32x5x25x80xi32, #tpu.memory_space<hbm>>, %arg4: memref<32x5x25x80xi32, #tpu.memory_space<hbm>>, %arg5: memref<4000x80x128xf32, #tpu.memory_space<hbm>>, %arg6: memref<2x10000x128xf32, #tpu.memory_space<hbm>>, %arg7: memref<25x80xi32, #tpu.memory_space<vmem>>, %arg8: memref<25x80xi32, #tpu.memory_space<vmem>>, %arg9: memref<80x128xf32, #tpu.memory_space<vmem>>, %arg10: memref<80x128xf32, #tpu.memory_space<vmem>>, %arg11: memref<80x128xf32, #tpu.memory_space<vmem>>, %arg12: memref<80x128xf32, #tpu.memory_space<vmem>>, %arg13: memref<10000x128xf32, #tpu.memory_space<vmem_shared>>, %arg14: memref<!tpu.dma_semaphore, #tpu.memory_space<semaphore_mem>>, %arg15: memref<!tpu.dma_semaphore, #tpu.memory_space<semaphore_mem>>, %arg16: memref<!tpu.dma_semaphore, #tpu.memory_space<semaphore_mem>>, %arg17: memref<!tpu.dma_semaphore, #tpu.memory_space<semaphore_mem>>) attributes {dimension_semantics = [#tpu.dimension_semantics<core_parallel>, #tpu.dimension_semantics<subcore_parallel>], iteration_bounds = array<i64: 2, 16>, scalar_prefetch = 0 : i64, scratch_operands = 11 : i64, tpu.core_type = #tpu.core_type<sc_vector_subcore>, window_params = [{transform_indices = #map}, {transform_indices = #map1}, {transform_indices = #map1}, {transform_indices = #map2}, {transform_indices = #map2}]} {
    %mul3A = arith.constant 2 : i32
    %mul3A_0 = arith.muli %arg1, %mul3A : i32
    %add3A = arith.addi %mul3A_0, %arg0 : i32
    %broadcast_in_dim3A = arith.constant 0.000000e+00 : f32
    %broadcast_in_dim3A_1 = vector.broadcast %broadcast_in_dim3A : f32 to vector<16xf32>
    %scan3A = arith.constant 0 : i32
    %scan3A_2 = arith.constant 0 : i32
    %scan3A_3 = arith.constant 80 : i32
    %scan3A_4 = arith.addi %scan3A_2, %scan3A_3 : i32
    %scan3A_5 = arith.constant 1 : i32
    scf.for %scan3A_123 = %scan3A_2 to %scan3A_4 step %scan3A_5  : i32 {
      %swap3A = arith.index_cast %scan3A_123 : i32 to index
      %swap3A_124 = arith.constant 0 : index
      %swap3A_125 = tpu.vector_load %arg9[%swap3A, %swap3A_124] {strides = array<i32>} : memref<80x128xf32, #tpu.memory_space<vmem>>, vector<1x16xf32>,
      %swap3A_126 = vector.shape_cast %swap3A_125 : vector<1x16xf32> to vector<16xf32>
      %swap3A_127 = vector.shape_cast %broadcast_in_dim3A_1 : vector<16xf32> to vector<1x16xf32>
      tpu.vector_store %arg9[%swap3A, %swap3A_124], %swap3A_127 {strides = array<i32>} : memref<80x128xf32, #tpu.memory_space<vmem>>, vector<1x16xf32>,
      %swap3A_128 = arith.index_cast %scan3A_123 : i32 to index
      %swap3A_129 = arith.constant 16 : index
      %swap3A_130 = tpu.vector_load %arg9[%swap3A_128, %swap3A_129] {strides = array<i32>} : memref<80x128xf32, #tpu.memory_space<vmem>>, vector<1x16xf32>,
      %swap3A_131 = vector.shape_cast %swap3A_130 : vector<1x16xf32> to vector<16xf32>
      %swap3A_132 = vector.shape_cast %broadcast_in_dim3A_1 : vector<16xf32> to vector<1x16xf32>
      tpu.vector_store %arg9[%swap3A_128, %swap3A_129], %swap3A_132 {strides = array<i32>} : memref<80x128xf32, #tpu.memory_space<vmem>>, vector<1x16xf32>,
      %swap3A_133 = arith.index_cast %scan3A_123 : i32 to index
      %swap3A_134 = arith.constant 32 : index
      %swap3A_135 = tpu.vector_load %arg9[%swap3A_133, %swap3A_134] {strides = array<i32>} : memref<80x128xf32, #tpu.memory_space<vmem>>, vector<1x16xf32>,
      %swap3A_136 = vector.shape_cast %swap3A_135 : vector<1x16xf32> to vector<16xf32>
      %swap3A_137 = vector.shape_cast %broadcast_in_dim3A_1 : vector<16xf32> to vector<1x16xf32>
      tpu.vector_store %arg9[%swap3A_133, %swap3A_134], %swap3A_137 {strides = array<i32>} : memref<80x128xf32, #tpu.memory_space<vmem>>, vector<1x16xf32>,
      %swap3A_138 = arith.index_cast %scan3A_123 : i32 to index
      %swap3A_139 = arith.constant 48 : index
      %swap3A_140 = tpu.vector_load %arg9[%swap3A_138, %swap3A_139] {strides = array<i32>} : memref<80x128xf32, #tpu.memory_space<vmem>>, vector<1x16xf32>,
      %swap3A_141 = vector.shape_cast %swap3A_140 : vector<1x16xf32> to vector<16xf32>
      %swap3A_142 = vector.shape_cast %broadcast_in_dim3A_1 : vector<16xf32> to vector<1x16xf32>
      tpu.vector_store %arg9[%swap3A_138, %swap3A_139], %swap3A_142 {strides = array<i32>} : memref<80x128xf32, #tpu.memory_space<vmem>>, vector<1x16xf32>,
      %swap3A_143 = arith.index_cast %scan3A_123 : i32 to index
      %swap3A_144 = arith.constant 64 : index
      %swap3A_145 = tpu.vector_load %arg9[%swap3A_143, %swap3A_144] {strides = array<i32>} : memref<80x128xf32, #tpu.memory_space<vmem>>, vector<1x16xf32>,
      %swap3A_146 = vector.shape_cast %swap3A_145 : vector<1x16xf32> to vector<16xf32>
      %swap3A_147 = vector.shape_cast %broadcast_in_dim3A_1 : vector<16xf32> to vector<1x16xf32>
      tpu.vector_store %arg9[%swap3A_143, %swap3A_144], %swap3A_147 {strides = array<i32>} : memref<80x128xf32, #tpu.memory_space<vmem>>, vector<1x16xf32>,
      %swap3A_148 = arith.index_cast %scan3A_123 : i32 to index
      %swap3A_149 = arith.constant 80 : index
      %swap3A_150 = tpu.vector_load %arg9[%swap3A_148, %swap3A_149] {strides = array<i32>} : memref<80x128xf32, #tpu.memory_space<vmem>>, vector<1x16xf32>,
      %swap3A_151 = vector.shape_cast %swap3A_150 : vector<1x16xf32> to vector<16xf32>
      %swap3A_152 = vector.shape_cast %broadcast_in_dim3A_1 : vector<16xf32> to vector<1x16xf32>
      tpu.vector_store %arg9[%swap3A_148, %swap3A_149], %swap3A_152 {strides = array<i32>} : memref<80x128xf32, #tpu.memory_space<vmem>>, vector<1x16xf32>,
      %swap3A_153 = arith.index_cast %scan3A_123 : i32 to index
      %swap3A_154 = arith.constant 96 : index
      %swap3A_155 = tpu.vector_load %arg9[%swap3A_153, %swap3A_154] {strides = array<i32>} : memref<80x128xf32, #tpu.memory_space<vmem>>, vector<1x16xf32>,
      %swap3A_156 = vector.shape_cast %swap3A_155 : vector<1x16xf32> to vector<16xf32>
      %swap3A_157 = vector.shape_cast %broadcast_in_dim3A_1 : vector<16xf32> to vector<1x16xf32>
      tpu.vector_store %arg9[%swap3A_153, %swap3A_154], %swap3A_157 {strides = array<i32>} : memref<80x128xf32, #tpu.memory_space<vmem>>, vector<1x16xf32>,
      %swap3A_158 = arith.index_cast %scan3A_123 : i32 to index
      %swap3A_159 = arith.constant 112 : index
      %swap3A_160 = tpu.vector_load %arg9[%swap3A_158, %swap3A_159] {strides = array<i32>} : memref<80x128xf32, #tpu.memory_space<vmem>>, vector<1x16xf32>,
      %swap3A_161 = vector.shape_cast %swap3A_160 : vector<1x16xf32> to vector<16xf32>
      %swap3A_162 = vector.shape_cast %broadcast_in_dim3A_1 : vector<16xf32> to vector<1x16xf32>
      tpu.vector_store %arg9[%swap3A_158, %swap3A_159], %swap3A_162 {strides = array<i32>} : memref<80x128xf32, #tpu.memory_space<vmem>>, vector<1x16xf32>,
    }
    %scan3A_6 = arith.constant 80 : i32
    %add3A_7 = arith.constant 0 : i32
    %add3A_8 = arith.addi %arg1, %add3A_7 : i32
    %lt3A = arith.constant 125 : i32
    %lt3A_9 = arith.cmpi slt, %add3A_8, %lt3A : i32
    %convert_element_type3A = arith.extui %lt3A_9 : i1 to i32
    %cond3A = arith.constant 0 : i32
    %cond3A_10 = arith.cmpi ne, %convert_element_type3A, %cond3A : i32
    scf.if %cond3A_10 {
      %mul3A_123 = arith.constant 80 : i32
      %mul3A_124 = arith.muli %add3A_8, %mul3A_123 : i32
      "tpu.region"() ({
        %run_scoped3A = tpu.sem_alloc : memref<!tpu.dma_semaphore, #tpu.memory_space<semaphore_mem>>
        %dma_start3A = arith.constant 0 : i32
        %dma_start3A_125 = arith.constant 0 : i32
        %dma_start3A_126 = tpu.memref_slice %arg9[%dma_start3A, %dma_start3A_125] : memref<80x128xf32, #tpu.memory_space<vmem>> -> memref<80x128xf32, #tpu.memory_space<vmem>>
        %dma_start3A_127 = arith.constant 0 : i32
        %dma_start3A_128 = tpu.memref_slice %arg13[%mul3A_124, %dma_start3A_127] : memref<10000x128xf32, #tpu.memory_space<vmem_shared>> -> memref<80x128xf32, #tpu.memory_space<vmem_shared>>
        %dma_start3A_129 = arith.constant 0 : i32
        %dma_start3A_130 = tpu.memref_slice %arg13[%mul3A_124, %dma_start3A_129] : memref<10000x128xf32, #tpu.memory_space<vmem_shared>> -> memref<80x128xf32, #tpu.memory_space<vmem_shared>>
        %dma_start3A_131 = arith.constant 0 : i32
        %dma_start3A_132 = arith.constant 0 : i32
        %dma_start3A_133 = tpu.memref_slice %arg9[%dma_start3A_131, %dma_start3A_132] : memref<80x128xf32, #tpu.memory_space<vmem>> -> memref<80x128xf32, #tpu.memory_space<vmem>>
        tpu.enqueue_dma source(%dma_start3A_133 : memref<80x128xf32, #tpu.memory_space<vmem>>) target(%dma_start3A_130 : memref<80x128xf32, #tpu.memory_space<vmem_shared>>) target_semaphore(%run_scoped3A : memref<!tpu.dma_semaphore, #tpu.memory_space<semaphore_mem>>)
        %dma_wait3A = arith.constant 0 : i32
        %dma_wait3A_134 = arith.constant 0 : i32
        %dma_wait3A_135 = tpu.memref_slice %arg9[%dma_wait3A, %dma_wait3A_134] : memref<80x128xf32, #tpu.memory_space<vmem>> -> memref<80x128xf32, #tpu.memory_space<vmem>>
        %dma_wait3A_136 = arith.constant 0 : i32
        %dma_wait3A_137 = tpu.memref_slice %arg13[%mul3A_124, %dma_wait3A_136] : memref<10000x128xf32, #tpu.memory_space<vmem_shared>> -> memref<80x128xf32, #tpu.memory_space<vmem_shared>>
        %dma_wait3A_138 = arith.constant 0 : i32
        %dma_wait3A_139 = tpu.memref_slice %arg13[%mul3A_124, %dma_wait3A_138] : memref<10000x128xf32, #tpu.memory_space<vmem_shared>> -> memref<80x128xf32, #tpu.memory_space<vmem_shared>>
        %dma_wait3A_140 = arith.constant 0 : i32
        %dma_wait3A_141 = arith.constant 0 : i32
        %dma_wait3A_142 = tpu.memref_slice %arg9[%dma_wait3A_140, %dma_wait3A_141] : memref<80x128xf32, #tpu.memory_space<vmem>> -> memref<80x128xf32, #tpu.memory_space<vmem>>
        tpu.wait_dma2 semaphore(%run_scoped3A : memref<!tpu.dma_semaphore, #tpu.memory_space<semaphore_mem>>) src(%dma_wait3A_142 : memref<80x128xf32, #tpu.memory_space<vmem>>) dst(%dma_wait3A_139 : memref<80x128xf32, #tpu.memory_space<vmem_shared>>)
        tpu.yield
      }) : () -> ()
    } else {
    }
    %add3A_11 = arith.constant 16 : i32
    %add3A_12 = arith.addi %arg1, %add3A_11 : i32
    %lt3A_13 = arith.constant 125 : i32
    %lt3A_14 = arith.cmpi slt, %add3A_12, %lt3A_13 : i32
    %convert_element_type3A_15 = arith.extui %lt3A_14 : i1 to i32
    %cond3A_16 = arith.constant 0 : i32
    %cond3A_17 = arith.cmpi ne, %convert_element_type3A_15, %cond3A_16 : i32
    scf.if %cond3A_17 {
      %mul3A_123 = arith.constant 80 : i32
      %mul3A_124 = arith.muli %add3A_12, %mul3A_123 : i32
      "tpu.region"() ({
        %run_scoped3A = tpu.sem_alloc : memref<!tpu.dma_semaphore, #tpu.memory_space<semaphore_mem>>
        %dma_start3A = arith.constant 0 : i32
        %dma_start3A_125 = arith.constant 0 : i32
        %dma_start3A_126 = tpu.memref_slice %arg9[%dma_start3A, %dma_start3A_125] : memref<80x128xf32, #tpu.memory_space<vmem>> -> memref<80x128xf32, #tpu.memory_space<vmem>>
        %dma_start3A_127 = arith.constant 0 : i32
        %dma_start3A_128 = tpu.memref_slice %arg13[%mul3A_124, %dma_start3A_127] : memref<10000x128xf32, #tpu.memory_space<vmem_shared>> -> memref<80x128xf32, #tpu.memory_space<vmem_shared>>
        %dma_start3A_129 = arith.constant 0 : i32
        %dma_start3A_130 = tpu.memref_slice %arg13[%mul3A_124, %dma_start3A_129] : memref<10000x128xf32, #tpu.memory_space<vmem_shared>> -> memref<80x128xf32, #tpu.memory_space<vmem_shared>>
        %dma_start3A_131 = arith.constant 0 : i32
        %dma_start3A_132 = arith.constant 0 : i32
        %dma_start3A_133 = tpu.memref_slice %arg9[%dma_start3A_131, %dma_start3A_132] : memref<80x128xf32, #tpu.memory_space<vmem>> -> memref<80x128xf32, #tpu.memory_space<vmem>>
        tpu.enqueue_dma source(%dma_start3A_133 : memref<80x128xf32, #tpu.memory_space<vmem>>) target(%dma_start3A_130 : memref<80x128xf32, #tpu.memory_space<vmem_shared>>) target_semaphore(%run_scoped3A : memref<!tpu.dma_semaphore, #tpu.memory_space<semaphore_mem>>)
        %dma_wait3A = arith.constant 0 : i32
        %dma_wait3A_134 = arith.constant 0 : i32
        %dma_wait3A_135 = tpu.memref_slice %arg9[%dma_wait3A, %dma_wait3A_134] : memref<80x128xf32, #tpu.memory_space<vmem>> -> memref<80x128xf32, #tpu.memory_space<vmem>>
        %dma_wait3A_136 = arith.constant 0 : i32
        %dma_wait3A_137 = tpu.memref_slice %arg13[%mul3A_124, %dma_wait3A_136] : memref<10000x128xf32, #tpu.memory_space<vmem_shared>> -> memref<80x128xf32, #tpu.memory_space<vmem_shared>>
        %dma_wait3A_138 = arith.constant 0 : i32
        %dma_wait3A_139 = tpu.memref_slice %arg13[%mul3A_124, %dma_wait3A_138] : memref<10000x128xf32, #tpu.memory_space<vmem_shared>> -> memref<80x128xf32, #tpu.memory_space<vmem_shared>>
        %dma_wait3A_140 = arith.constant 0 : i32
        %dma_wait3A_141 = arith.constant 0 : i32
        %dma_wait3A_142 = tpu.memref_slice %arg9[%dma_wait3A_140, %dma_wait3A_141] : memref<80x128xf32, #tpu.memory_space<vmem>> -> memref<80x128xf32, #tpu.memory_space<vmem>>
        tpu.wait_dma2 semaphore(%run_scoped3A : memref<!tpu.dma_semaphore, #tpu.memory_space<semaphore_mem>>) src(%dma_wait3A_142 : memref<80x128xf32, #tpu.memory_space<vmem>>) dst(%dma_wait3A_139 : memref<80x128xf32, #tpu.memory_space<vmem_shared>>)
        tpu.yield
      }) : () -> ()
    } else {
    }
    %add3A_18 = arith.constant 32 : i32
    %add3A_19 = arith.addi %arg1, %add3A_18 : i32
    %lt3A_20 = arith.constant 125 : i32
    %lt3A_21 = arith.cmpi slt, %add3A_19, %lt3A_20 : i32
    %convert_element_type3A_22 = arith.extui %lt3A_21 : i1 to i32
    %cond3A_23 = arith.constant 0 : i32
    %cond3A_24 = arith.cmpi ne, %convert_element_type3A_22, %cond3A_23 : i32
    scf.if %cond3A_24 {
      %mul3A_123 = arith.constant 80 : i32
      %mul3A_124 = arith.muli %add3A_19, %mul3A_123 : i32
      "tpu.region"() ({
        %run_scoped3A = tpu.sem_alloc : memref<!tpu.dma_semaphore, #tpu.memory_space<semaphore_mem>>
        %dma_start3A = arith.constant 0 : i32
        %dma_start3A_125 = arith.constant 0 : i32
        %dma_start3A_126 = tpu.memref_slice %arg9[%dma_start3A, %dma_start3A_125] : memref<80x128xf32, #tpu.memory_space<vmem>> -> memref<80x128xf32, #tpu.memory_space<vmem>>
        %dma_start3A_127 = arith.constant 0 : i32
        %dma_start3A_128 = tpu.memref_slice %arg13[%mul3A_124, %dma_start3A_127] : memref<10000x128xf32, #tpu.memory_space<vmem_shared>> -> memref<80x128xf32, #tpu.memory_space<vmem_shared>>
        %dma_start3A_129 = arith.constant 0 : i32
        %dma_start3A_130 = tpu.memref_slice %arg13[%mul3A_124, %dma_start3A_129] : memref<10000x128xf32, #tpu.memory_space<vmem_shared>> -> memref<80x128xf32, #tpu.memory_space<vmem_shared>>
        %dma_start3A_131 = arith.constant 0 : i32
        %dma_start3A_132 = arith.constant 0 : i32
        %dma_start3A_133 = tpu.memref_slice %arg9[%dma_start3A_131, %dma_start3A_132] : memref<80x128xf32, #tpu.memory_space<vmem>> -> memref<80x128xf32, #tpu.memory_space<vmem>>
        tpu.enqueue_dma source(%dma_start3A_133 : memref<80x128xf32, #tpu.memory_space<vmem>>) target(%dma_start3A_130 : memref<80x128xf32, #tpu.memory_space<vmem_shared>>) target_semaphore(%run_scoped3A : memref<!tpu.dma_semaphore, #tpu.memory_space<semaphore_mem>>)
        %dma_wait3A = arith.constant 0 : i32
        %dma_wait3A_134 = arith.constant 0 : i32
        %dma_wait3A_135 = tpu.memref_slice %arg9[%dma_wait3A, %dma_wait3A_134] : memref<80x128xf32, #tpu.memory_space<vmem>> -> memref<80x128xf32, #tpu.memory_space<vmem>>
        %dma_wait3A_136 = arith.constant 0 : i32
        %dma_wait3A_137 = tpu.memref_slice %arg13[%mul3A_124, %dma_wait3A_136] : memref<10000x128xf32, #tpu.memory_space<vmem_shared>> -> memref<80x128xf32, #tpu.memory_space<vmem_shared>>
        %dma_wait3A_138 = arith.constant 0 : i32
        %dma_wait3A_139 = tpu.memref_slice %arg13[%mul3A_124, %dma_wait3A_138] : memref<10000x128xf32, #tpu.memory_space<vmem_shared>> -> memref<80x128xf32, #tpu.memory_space<vmem_shared>>
        %dma_wait3A_140 = arith.constant 0 : i32
        %dma_wait3A_141 = arith.constant 0 : i32
        %dma_wait3A_142 = tpu.memref_slice %arg9[%dma_wait3A_140, %dma_wait3A_141] : memref<80x128xf32, #tpu.memory_space<vmem>> -> memref<80x128xf32, #tpu.memory_space<vmem>>
        tpu.wait_dma2 semaphore(%run_scoped3A : memref<!tpu.dma_semaphore, #tpu.memory_space<semaphore_mem>>) src(%dma_wait3A_142 : memref<80x128xf32, #tpu.memory_space<vmem>>) dst(%dma_wait3A_139 : memref<80x128xf32, #tpu.memory_space<vmem_shared>>)
        tpu.yield
      }) : () -> ()
    } else {
    }
    %add3A_25 = arith.constant 48 : i32
    %add3A_26 = arith.addi %arg1, %add3A_25 : i32
    %lt3A_27 = arith.constant 125 : i32
    %lt3A_28 = arith.cmpi slt, %add3A_26, %lt3A_27 : i32
    %convert_element_type3A_29 = arith.extui %lt3A_28 : i1 to i32
    %cond3A_30 = arith.constant 0 : i32
    %cond3A_31 = arith.cmpi ne, %convert_element_type3A_29, %cond3A_30 : i32
    scf.if %cond3A_31 {
      %mul3A_123 = arith.constant 80 : i32
      %mul3A_124 = arith.muli %add3A_26, %mul3A_123 : i32
      "tpu.region"() ({
        %run_scoped3A = tpu.sem_alloc : memref<!tpu.dma_semaphore, #tpu.memory_space<semaphore_mem>>
        %dma_start3A = arith.constant 0 : i32
        %dma_start3A_125 = arith.constant 0 : i32
        %dma_start3A_126 = tpu.memref_slice %arg9[%dma_start3A, %dma_start3A_125] : memref<80x128xf32, #tpu.memory_space<vmem>> -> memref<80x128xf32, #tpu.memory_space<vmem>>
        %dma_start3A_127 = arith.constant 0 : i32
        %dma_start3A_128 = tpu.memref_slice %arg13[%mul3A_124, %dma_start3A_127] : memref<10000x128xf32, #tpu.memory_space<vmem_shared>> -> memref<80x128xf32, #tpu.memory_space<vmem_shared>>
        %dma_start3A_129 = arith.constant 0 : i32
        %dma_start3A_130 = tpu.memref_slice %arg13[%mul3A_124, %dma_start3A_129] : memref<10000x128xf32, #tpu.memory_space<vmem_shared>> -> memref<80x128xf32, #tpu.memory_space<vmem_shared>>
        %dma_start3A_131 = arith.constant 0 : i32
        %dma_start3A_132 = arith.constant 0 : i32
        %dma_start3A_133 = tpu.memref_slice %arg9[%dma_start3A_131, %dma_start3A_132] : memref<80x128xf32, #tpu.memory_space<vmem>> -> memref<80x128xf32, #tpu.memory_space<vmem>>
        tpu.enqueue_dma source(%dma_start3A_133 : memref<80x128xf32, #tpu.memory_space<vmem>>) target(%dma_start3A_130 : memref<80x128xf32, #tpu.memory_space<vmem_shared>>) target_semaphore(%run_scoped3A : memref<!tpu.dma_semaphore, #tpu.memory_space<semaphore_mem>>)
        %dma_wait3A = arith.constant 0 : i32
        %dma_wait3A_134 = arith.constant 0 : i32
        %dma_wait3A_135 = tpu.memref_slice %arg9[%dma_wait3A, %dma_wait3A_134] : memref<80x128xf32, #tpu.memory_space<vmem>> -> memref<80x128xf32, #tpu.memory_space<vmem>>
        %dma_wait3A_136 = arith.constant 0 : i32
        %dma_wait3A_137 = tpu.memref_slice %arg13[%mul3A_124, %dma_wait3A_136] : memref<10000x128xf32, #tpu.memory_space<vmem_shared>> -> memref<80x128xf32, #tpu.memory_space<vmem_shared>>
        %dma_wait3A_138 = arith.constant 0 : i32
        %dma_wait3A_139 = tpu.memref_slice %arg13[%mul3A_124, %dma_wait3A_138] : memref<10000x128xf32, #tpu.memory_space<vmem_shared>> -> memref<80x128xf32, #tpu.memory_space<vmem_shared>>
        %dma_wait3A_140 = arith.constant 0 : i32
        %dma_wait3A_141 = arith.constant 0 : i32
        %dma_wait3A_142 = tpu.memref_slice %arg9[%dma_wait3A_140, %dma_wait3A_141] : memref<80x128xf32, #tpu.memory_space<vmem>> -> memref<80x128xf32, #tpu.memory_space<vmem>>
        tpu.wait_dma2 semaphore(%run_scoped3A : memref<!tpu.dma_semaphore, #tpu.memory_space<semaphore_mem>>) src(%dma_wait3A_142 : memref<80x128xf32, #tpu.memory_space<vmem>>) dst(%dma_wait3A_139 : memref<80x128xf32, #tpu.memory_space<vmem_shared>>)
        tpu.yield
      }) : () -> ()
    } else {
    }
    %add3A_32 = arith.constant 64 : i32
    %add3A_33 = arith.addi %arg1, %add3A_32 : i32
    %lt3A_34 = arith.constant 125 : i32
    %lt3A_35 = arith.cmpi slt, %add3A_33, %lt3A_34 : i32
    %convert_element_type3A_36 = arith.extui %lt3A_35 : i1 to i32
    %cond3A_37 = arith.constant 0 : i32
    %cond3A_38 = arith.cmpi ne, %convert_element_type3A_36, %cond3A_37 : i32
    scf.if %cond3A_38 {
      %mul3A_123 = arith.constant 80 : i32
      %mul3A_124 = arith.muli %add3A_33, %mul3A_123 : i32
      "tpu.region"() ({
        %run_scoped3A = tpu.sem_alloc : memref<!tpu.dma_semaphore, #tpu.memory_space<semaphore_mem>>
        %dma_start3A = arith.constant 0 : i32
        %dma_start3A_125 = arith.constant 0 : i32
        %dma_start3A_126 = tpu.memref_slice %arg9[%dma_start3A, %dma_start3A_125] : memref<80x128xf32, #tpu.memory_space<vmem>> -> memref<80x128xf32, #tpu.memory_space<vmem>>
        %dma_start3A_127 = arith.constant 0 : i32
        %dma_start3A_128 = tpu.memref_slice %arg13[%mul3A_124, %dma_start3A_127] : memref<10000x128xf32, #tpu.memory_space<vmem_shared>> -> memref<80x128xf32, #tpu.memory_space<vmem_shared>>
        %dma_start3A_129 = arith.constant 0 : i32
        %dma_start3A_130 = tpu.memref_slice %arg13[%mul3A_124, %dma_start3A_129] : memref<10000x128xf32, #tpu.memory_space<vmem_shared>> -> memref<80x128xf32, #tpu.memory_space<vmem_shared>>
        %dma_start3A_131 = arith.constant 0 : i32
        %dma_start3A_132 = arith.constant 0 : i32
        %dma_start3A_133 = tpu.memref_slice %arg9[%dma_start3A_131, %dma_start3A_132] : memref<80x128xf32, #tpu.memory_space<vmem>> -> memref<80x128xf32, #tpu.memory_space<vmem>>
        tpu.enqueue_dma source(%dma_start3A_133 : memref<80x128xf32, #tpu.memory_space<vmem>>) target(%dma_start3A_130 : memref<80x128xf32, #tpu.memory_space<vmem_shared>>) target_semaphore(%run_scoped3A : memref<!tpu.dma_semaphore, #tpu.memory_space<semaphore_mem>>)
        %dma_wait3A = arith.constant 0 : i32
        %dma_wait3A_134 = arith.constant 0 : i32
        %dma_wait3A_135 = tpu.memref_slice %arg9[%dma_wait3A, %dma_wait3A_134] : memref<80x128xf32, #tpu.memory_space<vmem>> -> memref<80x128xf32, #tpu.memory_space<vmem>>
        %dma_wait3A_136 = arith.constant 0 : i32
        %dma_wait3A_137 = tpu.memref_slice %arg13[%mul3A_124, %dma_wait3A_136] : memref<10000x128xf32, #tpu.memory_space<vmem_shared>> -> memref<80x128xf32, #tpu.memory_space<vmem_shared>>
        %dma_wait3A_138 = arith.constant 0 : i32
        %dma_wait3A_139 = tpu.memref_slice %arg13[%mul3A_124, %dma_wait3A_138] : memref<10000x128xf32, #tpu.memory_space<vmem_shared>> -> memref<80x128xf32, #tpu.memory_space<vmem_shared>>
        %dma_wait3A_140 = arith.constant 0 : i32
        %dma_wait3A_141 = arith.constant 0 : i32
        %dma_wait3A_142 = tpu.memref_slice %arg9[%dma_wait3A_140, %dma_wait3A_141] : memref<80x128xf32, #tpu.memory_space<vmem>> -> memref<80x128xf32, #tpu.memory_space<vmem>>
        tpu.wait_dma2 semaphore(%run_scoped3A : memref<!tpu.dma_semaphore, #tpu.memory_space<semaphore_mem>>) src(%dma_wait3A_142 : memref<80x128xf32, #tpu.memory_space<vmem>>) dst(%dma_wait3A_139 : memref<80x128xf32, #tpu.memory_space<vmem_shared>>)
        tpu.yield
      }) : () -> ()
    } else {
    }
    %add3A_39 = arith.constant 80 : i32
    %add3A_40 = arith.addi %arg1, %add3A_39 : i32
    %lt3A_41 = arith.constant 125 : i32
    %lt3A_42 = arith.cmpi slt, %add3A_40, %lt3A_41 : i32
    %convert_element_type3A_43 = arith.extui %lt3A_42 : i1 to i32
    %cond3A_44 = arith.constant 0 : i32
    %cond3A_45 = arith.cmpi ne, %convert_element_type3A_43, %cond3A_44 : i32
    scf.if %cond3A_45 {
      %mul3A_123 = arith.constant 80 : i32
      %mul3A_124 = arith.muli %add3A_40, %mul3A_123 : i32
      "tpu.region"() ({
        %run_scoped3A = tpu.sem_alloc : memref<!tpu.dma_semaphore, #tpu.memory_space<semaphore_mem>>
        %dma_start3A = arith.constant 0 : i32
        %dma_start3A_125 = arith.constant 0 : i32
        %dma_start3A_126 = tpu.memref_slice %arg9[%dma_start3A, %dma_start3A_125] : memref<80x128xf32, #tpu.memory_space<vmem>> -> memref<80x128xf32, #tpu.memory_space<vmem>>
        %dma_start3A_127 = arith.constant 0 : i32
        %dma_start3A_128 = tpu.memref_slice %arg13[%mul3A_124, %dma_start3A_127] : memref<10000x128xf32, #tpu.memory_space<vmem_shared>> -> memref<80x128xf32, #tpu.memory_space<vmem_shared>>
        %dma_start3A_129 = arith.constant 0 : i32
        %dma_start3A_130 = tpu.memref_slice %arg13[%mul3A_124, %dma_start3A_129] : memref<10000x128xf32, #tpu.memory_space<vmem_shared>> -> memref<80x128xf32, #tpu.memory_space<vmem_shared>>
        %dma_start3A_131 = arith.constant 0 : i32
        %dma_start3A_132 = arith.constant 0 : i32
        %dma_start3A_133 = tpu.memref_slice %arg9[%dma_start3A_131, %dma_start3A_132] : memref<80x128xf32, #tpu.memory_space<vmem>> -> memref<80x128xf32, #tpu.memory_space<vmem>>
        tpu.enqueue_dma source(%dma_start3A_133 : memref<80x128xf32, #tpu.memory_space<vmem>>) target(%dma_start3A_130 : memref<80x128xf32, #tpu.memory_space<vmem_shared>>) target_semaphore(%run_scoped3A : memref<!tpu.dma_semaphore, #tpu.memory_space<semaphore_mem>>)
        %dma_wait3A = arith.constant 0 : i32
        %dma_wait3A_134 = arith.constant 0 : i32
        %dma_wait3A_135 = tpu.memref_slice %arg9[%dma_wait3A, %dma_wait3A_134] : memref<80x128xf32, #tpu.memory_space<vmem>> -> memref<80x128xf32, #tpu.memory_space<vmem>>
        %dma_wait3A_136 = arith.constant 0 : i32
        %dma_wait3A_137 = tpu.memref_slice %arg13[%mul3A_124, %dma_wait3A_136] : memref<10000x128xf32, #tpu.memory_space<vmem_shared>> -> memref<80x128xf32, #tpu.memory_space<vmem_shared>>
        %dma_wait3A_138 = arith.constant 0 : i32
        %dma_wait3A_139 = tpu.memref_slice %arg13[%mul3A_124, %dma_wait3A_138] : memref<10000x128xf32, #tpu.memory_space<vmem_shared>> -> memref<80x128xf32, #tpu.memory_space<vmem_shared>>
        %dma_wait3A_140 = arith.constant 0 : i32
        %dma_wait3A_141 = arith.constant 0 : i32
        %dma_wait3A_142 = tpu.memref_slice %arg9[%dma_wait3A_140, %dma_wait3A_141] : memref<80x128xf32, #tpu.memory_space<vmem>> -> memref<80x128xf32, #tpu.memory_space<vmem>>
        tpu.wait_dma2 semaphore(%run_scoped3A : memref<!tpu.dma_semaphore, #tpu.memory_space<semaphore_mem>>) src(%dma_wait3A_142 : memref<80x128xf32, #tpu.memory_space<vmem>>) dst(%dma_wait3A_139 : memref<80x128xf32, #tpu.memory_space<vmem_shared>>)
        tpu.yield
      }) : () -> ()
    } else {
    }
    %add3A_46 = arith.constant 96 : i32
    %add3A_47 = arith.addi %arg1, %add3A_46 : i32
    %lt3A_48 = arith.constant 125 : i32
    %lt3A_49 = arith.cmpi slt, %add3A_47, %lt3A_48 : i32
    %convert_element_type3A_50 = arith.extui %lt3A_49 : i1 to i32
    %cond3A_51 = arith.constant 0 : i32
    %cond3A_52 = arith.cmpi ne, %convert_element_type3A_50, %cond3A_51 : i32
    scf.if %cond3A_52 {
      %mul3A_123 = arith.constant 80 : i32
      %mul3A_124 = arith.muli %add3A_47, %mul3A_123 : i32
      "tpu.region"() ({
        %run_scoped3A = tpu.sem_alloc : memref<!tpu.dma_semaphore, #tpu.memory_space<semaphore_mem>>
        %dma_start3A = arith.constant 0 : i32
        %dma_start3A_125 = arith.constant 0 : i32
        %dma_start3A_126 = tpu.memref_slice %arg9[%dma_start3A, %dma_start3A_125] : memref<80x128xf32, #tpu.memory_space<vmem>> -> memref<80x128xf32, #tpu.memory_space<vmem>>
        %dma_start3A_127 = arith.constant 0 : i32
        %dma_start3A_128 = tpu.memref_slice %arg13[%mul3A_124, %dma_start3A_127] : memref<10000x128xf32, #tpu.memory_space<vmem_shared>> -> memref<80x128xf32, #tpu.memory_space<vmem_shared>>
        %dma_start3A_129 = arith.constant 0 : i32
        %dma_start3A_130 = tpu.memref_slice %arg13[%mul3A_124, %dma_start3A_129] : memref<10000x128xf32, #tpu.memory_space<vmem_shared>> -> memref<80x128xf32, #tpu.memory_space<vmem_shared>>
        %dma_start3A_131 = arith.constant 0 : i32
        %dma_start3A_132 = arith.constant 0 : i32
        %dma_start3A_133 = tpu.memref_slice %arg9[%dma_start3A_131, %dma_start3A_132] : memref<80x128xf32, #tpu.memory_space<vmem>> -> memref<80x128xf32, #tpu.memory_space<vmem>>
        tpu.enqueue_dma source(%dma_start3A_133 : memref<80x128xf32, #tpu.memory_space<vmem>>) target(%dma_start3A_130 : memref<80x128xf32, #tpu.memory_space<vmem_shared>>) target_semaphore(%run_scoped3A : memref<!tpu.dma_semaphore, #tpu.memory_space<semaphore_mem>>)
        %dma_wait3A = arith.constant 0 : i32
        %dma_wait3A_134 = arith.constant 0 : i32
        %dma_wait3A_135 = tpu.memref_slice %arg9[%dma_wait3A, %dma_wait3A_134] : memref<80x128xf32, #tpu.memory_space<vmem>> -> memref<80x128xf32, #tpu.memory_space<vmem>>
        %dma_wait3A_136 = arith.constant 0 : i32
        %dma_wait3A_137 = tpu.memref_slice %arg13[%mul3A_124, %dma_wait3A_136] : memref<10000x128xf32, #tpu.memory_space<vmem_shared>> -> memref<80x128xf32, #tpu.memory_space<vmem_shared>>
        %dma_wait3A_138 = arith.constant 0 : i32
        %dma_wait3A_139 = tpu.memref_slice %arg13[%mul3A_124, %dma_wait3A_138] : memref<10000x128xf32, #tpu.memory_space<vmem_shared>> -> memref<80x128xf32, #tpu.memory_space<vmem_shared>>
        %dma_wait3A_140 = arith.constant 0 : i32
        %dma_wait3A_141 = arith.constant 0 : i32
        %dma_wait3A_142 = tpu.memref_slice %arg9[%dma_wait3A_140, %dma_wait3A_141] : memref<80x128xf32, #tpu.memory_space<vmem>> -> memref<80x128xf32, #tpu.memory_space<vmem>>
        tpu.wait_dma2 semaphore(%run_scoped3A : memref<!tpu.dma_semaphore, #tpu.memory_space<semaphore_mem>>) src(%dma_wait3A_142 : memref<80x128xf32, #tpu.memory_space<vmem>>) dst(%dma_wait3A_139 : memref<80x128xf32, #tpu.memory_space<vmem_shared>>)
        tpu.yield
      }) : () -> ()
    } else {
    }
    %add3A_53 = arith.constant 112 : i32
    %add3A_54 = arith.addi %arg1, %add3A_53 : i32
    %lt3A_55 = arith.constant 125 : i32
    %lt3A_56 = arith.cmpi slt, %add3A_54, %lt3A_55 : i32
    %convert_element_type3A_57 = arith.extui %lt3A_56 : i1 to i32
    %cond3A_58 = arith.constant 0 : i32
    %cond3A_59 = arith.cmpi ne, %convert_element_type3A_57, %cond3A_58 : i32
    scf.if %cond3A_59 {
      %mul3A_123 = arith.constant 80 : i32
      %mul3A_124 = arith.muli %add3A_54, %mul3A_123 : i32
      "tpu.region"() ({
        %run_scoped3A = tpu.sem_alloc : memref<!tpu.dma_semaphore, #tpu.memory_space<semaphore_mem>>
        %dma_start3A = arith.constant 0 : i32
        %dma_start3A_125 = arith.constant 0 : i32
        %dma_start3A_126 = tpu.memref_slice %arg9[%dma_start3A, %dma_start3A_125] : memref<80x128xf32, #tpu.memory_space<vmem>> -> memref<80x128xf32, #tpu.memory_space<vmem>>
        %dma_start3A_127 = arith.constant 0 : i32
        %dma_start3A_128 = tpu.memref_slice %arg13[%mul3A_124, %dma_start3A_127] : memref<10000x128xf32, #tpu.memory_space<vmem_shared>> -> memref<80x128xf32, #tpu.memory_space<vmem_shared>>
        %dma_start3A_129 = arith.constant 0 : i32
        %dma_start3A_130 = tpu.memref_slice %arg13[%mul3A_124, %dma_start3A_129] : memref<10000x128xf32, #tpu.memory_space<vmem_shared>> -> memref<80x128xf32, #tpu.memory_space<vmem_shared>>
        %dma_start3A_131 = arith.constant 0 : i32
        %dma_start3A_132 = arith.constant 0 : i32
        %dma_start3A_133 = tpu.memref_slice %arg9[%dma_start3A_131, %dma_start3A_132] : memref<80x128xf32, #tpu.memory_space<vmem>> -> memref<80x128xf32, #tpu.memory_space<vmem>>
        tpu.enqueue_dma source(%dma_start3A_133 : memref<80x128xf32, #tpu.memory_space<vmem>>) target(%dma_start3A_130 : memref<80x128xf32, #tpu.memory_space<vmem_shared>>) target_semaphore(%run_scoped3A : memref<!tpu.dma_semaphore, #tpu.memory_space<semaphore_mem>>)
        %dma_wait3A = arith.constant 0 : i32
        %dma_wait3A_134 = arith.constant 0 : i32
        %dma_wait3A_135 = tpu.memref_slice %arg9[%dma_wait3A, %dma_wait3A_134] : memref<80x128xf32, #tpu.memory_space<vmem>> -> memref<80x128xf32, #tpu.memory_space<vmem>>
        %dma_wait3A_136 = arith.constant 0 : i32
        %dma_wait3A_137 = tpu.memref_slice %arg13[%mul3A_124, %dma_wait3A_136] : memref<10000x128xf32, #tpu.memory_space<vmem_shared>> -> memref<80x128xf32, #tpu.memory_space<vmem_shared>>
        %dma_wait3A_138 = arith.constant 0 : i32
        %dma_wait3A_139 = tpu.memref_slice %arg13[%mul3A_124, %dma_wait3A_138] : memref<10000x128xf32, #tpu.memory_space<vmem_shared>> -> memref<80x128xf32, #tpu.memory_space<vmem_shared>>
        %dma_wait3A_140 = arith.constant 0 : i32
        %dma_wait3A_141 = arith.constant 0 : i32
        %dma_wait3A_142 = tpu.memref_slice %arg9[%dma_wait3A_140, %dma_wait3A_141] : memref<80x128xf32, #tpu.memory_space<vmem>> -> memref<80x128xf32, #tpu.memory_space<vmem>>
        tpu.wait_dma2 semaphore(%run_scoped3A : memref<!tpu.dma_semaphore, #tpu.memory_space<semaphore_mem>>) src(%dma_wait3A_142 : memref<80x128xf32, #tpu.memory_space<vmem>>) dst(%dma_wait3A_139 : memref<80x128xf32, #tpu.memory_space<vmem_shared>>)
        tpu.yield
      }) : () -> ()
    } else {
    }
    %barrier3A = arith.constant 0 : index
    tpu.barrier barrier_id(%barrier3A)
    %scan3A_60 = arith.constant 0 : i32
    %scan3A_61 = arith.constant 0 : i32
    %scan3A_62 = arith.constant 5 : i32
    %scan3A_63 = arith.addi %scan3A_61, %scan3A_62 : i32
    %scan3A_64 = arith.constant 1 : i32
    scf.for %scan3A_123 = %scan3A_61 to %scan3A_63 step %scan3A_64  : i32 {
      "tpu.region"() ({
        %run_scoped3A_174 = tpu.sem_alloc : memref<!tpu.dma_semaphore, #tpu.memory_space<semaphore_mem>>
        %dma_start3A_175 = arith.constant 0 : i32
        %dma_start3A_176 = arith.constant 0 : i32
        %dma_start3A_177 = tpu.memref_slice %arg3[%add3A, %scan3A_123, %dma_start3A_175, %dma_start3A_176] : memref<32x5x25x80xi32, #tpu.memory_space<hbm>> -> memref<1x1x25x80xi32, #tpu.memory_space<hbm>>
        %dma_start3A_178 = tpu.memref_squeeze %dma_start3A_177 : memref<1x1x25x80xi32, #tpu.memory_space<hbm>> -> memref<25x80xi32, #tpu.memory_space<hbm>>
        %dma_start3A_179 = arith.constant 0 : i32
        %dma_start3A_180 = arith.constant 0 : i32
        %dma_start3A_181 = tpu.memref_slice %arg3[%add3A, %scan3A_123, %dma_start3A_179, %dma_start3A_180] : memref<32x5x25x80xi32, #tpu.memory_space<hbm>> -> memref<1x1x25x80xi32, #tpu.memory_space<hbm>>
        %dma_start3A_182 = tpu.memref_squeeze %dma_start3A_181 : memref<1x1x25x80xi32, #tpu.memory_space<hbm>> -> memref<25x80xi32, #tpu.memory_space<hbm>>
        tpu.enqueue_dma source(%dma_start3A_182 : memref<25x80xi32, #tpu.memory_space<hbm>>) target(%arg7 : memref<25x80xi32, #tpu.memory_space<vmem>>) target_semaphore(%run_scoped3A_174 : memref<!tpu.dma_semaphore, #tpu.memory_space<semaphore_mem>>)
        %dma_wait3A_183 = arith.constant 0 : i32
        %dma_wait3A_184 = arith.constant 0 : i32
        %dma_wait3A_185 = tpu.memref_slice %arg3[%add3A, %scan3A_123, %dma_wait3A_183, %dma_wait3A_184] : memref<32x5x25x80xi32, #tpu.memory_space<hbm>> -> memref<1x1x25x80xi32, #tpu.memory_space<hbm>>
        %dma_wait3A_186 = tpu.memref_squeeze %dma_wait3A_185 : memref<1x1x25x80xi32, #tpu.memory_space<hbm>> -> memref<25x80xi32, #tpu.memory_space<hbm>>
        %dma_wait3A_187 = arith.constant 0 : i32
        %dma_wait3A_188 = arith.constant 0 : i32
        %dma_wait3A_189 = tpu.memref_slice %arg3[%add3A, %scan3A_123, %dma_wait3A_187, %dma_wait3A_188] : memref<32x5x25x80xi32, #tpu.memory_space<hbm>> -> memref<1x1x25x80xi32, #tpu.memory_space<hbm>>
        %dma_wait3A_190 = tpu.memref_squeeze %dma_wait3A_189 : memref<1x1x25x80xi32, #tpu.memory_space<hbm>> -> memref<25x80xi32, #tpu.memory_space<hbm>>
        tpu.wait_dma2 semaphore(%run_scoped3A_174 : memref<!tpu.dma_semaphore, #tpu.memory_space<semaphore_mem>>) src(%dma_wait3A_190 : memref<25x80xi32, #tpu.memory_space<hbm>>) dst(%arg7 : memref<25x80xi32, #tpu.memory_space<vmem>>)
        tpu.yield
      }) : () -> ()
      "tpu.region"() ({
        %run_scoped3A_174 = tpu.sem_alloc : memref<!tpu.dma_semaphore, #tpu.memory_space<semaphore_mem>>
        %dma_start3A_175 = arith.constant 0 : i32
        %dma_start3A_176 = arith.constant 0 : i32
        %dma_start3A_177 = tpu.memref_slice %arg4[%add3A, %scan3A_123, %dma_start3A_175, %dma_start3A_176] : memref<32x5x25x80xi32, #tpu.memory_space<hbm>> -> memref<1x1x25x80xi32, #tpu.memory_space<hbm>>
        %dma_start3A_178 = tpu.memref_squeeze %dma_start3A_177 : memref<1x1x25x80xi32, #tpu.memory_space<hbm>> -> memref<25x80xi32, #tpu.memory_space<hbm>>
        %dma_start3A_179 = arith.constant 0 : i32
        %dma_start3A_180 = arith.constant 0 : i32
        %dma_start3A_181 = tpu.memref_slice %arg4[%add3A, %scan3A_123, %dma_start3A_179, %dma_start3A_180] : memref<32x5x25x80xi32, #tpu.memory_space<hbm>> -> memref<1x1x25x80xi32, #tpu.memory_space<hbm>>
        %dma_start3A_182 = tpu.memref_squeeze %dma_start3A_181 : memref<1x1x25x80xi32, #tpu.memory_space<hbm>> -> memref<25x80xi32, #tpu.memory_space<hbm>>
        tpu.enqueue_dma source(%dma_start3A_182 : memref<25x80xi32, #tpu.memory_space<hbm>>) target(%arg8 : memref<25x80xi32, #tpu.memory_space<vmem>>) target_semaphore(%run_scoped3A_174 : memref<!tpu.dma_semaphore, #tpu.memory_space<semaphore_mem>>)
        %dma_wait3A_183 = arith.constant 0 : i32
        %dma_wait3A_184 = arith.constant 0 : i32
        %dma_wait3A_185 = tpu.memref_slice %arg4[%add3A, %scan3A_123, %dma_wait3A_183, %dma_wait3A_184] : memref<32x5x25x80xi32, #tpu.memory_space<hbm>> -> memref<1x1x25x80xi32, #tpu.memory_space<hbm>>
        %dma_wait3A_186 = tpu.memref_squeeze %dma_wait3A_185 : memref<1x1x25x80xi32, #tpu.memory_space<hbm>> -> memref<25x80xi32, #tpu.memory_space<hbm>>
        %dma_wait3A_187 = arith.constant 0 : i32
        %dma_wait3A_188 = arith.constant 0 : i32
        %dma_wait3A_189 = tpu.memref_slice %arg4[%add3A, %scan3A_123, %dma_wait3A_187, %dma_wait3A_188] : memref<32x5x25x80xi32, #tpu.memory_space<hbm>> -> memref<1x1x25x80xi32, #tpu.memory_space<hbm>>
        %dma_wait3A_190 = tpu.memref_squeeze %dma_wait3A_189 : memref<1x1x25x80xi32, #tpu.memory_space<hbm>> -> memref<25x80xi32, #tpu.memory_space<hbm>>
        tpu.wait_dma2 semaphore(%run_scoped3A_174 : memref<!tpu.dma_semaphore, #tpu.memory_space<semaphore_mem>>) src(%dma_wait3A_190 : memref<25x80xi32, #tpu.memory_space<hbm>>) dst(%arg8 : memref<25x80xi32, #tpu.memory_space<vmem>>)
        tpu.yield
      }) : () -> ()
      %mul3A_124 = arith.constant 5 : i32
      %mul3A_125 = arith.muli %add3A, %mul3A_124 : i32
      %add3A_126 = arith.addi %mul3A_125, %scan3A_123 : i32
      %mul3A_127 = arith.constant 25 : i32
      %mul3A_128 = arith.muli %add3A_126, %mul3A_127 : i32
      %add3A_129 = arith.constant 0 : i32
      %add3A_130 = arith.addi %mul3A_128, %add3A_129 : i32
      %dma_start3A = arith.constant 0 : i32
      %dma_start3A_131 = arith.constant 0 : i32
      %dma_start3A_132 = tpu.memref_slice %arg5[%add3A_130, %dma_start3A, %dma_start3A_131] : memref<4000x80x128xf32, #tpu.memory_space<hbm>> -> memref<1x80x128xf32, #tpu.memory_space<hbm>>
      %dma_start3A_133 = tpu.memref_squeeze %dma_start3A_132 : memref<1x80x128xf32, #tpu.memory_space<hbm>> -> memref<80x128xf32, #tpu.memory_space<hbm>>
      %dma_start3A_134 = arith.constant 0 : i32
      %dma_start3A_135 = arith.constant 0 : i32
      %dma_start3A_136 = tpu.memref_slice %arg5[%add3A_130, %dma_start3A_134, %dma_start3A_135] : memref<4000x80x128xf32, #tpu.memory_space<hbm>> -> memref<1x80x128xf32, #tpu.memory_space<hbm>>
      %dma_start3A_137 = tpu.memref_squeeze %dma_start3A_136 : memref<1x80x128xf32, #tpu.memory_space<hbm>> -> memref<80x128xf32, #tpu.memory_space<hbm>>
      tpu.enqueue_dma source(%dma_start3A_137 : memref<80x128xf32, #tpu.memory_space<hbm>>) target(%arg11 : memref<80x128xf32, #tpu.memory_space<vmem>>) target_semaphore(%arg16 : memref<!tpu.dma_semaphore, #tpu.memory_space<semaphore_mem>>)
      %dma_start3A_138 = arith.constant 0 : i32
      %dma_start3A_139 = arith.constant 0 : i32
      %dma_start3A_140 = tpu.memref_slice %arg7[%dma_start3A_138, %dma_start3A_139] : memref<25x80xi32, #tpu.memory_space<vmem>> -> memref<1x80xi32, #tpu.memory_space<vmem>>
      %dma_start3A_141 = tpu.memref_squeeze %dma_start3A_140 : memref<1x80xi32, #tpu.memory_space<vmem>> -> memref<80xi32, #tpu.memory_space<vmem>>
      %dma_start3A_142 = arith.constant 0 : i32
      %dma_start3A_143 = arith.constant 0 : i32
      %dma_start3A_144 = tpu.memref_slice %arg2[%dma_start3A_142, %dma_start3A_143] : memref<10000x128xf32, #tpu.memory_space<hbm>> -> memref<10000x128xf32, #tpu.memory_space<hbm>>
      tpu.enqueue_indirect_dma source(%dma_start3A_144 : memref<10000x128xf32, #tpu.memory_space<hbm>>) target(%arg9 : memref<80x128xf32, #tpu.memory_space<vmem>>) offsets(%dma_start3A_141 : memref<80xi32, #tpu.memory_space<vmem>>) semaphore(%arg14 : memref<!tpu.dma_semaphore, #tpu.memory_space<semaphore_mem>>)
      %scan3A_145 = arith.constant 0 : i32
      %scan3A_146 = arith.constant 0 : i32
      %scan3A_147 = arith.constant 12 : i32
      %scan3A_148 = arith.addi %scan3A_146, %scan3A_147 : i32
      %scan3A_149 = arith.constant 1 : i32
      scf.for %scan3A_174 = %scan3A_146 to %scan3A_148 step %scan3A_149  : i32 {
        %mul3A_175 = arith.constant 2 : i32
        %mul3A_176 = arith.muli %mul3A_175, %scan3A_174 : i32
        %dma_wait3A_177 = arith.constant 0 : i32
        %dma_wait3A_178 = arith.constant 0 : i32
        %dma_wait3A_179 = arith.constant 0 : i32
        %dma_wait3A_180 = tpu.memref_slice %arg5[%dma_wait3A_177, %dma_wait3A_178, %dma_wait3A_179] : memref<4000x80x128xf32, #tpu.memory_space<hbm>> -> memref<1x80x128xf32, #tpu.memory_space<hbm>>
        %dma_wait3A_181 = tpu.memref_squeeze %dma_wait3A_180 : memref<1x80x128xf32, #tpu.memory_space<hbm>> -> memref<80x128xf32, #tpu.memory_space<hbm>>
        %dma_wait3A_182 = arith.constant 0 : i32
        %dma_wait3A_183 = arith.constant 0 : i32
        %dma_wait3A_184 = tpu.memref_slice %arg5[%dma_wait3A_177, %dma_wait3A_182, %dma_wait3A_183] : memref<4000x80x128xf32, #tpu.memory_space<hbm>> -> memref<1x80x128xf32, #tpu.memory_space<hbm>>
        %dma_wait3A_185 = tpu.memref_squeeze %dma_wait3A_184 : memref<1x80x128xf32, #tpu.memory_space<hbm>> -> memref<80x128xf32, #tpu.memory_space<hbm>>
        tpu.wait_dma2 semaphore(%arg16 : memref<!tpu.dma_semaphore, #tpu.memory_space<semaphore_mem>>) src(%dma_wait3A_185 : memref<80x128xf32, #tpu.memory_space<hbm>>) dst(%arg11 : memref<80x128xf32, #tpu.memory_space<vmem>>)
        %dma_wait3A_186 = arith.constant 0 : i32
        %dma_wait3A_187 = arith.constant 0 : i32
        %dma_wait3A_188 = arith.constant 0 : i32
        %dma_wait3A_189 = tpu.memref_slice %arg5[%dma_wait3A_186, %dma_wait3A_187, %dma_wait3A_188] : memref<4000x80x128xf32, #tpu.memory_space<hbm>> -> memref<1x80x128xf32, #tpu.memory_space<hbm>>
        %dma_wait3A_190 = tpu.memref_squeeze %dma_wait3A_189 : memref<1x80x128xf32, #tpu.memory_space<hbm>> -> memref<80x128xf32, #tpu.memory_space<hbm>>
        %dma_wait3A_191 = arith.constant 0 : i32
        %dma_wait3A_192 = arith.constant 0 : i32
        %dma_wait3A_193 = tpu.memref_slice %arg5[%dma_wait3A_186, %dma_wait3A_191, %dma_wait3A_192] : memref<4000x80x128xf32, #tpu.memory_space<hbm>> -> memref<1x80x128xf32, #tpu.memory_space<hbm>>
        %dma_wait3A_194 = tpu.memref_squeeze %dma_wait3A_193 : memref<1x80x128xf32, #tpu.memory_space<hbm>> -> memref<80x128xf32, #tpu.memory_space<hbm>>
        tpu.wait_dma2 semaphore(%arg14 : memref<!tpu.dma_semaphore, #tpu.memory_space<semaphore_mem>>) src(%dma_wait3A_194 : memref<80x128xf32, #tpu.memory_space<hbm>>) dst(%arg9 : memref<80x128xf32, #tpu.memory_space<vmem>>)
        %add3A_195 = arith.constant 1 : i32
        %add3A_196 = arith.addi %mul3A_176, %add3A_195 : i32
        %lt3A_197 = arith.constant 25 : i32
        %lt3A_198 = arith.cmpi slt, %add3A_196, %lt3A_197 : i32
        %convert_element_type3A_199 = arith.extui %lt3A_198 : i1 to i32
        %cond3A_200 = arith.constant 0 : i32
        %cond3A_201 = arith.cmpi ne, %convert_element_type3A_199, %cond3A_200 : i32
        scf.if %cond3A_201 {
          %add3A_243 = arith.constant 1 : i32
          %add3A_244 = arith.addi %mul3A_176, %add3A_243 : i32
          %mul3A_245 = arith.constant 5 : i32
          %mul3A_246 = arith.muli %add3A, %mul3A_245 : i32
          %add3A_247 = arith.addi %mul3A_246, %scan3A_123 : i32
          %mul3A_248 = arith.constant 25 : i32
          %mul3A_249 = arith.muli %add3A_247, %mul3A_248 : i32
          %add3A_250 = arith.addi %mul3A_249, %add3A_244 : i32
          %dma_start3A_251 = arith.constant 0 : i32
          %dma_start3A_252 = arith.constant 0 : i32
          %dma_start3A_253 = tpu.memref_slice %arg5[%add3A_250, %dma_start3A_251, %dma_start3A_252] : memref<4000x80x128xf32, #tpu.memory_space<hbm>> -> memref<1x80x128xf32, #tpu.memory_space<hbm>>
          %dma_start3A_254 = tpu.memref_squeeze %dma_start3A_253 : memref<1x80x128xf32, #tpu.memory_space<hbm>> -> memref<80x128xf32, #tpu.memory_space<hbm>>
          %dma_start3A_255 = arith.constant 0 : i32
          %dma_start3A_256 = arith.constant 0 : i32
          %dma_start3A_257 = tpu.memref_slice %arg5[%add3A_250, %dma_start3A_255, %dma_start3A_256] : memref<4000x80x128xf32, #tpu.memory_space<hbm>> -> memref<1x80x128xf32, #tpu.memory_space<hbm>>
          %dma_start3A_258 = tpu.memref_squeeze %dma_start3A_257 : memref<1x80x128xf32, #tpu.memory_space<hbm>> -> memref<80x128xf32, #tpu.memory_space<hbm>>
          tpu.enqueue_dma source(%dma_start3A_258 : memref<80x128xf32, #tpu.memory_space<hbm>>) target(%arg12 : memref<80x128xf32, #tpu.memory_space<vmem>>) target_semaphore(%arg17 : memref<!tpu.dma_semaphore, #tpu.memory_space<semaphore_mem>>)
          %dma_start3A_259 = arith.constant 0 : i32
          %dma_start3A_260 = tpu.memref_slice %arg7[%add3A_244, %dma_start3A_259] : memref<25x80xi32, #tpu.memory_space<vmem>> -> memref<1x80xi32, #tpu.memory_space<vmem>>
          %dma_start3A_261 = tpu.memref_squeeze %dma_start3A_260 : memref<1x80xi32, #tpu.memory_space<vmem>> -> memref<80xi32, #tpu.memory_space<vmem>>
          %dma_start3A_262 = arith.constant 0 : i32
          %dma_start3A_263 = arith.constant 0 : i32
          %dma_start3A_264 = tpu.memref_slice %arg2[%dma_start3A_262, %dma_start3A_263] : memref<10000x128xf32, #tpu.memory_space<hbm>> -> memref<10000x128xf32, #tpu.memory_space<hbm>>
          tpu.enqueue_indirect_dma source(%dma_start3A_264 : memref<10000x128xf32, #tpu.memory_space<hbm>>) target(%arg10 : memref<80x128xf32, #tpu.memory_space<vmem>>) offsets(%dma_start3A_261 : memref<80xi32, #tpu.memory_space<vmem>>) semaphore(%arg15 : memref<!tpu.dma_semaphore, #tpu.memory_space<semaphore_mem>>)
        } else {
        }
        %scan3A_202 = arith.constant 0 : i32
        %scan3A_203 = arith.constant 0 : i32
        %scan3A_204 = arith.constant 80 : i32
        %scan3A_205 = arith.addi %scan3A_203, %scan3A_204 : i32
        %scan3A_206 = arith.constant 1 : i32
        scf.for %scan3A_243 = %scan3A_203 to %scan3A_205 step %scan3A_206  : i32 {
          %get3A = arith.index_cast %scan3A_243 : i32 to index
          %get3A_244 = arith.constant 0 : index
          %get3A_245 = tpu.vector_load %arg9[%get3A, %get3A_244] {strides = array<i32>} : memref<80x128xf32, #tpu.memory_space<vmem>>, vector<1x16xf32>,
          %get3A_246 = vector.shape_cast %get3A_245 : vector<1x16xf32> to vector<16xf32>
          %get3A_247 = arith.index_cast %scan3A_243 : i32 to index
          %get3A_248 = arith.constant 0 : index
          %get3A_249 = tpu.vector_load %arg11[%get3A_247, %get3A_248] {strides = array<i32>} : memref<80x128xf32, #tpu.memory_space<vmem>>, vector<1x16xf32>,
          %get3A_250 = vector.shape_cast %get3A_249 : vector<1x16xf32> to vector<16xf32>
          %add3A_251 = arith.addf %get3A_246, %get3A_250 : vector<16xf32>
          %max3A = arith.constant 0.000000e+00 : f32
          %max3A_252 = vector.broadcast %max3A : f32 to vector<16xf32>
          %max3A_253 = arith.maximumf %add3A_251, %max3A_252 : vector<16xf32>
          %swap3A = arith.index_cast %scan3A_243 : i32 to index
          %swap3A_254 = arith.constant 0 : index
          %swap3A_255 = tpu.vector_load %arg9[%swap3A, %swap3A_254] {strides = array<i32>} : memref<80x128xf32, #tpu.memory_space<vmem>>, vector<1x16xf32>,
          %swap3A_256 = vector.shape_cast %swap3A_255 : vector<1x16xf32> to vector<16xf32>
          %swap3A_257 = vector.shape_cast %max3A_253 : vector<16xf32> to vector<1x16xf32>
          tpu.vector_store %arg9[%swap3A, %swap3A_254], %swap3A_257 {strides = array<i32>} : memref<80x128xf32, #tpu.memory_space<vmem>>, vector<1x16xf32>,
          %get3A_258 = arith.index_cast %scan3A_243 : i32 to index
          %get3A_259 = arith.constant 16 : index
          %get3A_260 = tpu.vector_load %arg9[%get3A_258, %get3A_259] {strides = array<i32>} : memref<80x128xf32, #tpu.memory_space<vmem>>, vector<1x16xf32>,
          %get3A_261 = vector.shape_cast %get3A_260 : vector<1x16xf32> to vector<16xf32>
          %get3A_262 = arith.index_cast %scan3A_243 : i32 to index
          %get3A_263 = arith.constant 16 : index
          %get3A_264 = tpu.vector_load %arg11[%get3A_262, %get3A_263] {strides = array<i32>} : memref<80x128xf32, #tpu.memory_space<vmem>>, vector<1x16xf32>,
          %get3A_265 = vector.shape_cast %get3A_264 : vector<1x16xf32> to vector<16xf32>
          %add3A_266 = arith.addf %get3A_261, %get3A_265 : vector<16xf32>
          %max3A_267 = arith.constant 0.000000e+00 : f32
          %max3A_268 = vector.broadcast %max3A_267 : f32 to vector<16xf32>
          %max3A_269 = arith.maximumf %add3A_266, %max3A_268 : vector<16xf32>
          %swap3A_270 = arith.index_cast %scan3A_243 : i32 to index
          %swap3A_271 = arith.constant 16 : index
          %swap3A_272 = tpu.vector_load %arg9[%swap3A_270, %swap3A_271] {strides = array<i32>} : memref<80x128xf32, #tpu.memory_space<vmem>>, vector<1x16xf32>,
          %swap3A_273 = vector.shape_cast %swap3A_272 : vector<1x16xf32> to vector<16xf32>
          %swap3A_274 = vector.shape_cast %max3A_269 : vector<16xf32> to vector<1x16xf32>
          tpu.vector_store %arg9[%swap3A_270, %swap3A_271], %swap3A_274 {strides = array<i32>} : memref<80x128xf32, #tpu.memory_space<vmem>>, vector<1x16xf32>,
          %get3A_275 = arith.index_cast %scan3A_243 : i32 to index
          %get3A_276 = arith.constant 32 : index
          %get3A_277 = tpu.vector_load %arg9[%get3A_275, %get3A_276] {strides = array<i32>} : memref<80x128xf32, #tpu.memory_space<vmem>>, vector<1x16xf32>,
          %get3A_278 = vector.shape_cast %get3A_277 : vector<1x16xf32> to vector<16xf32>
          %get3A_279 = arith.index_cast %scan3A_243 : i32 to index
          %get3A_280 = arith.constant 32 : index
          %get3A_281 = tpu.vector_load %arg11[%get3A_279, %get3A_280] {strides = array<i32>} : memref<80x128xf32, #tpu.memory_space<vmem>>, vector<1x16xf32>,
          %get3A_282 = vector.shape_cast %get3A_281 : vector<1x16xf32> to vector<16xf32>
          %add3A_283 = arith.addf %get3A_278, %get3A_282 : vector<16xf32>
          %max3A_284 = arith.constant 0.000000e+00 : f32
          %max3A_285 = vector.broadcast %max3A_284 : f32 to vector<16xf32>
          %max3A_286 = arith.maximumf %add3A_283, %max3A_285 : vector<16xf32>
          %swap3A_287 = arith.index_cast %scan3A_243 : i32 to index
          %swap3A_288 = arith.constant 32 : index
          %swap3A_289 = tpu.vector_load %arg9[%swap3A_287, %swap3A_288] {strides = array<i32>} : memref<80x128xf32, #tpu.memory_space<vmem>>, vector<1x16xf32>,
          %swap3A_290 = vector.shape_cast %swap3A_289 : vector<1x16xf32> to vector<16xf32>
          %swap3A_291 = vector.shape_cast %max3A_286 : vector<16xf32> to vector<1x16xf32>
          tpu.vector_store %arg9[%swap3A_287, %swap3A_288], %swap3A_291 {strides = array<i32>} : memref<80x128xf32, #tpu.memory_space<vmem>>, vector<1x16xf32>,
          %get3A_292 = arith.index_cast %scan3A_243 : i32 to index
          %get3A_293 = arith.constant 48 : index
          %get3A_294 = tpu.vector_load %arg9[%get3A_292, %get3A_293] {strides = array<i32>} : memref<80x128xf32, #tpu.memory_space<vmem>>, vector<1x16xf32>,
          %get3A_295 = vector.shape_cast %get3A_294 : vector<1x16xf32> to vector<16xf32>
          %get3A_296 = arith.index_cast %scan3A_243 : i32 to index
          %get3A_297 = arith.constant 48 : index
          %get3A_298 = tpu.vector_load %arg11[%get3A_296, %get3A_297] {strides = array<i32>} : memref<80x128xf32, #tpu.memory_space<vmem>>, vector<1x16xf32>,
          %get3A_299 = vector.shape_cast %get3A_298 : vector<1x16xf32> to vector<16xf32>
          %add3A_300 = arith.addf %get3A_295, %get3A_299 : vector<16xf32>
          %max3A_301 = arith.constant 0.000000e+00 : f32
          %max3A_302 = vector.broadcast %max3A_301 : f32 to vector<16xf32>
          %max3A_303 = arith.maximumf %add3A_300, %max3A_302 : vector<16xf32>
          %swap3A_304 = arith.index_cast %scan3A_243 : i32 to index
          %swap3A_305 = arith.constant 48 : index
          %swap3A_306 = tpu.vector_load %arg9[%swap3A_304, %swap3A_305] {strides = array<i32>} : memref<80x128xf32, #tpu.memory_space<vmem>>, vector<1x16xf32>,
          %swap3A_307 = vector.shape_cast %swap3A_306 : vector<1x16xf32> to vector<16xf32>
          %swap3A_308 = vector.shape_cast %max3A_303 : vector<16xf32> to vector<1x16xf32>
          tpu.vector_store %arg9[%swap3A_304, %swap3A_305], %swap3A_308 {strides = array<i32>} : memref<80x128xf32, #tpu.memory_space<vmem>>, vector<1x16xf32>,
          %get3A_309 = arith.index_cast %scan3A_243 : i32 to index
          %get3A_310 = arith.constant 64 : index
          %get3A_311 = tpu.vector_load %arg9[%get3A_309, %get3A_310] {strides = array<i32>} : memref<80x128xf32, #tpu.memory_space<vmem>>, vector<1x16xf32>,
          %get3A_312 = vector.shape_cast %get3A_311 : vector<1x16xf32> to vector<16xf32>
          %get3A_313 = arith.index_cast %scan3A_243 : i32 to index
          %get3A_314 = arith.constant 64 : index
          %get3A_315 = tpu.vector_load %arg11[%get3A_313, %get3A_314] {strides = array<i32>} : memref<80x128xf32, #tpu.memory_space<vmem>>, vector<1x16xf32>,
          %get3A_316 = vector.shape_cast %get3A_315 : vector<1x16xf32> to vector<16xf32>
          %add3A_317 = arith.addf %get3A_312, %get3A_316 : vector<16xf32>
          %max3A_318 = arith.constant 0.000000e+00 : f32
          %max3A_319 = vector.broadcast %max3A_318 : f32 to vector<16xf32>
          %max3A_320 = arith.maximumf %add3A_317, %max3A_319 : vector<16xf32>
          %swap3A_321 = arith.index_cast %scan3A_243 : i32 to index
          %swap3A_322 = arith.constant 64 : index
          %swap3A_323 = tpu.vector_load %arg9[%swap3A_321, %swap3A_322] {strides = array<i32>} : memref<80x128xf32, #tpu.memory_space<vmem>>, vector<1x16xf32>,
          %swap3A_324 = vector.shape_cast %swap3A_323 : vector<1x16xf32> to vector<16xf32>
          %swap3A_325 = vector.shape_cast %max3A_320 : vector<16xf32> to vector<1x16xf32>
          tpu.vector_store %arg9[%swap3A_321, %swap3A_322], %swap3A_325 {strides = array<i32>} : memref<80x128xf32, #tpu.memory_space<vmem>>, vector<1x16xf32>,
          %get3A_326 = arith.index_cast %scan3A_243 : i32 to index
          %get3A_327 = arith.constant 80 : index
          %get3A_328 = tpu.vector_load %arg9[%get3A_326, %get3A_327] {strides = array<i32>} : memref<80x128xf32, #tpu.memory_space<vmem>>, vector<1x16xf32>,
          %get3A_329 = vector.shape_cast %get3A_328 : vector<1x16xf32> to vector<16xf32>
          %get3A_330 = arith.index_cast %scan3A_243 : i32 to index
          %get3A_331 = arith.constant 80 : index
          %get3A_332 = tpu.vector_load %arg11[%get3A_330, %get3A_331] {strides = array<i32>} : memref<80x128xf32, #tpu.memory_space<vmem>>, vector<1x16xf32>,
          %get3A_333 = vector.shape_cast %get3A_332 : vector<1x16xf32> to vector<16xf32>
          %add3A_334 = arith.addf %get3A_329, %get3A_333 : vector<16xf32>
          %max3A_335 = arith.constant 0.000000e+00 : f32
          %max3A_336 = vector.broadcast %max3A_335 : f32 to vector<16xf32>
          %max3A_337 = arith.maximumf %add3A_334, %max3A_336 : vector<16xf32>
          %swap3A_338 = arith.index_cast %scan3A_243 : i32 to index
          %swap3A_339 = arith.constant 80 : index
          %swap3A_340 = tpu.vector_load %arg9[%swap3A_338, %swap3A_339] {strides = array<i32>} : memref<80x128xf32, #tpu.memory_space<vmem>>, vector<1x16xf32>,
          %swap3A_341 = vector.shape_cast %swap3A_340 : vector<1x16xf32> to vector<16xf32>
          %swap3A_342 = vector.shape_cast %max3A_337 : vector<16xf32> to vector<1x16xf32>
          tpu.vector_store %arg9[%swap3A_338, %swap3A_339], %swap3A_342 {strides = array<i32>} : memref<80x128xf32, #tpu.memory_space<vmem>>, vector<1x16xf32>,
          %get3A_343 = arith.index_cast %scan3A_243 : i32 to index
          %get3A_344 = arith.constant 96 : index
          %get3A_345 = tpu.vector_load %arg9[%get3A_343, %get3A_344] {strides = array<i32>} : memref<80x128xf32, #tpu.memory_space<vmem>>, vector<1x16xf32>,
          %get3A_346 = vector.shape_cast %get3A_345 : vector<1x16xf32> to vector<16xf32>
          %get3A_347 = arith.index_cast %scan3A_243 : i32 to index
          %get3A_348 = arith.constant 96 : index
          %get3A_349 = tpu.vector_load %arg11[%get3A_347, %get3A_348] {strides = array<i32>} : memref<80x128xf32, #tpu.memory_space<vmem>>, vector<1x16xf32>,
          %get3A_350 = vector.shape_cast %get3A_349 : vector<1x16xf32> to vector<16xf32>
          %add3A_351 = arith.addf %get3A_346, %get3A_350 : vector<16xf32>
          %max3A_352 = arith.constant 0.000000e+00 : f32
          %max3A_353 = vector.broadcast %max3A_352 : f32 to vector<16xf32>
          %max3A_354 = arith.maximumf %add3A_351, %max3A_353 : vector<16xf32>
          %swap3A_355 = arith.index_cast %scan3A_243 : i32 to index
          %swap3A_356 = arith.constant 96 : index
          %swap3A_357 = tpu.vector_load %arg9[%swap3A_355, %swap3A_356] {strides = array<i32>} : memref<80x128xf32, #tpu.memory_space<vmem>>, vector<1x16xf32>,
          %swap3A_358 = vector.shape_cast %swap3A_357 : vector<1x16xf32> to vector<16xf32>
          %swap3A_359 = vector.shape_cast %max3A_354 : vector<16xf32> to vector<1x16xf32>
          tpu.vector_store %arg9[%swap3A_355, %swap3A_356], %swap3A_359 {strides = array<i32>} : memref<80x128xf32, #tpu.memory_space<vmem>>, vector<1x16xf32>,
          %get3A_360 = arith.index_cast %scan3A_243 : i32 to index
          %get3A_361 = arith.constant 112 : index
          %get3A_362 = tpu.vector_load %arg9[%get3A_360, %get3A_361] {strides = array<i32>} : memref<80x128xf32, #tpu.memory_space<vmem>>, vector<1x16xf32>,
          %get3A_363 = vector.shape_cast %get3A_362 : vector<1x16xf32> to vector<16xf32>
          %get3A_364 = arith.index_cast %scan3A_243 : i32 to index
          %get3A_365 = arith.constant 112 : index
          %get3A_366 = tpu.vector_load %arg11[%get3A_364, %get3A_365] {strides = array<i32>} : memref<80x128xf32, #tpu.memory_space<vmem>>, vector<1x16xf32>,
          %get3A_367 = vector.shape_cast %get3A_366 : vector<1x16xf32> to vector<16xf32>
          %add3A_368 = arith.addf %get3A_363, %get3A_367 : vector<16xf32>
          %max3A_369 = arith.constant 0.000000e+00 : f32
          %max3A_370 = vector.broadcast %max3A_369 : f32 to vector<16xf32>
          %max3A_371 = arith.maximumf %add3A_368, %max3A_370 : vector<16xf32>
          %swap3A_372 = arith.index_cast %scan3A_243 : i32 to index
          %swap3A_373 = arith.constant 112 : index
          %swap3A_374 = tpu.vector_load %arg9[%swap3A_372, %swap3A_373] {strides = array<i32>} : memref<80x128xf32, #tpu.memory_space<vmem>>, vector<1x16xf32>,
          %swap3A_375 = vector.shape_cast %swap3A_374 : vector<1x16xf32> to vector<16xf32>
          %swap3A_376 = vector.shape_cast %max3A_371 : vector<16xf32> to vector<1x16xf32>
          tpu.vector_store %arg9[%swap3A_372, %swap3A_373], %swap3A_376 {strides = array<i32>} : memref<80x128xf32, #tpu.memory_space<vmem>>, vector<1x16xf32>,
        }
        %scan3A_207 = arith.constant 80 : i32
        "tpu.region"() ({
          %run_scoped3A_243 = tpu.sem_alloc : memref<!tpu.dma_semaphore, #tpu.memory_space<semaphore_mem>>
          %dma_start3A_244 = arith.constant 0 : i32
          %dma_start3A_245 = tpu.memref_slice %arg8[%mul3A_176, %dma_start3A_244] : memref<25x80xi32, #tpu.memory_space<vmem>> -> memref<1x80xi32, #tpu.memory_space<vmem>>
          %dma_start3A_246 = tpu.memref_squeeze %dma_start3A_245 : memref<1x80xi32, #tpu.memory_space<vmem>> -> memref<80xi32, #tpu.memory_space<vmem>>
          %dma_start3A_247 = arith.constant 0 : i32
          %dma_start3A_248 = arith.constant 0 : i32
          %dma_start3A_249 = tpu.memref_slice %arg13[%dma_start3A_247, %dma_start3A_248] : memref<10000x128xf32, #tpu.memory_space<vmem_shared>> -> memref<10000x128xf32, #tpu.memory_space<vmem_shared>>
          tpu.enqueue_indirect_dma source(%arg9 : memref<80x128xf32, #tpu.memory_space<vmem>>) target(%dma_start3A_249 : memref<10000x128xf32, #tpu.memory_space<vmem_shared>>) offsets(%dma_start3A_246 : memref<80xi32, #tpu.memory_space<vmem>>) semaphore(%run_scoped3A_243 : memref<!tpu.dma_semaphore, #tpu.memory_space<semaphore_mem>>) {add = true}
          %dma_wait3A_250 = arith.constant 0 : i32
          %dma_wait3A_251 = tpu.memref_slice %arg8[%mul3A_176, %dma_wait3A_250] : memref<25x80xi32, #tpu.memory_space<vmem>> -> memref<1x80xi32, #tpu.memory_space<vmem>>
          %dma_wait3A_252 = tpu.memref_squeeze %dma_wait3A_251 : memref<1x80xi32, #tpu.memory_space<vmem>> -> memref<80xi32, #tpu.memory_space<vmem>>
          %dma_wait3A_253 = arith.constant 0 : i32
          %dma_wait3A_254 = arith.constant 0 : i32
          %dma_wait3A_255 = tpu.memref_slice %arg13[%dma_wait3A_253, %dma_wait3A_254] : memref<10000x128xf32, #tpu.memory_space<vmem_shared>> -> memref<10000x128xf32, #tpu.memory_space<vmem_shared>>
          tpu.wait_indirect_dma semaphore(%run_scoped3A_243 : memref<!tpu.dma_semaphore, #tpu.memory_space<semaphore_mem>>) src(%arg9 : memref<80x128xf32, #tpu.memory_space<vmem>>) dst(%dma_wait3A_255 : memref<10000x128xf32, #tpu.memory_space<vmem_shared>>)
          tpu.yield
        }) : () -> ()
        %mul3A_208 = arith.constant 2 : i32
        %mul3A_209 = arith.muli %mul3A_208, %scan3A_174 : i32
        %add3A_210 = arith.constant 1 : i32
        %add3A_211 = arith.addi %mul3A_209, %add3A_210 : i32
        %dma_wait3A_212 = arith.constant 0 : i32
        %dma_wait3A_213 = arith.constant 0 : i32
        %dma_wait3A_214 = arith.constant 0 : i32
        %dma_wait3A_215 = tpu.memref_slice %arg5[%dma_wait3A_212, %dma_wait3A_213, %dma_wait3A_214] : memref<4000x80x128xf32, #tpu.memory_space<hbm>> -> memref<1x80x128xf32, #tpu.memory_space<hbm>>
        %dma_wait3A_216 = tpu.memref_squeeze %dma_wait3A_215 : memref<1x80x128xf32, #tpu.memory_space<hbm>> -> memref<80x128xf32, #tpu.memory_space<hbm>>
        %dma_wait3A_217 = arith.constant 0 : i32
        %dma_wait3A_218 = arith.constant 0 : i32
        %dma_wait3A_219 = tpu.memref_slice %arg5[%dma_wait3A_212, %dma_wait3A_217, %dma_wait3A_218] : memref<4000x80x128xf32, #tpu.memory_space<hbm>> -> memref<1x80x128xf32, #tpu.memory_space<hbm>>
        %dma_wait3A_220 = tpu.memref_squeeze %dma_wait3A_219 : memref<1x80x128xf32, #tpu.memory_space<hbm>> -> memref<80x128xf32, #tpu.memory_space<hbm>>
        tpu.wait_dma2 semaphore(%arg17 : memref<!tpu.dma_semaphore, #tpu.memory_space<semaphore_mem>>) src(%dma_wait3A_220 : memref<80x128xf32, #tpu.memory_space<hbm>>) dst(%arg12 : memref<80x128xf32, #tpu.memory_space<vmem>>)
        %dma_wait3A_221 = arith.constant 0 : i32
        %dma_wait3A_222 = arith.constant 0 : i32
        %dma_wait3A_223 = arith.constant 0 : i32
        %dma_wait3A_224 = tpu.memref_slice %arg5[%dma_wait3A_221, %dma_wait3A_222, %dma_wait3A_223] : memref<4000x80x128xf32, #tpu.memory_space<hbm>> -> memref<1x80x128xf32, #tpu.memory_space<hbm>>
        %dma_wait3A_225 = tpu.memref_squeeze %dma_wait3A_224 : memref<1x80x128xf32, #tpu.memory_space<hbm>> -> memref<80x128xf32, #tpu.memory_space<hbm>>
        %dma_wait3A_226 = arith.constant 0 : i32
        %dma_wait3A_227 = arith.constant 0 : i32
        %dma_wait3A_228 = tpu.memref_slice %arg5[%dma_wait3A_221, %dma_wait3A_226, %dma_wait3A_227] : memref<4000x80x128xf32, #tpu.memory_space<hbm>> -> memref<1x80x128xf32, #tpu.memory_space<hbm>>
        %dma_wait3A_229 = tpu.memref_squeeze %dma_wait3A_228 : memref<1x80x128xf32, #tpu.memory_space<hbm>> -> memref<80x128xf32, #tpu.memory_space<hbm>>
        tpu.wait_dma2 semaphore(%arg15 : memref<!tpu.dma_semaphore, #tpu.memory_space<semaphore_mem>>) src(%dma_wait3A_229 : memref<80x128xf32, #tpu.memory_space<hbm>>) dst(%arg10 : memref<80x128xf32, #tpu.memory_space<vmem>>)
        %add3A_230 = arith.constant 1 : i32
        %add3A_231 = arith.addi %add3A_211, %add3A_230 : i32
        %lt3A_232 = arith.constant 25 : i32
        %lt3A_233 = arith.cmpi slt, %add3A_231, %lt3A_232 : i32
        %convert_element_type3A_234 = arith.extui %lt3A_233 : i1 to i32
        %cond3A_235 = arith.constant 0 : i32
        %cond3A_236 = arith.cmpi ne, %convert_element_type3A_234, %cond3A_235 : i32
        scf.if %cond3A_236 {
          %add3A_243 = arith.constant 1 : i32
          %add3A_244 = arith.addi %add3A_211, %add3A_243 : i32
          %mul3A_245 = arith.constant 5 : i32
          %mul3A_246 = arith.muli %add3A, %mul3A_245 : i32
          %add3A_247 = arith.addi %mul3A_246, %scan3A_123 : i32
          %mul3A_248 = arith.constant 25 : i32
          %mul3A_249 = arith.muli %add3A_247, %mul3A_248 : i32
          %add3A_250 = arith.addi %mul3A_249, %add3A_244 : i32
          %dma_start3A_251 = arith.constant 0 : i32
          %dma_start3A_252 = arith.constant 0 : i32
          %dma_start3A_253 = tpu.memref_slice %arg5[%add3A_250, %dma_start3A_251, %dma_start3A_252] : memref<4000x80x128xf32, #tpu.memory_space<hbm>> -> memref<1x80x128xf32, #tpu.memory_space<hbm>>
          %dma_start3A_254 = tpu.memref_squeeze %dma_start3A_253 : memref<1x80x128xf32, #tpu.memory_space<hbm>> -> memref<80x128xf32, #tpu.memory_space<hbm>>
          %dma_start3A_255 = arith.constant 0 : i32
          %dma_start3A_256 = arith.constant 0 : i32
          %dma_start3A_257 = tpu.memref_slice %arg5[%add3A_250, %dma_start3A_255, %dma_start3A_256] : memref<4000x80x128xf32, #tpu.memory_space<hbm>> -> memref<1x80x128xf32, #tpu.memory_space<hbm>>
          %dma_start3A_258 = tpu.memref_squeeze %dma_start3A_257 : memref<1x80x128xf32, #tpu.memory_space<hbm>> -> memref<80x128xf32, #tpu.memory_space<hbm>>
          tpu.enqueue_dma source(%dma_start3A_258 : memref<80x128xf32, #tpu.memory_space<hbm>>) target(%arg11 : memref<80x128xf32, #tpu.memory_space<vmem>>) target_semaphore(%arg16 : memref<!tpu.dma_semaphore, #tpu.memory_space<semaphore_mem>>)
          %dma_start3A_259 = arith.constant 0 : i32
          %dma_start3A_260 = tpu.memref_slice %arg7[%add3A_244, %dma_start3A_259] : memref<25x80xi32, #tpu.memory_space<vmem>> -> memref<1x80xi32, #tpu.memory_space<vmem>>
          %dma_start3A_261 = tpu.memref_squeeze %dma_start3A_260 : memref<1x80xi32, #tpu.memory_space<vmem>> -> memref<80xi32, #tpu.memory_space<vmem>>
          %dma_start3A_262 = arith.constant 0 : i32
          %dma_start3A_263 = arith.constant 0 : i32
          %dma_start3A_264 = tpu.memref_slice %arg2[%dma_start3A_262, %dma_start3A_263] : memref<10000x128xf32, #tpu.memory_space<hbm>> -> memref<10000x128xf32, #tpu.memory_space<hbm>>
          tpu.enqueue_indirect_dma source(%dma_start3A_264 : memref<10000x128xf32, #tpu.memory_space<hbm>>) target(%arg9 : memref<80x128xf32, #tpu.memory_space<vmem>>) offsets(%dma_start3A_261 : memref<80xi32, #tpu.memory_space<vmem>>) semaphore(%arg14 : memref<!tpu.dma_semaphore, #tpu.memory_space<semaphore_mem>>)
        } else {
        }
        %scan3A_237 = arith.constant 0 : i32
        %scan3A_238 = arith.constant 0 : i32
        %scan3A_239 = arith.constant 80 : i32
        %scan3A_240 = arith.addi %scan3A_238, %scan3A_239 : i32
        %scan3A_241 = arith.constant 1 : i32
        scf.for %scan3A_243 = %scan3A_238 to %scan3A_240 step %scan3A_241  : i32 {
          %get3A = arith.index_cast %scan3A_243 : i32 to index
          %get3A_244 = arith.constant 0 : index
          %get3A_245 = tpu.vector_load %arg10[%get3A, %get3A_244] {strides = array<i32>} : memref<80x128xf32, #tpu.memory_space<vmem>>, vector<1x16xf32>,
          %get3A_246 = vector.shape_cast %get3A_245 : vector<1x16xf32> to vector<16xf32>
          %get3A_247 = arith.index_cast %scan3A_243 : i32 to index
          %get3A_248 = arith.constant 0 : index
          %get3A_249 = tpu.vector_load %arg12[%get3A_247, %get3A_248] {strides = array<i32>} : memref<80x128xf32, #tpu.memory_space<vmem>>, vector<1x16xf32>,
          %get3A_250 = vector.shape_cast %get3A_249 : vector<1x16xf32> to vector<16xf32>
          %add3A_251 = arith.addf %get3A_246, %get3A_250 : vector<16xf32>
          %max3A = arith.constant 0.000000e+00 : f32
          %max3A_252 = vector.broadcast %max3A : f32 to vector<16xf32>
          %max3A_253 = arith.maximumf %add3A_251, %max3A_252 : vector<16xf32>
          %swap3A = arith.index_cast %scan3A_243 : i32 to index
          %swap3A_254 = arith.constant 0 : index
          %swap3A_255 = tpu.vector_load %arg10[%swap3A, %swap3A_254] {strides = array<i32>} : memref<80x128xf32, #tpu.memory_space<vmem>>, vector<1x16xf32>,
          %swap3A_256 = vector.shape_cast %swap3A_255 : vector<1x16xf32> to vector<16xf32>
          %swap3A_257 = vector.shape_cast %max3A_253 : vector<16xf32> to vector<1x16xf32>
          tpu.vector_store %arg10[%swap3A, %swap3A_254], %swap3A_257 {strides = array<i32>} : memref<80x128xf32, #tpu.memory_space<vmem>>, vector<1x16xf32>,
          %get3A_258 = arith.index_cast %scan3A_243 : i32 to index
          %get3A_259 = arith.constant 16 : index
          %get3A_260 = tpu.vector_load %arg10[%get3A_258, %get3A_259] {strides = array<i32>} : memref<80x128xf32, #tpu.memory_space<vmem>>, vector<1x16xf32>,
          %get3A_261 = vector.shape_cast %get3A_260 : vector<1x16xf32> to vector<16xf32>
          %get3A_262 = arith.index_cast %scan3A_243 : i32 to index
          %get3A_263 = arith.constant 16 : index
          %get3A_264 = tpu.vector_load %arg12[%get3A_262, %get3A_263] {strides = array<i32>} : memref<80x128xf32, #tpu.memory_space<vmem>>, vector<1x16xf32>,
          %get3A_265 = vector.shape_cast %get3A_264 : vector<1x16xf32> to vector<16xf32>
          %add3A_266 = arith.addf %get3A_261, %get3A_265 : vector<16xf32>
          %max3A_267 = arith.constant 0.000000e+00 : f32
          %max3A_268 = vector.broadcast %max3A_267 : f32 to vector<16xf32>
          %max3A_269 = arith.maximumf %add3A_266, %max3A_268 : vector<16xf32>
          %swap3A_270 = arith.index_cast %scan3A_243 : i32 to index
          %swap3A_271 = arith.constant 16 : index
          %swap3A_272 = tpu.vector_load %arg10[%swap3A_270, %swap3A_271] {strides = array<i32>} : memref<80x128xf32, #tpu.memory_space<vmem>>, vector<1x16xf32>,
          %swap3A_273 = vector.shape_cast %swap3A_272 : vector<1x16xf32> to vector<16xf32>
          %swap3A_274 = vector.shape_cast %max3A_269 : vector<16xf32> to vector<1x16xf32>
          tpu.vector_store %arg10[%swap3A_270, %swap3A_271], %swap3A_274 {strides = array<i32>} : memref<80x128xf32, #tpu.memory_space<vmem>>, vector<1x16xf32>,
          %get3A_275 = arith.index_cast %scan3A_243 : i32 to index
          %get3A_276 = arith.constant 32 : index
          %get3A_277 = tpu.vector_load %arg10[%get3A_275, %get3A_276] {strides = array<i32>} : memref<80x128xf32, #tpu.memory_space<vmem>>, vector<1x16xf32>,
          %get3A_278 = vector.shape_cast %get3A_277 : vector<1x16xf32> to vector<16xf32>
          %get3A_279 = arith.index_cast %scan3A_243 : i32 to index
          %get3A_280 = arith.constant 32 : index
          %get3A_281 = tpu.vector_load %arg12[%get3A_279, %get3A_280] {strides = array<i32>} : memref<80x128xf32, #tpu.memory_space<vmem>>, vector<1x16xf32>,
          %get3A_282 = vector.shape_cast %get3A_281 : vector<1x16xf32> to vector<16xf32>
          %add3A_283 = arith.addf %get3A_278, %get3A_282 : vector<16xf32>
          %max3A_284 = arith.constant 0.000000e+00 : f32
          %max3A_285 = vector.broadcast %max3A_284 : f32 to vector<16xf32>
          %max3A_286 = arith.maximumf %add3A_283, %max3A_285 : vector<16xf32>
          %swap3A_287 = arith.index_cast %scan3A_243 : i32 to index
          %swap3A_288 = arith.constant 32 : index
          %swap3A_289 = tpu.vector_load %arg10[%swap3A_287, %swap3A_288] {strides = array<i32>} : memref<80x128xf32, #tpu.memory_space<vmem>>, vector<1x16xf32>,
          %swap3A_290 = vector.shape_cast %swap3A_289 : vector<1x16xf32> to vector<16xf32>
          %swap3A_291 = vector.shape_cast %max3A_286 : vector<16xf32> to vector<1x16xf32>
          tpu.vector_store %arg10[%swap3A_287, %swap3A_288], %swap3A_291 {strides = array<i32>} : memref<80x128xf32, #tpu.memory_space<vmem>>, vector<1x16xf32>,
          %get3A_292 = arith.index_cast %scan3A_243 : i32 to index
          %get3A_293 = arith.constant 48 : index
          %get3A_294 = tpu.vector_load %arg10[%get3A_292, %get3A_293] {strides = array<i32>} : memref<80x128xf32, #tpu.memory_space<vmem>>, vector<1x16xf32>,
          %get3A_295 = vector.shape_cast %get3A_294 : vector<1x16xf32> to vector<16xf32>
          %get3A_296 = arith.index_cast %scan3A_243 : i32 to index
          %get3A_297 = arith.constant 48 : index
          %get3A_298 = tpu.vector_load %arg12[%get3A_296, %get3A_297] {strides = array<i32>} : memref<80x128xf32, #tpu.memory_space<vmem>>, vector<1x16xf32>,
          %get3A_299 = vector.shape_cast %get3A_298 : vector<1x16xf32> to vector<16xf32>
          %add3A_300 = arith.addf %get3A_295, %get3A_299 : vector<16xf32>
          %max3A_301 = arith.constant 0.000000e+00 : f32
          %max3A_302 = vector.broadcast %max3A_301 : f32 to vector<16xf32>
          %max3A_303 = arith.maximumf %add3A_300, %max3A_302 : vector<16xf32>
          %swap3A_304 = arith.index_cast %scan3A_243 : i32 to index
          %swap3A_305 = arith.constant 48 : index
          %swap3A_306 = tpu.vector_load %arg10[%swap3A_304, %swap3A_305] {strides = array<i32>} : memref<80x128xf32, #tpu.memory_space<vmem>>, vector<1x16xf32>,
          %swap3A_307 = vector.shape_cast %swap3A_306 : vector<1x16xf32> to vector<16xf32>
          %swap3A_308 = vector.shape_cast %max3A_303 : vector<16xf32> to vector<1x16xf32>
          tpu.vector_store %arg10[%swap3A_304, %swap3A_305], %swap3A_308 {strides = array<i32>} : memref<80x128xf32, #tpu.memory_space<vmem>>, vector<1x16xf32>,
          %get3A_309 = arith.index_cast %scan3A_243 : i32 to index
          %get3A_310 = arith.constant 64 : index
          %get3A_311 = tpu.vector_load %arg10[%get3A_309, %get3A_310] {strides = array<i32>} : memref<80x128xf32, #tpu.memory_space<vmem>>, vector<1x16xf32>,
          %get3A_312 = vector.shape_cast %get3A_311 : vector<1x16xf32> to vector<16xf32>
          %get3A_313 = arith.index_cast %scan3A_243 : i32 to index
          %get3A_314 = arith.constant 64 : index
          %get3A_315 = tpu.vector_load %arg12[%get3A_313, %get3A_314] {strides = array<i32>} : memref<80x128xf32, #tpu.memory_space<vmem>>, vector<1x16xf32>,
          %get3A_316 = vector.shape_cast %get3A_315 : vector<1x16xf32> to vector<16xf32>
          %add3A_317 = arith.addf %get3A_312, %get3A_316 : vector<16xf32>
          %max3A_318 = arith.constant 0.000000e+00 : f32
          %max3A_319 = vector.broadcast %max3A_318 : f32 to vector<16xf32>
          %max3A_320 = arith.maximumf %add3A_317, %max3A_319 : vector<16xf32>
          %swap3A_321 = arith.index_cast %scan3A_243 : i32 to index
          %swap3A_322 = arith.constant 64 : index
          %swap3A_323 = tpu.vector_load %arg10[%swap3A_321, %swap3A_322] {strides = array<i32>} : memref<80x128xf32, #tpu.memory_space<vmem>>, vector<1x16xf32>,
          %swap3A_324 = vector.shape_cast %swap3A_323 : vector<1x16xf32> to vector<16xf32>
          %swap3A_325 = vector.shape_cast %max3A_320 : vector<16xf32> to vector<1x16xf32>
          tpu.vector_store %arg10[%swap3A_321, %swap3A_322], %swap3A_325 {strides = array<i32>} : memref<80x128xf32, #tpu.memory_space<vmem>>, vector<1x16xf32>,
          %get3A_326 = arith.index_cast %scan3A_243 : i32 to index
          %get3A_327 = arith.constant 80 : index
          %get3A_328 = tpu.vector_load %arg10[%get3A_326, %get3A_327] {strides = array<i32>} : memref<80x128xf32, #tpu.memory_space<vmem>>, vector<1x16xf32>,
          %get3A_329 = vector.shape_cast %get3A_328 : vector<1x16xf32> to vector<16xf32>
          %get3A_330 = arith.index_cast %scan3A_243 : i32 to index
          %get3A_331 = arith.constant 80 : index
          %get3A_332 = tpu.vector_load %arg12[%get3A_330, %get3A_331] {strides = array<i32>} : memref<80x128xf32, #tpu.memory_space<vmem>>, vector<1x16xf32>,
          %get3A_333 = vector.shape_cast %get3A_332 : vector<1x16xf32> to vector<16xf32>
          %add3A_334 = arith.addf %get3A_329, %get3A_333 : vector<16xf32>
          %max3A_335 = arith.constant 0.000000e+00 : f32
          %max3A_336 = vector.broadcast %max3A_335 : f32 to vector<16xf32>
          %max3A_337 = arith.maximumf %add3A_334, %max3A_336 : vector<16xf32>
          %swap3A_338 = arith.index_cast %scan3A_243 : i32 to index
          %swap3A_339 = arith.constant 80 : index
          %swap3A_340 = tpu.vector_load %arg10[%swap3A_338, %swap3A_339] {strides = array<i32>} : memref<80x128xf32, #tpu.memory_space<vmem>>, vector<1x16xf32>,
          %swap3A_341 = vector.shape_cast %swap3A_340 : vector<1x16xf32> to vector<16xf32>
          %swap3A_342 = vector.shape_cast %max3A_337 : vector<16xf32> to vector<1x16xf32>
          tpu.vector_store %arg10[%swap3A_338, %swap3A_339], %swap3A_342 {strides = array<i32>} : memref<80x128xf32, #tpu.memory_space<vmem>>, vector<1x16xf32>,
          %get3A_343 = arith.index_cast %scan3A_243 : i32 to index
          %get3A_344 = arith.constant 96 : index
          %get3A_345 = tpu.vector_load %arg10[%get3A_343, %get3A_344] {strides = array<i32>} : memref<80x128xf32, #tpu.memory_space<vmem>>, vector<1x16xf32>,
          %get3A_346 = vector.shape_cast %get3A_345 : vector<1x16xf32> to vector<16xf32>
          %get3A_347 = arith.index_cast %scan3A_243 : i32 to index
          %get3A_348 = arith.constant 96 : index
          %get3A_349 = tpu.vector_load %arg12[%get3A_347, %get3A_348] {strides = array<i32>} : memref<80x128xf32, #tpu.memory_space<vmem>>, vector<1x16xf32>,
          %get3A_350 = vector.shape_cast %get3A_349 : vector<1x16xf32> to vector<16xf32>
          %add3A_351 = arith.addf %get3A_346, %get3A_350 : vector<16xf32>
          %max3A_352 = arith.constant 0.000000e+00 : f32
          %max3A_353 = vector.broadcast %max3A_352 : f32 to vector<16xf32>
          %max3A_354 = arith.maximumf %add3A_351, %max3A_353 : vector<16xf32>
          %swap3A_355 = arith.index_cast %scan3A_243 : i32 to index
          %swap3A_356 = arith.constant 96 : index
          %swap3A_357 = tpu.vector_load %arg10[%swap3A_355, %swap3A_356] {strides = array<i32>} : memref<80x128xf32, #tpu.memory_space<vmem>>, vector<1x16xf32>,
          %swap3A_358 = vector.shape_cast %swap3A_357 : vector<1x16xf32> to vector<16xf32>
          %swap3A_359 = vector.shape_cast %max3A_354 : vector<16xf32> to vector<1x16xf32>
          tpu.vector_store %arg10[%swap3A_355, %swap3A_356], %swap3A_359 {strides = array<i32>} : memref<80x128xf32, #tpu.memory_space<vmem>>, vector<1x16xf32>,
          %get3A_360 = arith.index_cast %scan3A_243 : i32 to index
          %get3A_361 = arith.constant 112 : index
          %get3A_362 = tpu.vector_load %arg10[%get3A_360, %get3A_361] {strides = array<i32>} : memref<80x128xf32, #tpu.memory_space<vmem>>, vector<1x16xf32>,
          %get3A_363 = vector.shape_cast %get3A_362 : vector<1x16xf32> to vector<16xf32>
          %get3A_364 = arith.index_cast %scan3A_243 : i32 to index
          %get3A_365 = arith.constant 112 : index
          %get3A_366 = tpu.vector_load %arg12[%get3A_364, %get3A_365] {strides = array<i32>} : memref<80x128xf32, #tpu.memory_space<vmem>>, vector<1x16xf32>,
          %get3A_367 = vector.shape_cast %get3A_366 : vector<1x16xf32> to vector<16xf32>
          %add3A_368 = arith.addf %get3A_363, %get3A_367 : vector<16xf32>
          %max3A_369 = arith.constant 0.000000e+00 : f32
          %max3A_370 = vector.broadcast %max3A_369 : f32 to vector<16xf32>
          %max3A_371 = arith.maximumf %add3A_368, %max3A_370 : vector<16xf32>
          %swap3A_372 = arith.index_cast %scan3A_243 : i32 to index
          %swap3A_373 = arith.constant 112 : index
          %swap3A_374 = tpu.vector_load %arg10[%swap3A_372, %swap3A_373] {strides = array<i32>} : memref<80x128xf32, #tpu.memory_space<vmem>>, vector<1x16xf32>,
          %swap3A_375 = vector.shape_cast %swap3A_374 : vector<1x16xf32> to vector<16xf32>
          %swap3A_376 = vector.shape_cast %max3A_371 : vector<16xf32> to vector<1x16xf32>
          tpu.vector_store %arg10[%swap3A_372, %swap3A_373], %swap3A_376 {strides = array<i32>} : memref<80x128xf32, #tpu.memory_space<vmem>>, vector<1x16xf32>,
        }
        %scan3A_242 = arith.constant 80 : i32
        "tpu.region"() ({
          %run_scoped3A_243 = tpu.sem_alloc : memref<!tpu.dma_semaphore, #tpu.memory_space<semaphore_mem>>
          %dma_start3A_244 = arith.constant 0 : i32
          %dma_start3A_245 = tpu.memref_slice %arg8[%add3A_211, %dma_start3A_244] : memref<25x80xi32, #tpu.memory_space<vmem>> -> memref<1x80xi32, #tpu.memory_space<vmem>>
          %dma_start3A_246 = tpu.memref_squeeze %dma_start3A_245 : memref<1x80xi32, #tpu.memory_space<vmem>> -> memref<80xi32, #tpu.memory_space<vmem>>
          %dma_start3A_247 = arith.constant 0 : i32
          %dma_start3A_248 = arith.constant 0 : i32
          %dma_start3A_249 = tpu.memref_slice %arg13[%dma_start3A_247, %dma_start3A_248] : memref<10000x128xf32, #tpu.memory_space<vmem_shared>> -> memref<10000x128xf32, #tpu.memory_space<vmem_shared>>
          tpu.enqueue_indirect_dma source(%arg10 : memref<80x128xf32, #tpu.memory_space<vmem>>) target(%dma_start3A_249 : memref<10000x128xf32, #tpu.memory_space<vmem_shared>>) offsets(%dma_start3A_246 : memref<80xi32, #tpu.memory_space<vmem>>) semaphore(%run_scoped3A_243 : memref<!tpu.dma_semaphore, #tpu.memory_space<semaphore_mem>>) {add = true}
          %dma_wait3A_250 = arith.constant 0 : i32
          %dma_wait3A_251 = tpu.memref_slice %arg8[%add3A_211, %dma_wait3A_250] : memref<25x80xi32, #tpu.memory_space<vmem>> -> memref<1x80xi32, #tpu.memory_space<vmem>>
          %dma_wait3A_252 = tpu.memref_squeeze %dma_wait3A_251 : memref<1x80xi32, #tpu.memory_space<vmem>> -> memref<80xi32, #tpu.memory_space<vmem>>
          %dma_wait3A_253 = arith.constant 0 : i32
          %dma_wait3A_254 = arith.constant 0 : i32
          %dma_wait3A_255 = tpu.memref_slice %arg13[%dma_wait3A_253, %dma_wait3A_254] : memref<10000x128xf32, #tpu.memory_space<vmem_shared>> -> memref<10000x128xf32, #tpu.memory_space<vmem_shared>>
          tpu.wait_indirect_dma semaphore(%run_scoped3A_243 : memref<!tpu.dma_semaphore, #tpu.memory_space<semaphore_mem>>) src(%arg10 : memref<80x128xf32, #tpu.memory_space<vmem>>) dst(%dma_wait3A_255 : memref<10000x128xf32, #tpu.memory_space<vmem_shared>>)
          tpu.yield
        }) : () -> ()
      }
      %scan3A_150 = arith.constant 12 : i32
      %dma_wait3A = arith.constant 0 : i32
      %dma_wait3A_151 = arith.constant 0 : i32
      %dma_wait3A_152 = arith.constant 0 : i32
      %dma_wait3A_153 = tpu.memref_slice %arg5[%dma_wait3A, %dma_wait3A_151, %dma_wait3A_152] : memref<4000x80x128xf32, #tpu.memory_space<hbm>> -> memref<1x80x128xf32, #tpu.memory_space<hbm>>
      %dma_wait3A_154 = tpu.memref_squeeze %dma_wait3A_153 : memref<1x80x128xf32, #tpu.memory_space<hbm>> -> memref<80x128xf32, #tpu.memory_space<hbm>>
      %dma_wait3A_155 = arith.constant 0 : i32
      %dma_wait3A_156 = arith.constant 0 : i32
      %dma_wait3A_157 = tpu.memref_slice %arg5[%dma_wait3A, %dma_wait3A_155, %dma_wait3A_156] : memref<4000x80x128xf32, #tpu.memory_space<hbm>> -> memref<1x80x128xf32, #tpu.memory_space<hbm>>
      %dma_wait3A_158 = tpu.memref_squeeze %dma_wait3A_157 : memref<1x80x128xf32, #tpu.memory_space<hbm>> -> memref<80x128xf32, #tpu.memory_space<hbm>>
      tpu.wait_dma2 semaphore(%arg16 : memref<!tpu.dma_semaphore, #tpu.memory_space<semaphore_mem>>) src(%dma_wait3A_158 : memref<80x128xf32, #tpu.memory_space<hbm>>) dst(%arg11 : memref<80x128xf32, #tpu.memory_space<vmem>>)
      %dma_wait3A_159 = arith.constant 0 : i32
      %dma_wait3A_160 = arith.constant 0 : i32
      %dma_wait3A_161 = arith.constant 0 : i32
      %dma_wait3A_162 = tpu.memref_slice %arg5[%dma_wait3A_159, %dma_wait3A_160, %dma_wait3A_161] : memref<4000x80x128xf32, #tpu.memory_space<hbm>> -> memref<1x80x128xf32, #tpu.memory_space<hbm>>
      %dma_wait3A_163 = tpu.memref_squeeze %dma_wait3A_162 : memref<1x80x128xf32, #tpu.memory_space<hbm>> -> memref<80x128xf32, #tpu.memory_space<hbm>>
      %dma_wait3A_164 = arith.constant 0 : i32
      %dma_wait3A_165 = arith.constant 0 : i32
      %dma_wait3A_166 = tpu.memref_slice %arg5[%dma_wait3A_159, %dma_wait3A_164, %dma_wait3A_165] : memref<4000x80x128xf32, #tpu.memory_space<hbm>> -> memref<1x80x128xf32, #tpu.memory_space<hbm>>
      %dma_wait3A_167 = tpu.memref_squeeze %dma_wait3A_166 : memref<1x80x128xf32, #tpu.memory_space<hbm>> -> memref<80x128xf32, #tpu.memory_space<hbm>>
      tpu.wait_dma2 semaphore(%arg14 : memref<!tpu.dma_semaphore, #tpu.memory_space<semaphore_mem>>) src(%dma_wait3A_167 : memref<80x128xf32, #tpu.memory_space<hbm>>) dst(%arg9 : memref<80x128xf32, #tpu.memory_space<vmem>>)
      %scan3A_168 = arith.constant 0 : i32
      %scan3A_169 = arith.constant 0 : i32
      %scan3A_170 = arith.constant 80 : i32
      %scan3A_171 = arith.addi %scan3A_169, %scan3A_170 : i32
      %scan3A_172 = arith.constant 1 : i32
      scf.for %scan3A_174 = %scan3A_169 to %scan3A_171 step %scan3A_172  : i32 {
        %get3A = arith.index_cast %scan3A_174 : i32 to index
        %get3A_175 = arith.constant 0 : index
        %get3A_176 = tpu.vector_load %arg9[%get3A, %get3A_175] {strides = array<i32>} : memref<80x128xf32, #tpu.memory_space<vmem>>, vector<1x16xf32>,
        %get3A_177 = vector.shape_cast %get3A_176 : vector<1x16xf32> to vector<16xf32>
        %get3A_178 = arith.index_cast %scan3A_174 : i32 to index
        %get3A_179 = arith.constant 0 : index
        %get3A_180 = tpu.vector_load %arg11[%get3A_178, %get3A_179] {strides = array<i32>} : memref<80x128xf32, #tpu.memory_space<vmem>>, vector<1x16xf32>,
        %get3A_181 = vector.shape_cast %get3A_180 : vector<1x16xf32> to vector<16xf32>
        %add3A_182 = arith.addf %get3A_177, %get3A_181 : vector<16xf32>
        %max3A = arith.constant 0.000000e+00 : f32
        %max3A_183 = vector.broadcast %max3A : f32 to vector<16xf32>
        %max3A_184 = arith.maximumf %add3A_182, %max3A_183 : vector<16xf32>
        %swap3A = arith.index_cast %scan3A_174 : i32 to index
        %swap3A_185 = arith.constant 0 : index
        %swap3A_186 = tpu.vector_load %arg9[%swap3A, %swap3A_185] {strides = array<i32>} : memref<80x128xf32, #tpu.memory_space<vmem>>, vector<1x16xf32>,
        %swap3A_187 = vector.shape_cast %swap3A_186 : vector<1x16xf32> to vector<16xf32>
        %swap3A_188 = vector.shape_cast %max3A_184 : vector<16xf32> to vector<1x16xf32>
        tpu.vector_store %arg9[%swap3A, %swap3A_185], %swap3A_188 {strides = array<i32>} : memref<80x128xf32, #tpu.memory_space<vmem>>, vector<1x16xf32>,
        %get3A_189 = arith.index_cast %scan3A_174 : i32 to index
        %get3A_190 = arith.constant 16 : index
        %get3A_191 = tpu.vector_load %arg9[%get3A_189, %get3A_190] {strides = array<i32>} : memref<80x128xf32, #tpu.memory_space<vmem>>, vector<1x16xf32>,
        %get3A_192 = vector.shape_cast %get3A_191 : vector<1x16xf32> to vector<16xf32>
        %get3A_193 = arith.index_cast %scan3A_174 : i32 to index
        %get3A_194 = arith.constant 16 : index
        %get3A_195 = tpu.vector_load %arg11[%get3A_193, %get3A_194] {strides = array<i32>} : memref<80x128xf32, #tpu.memory_space<vmem>>, vector<1x16xf32>,
        %get3A_196 = vector.shape_cast %get3A_195 : vector<1x16xf32> to vector<16xf32>
        %add3A_197 = arith.addf %get3A_192, %get3A_196 : vector<16xf32>
        %max3A_198 = arith.constant 0.000000e+00 : f32
        %max3A_199 = vector.broadcast %max3A_198 : f32 to vector<16xf32>
        %max3A_200 = arith.maximumf %add3A_197, %max3A_199 : vector<16xf32>
        %swap3A_201 = arith.index_cast %scan3A_174 : i32 to index
        %swap3A_202 = arith.constant 16 : index
        %swap3A_203 = tpu.vector_load %arg9[%swap3A_201, %swap3A_202] {strides = array<i32>} : memref<80x128xf32, #tpu.memory_space<vmem>>, vector<1x16xf32>,
        %swap3A_204 = vector.shape_cast %swap3A_203 : vector<1x16xf32> to vector<16xf32>
        %swap3A_205 = vector.shape_cast %max3A_200 : vector<16xf32> to vector<1x16xf32>
        tpu.vector_store %arg9[%swap3A_201, %swap3A_202], %swap3A_205 {strides = array<i32>} : memref<80x128xf32, #tpu.memory_space<vmem>>, vector<1x16xf32>,
        %get3A_206 = arith.index_cast %scan3A_174 : i32 to index
        %get3A_207 = arith.constant 32 : index
        %get3A_208 = tpu.vector_load %arg9[%get3A_206, %get3A_207] {strides = array<i32>} : memref<80x128xf32, #tpu.memory_space<vmem>>, vector<1x16xf32>,
        %get3A_209 = vector.shape_cast %get3A_208 : vector<1x16xf32> to vector<16xf32>
        %get3A_210 = arith.index_cast %scan3A_174 : i32 to index
        %get3A_211 = arith.constant 32 : index
        %get3A_212 = tpu.vector_load %arg11[%get3A_210, %get3A_211] {strides = array<i32>} : memref<80x128xf32, #tpu.memory_space<vmem>>, vector<1x16xf32>,
        %get3A_213 = vector.shape_cast %get3A_212 : vector<1x16xf32> to vector<16xf32>
        %add3A_214 = arith.addf %get3A_209, %get3A_213 : vector<16xf32>
        %max3A_215 = arith.constant 0.000000e+00 : f32
        %max3A_216 = vector.broadcast %max3A_215 : f32 to vector<16xf32>
        %max3A_217 = arith.maximumf %add3A_214, %max3A_216 : vector<16xf32>
        %swap3A_218 = arith.index_cast %scan3A_174 : i32 to index
        %swap3A_219 = arith.constant 32 : index
        %swap3A_220 = tpu.vector_load %arg9[%swap3A_218, %swap3A_219] {strides = array<i32>} : memref<80x128xf32, #tpu.memory_space<vmem>>, vector<1x16xf32>,
        %swap3A_221 = vector.shape_cast %swap3A_220 : vector<1x16xf32> to vector<16xf32>
        %swap3A_222 = vector.shape_cast %max3A_217 : vector<16xf32> to vector<1x16xf32>
        tpu.vector_store %arg9[%swap3A_218, %swap3A_219], %swap3A_222 {strides = array<i32>} : memref<80x128xf32, #tpu.memory_space<vmem>>, vector<1x16xf32>,
        %get3A_223 = arith.index_cast %scan3A_174 : i32 to index
        %get3A_224 = arith.constant 48 : index
        %get3A_225 = tpu.vector_load %arg9[%get3A_223, %get3A_224] {strides = array<i32>} : memref<80x128xf32, #tpu.memory_space<vmem>>, vector<1x16xf32>,
        %get3A_226 = vector.shape_cast %get3A_225 : vector<1x16xf32> to vector<16xf32>
        %get3A_227 = arith.index_cast %scan3A_174 : i32 to index
        %get3A_228 = arith.constant 48 : index
        %get3A_229 = tpu.vector_load %arg11[%get3A_227, %get3A_228] {strides = array<i32>} : memref<80x128xf32, #tpu.memory_space<vmem>>, vector<1x16xf32>,
        %get3A_230 = vector.shape_cast %get3A_229 : vector<1x16xf32> to vector<16xf32>
        %add3A_231 = arith.addf %get3A_226, %get3A_230 : vector<16xf32>
        %max3A_232 = arith.constant 0.000000e+00 : f32
        %max3A_233 = vector.broadcast %max3A_232 : f32 to vector<16xf32>
        %max3A_234 = arith.maximumf %add3A_231, %max3A_233 : vector<16xf32>
        %swap3A_235 = arith.index_cast %scan3A_174 : i32 to index
        %swap3A_236 = arith.constant 48 : index
        %swap3A_237 = tpu.vector_load %arg9[%swap3A_235, %swap3A_236] {strides = array<i32>} : memref<80x128xf32, #tpu.memory_space<vmem>>, vector<1x16xf32>,
        %swap3A_238 = vector.shape_cast %swap3A_237 : vector<1x16xf32> to vector<16xf32>
        %swap3A_239 = vector.shape_cast %max3A_234 : vector<16xf32> to vector<1x16xf32>
        tpu.vector_store %arg9[%swap3A_235, %swap3A_236], %swap3A_239 {strides = array<i32>} : memref<80x128xf32, #tpu.memory_space<vmem>>, vector<1x16xf32>,
        %get3A_240 = arith.index_cast %scan3A_174 : i32 to index
        %get3A_241 = arith.constant 64 : index
        %get3A_242 = tpu.vector_load %arg9[%get3A_240, %get3A_241] {strides = array<i32>} : memref<80x128xf32, #tpu.memory_space<vmem>>, vector<1x16xf32>,
        %get3A_243 = vector.shape_cast %get3A_242 : vector<1x16xf32> to vector<16xf32>
        %get3A_244 = arith.index_cast %scan3A_174 : i32 to index
        %get3A_245 = arith.constant 64 : index
        %get3A_246 = tpu.vector_load %arg11[%get3A_244, %get3A_245] {strides = array<i32>} : memref<80x128xf32, #tpu.memory_space<vmem>>, vector<1x16xf32>,
        %get3A_247 = vector.shape_cast %get3A_246 : vector<1x16xf32> to vector<16xf32>
        %add3A_248 = arith.addf %get3A_243, %get3A_247 : vector<16xf32>
        %max3A_249 = arith.constant 0.000000e+00 : f32
        %max3A_250 = vector.broadcast %max3A_249 : f32 to vector<16xf32>
        %max3A_251 = arith.maximumf %add3A_248, %max3A_250 : vector<16xf32>
        %swap3A_252 = arith.index_cast %scan3A_174 : i32 to index
        %swap3A_253 = arith.constant 64 : index
        %swap3A_254 = tpu.vector_load %arg9[%swap3A_252, %swap3A_253] {strides = array<i32>} : memref<80x128xf32, #tpu.memory_space<vmem>>, vector<1x16xf32>,
        %swap3A_255 = vector.shape_cast %swap3A_254 : vector<1x16xf32> to vector<16xf32>
        %swap3A_256 = vector.shape_cast %max3A_251 : vector<16xf32> to vector<1x16xf32>
        tpu.vector_store %arg9[%swap3A_252, %swap3A_253], %swap3A_256 {strides = array<i32>} : memref<80x128xf32, #tpu.memory_space<vmem>>, vector<1x16xf32>,
        %get3A_257 = arith.index_cast %scan3A_174 : i32 to index
        %get3A_258 = arith.constant 80 : index
        %get3A_259 = tpu.vector_load %arg9[%get3A_257, %get3A_258] {strides = array<i32>} : memref<80x128xf32, #tpu.memory_space<vmem>>, vector<1x16xf32>,
        %get3A_260 = vector.shape_cast %get3A_259 : vector<1x16xf32> to vector<16xf32>
        %get3A_261 = arith.index_cast %scan3A_174 : i32 to index
        %get3A_262 = arith.constant 80 : index
        %get3A_263 = tpu.vector_load %arg11[%get3A_261, %get3A_262] {strides = array<i32>} : memref<80x128xf32, #tpu.memory_space<vmem>>, vector<1x16xf32>,
        %get3A_264 = vector.shape_cast %get3A_263 : vector<1x16xf32> to vector<16xf32>
        %add3A_265 = arith.addf %get3A_260, %get3A_264 : vector<16xf32>
        %max3A_266 = arith.constant 0.000000e+00 : f32
        %max3A_267 = vector.broadcast %max3A_266 : f32 to vector<16xf32>
        %max3A_268 = arith.maximumf %add3A_265, %max3A_267 : vector<16xf32>
        %swap3A_269 = arith.index_cast %scan3A_174 : i32 to index
        %swap3A_270 = arith.constant 80 : index
        %swap3A_271 = tpu.vector_load %arg9[%swap3A_269, %swap3A_270] {strides = array<i32>} : memref<80x128xf32, #tpu.memory_space<vmem>>, vector<1x16xf32>,
        %swap3A_272 = vector.shape_cast %swap3A_271 : vector<1x16xf32> to vector<16xf32>
        %swap3A_273 = vector.shape_cast %max3A_268 : vector<16xf32> to vector<1x16xf32>
        tpu.vector_store %arg9[%swap3A_269, %swap3A_270], %swap3A_273 {strides = array<i32>} : memref<80x128xf32, #tpu.memory_space<vmem>>, vector<1x16xf32>,
        %get3A_274 = arith.index_cast %scan3A_174 : i32 to index
        %get3A_275 = arith.constant 96 : index
        %get3A_276 = tpu.vector_load %arg9[%get3A_274, %get3A_275] {strides = array<i32>} : memref<80x128xf32, #tpu.memory_space<vmem>>, vector<1x16xf32>,
        %get3A_277 = vector.shape_cast %get3A_276 : vector<1x16xf32> to vector<16xf32>
        %get3A_278 = arith.index_cast %scan3A_174 : i32 to index
        %get3A_279 = arith.constant 96 : index
        %get3A_280 = tpu.vector_load %arg11[%get3A_278, %get3A_279] {strides = array<i32>} : memref<80x128xf32, #tpu.memory_space<vmem>>, vector<1x16xf32>,
        %get3A_281 = vector.shape_cast %get3A_280 : vector<1x16xf32> to vector<16xf32>
        %add3A_282 = arith.addf %get3A_277, %get3A_281 : vector<16xf32>
        %max3A_283 = arith.constant 0.000000e+00 : f32
        %max3A_284 = vector.broadcast %max3A_283 : f32 to vector<16xf32>
        %max3A_285 = arith.maximumf %add3A_282, %max3A_284 : vector<16xf32>
        %swap3A_286 = arith.index_cast %scan3A_174 : i32 to index
        %swap3A_287 = arith.constant 96 : index
        %swap3A_288 = tpu.vector_load %arg9[%swap3A_286, %swap3A_287] {strides = array<i32>} : memref<80x128xf32, #tpu.memory_space<vmem>>, vector<1x16xf32>,
        %swap3A_289 = vector.shape_cast %swap3A_288 : vector<1x16xf32> to vector<16xf32>
        %swap3A_290 = vector.shape_cast %max3A_285 : vector<16xf32> to vector<1x16xf32>
        tpu.vector_store %arg9[%swap3A_286, %swap3A_287], %swap3A_290 {strides = array<i32>} : memref<80x128xf32, #tpu.memory_space<vmem>>, vector<1x16xf32>,
        %get3A_291 = arith.index_cast %scan3A_174 : i32 to index
        %get3A_292 = arith.constant 112 : index
        %get3A_293 = tpu.vector_load %arg9[%get3A_291, %get3A_292] {strides = array<i32>} : memref<80x128xf32, #tpu.memory_space<vmem>>, vector<1x16xf32>,
        %get3A_294 = vector.shape_cast %get3A_293 : vector<1x16xf32> to vector<16xf32>
        %get3A_295 = arith.index_cast %scan3A_174 : i32 to index
        %get3A_296 = arith.constant 112 : index
        %get3A_297 = tpu.vector_load %arg11[%get3A_295, %get3A_296] {strides = array<i32>} : memref<80x128xf32, #tpu.memory_space<vmem>>, vector<1x16xf32>,
        %get3A_298 = vector.shape_cast %get3A_297 : vector<1x16xf32> to vector<16xf32>
        %add3A_299 = arith.addf %get3A_294, %get3A_298 : vector<16xf32>
        %max3A_300 = arith.constant 0.000000e+00 : f32
        %max3A_301 = vector.broadcast %max3A_300 : f32 to vector<16xf32>
        %max3A_302 = arith.maximumf %add3A_299, %max3A_301 : vector<16xf32>
        %swap3A_303 = arith.index_cast %scan3A_174 : i32 to index
        %swap3A_304 = arith.constant 112 : index
        %swap3A_305 = tpu.vector_load %arg9[%swap3A_303, %swap3A_304] {strides = array<i32>} : memref<80x128xf32, #tpu.memory_space<vmem>>, vector<1x16xf32>,
        %swap3A_306 = vector.shape_cast %swap3A_305 : vector<1x16xf32> to vector<16xf32>
        %swap3A_307 = vector.shape_cast %max3A_302 : vector<16xf32> to vector<1x16xf32>
        tpu.vector_store %arg9[%swap3A_303, %swap3A_304], %swap3A_307 {strides = array<i32>} : memref<80x128xf32, #tpu.memory_space<vmem>>, vector<1x16xf32>,
      }
      %scan3A_173 = arith.constant 80 : i32
      %run_scoped3A = arith.constant 24 : i32
      "tpu.region"() ({
        %run_scoped3A_174 = tpu.sem_alloc : memref<!tpu.dma_semaphore, #tpu.memory_space<semaphore_mem>>
        %dma_start3A_175 = arith.constant 0 : i32
        %dma_start3A_176 = tpu.memref_slice %arg8[%run_scoped3A, %dma_start3A_175] : memref<25x80xi32, #tpu.memory_space<vmem>> -> memref<1x80xi32, #tpu.memory_space<vmem>>
        %dma_start3A_177 = tpu.memref_squeeze %dma_start3A_176 : memref<1x80xi32, #tpu.memory_space<vmem>> -> memref<80xi32, #tpu.memory_space<vmem>>
        %dma_start3A_178 = arith.constant 0 : i32
        %dma_start3A_179 = arith.constant 0 : i32
        %dma_start3A_180 = tpu.memref_slice %arg13[%dma_start3A_178, %dma_start3A_179] : memref<10000x128xf32, #tpu.memory_space<vmem_shared>> -> memref<10000x128xf32, #tpu.memory_space<vmem_shared>>
        tpu.enqueue_indirect_dma source(%arg9 : memref<80x128xf32, #tpu.memory_space<vmem>>) target(%dma_start3A_180 : memref<10000x128xf32, #tpu.memory_space<vmem_shared>>) offsets(%dma_start3A_177 : memref<80xi32, #tpu.memory_space<vmem>>) semaphore(%run_scoped3A_174 : memref<!tpu.dma_semaphore, #tpu.memory_space<semaphore_mem>>) {add = true}
        %dma_wait3A_181 = arith.constant 0 : i32
        %dma_wait3A_182 = tpu.memref_slice %arg8[%run_scoped3A, %dma_wait3A_181] : memref<25x80xi32, #tpu.memory_space<vmem>> -> memref<1x80xi32, #tpu.memory_space<vmem>>
        %dma_wait3A_183 = tpu.memref_squeeze %dma_wait3A_182 : memref<1x80xi32, #tpu.memory_space<vmem>> -> memref<80xi32, #tpu.memory_space<vmem>>
        %dma_wait3A_184 = arith.constant 0 : i32
        %dma_wait3A_185 = arith.constant 0 : i32
        %dma_wait3A_186 = tpu.memref_slice %arg13[%dma_wait3A_184, %dma_wait3A_185] : memref<10000x128xf32, #tpu.memory_space<vmem_shared>> -> memref<10000x128xf32, #tpu.memory_space<vmem_shared>>
        tpu.wait_indirect_dma semaphore(%run_scoped3A_174 : memref<!tpu.dma_semaphore, #tpu.memory_space<semaphore_mem>>) src(%arg9 : memref<80x128xf32, #tpu.memory_space<vmem>>) dst(%dma_wait3A_186 : memref<10000x128xf32, #tpu.memory_space<vmem_shared>>)
        tpu.yield
      }) : () -> ()
    }
    %scan3A_65 = arith.constant 5 : i32
    %barrier3A_66 = arith.constant 0 : index
    tpu.barrier barrier_id(%barrier3A_66)
    %add3A_67 = arith.constant 0 : i32
    %add3A_68 = arith.addi %arg1, %add3A_67 : i32
    %lt3A_69 = arith.constant 125 : i32
    %lt3A_70 = arith.cmpi slt, %add3A_68, %lt3A_69 : i32
    %convert_element_type3A_71 = arith.extui %lt3A_70 : i1 to i32
    %cond3A_72 = arith.constant 0 : i32
    %cond3A_73 = arith.cmpi ne, %convert_element_type3A_71, %cond3A_72 : i32
    scf.if %cond3A_73 {
      %mul3A_123 = arith.constant 80 : i32
      %mul3A_124 = arith.muli %add3A_68, %mul3A_123 : i32
      %mul3A_125 = arith.constant 80 : i32
      %mul3A_126 = arith.muli %add3A_68, %mul3A_125 : i32
      "tpu.region"() ({
        %run_scoped3A = tpu.sem_alloc : memref<!tpu.dma_semaphore, #tpu.memory_space<semaphore_mem>>
        %dma_start3A = arith.constant 0 : i32
        %dma_start3A_127 = tpu.memref_slice %arg6[%arg0, %mul3A_126, %dma_start3A] : memref<2x10000x128xf32, #tpu.memory_space<hbm>> -> memref<1x80x128xf32, #tpu.memory_space<hbm>>
        %dma_start3A_128 = tpu.memref_squeeze %dma_start3A_127 : memref<1x80x128xf32, #tpu.memory_space<hbm>> -> memref<80x128xf32, #tpu.memory_space<hbm>>
        %dma_start3A_129 = arith.constant 0 : i32
        %dma_start3A_130 = tpu.memref_slice %arg13[%mul3A_124, %dma_start3A_129] : memref<10000x128xf32, #tpu.memory_space<vmem_shared>> -> memref<80x128xf32, #tpu.memory_space<vmem_shared>>
        tpu.enqueue_dma source(%dma_start3A_130 : memref<80x128xf32, #tpu.memory_space<vmem_shared>>) target(%dma_start3A_128 : memref<80x128xf32, #tpu.memory_space<hbm>>) target_semaphore(%run_scoped3A : memref<!tpu.dma_semaphore, #tpu.memory_space<semaphore_mem>>)
        %dma_wait3A = arith.constant 0 : i32
        %dma_wait3A_131 = tpu.memref_slice %arg6[%arg0, %mul3A_126, %dma_wait3A] : memref<2x10000x128xf32, #tpu.memory_space<hbm>> -> memref<1x80x128xf32, #tpu.memory_space<hbm>>
        %dma_wait3A_132 = tpu.memref_squeeze %dma_wait3A_131 : memref<1x80x128xf32, #tpu.memory_space<hbm>> -> memref<80x128xf32, #tpu.memory_space<hbm>>
        %dma_wait3A_133 = arith.constant 0 : i32
        %dma_wait3A_134 = tpu.memref_slice %arg13[%mul3A_124, %dma_wait3A_133] : memref<10000x128xf32, #tpu.memory_space<vmem_shared>> -> memref<80x128xf32, #tpu.memory_space<vmem_shared>>
        tpu.wait_dma2 semaphore(%run_scoped3A : memref<!tpu.dma_semaphore, #tpu.memory_space<semaphore_mem>>) src(%dma_wait3A_134 : memref<80x128xf32, #tpu.memory_space<vmem_shared>>) dst(%dma_wait3A_132 : memref<80x128xf32, #tpu.memory_space<hbm>>)
        tpu.yield
      }) : () -> ()
    } else {
    }
    %add3A_74 = arith.constant 16 : i32
    %add3A_75 = arith.addi %arg1, %add3A_74 : i32
    %lt3A_76 = arith.constant 125 : i32
    %lt3A_77 = arith.cmpi slt, %add3A_75, %lt3A_76 : i32
    %convert_element_type3A_78 = arith.extui %lt3A_77 : i1 to i32
    %cond3A_79 = arith.constant 0 : i32
    %cond3A_80 = arith.cmpi ne, %convert_element_type3A_78, %cond3A_79 : i32
    scf.if %cond3A_80 {
      %mul3A_123 = arith.constant 80 : i32
      %mul3A_124 = arith.muli %add3A_75, %mul3A_123 : i32
      %mul3A_125 = arith.constant 80 : i32
      %mul3A_126 = arith.muli %add3A_75, %mul3A_125 : i32
      "tpu.region"() ({
        %run_scoped3A = tpu.sem_alloc : memref<!tpu.dma_semaphore, #tpu.memory_space<semaphore_mem>>
        %dma_start3A = arith.constant 0 : i32
        %dma_start3A_127 = tpu.memref_slice %arg6[%arg0, %mul3A_126, %dma_start3A] : memref<2x10000x128xf32, #tpu.memory_space<hbm>> -> memref<1x80x128xf32, #tpu.memory_space<hbm>>
        %dma_start3A_128 = tpu.memref_squeeze %dma_start3A_127 : memref<1x80x128xf32, #tpu.memory_space<hbm>> -> memref<80x128xf32, #tpu.memory_space<hbm>>
        %dma_start3A_129 = arith.constant 0 : i32
        %dma_start3A_130 = tpu.memref_slice %arg13[%mul3A_124, %dma_start3A_129] : memref<10000x128xf32, #tpu.memory_space<vmem_shared>> -> memref<80x128xf32, #tpu.memory_space<vmem_shared>>
        tpu.enqueue_dma source(%dma_start3A_130 : memref<80x128xf32, #tpu.memory_space<vmem_shared>>) target(%dma_start3A_128 : memref<80x128xf32, #tpu.memory_space<hbm>>) target_semaphore(%run_scoped3A : memref<!tpu.dma_semaphore, #tpu.memory_space<semaphore_mem>>)
        %dma_wait3A = arith.constant 0 : i32
        %dma_wait3A_131 = tpu.memref_slice %arg6[%arg0, %mul3A_126, %dma_wait3A] : memref<2x10000x128xf32, #tpu.memory_space<hbm>> -> memref<1x80x128xf32, #tpu.memory_space<hbm>>
        %dma_wait3A_132 = tpu.memref_squeeze %dma_wait3A_131 : memref<1x80x128xf32, #tpu.memory_space<hbm>> -> memref<80x128xf32, #tpu.memory_space<hbm>>
        %dma_wait3A_133 = arith.constant 0 : i32
        %dma_wait3A_134 = tpu.memref_slice %arg13[%mul3A_124, %dma_wait3A_133] : memref<10000x128xf32, #tpu.memory_space<vmem_shared>> -> memref<80x128xf32, #tpu.memory_space<vmem_shared>>
        tpu.wait_dma2 semaphore(%run_scoped3A : memref<!tpu.dma_semaphore, #tpu.memory_space<semaphore_mem>>) src(%dma_wait3A_134 : memref<80x128xf32, #tpu.memory_space<vmem_shared>>) dst(%dma_wait3A_132 : memref<80x128xf32, #tpu.memory_space<hbm>>)
        tpu.yield
      }) : () -> ()
    } else {
    }
    %add3A_81 = arith.constant 32 : i32
    %add3A_82 = arith.addi %arg1, %add3A_81 : i32
    %lt3A_83 = arith.constant 125 : i32
    %lt3A_84 = arith.cmpi slt, %add3A_82, %lt3A_83 : i32
    %convert_element_type3A_85 = arith.extui %lt3A_84 : i1 to i32
    %cond3A_86 = arith.constant 0 : i32
    %cond3A_87 = arith.cmpi ne, %convert_element_type3A_85, %cond3A_86 : i32
    scf.if %cond3A_87 {
      %mul3A_123 = arith.constant 80 : i32
      %mul3A_124 = arith.muli %add3A_82, %mul3A_123 : i32
      %mul3A_125 = arith.constant 80 : i32
      %mul3A_126 = arith.muli %add3A_82, %mul3A_125 : i32
      "tpu.region"() ({
        %run_scoped3A = tpu.sem_alloc : memref<!tpu.dma_semaphore, #tpu.memory_space<semaphore_mem>>
        %dma_start3A = arith.constant 0 : i32
        %dma_start3A_127 = tpu.memref_slice %arg6[%arg0, %mul3A_126, %dma_start3A] : memref<2x10000x128xf32, #tpu.memory_space<hbm>> -> memref<1x80x128xf32, #tpu.memory_space<hbm>>
        %dma_start3A_128 = tpu.memref_squeeze %dma_start3A_127 : memref<1x80x128xf32, #tpu.memory_space<hbm>> -> memref<80x128xf32, #tpu.memory_space<hbm>>
        %dma_start3A_129 = arith.constant 0 : i32
        %dma_start3A_130 = tpu.memref_slice %arg13[%mul3A_124, %dma_start3A_129] : memref<10000x128xf32, #tpu.memory_space<vmem_shared>> -> memref<80x128xf32, #tpu.memory_space<vmem_shared>>
        tpu.enqueue_dma source(%dma_start3A_130 : memref<80x128xf32, #tpu.memory_space<vmem_shared>>) target(%dma_start3A_128 : memref<80x128xf32, #tpu.memory_space<hbm>>) target_semaphore(%run_scoped3A : memref<!tpu.dma_semaphore, #tpu.memory_space<semaphore_mem>>)
        %dma_wait3A = arith.constant 0 : i32
        %dma_wait3A_131 = tpu.memref_slice %arg6[%arg0, %mul3A_126, %dma_wait3A] : memref<2x10000x128xf32, #tpu.memory_space<hbm>> -> memref<1x80x128xf32, #tpu.memory_space<hbm>>
        %dma_wait3A_132 = tpu.memref_squeeze %dma_wait3A_131 : memref<1x80x128xf32, #tpu.memory_space<hbm>> -> memref<80x128xf32, #tpu.memory_space<hbm>>
        %dma_wait3A_133 = arith.constant 0 : i32
        %dma_wait3A_134 = tpu.memref_slice %arg13[%mul3A_124, %dma_wait3A_133] : memref<10000x128xf32, #tpu.memory_space<vmem_shared>> -> memref<80x128xf32, #tpu.memory_space<vmem_shared>>
        tpu.wait_dma2 semaphore(%run_scoped3A : memref<!tpu.dma_semaphore, #tpu.memory_space<semaphore_mem>>) src(%dma_wait3A_134 : memref<80x128xf32, #tpu.memory_space<vmem_shared>>) dst(%dma_wait3A_132 : memref<80x128xf32, #tpu.memory_space<hbm>>)
        tpu.yield
      }) : () -> ()
    } else {
    }
    %add3A_88 = arith.constant 48 : i32
    %add3A_89 = arith.addi %arg1, %add3A_88 : i32
    %lt3A_90 = arith.constant 125 : i32
    %lt3A_91 = arith.cmpi slt, %add3A_89, %lt3A_90 : i32
    %convert_element_type3A_92 = arith.extui %lt3A_91 : i1 to i32
    %cond3A_93 = arith.constant 0 : i32
    %cond3A_94 = arith.cmpi ne, %convert_element_type3A_92, %cond3A_93 : i32
    scf.if %cond3A_94 {
      %mul3A_123 = arith.constant 80 : i32
      %mul3A_124 = arith.muli %add3A_89, %mul3A_123 : i32
      %mul3A_125 = arith.constant 80 : i32
      %mul3A_126 = arith.muli %add3A_89, %mul3A_125 : i32
      "tpu.region"() ({
        %run_scoped3A = tpu.sem_alloc : memref<!tpu.dma_semaphore, #tpu.memory_space<semaphore_mem>>
        %dma_start3A = arith.constant 0 : i32
        %dma_start3A_127 = tpu.memref_slice %arg6[%arg0, %mul3A_126, %dma_start3A] : memref<2x10000x128xf32, #tpu.memory_space<hbm>> -> memref<1x80x128xf32, #tpu.memory_space<hbm>>
        %dma_start3A_128 = tpu.memref_squeeze %dma_start3A_127 : memref<1x80x128xf32, #tpu.memory_space<hbm>> -> memref<80x128xf32, #tpu.memory_space<hbm>>
        %dma_start3A_129 = arith.constant 0 : i32
        %dma_start3A_130 = tpu.memref_slice %arg13[%mul3A_124, %dma_start3A_129] : memref<10000x128xf32, #tpu.memory_space<vmem_shared>> -> memref<80x128xf32, #tpu.memory_space<vmem_shared>>
        tpu.enqueue_dma source(%dma_start3A_130 : memref<80x128xf32, #tpu.memory_space<vmem_shared>>) target(%dma_start3A_128 : memref<80x128xf32, #tpu.memory_space<hbm>>) target_semaphore(%run_scoped3A : memref<!tpu.dma_semaphore, #tpu.memory_space<semaphore_mem>>)
        %dma_wait3A = arith.constant 0 : i32
        %dma_wait3A_131 = tpu.memref_slice %arg6[%arg0, %mul3A_126, %dma_wait3A] : memref<2x10000x128xf32, #tpu.memory_space<hbm>> -> memref<1x80x128xf32, #tpu.memory_space<hbm>>
        %dma_wait3A_132 = tpu.memref_squeeze %dma_wait3A_131 : memref<1x80x128xf32, #tpu.memory_space<hbm>> -> memref<80x128xf32, #tpu.memory_space<hbm>>
        %dma_wait3A_133 = arith.constant 0 : i32
        %dma_wait3A_134 = tpu.memref_slice %arg13[%mul3A_124, %dma_wait3A_133] : memref<10000x128xf32, #tpu.memory_space<vmem_shared>> -> memref<80x128xf32, #tpu.memory_space<vmem_shared>>
        tpu.wait_dma2 semaphore(%run_scoped3A : memref<!tpu.dma_semaphore, #tpu.memory_space<semaphore_mem>>) src(%dma_wait3A_134 : memref<80x128xf32, #tpu.memory_space<vmem_shared>>) dst(%dma_wait3A_132 : memref<80x128xf32, #tpu.memory_space<hbm>>)
        tpu.yield
      }) : () -> ()
    } else {
    }
    %add3A_95 = arith.constant 64 : i32
    %add3A_96 = arith.addi %arg1, %add3A_95 : i32
    %lt3A_97 = arith.constant 125 : i32
    %lt3A_98 = arith.cmpi slt, %add3A_96, %lt3A_97 : i32
    %convert_element_type3A_99 = arith.extui %lt3A_98 : i1 to i32
    %cond3A_100 = arith.constant 0 : i32
    %cond3A_101 = arith.cmpi ne, %convert_element_type3A_99, %cond3A_100 : i32
    scf.if %cond3A_101 {
      %mul3A_123 = arith.constant 80 : i32
      %mul3A_124 = arith.muli %add3A_96, %mul3A_123 : i32
      %mul3A_125 = arith.constant 80 : i32
      %mul3A_126 = arith.muli %add3A_96, %mul3A_125 : i32
      "tpu.region"() ({
        %run_scoped3A = tpu.sem_alloc : memref<!tpu.dma_semaphore, #tpu.memory_space<semaphore_mem>>
        %dma_start3A = arith.constant 0 : i32
        %dma_start3A_127 = tpu.memref_slice %arg6[%arg0, %mul3A_126, %dma_start3A] : memref<2x10000x128xf32, #tpu.memory_space<hbm>> -> memref<1x80x128xf32, #tpu.memory_space<hbm>>
        %dma_start3A_128 = tpu.memref_squeeze %dma_start3A_127 : memref<1x80x128xf32, #tpu.memory_space<hbm>> -> memref<80x128xf32, #tpu.memory_space<hbm>>
        %dma_start3A_129 = arith.constant 0 : i32
        %dma_start3A_130 = tpu.memref_slice %arg13[%mul3A_124, %dma_start3A_129] : memref<10000x128xf32, #tpu.memory_space<vmem_shared>> -> memref<80x128xf32, #tpu.memory_space<vmem_shared>>
        tpu.enqueue_dma source(%dma_start3A_130 : memref<80x128xf32, #tpu.memory_space<vmem_shared>>) target(%dma_start3A_128 : memref<80x128xf32, #tpu.memory_space<hbm>>) target_semaphore(%run_scoped3A : memref<!tpu.dma_semaphore, #tpu.memory_space<semaphore_mem>>)
        %dma_wait3A = arith.constant 0 : i32
        %dma_wait3A_131 = tpu.memref_slice %arg6[%arg0, %mul3A_126, %dma_wait3A] : memref<2x10000x128xf32, #tpu.memory_space<hbm>> -> memref<1x80x128xf32, #tpu.memory_space<hbm>>
        %dma_wait3A_132 = tpu.memref_squeeze %dma_wait3A_131 : memref<1x80x128xf32, #tpu.memory_space<hbm>> -> memref<80x128xf32, #tpu.memory_space<hbm>>
        %dma_wait3A_133 = arith.constant 0 : i32
        %dma_wait3A_134 = tpu.memref_slice %arg13[%mul3A_124, %dma_wait3A_133] : memref<10000x128xf32, #tpu.memory_space<vmem_shared>> -> memref<80x128xf32, #tpu.memory_space<vmem_shared>>
        tpu.wait_dma2 semaphore(%run_scoped3A : memref<!tpu.dma_semaphore, #tpu.memory_space<semaphore_mem>>) src(%dma_wait3A_134 : memref<80x128xf32, #tpu.memory_space<vmem_shared>>) dst(%dma_wait3A_132 : memref<80x128xf32, #tpu.memory_space<hbm>>)
        tpu.yield
      }) : () -> ()
    } else {
    }
    %add3A_102 = arith.constant 80 : i32
    %add3A_103 = arith.addi %arg1, %add3A_102 : i32
    %lt3A_104 = arith.constant 125 : i32
    %lt3A_105 = arith.cmpi slt, %add3A_103, %lt3A_104 : i32
    %convert_element_type3A_106 = arith.extui %lt3A_105 : i1 to i32
    %cond3A_107 = arith.constant 0 : i32
    %cond3A_108 = arith.cmpi ne, %convert_element_type3A_106, %cond3A_107 : i32
    scf.if %cond3A_108 {
      %mul3A_123 = arith.constant 80 : i32
      %mul3A_124 = arith.muli %add3A_103, %mul3A_123 : i32
      %mul3A_125 = arith.constant 80 : i32
      %mul3A_126 = arith.muli %add3A_103, %mul3A_125 : i32
      "tpu.region"() ({
        %run_scoped3A = tpu.sem_alloc : memref<!tpu.dma_semaphore, #tpu.memory_space<semaphore_mem>>
        %dma_start3A = arith.constant 0 : i32
        %dma_start3A_127 = tpu.memref_slice %arg6[%arg0, %mul3A_126, %dma_start3A] : memref<2x10000x128xf32, #tpu.memory_space<hbm>> -> memref<1x80x128xf32, #tpu.memory_space<hbm>>
        %dma_start3A_128 = tpu.memref_squeeze %dma_start3A_127 : memref<1x80x128xf32, #tpu.memory_space<hbm>> -> memref<80x128xf32, #tpu.memory_space<hbm>>
        %dma_start3A_129 = arith.constant 0 : i32
        %dma_start3A_130 = tpu.memref_slice %arg13[%mul3A_124, %dma_start3A_129] : memref<10000x128xf32, #tpu.memory_space<vmem_shared>> -> memref<80x128xf32, #tpu.memory_space<vmem_shared>>
        tpu.enqueue_dma source(%dma_start3A_130 : memref<80x128xf32, #tpu.memory_space<vmem_shared>>) target(%dma_start3A_128 : memref<80x128xf32, #tpu.memory_space<hbm>>) target_semaphore(%run_scoped3A : memref<!tpu.dma_semaphore, #tpu.memory_space<semaphore_mem>>)
        %dma_wait3A = arith.constant 0 : i32
        %dma_wait3A_131 = tpu.memref_slice %arg6[%arg0, %mul3A_126, %dma_wait3A] : memref<2x10000x128xf32, #tpu.memory_space<hbm>> -> memref<1x80x128xf32, #tpu.memory_space<hbm>>
        %dma_wait3A_132 = tpu.memref_squeeze %dma_wait3A_131 : memref<1x80x128xf32, #tpu.memory_space<hbm>> -> memref<80x128xf32, #tpu.memory_space<hbm>>
        %dma_wait3A_133 = arith.constant 0 : i32
        %dma_wait3A_134 = tpu.memref_slice %arg13[%mul3A_124, %dma_wait3A_133] : memref<10000x128xf32, #tpu.memory_space<vmem_shared>> -> memref<80x128xf32, #tpu.memory_space<vmem_shared>>
        tpu.wait_dma2 semaphore(%run_scoped3A : memref<!tpu.dma_semaphore, #tpu.memory_space<semaphore_mem>>) src(%dma_wait3A_134 : memref<80x128xf32, #tpu.memory_space<vmem_shared>>) dst(%dma_wait3A_132 : memref<80x128xf32, #tpu.memory_space<hbm>>)
        tpu.yield
      }) : () -> ()
    } else {
    }
    %add3A_109 = arith.constant 96 : i32
    %add3A_110 = arith.addi %arg1, %add3A_109 : i32
    %lt3A_111 = arith.constant 125 : i32
    %lt3A_112 = arith.cmpi slt, %add3A_110, %lt3A_111 : i32
    %convert_element_type3A_113 = arith.extui %lt3A_112 : i1 to i32
    %cond3A_114 = arith.constant 0 : i32
    %cond3A_115 = arith.cmpi ne, %convert_element_type3A_113, %cond3A_114 : i32
    scf.if %cond3A_115 {
      %mul3A_123 = arith.constant 80 : i32
      %mul3A_124 = arith.muli %add3A_110, %mul3A_123 : i32
      %mul3A_125 = arith.constant 80 : i32
      %mul3A_126 = arith.muli %add3A_110, %mul3A_125 : i32
      "tpu.region"() ({
        %run_scoped3A = tpu.sem_alloc : memref<!tpu.dma_semaphore, #tpu.memory_space<semaphore_mem>>
        %dma_start3A = arith.constant 0 : i32
        %dma_start3A_127 = tpu.memref_slice %arg6[%arg0, %mul3A_126, %dma_start3A] : memref<2x10000x128xf32, #tpu.memory_space<hbm>> -> memref<1x80x128xf32, #tpu.memory_space<hbm>>
        %dma_start3A_128 = tpu.memref_squeeze %dma_start3A_127 : memref<1x80x128xf32, #tpu.memory_space<hbm>> -> memref<80x128xf32, #tpu.memory_space<hbm>>
        %dma_start3A_129 = arith.constant 0 : i32
        %dma_start3A_130 = tpu.memref_slice %arg13[%mul3A_124, %dma_start3A_129] : memref<10000x128xf32, #tpu.memory_space<vmem_shared>> -> memref<80x128xf32, #tpu.memory_space<vmem_shared>>
        tpu.enqueue_dma source(%dma_start3A_130 : memref<80x128xf32, #tpu.memory_space<vmem_shared>>) target(%dma_start3A_128 : memref<80x128xf32, #tpu.memory_space<hbm>>) target_semaphore(%run_scoped3A : memref<!tpu.dma_semaphore, #tpu.memory_space<semaphore_mem>>)
        %dma_wait3A = arith.constant 0 : i32
        %dma_wait3A_131 = tpu.memref_slice %arg6[%arg0, %mul3A_126, %dma_wait3A] : memref<2x10000x128xf32, #tpu.memory_space<hbm>> -> memref<1x80x128xf32, #tpu.memory_space<hbm>>
        %dma_wait3A_132 = tpu.memref_squeeze %dma_wait3A_131 : memref<1x80x128xf32, #tpu.memory_space<hbm>> -> memref<80x128xf32, #tpu.memory_space<hbm>>
        %dma_wait3A_133 = arith.constant 0 : i32
        %dma_wait3A_134 = tpu.memref_slice %arg13[%mul3A_124, %dma_wait3A_133] : memref<10000x128xf32, #tpu.memory_space<vmem_shared>> -> memref<80x128xf32, #tpu.memory_space<vmem_shared>>
        tpu.wait_dma2 semaphore(%run_scoped3A : memref<!tpu.dma_semaphore, #tpu.memory_space<semaphore_mem>>) src(%dma_wait3A_134 : memref<80x128xf32, #tpu.memory_space<vmem_shared>>) dst(%dma_wait3A_132 : memref<80x128xf32, #tpu.memory_space<hbm>>)
        tpu.yield
      }) : () -> ()
    } else {
    }
    %add3A_116 = arith.constant 112 : i32
    %add3A_117 = arith.addi %arg1, %add3A_116 : i32
    %lt3A_118 = arith.constant 125 : i32
    %lt3A_119 = arith.cmpi slt, %add3A_117, %lt3A_118 : i32
    %convert_element_type3A_120 = arith.extui %lt3A_119 : i1 to i32
    %cond3A_121 = arith.constant 0 : i32
    %cond3A_122 = arith.cmpi ne, %convert_element_type3A_120, %cond3A_121 : i32
    scf.if %cond3A_122 {
      %mul3A_123 = arith.constant 80 : i32
      %mul3A_124 = arith.muli %add3A_117, %mul3A_123 : i32
      %mul3A_125 = arith.constant 80 : i32
      %mul3A_126 = arith.muli %add3A_117, %mul3A_125 : i32
      "tpu.region"() ({
        %run_scoped3A = tpu.sem_alloc : memref<!tpu.dma_semaphore, #tpu.memory_space<semaphore_mem>>
        %dma_start3A = arith.constant 0 : i32
        %dma_start3A_127 = tpu.memref_slice %arg6[%arg0, %mul3A_126, %dma_start3A] : memref<2x10000x128xf32, #tpu.memory_space<hbm>> -> memref<1x80x128xf32, #tpu.memory_space<hbm>>
        %dma_start3A_128 = tpu.memref_squeeze %dma_start3A_127 : memref<1x80x128xf32, #tpu.memory_space<hbm>> -> memref<80x128xf32, #tpu.memory_space<hbm>>
        %dma_start3A_129 = arith.constant 0 : i32
        %dma_start3A_130 = tpu.memref_slice %arg13[%mul3A_124, %dma_start3A_129] : memref<10000x128xf32, #tpu.memory_space<vmem_shared>> -> memref<80x128xf32, #tpu.memory_space<vmem_shared>>
        tpu.enqueue_dma source(%dma_start3A_130 : memref<80x128xf32, #tpu.memory_space<vmem_shared>>) target(%dma_start3A_128 : memref<80x128xf32, #tpu.memory_space<hbm>>) target_semaphore(%run_scoped3A : memref<!tpu.dma_semaphore, #tpu.memory_space<semaphore_mem>>)
        %dma_wait3A = arith.constant 0 : i32
        %dma_wait3A_131 = tpu.memref_slice %arg6[%arg0, %mul3A_126, %dma_wait3A] : memref<2x10000x128xf32, #tpu.memory_space<hbm>> -> memref<1x80x128xf32, #tpu.memory_space<hbm>>
        %dma_wait3A_132 = tpu.memref_squeeze %dma_wait3A_131 : memref<1x80x128xf32, #tpu.memory_space<hbm>> -> memref<80x128xf32, #tpu.memory_space<hbm>>
        %dma_wait3A_133 = arith.constant 0 : i32
        %dma_wait3A_134 = tpu.memref_slice %arg13[%mul3A_124, %dma_wait3A_133] : memref<10000x128xf32, #tpu.memory_space<vmem_shared>> -> memref<80x128xf32, #tpu.memory_space<vmem_shared>>
        tpu.wait_dma2 semaphore(%run_scoped3A : memref<!tpu.dma_semaphore, #tpu.memory_space<semaphore_mem>>) src(%dma_wait3A_134 : memref<80x128xf32, #tpu.memory_space<vmem_shared>>) dst(%dma_wait3A_132 : memref<80x128xf32, #tpu.memory_space<hbm>>)
        tpu.yield
      }) : () -> ()
    } else {
    }
    return
  }
}

#map = affine_map<(d0, d1) -> (0, 0)>
#map1 = affine_map<(d0, d1) -> (0, 0, 0, 0)>
#map2 = affine_map<(d0, d1) -> (0, 0, 0)>
module attributes {stable_mosaic.version = 14 : i64} {
  func.func @_sc_body(%arg0: i32, %arg1: i32, %arg2: memref<10000x128xf32, #tpu.memory_space<hbm>>, %arg3: memref<32x5x25x80xi32, #tpu.memory_space<hbm>>, %arg4: memref<32x5x25x80xi32, #tpu.memory_space<hbm>>, %arg5: memref<4000x80x128xf32, #tpu.memory_space<hbm>>, %arg6: memref<2x10000x128xf32, #tpu.memory_space<hbm>>, %arg7: memref<25x80xi32, #tpu.memory_space<vmem>>, %arg8: memref<25x80xi32, #tpu.memory_space<vmem>>, %arg9: memref<80x128xf32, #tpu.memory_space<vmem>>, %arg10: memref<80x128xf32, #tpu.memory_space<vmem>>, %arg11: memref<80x128xf32, #tpu.memory_space<vmem>>, %arg12: memref<80x128xf32, #tpu.memory_space<vmem>>, %arg13: memref<10000x128xf32, #tpu.memory_space<vmem_shared>>, %arg14: memref<!tpu.dma_semaphore, #tpu.memory_space<semaphore_mem>>, %arg15: memref<!tpu.dma_semaphore, #tpu.memory_space<semaphore_mem>>, %arg16: memref<!tpu.dma_semaphore, #tpu.memory_space<semaphore_mem>>, %arg17: memref<!tpu.dma_semaphore, #tpu.memory_space<semaphore_mem>>) attributes {dimension_semantics = [#tpu.dimension_semantics<core_parallel>, #tpu.dimension_semantics<subcore_parallel>], iteration_bounds = array<i64: 2, 16>, scalar_prefetch = 0 : i64, scratch_operands = 11 : i64, tpu.core_type = #tpu.core_type<sc_vector_subcore>, window_params = [{transform_indices = #map}, {transform_indices = #map1}, {transform_indices = #map1}, {transform_indices = #map2}, {transform_indices = #map2}]} {
    %mul3A = arith.constant 2 : i32
    %mul3A_0 = arith.muli %arg1, %mul3A : i32
    %add3A = arith.addi %mul3A_0, %arg0 : i32
    %broadcast_in_dim3A = arith.constant 0.000000e+00 : f32
    %broadcast_in_dim3A_1 = vector.broadcast %broadcast_in_dim3A : f32 to vector<16xf32>
    %scan3A = arith.constant 0 : i32
    %scan3A_2 = arith.constant 0 : i32
    %scan3A_3 = arith.constant 80 : i32
    %scan3A_4 = arith.addi %scan3A_2, %scan3A_3 : i32
    %scan3A_5 = arith.constant 1 : i32
    scf.for %scan3A_123 = %scan3A_2 to %scan3A_4 step %scan3A_5  : i32 {
      %swap3A = arith.index_cast %scan3A_123 : i32 to index
      %swap3A_124 = arith.constant 0 : index
      %swap3A_125 = tpu.vector_load %arg9[%swap3A, %swap3A_124] {strides = array<i32>} : memref<80x128xf32, #tpu.memory_space<vmem>>, vector<1x16xf32>,
      %swap3A_126 = vector.shape_cast %swap3A_125 : vector<1x16xf32> to vector<16xf32>
      %swap3A_127 = vector.shape_cast %broadcast_in_dim3A_1 : vector<16xf32> to vector<1x16xf32>
      tpu.vector_store %arg9[%swap3A, %swap3A_124], %swap3A_127 {strides = array<i32>} : memref<80x128xf32, #tpu.memory_space<vmem>>, vector<1x16xf32>,
      %swap3A_128 = arith.index_cast %scan3A_123 : i32 to index
      %swap3A_129 = arith.constant 16 : index
      %swap3A_130 = tpu.vector_load %arg9[%swap3A_128, %swap3A_129] {strides = array<i32>} : memref<80x128xf32, #tpu.memory_space<vmem>>, vector<1x16xf32>,
      %swap3A_131 = vector.shape_cast %swap3A_130 : vector<1x16xf32> to vector<16xf32>
      %swap3A_132 = vector.shape_cast %broadcast_in_dim3A_1 : vector<16xf32> to vector<1x16xf32>
      tpu.vector_store %arg9[%swap3A_128, %swap3A_129], %swap3A_132 {strides = array<i32>} : memref<80x128xf32, #tpu.memory_space<vmem>>, vector<1x16xf32>,
      %swap3A_133 = arith.index_cast %scan3A_123 : i32 to index
      %swap3A_134 = arith.constant 32 : index
      %swap3A_135 = tpu.vector_load %arg9[%swap3A_133, %swap3A_134] {strides = array<i32>} : memref<80x128xf32, #tpu.memory_space<vmem>>, vector<1x16xf32>,
      %swap3A_136 = vector.shape_cast %swap3A_135 : vector<1x16xf32> to vector<16xf32>
      %swap3A_137 = vector.shape_cast %broadcast_in_dim3A_1 : vector<16xf32> to vector<1x16xf32>
      tpu.vector_store %arg9[%swap3A_133, %swap3A_134], %swap3A_137 {strides = array<i32>} : memref<80x128xf32, #tpu.memory_space<vmem>>, vector<1x16xf32>,
      %swap3A_138 = arith.index_cast %scan3A_123 : i32 to index
      %swap3A_139 = arith.constant 48 : index
      %swap3A_140 = tpu.vector_load %arg9[%swap3A_138, %swap3A_139] {strides = array<i32>} : memref<80x128xf32, #tpu.memory_space<vmem>>, vector<1x16xf32>,
      %swap3A_141 = vector.shape_cast %swap3A_140 : vector<1x16xf32> to vector<16xf32>
      %swap3A_142 = vector.shape_cast %broadcast_in_dim3A_1 : vector<16xf32> to vector<1x16xf32>
      tpu.vector_store %arg9[%swap3A_138, %swap3A_139], %swap3A_142 {strides = array<i32>} : memref<80x128xf32, #tpu.memory_space<vmem>>, vector<1x16xf32>,
      %swap3A_143 = arith.index_cast %scan3A_123 : i32 to index
      %swap3A_144 = arith.constant 64 : index
      %swap3A_145 = tpu.vector_load %arg9[%swap3A_143, %swap3A_144] {strides = array<i32>} : memref<80x128xf32, #tpu.memory_space<vmem>>, vector<1x16xf32>,
      %swap3A_146 = vector.shape_cast %swap3A_145 : vector<1x16xf32> to vector<16xf32>
      %swap3A_147 = vector.shape_cast %broadcast_in_dim3A_1 : vector<16xf32> to vector<1x16xf32>
      tpu.vector_store %arg9[%swap3A_143, %swap3A_144], %swap3A_147 {strides = array<i32>} : memref<80x128xf32, #tpu.memory_space<vmem>>, vector<1x16xf32>,
      %swap3A_148 = arith.index_cast %scan3A_123 : i32 to index
      %swap3A_149 = arith.constant 80 : index
      %swap3A_150 = tpu.vector_load %arg9[%swap3A_148, %swap3A_149] {strides = array<i32>} : memref<80x128xf32, #tpu.memory_space<vmem>>, vector<1x16xf32>,
      %swap3A_151 = vector.shape_cast %swap3A_150 : vector<1x16xf32> to vector<16xf32>
      %swap3A_152 = vector.shape_cast %broadcast_in_dim3A_1 : vector<16xf32> to vector<1x16xf32>
      tpu.vector_store %arg9[%swap3A_148, %swap3A_149], %swap3A_152 {strides = array<i32>} : memref<80x128xf32, #tpu.memory_space<vmem>>, vector<1x16xf32>,
      %swap3A_153 = arith.index_cast %scan3A_123 : i32 to index
      %swap3A_154 = arith.constant 96 : index
      %swap3A_155 = tpu.vector_load %arg9[%swap3A_153, %swap3A_154] {strides = array<i32>} : memref<80x128xf32, #tpu.memory_space<vmem>>, vector<1x16xf32>,
      %swap3A_156 = vector.shape_cast %swap3A_155 : vector<1x16xf32> to vector<16xf32>
      %swap3A_157 = vector.shape_cast %broadcast_in_dim3A_1 : vector<16xf32> to vector<1x16xf32>
      tpu.vector_store %arg9[%swap3A_153, %swap3A_154], %swap3A_157 {strides = array<i32>} : memref<80x128xf32, #tpu.memory_space<vmem>>, vector<1x16xf32>,
      %swap3A_158 = arith.index_cast %scan3A_123 : i32 to index
      %swap3A_159 = arith.constant 112 : index
      %swap3A_160 = tpu.vector_load %arg9[%swap3A_158, %swap3A_159] {strides = array<i32>} : memref<80x128xf32, #tpu.memory_space<vmem>>, vector<1x16xf32>,
      %swap3A_161 = vector.shape_cast %swap3A_160 : vector<1x16xf32> to vector<16xf32>
      %swap3A_162 = vector.shape_cast %broadcast_in_dim3A_1 : vector<16xf32> to vector<1x16xf32>
      tpu.vector_store %arg9[%swap3A_158, %swap3A_159], %swap3A_162 {strides = array<i32>} : memref<80x128xf32, #tpu.memory_space<vmem>>, vector<1x16xf32>,
    }
    %scan3A_6 = arith.constant 80 : i32
    %add3A_7 = arith.constant 0 : i32
    %add3A_8 = arith.addi %arg1, %add3A_7 : i32
    %lt3A = arith.constant 125 : i32
    %lt3A_9 = arith.cmpi slt, %add3A_8, %lt3A : i32
    %convert_element_type3A = arith.extui %lt3A_9 : i1 to i32
    %cond3A = arith.constant 0 : i32
    %cond3A_10 = arith.cmpi ne, %convert_element_type3A, %cond3A : i32
    scf.if %cond3A_10 {
      %mul3A_123 = arith.constant 80 : i32
      %mul3A_124 = arith.muli %add3A_8, %mul3A_123 : i32
      "tpu.region"() ({
        %run_scoped3A = tpu.sem_alloc : memref<!tpu.dma_semaphore, #tpu.memory_space<semaphore_mem>>
        %dma_start3A = arith.constant 0 : i32
        %dma_start3A_125 = arith.constant 0 : i32
        %dma_start3A_126 = tpu.memref_slice %arg9[%dma_start3A, %dma_start3A_125] : memref<80x128xf32, #tpu.memory_space<vmem>> -> memref<80x128xf32, #tpu.memory_space<vmem>>
        %dma_start3A_127 = arith.constant 0 : i32
        %dma_start3A_128 = tpu.memref_slice %arg13[%mul3A_124, %dma_start3A_127] : memref<10000x128xf32, #tpu.memory_space<vmem_shared>> -> memref<80x128xf32, #tpu.memory_space<vmem_shared>>
        %dma_start3A_129 = arith.constant 0 : i32
        %dma_start3A_130 = tpu.memref_slice %arg13[%mul3A_124, %dma_start3A_129] : memref<10000x128xf32, #tpu.memory_space<vmem_shared>> -> memref<80x128xf32, #tpu.memory_space<vmem_shared>>
        %dma_start3A_131 = arith.constant 0 : i32
        %dma_start3A_132 = arith.constant 0 : i32
        %dma_start3A_133 = tpu.memref_slice %arg9[%dma_start3A_131, %dma_start3A_132] : memref<80x128xf32, #tpu.memory_space<vmem>> -> memref<80x128xf32, #tpu.memory_space<vmem>>
        tpu.enqueue_dma source(%dma_start3A_133 : memref<80x128xf32, #tpu.memory_space<vmem>>) target(%dma_start3A_130 : memref<80x128xf32, #tpu.memory_space<vmem_shared>>) target_semaphore(%run_scoped3A : memref<!tpu.dma_semaphore, #tpu.memory_space<semaphore_mem>>)
        %dma_wait3A = arith.constant 0 : i32
        %dma_wait3A_134 = arith.constant 0 : i32
        %dma_wait3A_135 = tpu.memref_slice %arg9[%dma_wait3A, %dma_wait3A_134] : memref<80x128xf32, #tpu.memory_space<vmem>> -> memref<80x128xf32, #tpu.memory_space<vmem>>
        %dma_wait3A_136 = arith.constant 0 : i32
        %dma_wait3A_137 = tpu.memref_slice %arg13[%mul3A_124, %dma_wait3A_136] : memref<10000x128xf32, #tpu.memory_space<vmem_shared>> -> memref<80x128xf32, #tpu.memory_space<vmem_shared>>
        %dma_wait3A_138 = arith.constant 0 : i32
        %dma_wait3A_139 = tpu.memref_slice %arg13[%mul3A_124, %dma_wait3A_138] : memref<10000x128xf32, #tpu.memory_space<vmem_shared>> -> memref<80x128xf32, #tpu.memory_space<vmem_shared>>
        %dma_wait3A_140 = arith.constant 0 : i32
        %dma_wait3A_141 = arith.constant 0 : i32
        %dma_wait3A_142 = tpu.memref_slice %arg9[%dma_wait3A_140, %dma_wait3A_141] : memref<80x128xf32, #tpu.memory_space<vmem>> -> memref<80x128xf32, #tpu.memory_space<vmem>>
        tpu.wait_dma2 semaphore(%run_scoped3A : memref<!tpu.dma_semaphore, #tpu.memory_space<semaphore_mem>>) src(%dma_wait3A_142 : memref<80x128xf32, #tpu.memory_space<vmem>>) dst(%dma_wait3A_139 : memref<80x128xf32, #tpu.memory_space<vmem_shared>>)
        tpu.yield
      }) : () -> ()
    } else {
    }
    %add3A_11 = arith.constant 16 : i32
    %add3A_12 = arith.addi %arg1, %add3A_11 : i32
    %lt3A_13 = arith.constant 125 : i32
    %lt3A_14 = arith.cmpi slt, %add3A_12, %lt3A_13 : i32
    %convert_element_type3A_15 = arith.extui %lt3A_14 : i1 to i32
    %cond3A_16 = arith.constant 0 : i32
    %cond3A_17 = arith.cmpi ne, %convert_element_type3A_15, %cond3A_16 : i32
    scf.if %cond3A_17 {
      %mul3A_123 = arith.constant 80 : i32
      %mul3A_124 = arith.muli %add3A_12, %mul3A_123 : i32
      "tpu.region"() ({
        %run_scoped3A = tpu.sem_alloc : memref<!tpu.dma_semaphore, #tpu.memory_space<semaphore_mem>>
        %dma_start3A = arith.constant 0 : i32
        %dma_start3A_125 = arith.constant 0 : i32
        %dma_start3A_126 = tpu.memref_slice %arg9[%dma_start3A, %dma_start3A_125] : memref<80x128xf32, #tpu.memory_space<vmem>> -> memref<80x128xf32, #tpu.memory_space<vmem>>
        %dma_start3A_127 = arith.constant 0 : i32
        %dma_start3A_128 = tpu.memref_slice %arg13[%mul3A_124, %dma_start3A_127] : memref<10000x128xf32, #tpu.memory_space<vmem_shared>> -> memref<80x128xf32, #tpu.memory_space<vmem_shared>>
        %dma_start3A_129 = arith.constant 0 : i32
        %dma_start3A_130 = tpu.memref_slice %arg13[%mul3A_124, %dma_start3A_129] : memref<10000x128xf32, #tpu.memory_space<vmem_shared>> -> memref<80x128xf32, #tpu.memory_space<vmem_shared>>
        %dma_start3A_131 = arith.constant 0 : i32
        %dma_start3A_132 = arith.constant 0 : i32
        %dma_start3A_133 = tpu.memref_slice %arg9[%dma_start3A_131, %dma_start3A_132] : memref<80x128xf32, #tpu.memory_space<vmem>> -> memref<80x128xf32, #tpu.memory_space<vmem>>
        tpu.enqueue_dma source(%dma_start3A_133 : memref<80x128xf32, #tpu.memory_space<vmem>>) target(%dma_start3A_130 : memref<80x128xf32, #tpu.memory_space<vmem_shared>>) target_semaphore(%run_scoped3A : memref<!tpu.dma_semaphore, #tpu.memory_space<semaphore_mem>>)
        %dma_wait3A = arith.constant 0 : i32
        %dma_wait3A_134 = arith.constant 0 : i32
        %dma_wait3A_135 = tpu.memref_slice %arg9[%dma_wait3A, %dma_wait3A_134] : memref<80x128xf32, #tpu.memory_space<vmem>> -> memref<80x128xf32, #tpu.memory_space<vmem>>
        %dma_wait3A_136 = arith.constant 0 : i32
        %dma_wait3A_137 = tpu.memref_slice %arg13[%mul3A_124, %dma_wait3A_136] : memref<10000x128xf32, #tpu.memory_space<vmem_shared>> -> memref<80x128xf32, #tpu.memory_space<vmem_shared>>
        %dma_wait3A_138 = arith.constant 0 : i32
        %dma_wait3A_139 = tpu.memref_slice %arg13[%mul3A_124, %dma_wait3A_138] : memref<10000x128xf32, #tpu.memory_space<vmem_shared>> -> memref<80x128xf32, #tpu.memory_space<vmem_shared>>
        %dma_wait3A_140 = arith.constant 0 : i32
        %dma_wait3A_141 = arith.constant 0 : i32
        %dma_wait3A_142 = tpu.memref_slice %arg9[%dma_wait3A_140, %dma_wait3A_141] : memref<80x128xf32, #tpu.memory_space<vmem>> -> memref<80x128xf32, #tpu.memory_space<vmem>>
        tpu.wait_dma2 semaphore(%run_scoped3A : memref<!tpu.dma_semaphore, #tpu.memory_space<semaphore_mem>>) src(%dma_wait3A_142 : memref<80x128xf32, #tpu.memory_space<vmem>>) dst(%dma_wait3A_139 : memref<80x128xf32, #tpu.memory_space<vmem_shared>>)
        tpu.yield
      }) : () -> ()
    } else {
    }
    %add3A_18 = arith.constant 32 : i32
    %add3A_19 = arith.addi %arg1, %add3A_18 : i32
    %lt3A_20 = arith.constant 125 : i32
    %lt3A_21 = arith.cmpi slt, %add3A_19, %lt3A_20 : i32
    %convert_element_type3A_22 = arith.extui %lt3A_21 : i1 to i32
    %cond3A_23 = arith.constant 0 : i32
    %cond3A_24 = arith.cmpi ne, %convert_element_type3A_22, %cond3A_23 : i32
    scf.if %cond3A_24 {
      %mul3A_123 = arith.constant 80 : i32
      %mul3A_124 = arith.muli %add3A_19, %mul3A_123 : i32
      "tpu.region"() ({
        %run_scoped3A = tpu.sem_alloc : memref<!tpu.dma_semaphore, #tpu.memory_space<semaphore_mem>>
        %dma_start3A = arith.constant 0 : i32
        %dma_start3A_125 = arith.constant 0 : i32
        %dma_start3A_126 = tpu.memref_slice %arg9[%dma_start3A, %dma_start3A_125] : memref<80x128xf32, #tpu.memory_space<vmem>> -> memref<80x128xf32, #tpu.memory_space<vmem>>
        %dma_start3A_127 = arith.constant 0 : i32
        %dma_start3A_128 = tpu.memref_slice %arg13[%mul3A_124, %dma_start3A_127] : memref<10000x128xf32, #tpu.memory_space<vmem_shared>> -> memref<80x128xf32, #tpu.memory_space<vmem_shared>>
        %dma_start3A_129 = arith.constant 0 : i32
        %dma_start3A_130 = tpu.memref_slice %arg13[%mul3A_124, %dma_start3A_129] : memref<10000x128xf32, #tpu.memory_space<vmem_shared>> -> memref<80x128xf32, #tpu.memory_space<vmem_shared>>
        %dma_start3A_131 = arith.constant 0 : i32
        %dma_start3A_132 = arith.constant 0 : i32
        %dma_start3A_133 = tpu.memref_slice %arg9[%dma_start3A_131, %dma_start3A_132] : memref<80x128xf32, #tpu.memory_space<vmem>> -> memref<80x128xf32, #tpu.memory_space<vmem>>
        tpu.enqueue_dma source(%dma_start3A_133 : memref<80x128xf32, #tpu.memory_space<vmem>>) target(%dma_start3A_130 : memref<80x128xf32, #tpu.memory_space<vmem_shared>>) target_semaphore(%run_scoped3A : memref<!tpu.dma_semaphore, #tpu.memory_space<semaphore_mem>>)
        %dma_wait3A = arith.constant 0 : i32
        %dma_wait3A_134 = arith.constant 0 : i32
        %dma_wait3A_135 = tpu.memref_slice %arg9[%dma_wait3A, %dma_wait3A_134] : memref<80x128xf32, #tpu.memory_space<vmem>> -> memref<80x128xf32, #tpu.memory_space<vmem>>
        %dma_wait3A_136 = arith.constant 0 : i32
        %dma_wait3A_137 = tpu.memref_slice %arg13[%mul3A_124, %dma_wait3A_136] : memref<10000x128xf32, #tpu.memory_space<vmem_shared>> -> memref<80x128xf32, #tpu.memory_space<vmem_shared>>
        %dma_wait3A_138 = arith.constant 0 : i32
        %dma_wait3A_139 = tpu.memref_slice %arg13[%mul3A_124, %dma_wait3A_138] : memref<10000x128xf32, #tpu.memory_space<vmem_shared>> -> memref<80x128xf32, #tpu.memory_space<vmem_shared>>
        %dma_wait3A_140 = arith.constant 0 : i32
        %dma_wait3A_141 = arith.constant 0 : i32
        %dma_wait3A_142 = tpu.memref_slice %arg9[%dma_wait3A_140, %dma_wait3A_141] : memref<80x128xf32, #tpu.memory_space<vmem>> -> memref<80x128xf32, #tpu.memory_space<vmem>>
        tpu.wait_dma2 semaphore(%run_scoped3A : memref<!tpu.dma_semaphore, #tpu.memory_space<semaphore_mem>>) src(%dma_wait3A_142 : memref<80x128xf32, #tpu.memory_space<vmem>>) dst(%dma_wait3A_139 : memref<80x128xf32, #tpu.memory_space<vmem_shared>>)
        tpu.yield
      }) : () -> ()
    } else {
    }
    %add3A_25 = arith.constant 48 : i32
    %add3A_26 = arith.addi %arg1, %add3A_25 : i32
    %lt3A_27 = arith.constant 125 : i32
    %lt3A_28 = arith.cmpi slt, %add3A_26, %lt3A_27 : i32
    %convert_element_type3A_29 = arith.extui %lt3A_28 : i1 to i32
    %cond3A_30 = arith.constant 0 : i32
    %cond3A_31 = arith.cmpi ne, %convert_element_type3A_29, %cond3A_30 : i32
    scf.if %cond3A_31 {
      %mul3A_123 = arith.constant 80 : i32
      %mul3A_124 = arith.muli %add3A_26, %mul3A_123 : i32
      "tpu.region"() ({
        %run_scoped3A = tpu.sem_alloc : memref<!tpu.dma_semaphore, #tpu.memory_space<semaphore_mem>>
        %dma_start3A = arith.constant 0 : i32
        %dma_start3A_125 = arith.constant 0 : i32
        %dma_start3A_126 = tpu.memref_slice %arg9[%dma_start3A, %dma_start3A_125] : memref<80x128xf32, #tpu.memory_space<vmem>> -> memref<80x128xf32, #tpu.memory_space<vmem>>
        %dma_start3A_127 = arith.constant 0 : i32
        %dma_start3A_128 = tpu.memref_slice %arg13[%mul3A_124, %dma_start3A_127] : memref<10000x128xf32, #tpu.memory_space<vmem_shared>> -> memref<80x128xf32, #tpu.memory_space<vmem_shared>>
        %dma_start3A_129 = arith.constant 0 : i32
        %dma_start3A_130 = tpu.memref_slice %arg13[%mul3A_124, %dma_start3A_129] : memref<10000x128xf32, #tpu.memory_space<vmem_shared>> -> memref<80x128xf32, #tpu.memory_space<vmem_shared>>
        %dma_start3A_131 = arith.constant 0 : i32
        %dma_start3A_132 = arith.constant 0 : i32
        %dma_start3A_133 = tpu.memref_slice %arg9[%dma_start3A_131, %dma_start3A_132] : memref<80x128xf32, #tpu.memory_space<vmem>> -> memref<80x128xf32, #tpu.memory_space<vmem>>
        tpu.enqueue_dma source(%dma_start3A_133 : memref<80x128xf32, #tpu.memory_space<vmem>>) target(%dma_start3A_130 : memref<80x128xf32, #tpu.memory_space<vmem_shared>>) target_semaphore(%run_scoped3A : memref<!tpu.dma_semaphore, #tpu.memory_space<semaphore_mem>>)
        %dma_wait3A = arith.constant 0 : i32
        %dma_wait3A_134 = arith.constant 0 : i32
        %dma_wait3A_135 = tpu.memref_slice %arg9[%dma_wait3A, %dma_wait3A_134] : memref<80x128xf32, #tpu.memory_space<vmem>> -> memref<80x128xf32, #tpu.memory_space<vmem>>
        %dma_wait3A_136 = arith.constant 0 : i32
        %dma_wait3A_137 = tpu.memref_slice %arg13[%mul3A_124, %dma_wait3A_136] : memref<10000x128xf32, #tpu.memory_space<vmem_shared>> -> memref<80x128xf32, #tpu.memory_space<vmem_shared>>
        %dma_wait3A_138 = arith.constant 0 : i32
        %dma_wait3A_139 = tpu.memref_slice %arg13[%mul3A_124, %dma_wait3A_138] : memref<10000x128xf32, #tpu.memory_space<vmem_shared>> -> memref<80x128xf32, #tpu.memory_space<vmem_shared>>
        %dma_wait3A_140 = arith.constant 0 : i32
        %dma_wait3A_141 = arith.constant 0 : i32
        %dma_wait3A_142 = tpu.memref_slice %arg9[%dma_wait3A_140, %dma_wait3A_141] : memref<80x128xf32, #tpu.memory_space<vmem>> -> memref<80x128xf32, #tpu.memory_space<vmem>>
        tpu.wait_dma2 semaphore(%run_scoped3A : memref<!tpu.dma_semaphore, #tpu.memory_space<semaphore_mem>>) src(%dma_wait3A_142 : memref<80x128xf32, #tpu.memory_space<vmem>>) dst(%dma_wait3A_139 : memref<80x128xf32, #tpu.memory_space<vmem_shared>>)
        tpu.yield
      }) : () -> ()
    } else {
    }
    %add3A_32 = arith.constant 64 : i32
    %add3A_33 = arith.addi %arg1, %add3A_32 : i32
    %lt3A_34 = arith.constant 125 : i32
    %lt3A_35 = arith.cmpi slt, %add3A_33, %lt3A_34 : i32
    %convert_element_type3A_36 = arith.extui %lt3A_35 : i1 to i32
    %cond3A_37 = arith.constant 0 : i32
    %cond3A_38 = arith.cmpi ne, %convert_element_type3A_36, %cond3A_37 : i32
    scf.if %cond3A_38 {
      %mul3A_123 = arith.constant 80 : i32
      %mul3A_124 = arith.muli %add3A_33, %mul3A_123 : i32
      "tpu.region"() ({
        %run_scoped3A = tpu.sem_alloc : memref<!tpu.dma_semaphore, #tpu.memory_space<semaphore_mem>>
        %dma_start3A = arith.constant 0 : i32
        %dma_start3A_125 = arith.constant 0 : i32
        %dma_start3A_126 = tpu.memref_slice %arg9[%dma_start3A, %dma_start3A_125] : memref<80x128xf32, #tpu.memory_space<vmem>> -> memref<80x128xf32, #tpu.memory_space<vmem>>
        %dma_start3A_127 = arith.constant 0 : i32
        %dma_start3A_128 = tpu.memref_slice %arg13[%mul3A_124, %dma_start3A_127] : memref<10000x128xf32, #tpu.memory_space<vmem_shared>> -> memref<80x128xf32, #tpu.memory_space<vmem_shared>>
        %dma_start3A_129 = arith.constant 0 : i32
        %dma_start3A_130 = tpu.memref_slice %arg13[%mul3A_124, %dma_start3A_129] : memref<10000x128xf32, #tpu.memory_space<vmem_shared>> -> memref<80x128xf32, #tpu.memory_space<vmem_shared>>
        %dma_start3A_131 = arith.constant 0 : i32
        %dma_start3A_132 = arith.constant 0 : i32
        %dma_start3A_133 = tpu.memref_slice %arg9[%dma_start3A_131, %dma_start3A_132] : memref<80x128xf32, #tpu.memory_space<vmem>> -> memref<80x128xf32, #tpu.memory_space<vmem>>
        tpu.enqueue_dma source(%dma_start3A_133 : memref<80x128xf32, #tpu.memory_space<vmem>>) target(%dma_start3A_130 : memref<80x128xf32, #tpu.memory_space<vmem_shared>>) target_semaphore(%run_scoped3A : memref<!tpu.dma_semaphore, #tpu.memory_space<semaphore_mem>>)
        %dma_wait3A = arith.constant 0 : i32
        %dma_wait3A_134 = arith.constant 0 : i32
        %dma_wait3A_135 = tpu.memref_slice %arg9[%dma_wait3A, %dma_wait3A_134] : memref<80x128xf32, #tpu.memory_space<vmem>> -> memref<80x128xf32, #tpu.memory_space<vmem>>
        %dma_wait3A_136 = arith.constant 0 : i32
        %dma_wait3A_137 = tpu.memref_slice %arg13[%mul3A_124, %dma_wait3A_136] : memref<10000x128xf32, #tpu.memory_space<vmem_shared>> -> memref<80x128xf32, #tpu.memory_space<vmem_shared>>
        %dma_wait3A_138 = arith.constant 0 : i32
        %dma_wait3A_139 = tpu.memref_slice %arg13[%mul3A_124, %dma_wait3A_138] : memref<10000x128xf32, #tpu.memory_space<vmem_shared>> -> memref<80x128xf32, #tpu.memory_space<vmem_shared>>
        %dma_wait3A_140 = arith.constant 0 : i32
        %dma_wait3A_141 = arith.constant 0 : i32
        %dma_wait3A_142 = tpu.memref_slice %arg9[%dma_wait3A_140, %dma_wait3A_141] : memref<80x128xf32, #tpu.memory_space<vmem>> -> memref<80x128xf32, #tpu.memory_space<vmem>>
        tpu.wait_dma2 semaphore(%run_scoped3A : memref<!tpu.dma_semaphore, #tpu.memory_space<semaphore_mem>>) src(%dma_wait3A_142 : memref<80x128xf32, #tpu.memory_space<vmem>>) dst(%dma_wait3A_139 : memref<80x128xf32, #tpu.memory_space<vmem_shared>>)
        tpu.yield
      }) : () -> ()
    } else {
    }
    %add3A_39 = arith.constant 80 : i32
    %add3A_40 = arith.addi %arg1, %add3A_39 : i32
    %lt3A_41 = arith.constant 125 : i32
    %lt3A_42 = arith.cmpi slt, %add3A_40, %lt3A_41 : i32
    %convert_element_type3A_43 = arith.extui %lt3A_42 : i1 to i32
    %cond3A_44 = arith.constant 0 : i32
    %cond3A_45 = arith.cmpi ne, %convert_element_type3A_43, %cond3A_44 : i32
    scf.if %cond3A_45 {
      %mul3A_123 = arith.constant 80 : i32
      %mul3A_124 = arith.muli %add3A_40, %mul3A_123 : i32
      "tpu.region"() ({
        %run_scoped3A = tpu.sem_alloc : memref<!tpu.dma_semaphore, #tpu.memory_space<semaphore_mem>>
        %dma_start3A = arith.constant 0 : i32
        %dma_start3A_125 = arith.constant 0 : i32
        %dma_start3A_126 = tpu.memref_slice %arg9[%dma_start3A, %dma_start3A_125] : memref<80x128xf32, #tpu.memory_space<vmem>> -> memref<80x128xf32, #tpu.memory_space<vmem>>
        %dma_start3A_127 = arith.constant 0 : i32
        %dma_start3A_128 = tpu.memref_slice %arg13[%mul3A_124, %dma_start3A_127] : memref<10000x128xf32, #tpu.memory_space<vmem_shared>> -> memref<80x128xf32, #tpu.memory_space<vmem_shared>>
        %dma_start3A_129 = arith.constant 0 : i32
        %dma_start3A_130 = tpu.memref_slice %arg13[%mul3A_124, %dma_start3A_129] : memref<10000x128xf32, #tpu.memory_space<vmem_shared>> -> memref<80x128xf32, #tpu.memory_space<vmem_shared>>
        %dma_start3A_131 = arith.constant 0 : i32
        %dma_start3A_132 = arith.constant 0 : i32
        %dma_start3A_133 = tpu.memref_slice %arg9[%dma_start3A_131, %dma_start3A_132] : memref<80x128xf32, #tpu.memory_space<vmem>> -> memref<80x128xf32, #tpu.memory_space<vmem>>
        tpu.enqueue_dma source(%dma_start3A_133 : memref<80x128xf32, #tpu.memory_space<vmem>>) target(%dma_start3A_130 : memref<80x128xf32, #tpu.memory_space<vmem_shared>>) target_semaphore(%run_scoped3A : memref<!tpu.dma_semaphore, #tpu.memory_space<semaphore_mem>>)
        %dma_wait3A = arith.constant 0 : i32
        %dma_wait3A_134 = arith.constant 0 : i32
        %dma_wait3A_135 = tpu.memref_slice %arg9[%dma_wait3A, %dma_wait3A_134] : memref<80x128xf32, #tpu.memory_space<vmem>> -> memref<80x128xf32, #tpu.memory_space<vmem>>
        %dma_wait3A_136 = arith.constant 0 : i32
        %dma_wait3A_137 = tpu.memref_slice %arg13[%mul3A_124, %dma_wait3A_136] : memref<10000x128xf32, #tpu.memory_space<vmem_shared>> -> memref<80x128xf32, #tpu.memory_space<vmem_shared>>
        %dma_wait3A_138 = arith.constant 0 : i32
        %dma_wait3A_139 = tpu.memref_slice %arg13[%mul3A_124, %dma_wait3A_138] : memref<10000x128xf32, #tpu.memory_space<vmem_shared>> -> memref<80x128xf32, #tpu.memory_space<vmem_shared>>
        %dma_wait3A_140 = arith.constant 0 : i32
        %dma_wait3A_141 = arith.constant 0 : i32
        %dma_wait3A_142 = tpu.memref_slice %arg9[%dma_wait3A_140, %dma_wait3A_141] : memref<80x128xf32, #tpu.memory_space<vmem>> -> memref<80x128xf32, #tpu.memory_space<vmem>>
        tpu.wait_dma2 semaphore(%run_scoped3A : memref<!tpu.dma_semaphore, #tpu.memory_space<semaphore_mem>>) src(%dma_wait3A_142 : memref<80x128xf32, #tpu.memory_space<vmem>>) dst(%dma_wait3A_139 : memref<80x128xf32, #tpu.memory_space<vmem_shared>>)
        tpu.yield
      }) : () -> ()
    } else {
    }
    %add3A_46 = arith.constant 96 : i32
    %add3A_47 = arith.addi %arg1, %add3A_46 : i32
    %lt3A_48 = arith.constant 125 : i32
    %lt3A_49 = arith.cmpi slt, %add3A_47, %lt3A_48 : i32
    %convert_element_type3A_50 = arith.extui %lt3A_49 : i1 to i32
    %cond3A_51 = arith.constant 0 : i32
    %cond3A_52 = arith.cmpi ne, %convert_element_type3A_50, %cond3A_51 : i32
    scf.if %cond3A_52 {
      %mul3A_123 = arith.constant 80 : i32
      %mul3A_124 = arith.muli %add3A_47, %mul3A_123 : i32
      "tpu.region"() ({
        %run_scoped3A = tpu.sem_alloc : memref<!tpu.dma_semaphore, #tpu.memory_space<semaphore_mem>>
        %dma_start3A = arith.constant 0 : i32
        %dma_start3A_125 = arith.constant 0 : i32
        %dma_start3A_126 = tpu.memref_slice %arg9[%dma_start3A, %dma_start3A_125] : memref<80x128xf32, #tpu.memory_space<vmem>> -> memref<80x128xf32, #tpu.memory_space<vmem>>
        %dma_start3A_127 = arith.constant 0 : i32
        %dma_start3A_128 = tpu.memref_slice %arg13[%mul3A_124, %dma_start3A_127] : memref<10000x128xf32, #tpu.memory_space<vmem_shared>> -> memref<80x128xf32, #tpu.memory_space<vmem_shared>>
        %dma_start3A_129 = arith.constant 0 : i32
        %dma_start3A_130 = tpu.memref_slice %arg13[%mul3A_124, %dma_start3A_129] : memref<10000x128xf32, #tpu.memory_space<vmem_shared>> -> memref<80x128xf32, #tpu.memory_space<vmem_shared>>
        %dma_start3A_131 = arith.constant 0 : i32
        %dma_start3A_132 = arith.constant 0 : i32
        %dma_start3A_133 = tpu.memref_slice %arg9[%dma_start3A_131, %dma_start3A_132] : memref<80x128xf32, #tpu.memory_space<vmem>> -> memref<80x128xf32, #tpu.memory_space<vmem>>
        tpu.enqueue_dma source(%dma_start3A_133 : memref<80x128xf32, #tpu.memory_space<vmem>>) target(%dma_start3A_130 : memref<80x128xf32, #tpu.memory_space<vmem_shared>>) target_semaphore(%run_scoped3A : memref<!tpu.dma_semaphore, #tpu.memory_space<semaphore_mem>>)
        %dma_wait3A = arith.constant 0 : i32
        %dma_wait3A_134 = arith.constant 0 : i32
        %dma_wait3A_135 = tpu.memref_slice %arg9[%dma_wait3A, %dma_wait3A_134] : memref<80x128xf32, #tpu.memory_space<vmem>> -> memref<80x128xf32, #tpu.memory_space<vmem>>
        %dma_wait3A_136 = arith.constant 0 : i32
        %dma_wait3A_137 = tpu.memref_slice %arg13[%mul3A_124, %dma_wait3A_136] : memref<10000x128xf32, #tpu.memory_space<vmem_shared>> -> memref<80x128xf32, #tpu.memory_space<vmem_shared>>
        %dma_wait3A_138 = arith.constant 0 : i32
        %dma_wait3A_139 = tpu.memref_slice %arg13[%mul3A_124, %dma_wait3A_138] : memref<10000x128xf32, #tpu.memory_space<vmem_shared>> -> memref<80x128xf32, #tpu.memory_space<vmem_shared>>
        %dma_wait3A_140 = arith.constant 0 : i32
        %dma_wait3A_141 = arith.constant 0 : i32
        %dma_wait3A_142 = tpu.memref_slice %arg9[%dma_wait3A_140, %dma_wait3A_141] : memref<80x128xf32, #tpu.memory_space<vmem>> -> memref<80x128xf32, #tpu.memory_space<vmem>>
        tpu.wait_dma2 semaphore(%run_scoped3A : memref<!tpu.dma_semaphore, #tpu.memory_space<semaphore_mem>>) src(%dma_wait3A_142 : memref<80x128xf32, #tpu.memory_space<vmem>>) dst(%dma_wait3A_139 : memref<80x128xf32, #tpu.memory_space<vmem_shared>>)
        tpu.yield
      }) : () -> ()
    } else {
    }
    %add3A_53 = arith.constant 112 : i32
    %add3A_54 = arith.addi %arg1, %add3A_53 : i32
    %lt3A_55 = arith.constant 125 : i32
    %lt3A_56 = arith.cmpi slt, %add3A_54, %lt3A_55 : i32
    %convert_element_type3A_57 = arith.extui %lt3A_56 : i1 to i32
    %cond3A_58 = arith.constant 0 : i32
    %cond3A_59 = arith.cmpi ne, %convert_element_type3A_57, %cond3A_58 : i32
    scf.if %cond3A_59 {
      %mul3A_123 = arith.constant 80 : i32
      %mul3A_124 = arith.muli %add3A_54, %mul3A_123 : i32
      "tpu.region"() ({
        %run_scoped3A = tpu.sem_alloc : memref<!tpu.dma_semaphore, #tpu.memory_space<semaphore_mem>>
        %dma_start3A = arith.constant 0 : i32
        %dma_start3A_125 = arith.constant 0 : i32
        %dma_start3A_126 = tpu.memref_slice %arg9[%dma_start3A, %dma_start3A_125] : memref<80x128xf32, #tpu.memory_space<vmem>> -> memref<80x128xf32, #tpu.memory_space<vmem>>
        %dma_start3A_127 = arith.constant 0 : i32
        %dma_start3A_128 = tpu.memref_slice %arg13[%mul3A_124, %dma_start3A_127] : memref<10000x128xf32, #tpu.memory_space<vmem_shared>> -> memref<80x128xf32, #tpu.memory_space<vmem_shared>>
        %dma_start3A_129 = arith.constant 0 : i32
        %dma_start3A_130 = tpu.memref_slice %arg13[%mul3A_124, %dma_start3A_129] : memref<10000x128xf32, #tpu.memory_space<vmem_shared>> -> memref<80x128xf32, #tpu.memory_space<vmem_shared>>
        %dma_start3A_131 = arith.constant 0 : i32
        %dma_start3A_132 = arith.constant 0 : i32
        %dma_start3A_133 = tpu.memref_slice %arg9[%dma_start3A_131, %dma_start3A_132] : memref<80x128xf32, #tpu.memory_space<vmem>> -> memref<80x128xf32, #tpu.memory_space<vmem>>
        tpu.enqueue_dma source(%dma_start3A_133 : memref<80x128xf32, #tpu.memory_space<vmem>>) target(%dma_start3A_130 : memref<80x128xf32, #tpu.memory_space<vmem_shared>>) target_semaphore(%run_scoped3A : memref<!tpu.dma_semaphore, #tpu.memory_space<semaphore_mem>>)
        %dma_wait3A = arith.constant 0 : i32
        %dma_wait3A_134 = arith.constant 0 : i32
        %dma_wait3A_135 = tpu.memref_slice %arg9[%dma_wait3A, %dma_wait3A_134] : memref<80x128xf32, #tpu.memory_space<vmem>> -> memref<80x128xf32, #tpu.memory_space<vmem>>
        %dma_wait3A_136 = arith.constant 0 : i32
        %dma_wait3A_137 = tpu.memref_slice %arg13[%mul3A_124, %dma_wait3A_136] : memref<10000x128xf32, #tpu.memory_space<vmem_shared>> -> memref<80x128xf32, #tpu.memory_space<vmem_shared>>
        %dma_wait3A_138 = arith.constant 0 : i32
        %dma_wait3A_139 = tpu.memref_slice %arg13[%mul3A_124, %dma_wait3A_138] : memref<10000x128xf32, #tpu.memory_space<vmem_shared>> -> memref<80x128xf32, #tpu.memory_space<vmem_shared>>
        %dma_wait3A_140 = arith.constant 0 : i32
        %dma_wait3A_141 = arith.constant 0 : i32
        %dma_wait3A_142 = tpu.memref_slice %arg9[%dma_wait3A_140, %dma_wait3A_141] : memref<80x128xf32, #tpu.memory_space<vmem>> -> memref<80x128xf32, #tpu.memory_space<vmem>>
        tpu.wait_dma2 semaphore(%run_scoped3A : memref<!tpu.dma_semaphore, #tpu.memory_space<semaphore_mem>>) src(%dma_wait3A_142 : memref<80x128xf32, #tpu.memory_space<vmem>>) dst(%dma_wait3A_139 : memref<80x128xf32, #tpu.memory_space<vmem_shared>>)
        tpu.yield
      }) : () -> ()
    } else {
    }
    %barrier3A = arith.constant 0 : index
    tpu.barrier barrier_id(%barrier3A)
    %scan3A_60 = arith.constant 0 : i32
    %scan3A_61 = arith.constant 0 : i32
    %scan3A_62 = arith.constant 5 : i32
    %scan3A_63 = arith.addi %scan3A_61, %scan3A_62 : i32
    %scan3A_64 = arith.constant 1 : i32
    scf.for %scan3A_123 = %scan3A_61 to %scan3A_63 step %scan3A_64  : i32 {
      "tpu.region"() ({
        %run_scoped3A_174 = tpu.sem_alloc : memref<!tpu.dma_semaphore, #tpu.memory_space<semaphore_mem>>
        %dma_start3A_175 = arith.constant 0 : i32
        %dma_start3A_176 = arith.constant 0 : i32
        %dma_start3A_177 = tpu.memref_slice %arg3[%add3A, %scan3A_123, %dma_start3A_175, %dma_start3A_176] : memref<32x5x25x80xi32, #tpu.memory_space<hbm>> -> memref<1x1x25x80xi32, #tpu.memory_space<hbm>>
        %dma_start3A_178 = tpu.memref_squeeze %dma_start3A_177 : memref<1x1x25x80xi32, #tpu.memory_space<hbm>> -> memref<25x80xi32, #tpu.memory_space<hbm>>
        %dma_start3A_179 = arith.constant 0 : i32
        %dma_start3A_180 = arith.constant 0 : i32
        %dma_start3A_181 = tpu.memref_slice %arg3[%add3A, %scan3A_123, %dma_start3A_179, %dma_start3A_180] : memref<32x5x25x80xi32, #tpu.memory_space<hbm>> -> memref<1x1x25x80xi32, #tpu.memory_space<hbm>>
        %dma_start3A_182 = tpu.memref_squeeze %dma_start3A_181 : memref<1x1x25x80xi32, #tpu.memory_space<hbm>> -> memref<25x80xi32, #tpu.memory_space<hbm>>
        tpu.enqueue_dma source(%dma_start3A_182 : memref<25x80xi32, #tpu.memory_space<hbm>>) target(%arg7 : memref<25x80xi32, #tpu.memory_space<vmem>>) target_semaphore(%run_scoped3A_174 : memref<!tpu.dma_semaphore, #tpu.memory_space<semaphore_mem>>)
        %dma_wait3A_183 = arith.constant 0 : i32
        %dma_wait3A_184 = arith.constant 0 : i32
        %dma_wait3A_185 = tpu.memref_slice %arg3[%add3A, %scan3A_123, %dma_wait3A_183, %dma_wait3A_184] : memref<32x5x25x80xi32, #tpu.memory_space<hbm>> -> memref<1x1x25x80xi32, #tpu.memory_space<hbm>>
        %dma_wait3A_186 = tpu.memref_squeeze %dma_wait3A_185 : memref<1x1x25x80xi32, #tpu.memory_space<hbm>> -> memref<25x80xi32, #tpu.memory_space<hbm>>
        %dma_wait3A_187 = arith.constant 0 : i32
        %dma_wait3A_188 = arith.constant 0 : i32
        %dma_wait3A_189 = tpu.memref_slice %arg3[%add3A, %scan3A_123, %dma_wait3A_187, %dma_wait3A_188] : memref<32x5x25x80xi32, #tpu.memory_space<hbm>> -> memref<1x1x25x80xi32, #tpu.memory_space<hbm>>
        %dma_wait3A_190 = tpu.memref_squeeze %dma_wait3A_189 : memref<1x1x25x80xi32, #tpu.memory_space<hbm>> -> memref<25x80xi32, #tpu.memory_space<hbm>>
        tpu.wait_dma2 semaphore(%run_scoped3A_174 : memref<!tpu.dma_semaphore, #tpu.memory_space<semaphore_mem>>) src(%dma_wait3A_190 : memref<25x80xi32, #tpu.memory_space<hbm>>) dst(%arg7 : memref<25x80xi32, #tpu.memory_space<vmem>>)
        tpu.yield
      }) : () -> ()
      "tpu.region"() ({
        %run_scoped3A_174 = tpu.sem_alloc : memref<!tpu.dma_semaphore, #tpu.memory_space<semaphore_mem>>
        %dma_start3A_175 = arith.constant 0 : i32
        %dma_start3A_176 = arith.constant 0 : i32
        %dma_start3A_177 = tpu.memref_slice %arg4[%add3A, %scan3A_123, %dma_start3A_175, %dma_start3A_176] : memref<32x5x25x80xi32, #tpu.memory_space<hbm>> -> memref<1x1x25x80xi32, #tpu.memory_space<hbm>>
        %dma_start3A_178 = tpu.memref_squeeze %dma_start3A_177 : memref<1x1x25x80xi32, #tpu.memory_space<hbm>> -> memref<25x80xi32, #tpu.memory_space<hbm>>
        %dma_start3A_179 = arith.constant 0 : i32
        %dma_start3A_180 = arith.constant 0 : i32
        %dma_start3A_181 = tpu.memref_slice %arg4[%add3A, %scan3A_123, %dma_start3A_179, %dma_start3A_180] : memref<32x5x25x80xi32, #tpu.memory_space<hbm>> -> memref<1x1x25x80xi32, #tpu.memory_space<hbm>>
        %dma_start3A_182 = tpu.memref_squeeze %dma_start3A_181 : memref<1x1x25x80xi32, #tpu.memory_space<hbm>> -> memref<25x80xi32, #tpu.memory_space<hbm>>
        tpu.enqueue_dma source(%dma_start3A_182 : memref<25x80xi32, #tpu.memory_space<hbm>>) target(%arg8 : memref<25x80xi32, #tpu.memory_space<vmem>>) target_semaphore(%run_scoped3A_174 : memref<!tpu.dma_semaphore, #tpu.memory_space<semaphore_mem>>)
        %dma_wait3A_183 = arith.constant 0 : i32
        %dma_wait3A_184 = arith.constant 0 : i32
        %dma_wait3A_185 = tpu.memref_slice %arg4[%add3A, %scan3A_123, %dma_wait3A_183, %dma_wait3A_184] : memref<32x5x25x80xi32, #tpu.memory_space<hbm>> -> memref<1x1x25x80xi32, #tpu.memory_space<hbm>>
        %dma_wait3A_186 = tpu.memref_squeeze %dma_wait3A_185 : memref<1x1x25x80xi32, #tpu.memory_space<hbm>> -> memref<25x80xi32, #tpu.memory_space<hbm>>
        %dma_wait3A_187 = arith.constant 0 : i32
        %dma_wait3A_188 = arith.constant 0 : i32
        %dma_wait3A_189 = tpu.memref_slice %arg4[%add3A, %scan3A_123, %dma_wait3A_187, %dma_wait3A_188] : memref<32x5x25x80xi32, #tpu.memory_space<hbm>> -> memref<1x1x25x80xi32, #tpu.memory_space<hbm>>
        %dma_wait3A_190 = tpu.memref_squeeze %dma_wait3A_189 : memref<1x1x25x80xi32, #tpu.memory_space<hbm>> -> memref<25x80xi32, #tpu.memory_space<hbm>>
        tpu.wait_dma2 semaphore(%run_scoped3A_174 : memref<!tpu.dma_semaphore, #tpu.memory_space<semaphore_mem>>) src(%dma_wait3A_190 : memref<25x80xi32, #tpu.memory_space<hbm>>) dst(%arg8 : memref<25x80xi32, #tpu.memory_space<vmem>>)
        tpu.yield
      }) : () -> ()
      %mul3A_124 = arith.constant 5 : i32
      %mul3A_125 = arith.muli %add3A, %mul3A_124 : i32
      %add3A_126 = arith.addi %mul3A_125, %scan3A_123 : i32
      %mul3A_127 = arith.constant 25 : i32
      %mul3A_128 = arith.muli %add3A_126, %mul3A_127 : i32
      %add3A_129 = arith.constant 0 : i32
      %add3A_130 = arith.addi %mul3A_128, %add3A_129 : i32
      %dma_start3A = arith.constant 0 : i32
      %dma_start3A_131 = arith.constant 0 : i32
      %dma_start3A_132 = tpu.memref_slice %arg5[%add3A_130, %dma_start3A, %dma_start3A_131] : memref<4000x80x128xf32, #tpu.memory_space<hbm>> -> memref<1x80x128xf32, #tpu.memory_space<hbm>>
      %dma_start3A_133 = tpu.memref_squeeze %dma_start3A_132 : memref<1x80x128xf32, #tpu.memory_space<hbm>> -> memref<80x128xf32, #tpu.memory_space<hbm>>
      %dma_start3A_134 = arith.constant 0 : i32
      %dma_start3A_135 = arith.constant 0 : i32
      %dma_start3A_136 = tpu.memref_slice %arg5[%add3A_130, %dma_start3A_134, %dma_start3A_135] : memref<4000x80x128xf32, #tpu.memory_space<hbm>> -> memref<1x80x128xf32, #tpu.memory_space<hbm>>
      %dma_start3A_137 = tpu.memref_squeeze %dma_start3A_136 : memref<1x80x128xf32, #tpu.memory_space<hbm>> -> memref<80x128xf32, #tpu.memory_space<hbm>>
      tpu.enqueue_dma source(%dma_start3A_137 : memref<80x128xf32, #tpu.memory_space<hbm>>) target(%arg11 : memref<80x128xf32, #tpu.memory_space<vmem>>) target_semaphore(%arg16 : memref<!tpu.dma_semaphore, #tpu.memory_space<semaphore_mem>>)
      %dma_start3A_138 = arith.constant 0 : i32
      %dma_start3A_139 = arith.constant 0 : i32
      %dma_start3A_140 = tpu.memref_slice %arg7[%dma_start3A_138, %dma_start3A_139] : memref<25x80xi32, #tpu.memory_space<vmem>> -> memref<1x80xi32, #tpu.memory_space<vmem>>
      %dma_start3A_141 = tpu.memref_squeeze %dma_start3A_140 : memref<1x80xi32, #tpu.memory_space<vmem>> -> memref<80xi32, #tpu.memory_space<vmem>>
      %dma_start3A_142 = arith.constant 0 : i32
      %dma_start3A_143 = arith.constant 0 : i32
      %dma_start3A_144 = tpu.memref_slice %arg2[%dma_start3A_142, %dma_start3A_143] : memref<10000x128xf32, #tpu.memory_space<hbm>> -> memref<10000x128xf32, #tpu.memory_space<hbm>>
      tpu.enqueue_indirect_dma source(%dma_start3A_144 : memref<10000x128xf32, #tpu.memory_space<hbm>>) target(%arg9 : memref<80x128xf32, #tpu.memory_space<vmem>>) offsets(%dma_start3A_141 : memref<80xi32, #tpu.memory_space<vmem>>) semaphore(%arg14 : memref<!tpu.dma_semaphore, #tpu.memory_space<semaphore_mem>>)
      %scan3A_145 = arith.constant 0 : i32
      %scan3A_146 = arith.constant 0 : i32
      %scan3A_147 = arith.constant 12 : i32
      %scan3A_148 = arith.addi %scan3A_146, %scan3A_147 : i32
      %scan3A_149 = arith.constant 1 : i32
      scf.for %scan3A_174 = %scan3A_146 to %scan3A_148 step %scan3A_149  : i32 {
        %mul3A_175 = arith.constant 2 : i32
        %mul3A_176 = arith.muli %mul3A_175, %scan3A_174 : i32
        %dma_wait3A_177 = arith.constant 0 : i32
        %dma_wait3A_178 = arith.constant 0 : i32
        %dma_wait3A_179 = arith.constant 0 : i32
        %dma_wait3A_180 = tpu.memref_slice %arg5[%dma_wait3A_177, %dma_wait3A_178, %dma_wait3A_179] : memref<4000x80x128xf32, #tpu.memory_space<hbm>> -> memref<1x80x128xf32, #tpu.memory_space<hbm>>
        %dma_wait3A_181 = tpu.memref_squeeze %dma_wait3A_180 : memref<1x80x128xf32, #tpu.memory_space<hbm>> -> memref<80x128xf32, #tpu.memory_space<hbm>>
        %dma_wait3A_182 = arith.constant 0 : i32
        %dma_wait3A_183 = arith.constant 0 : i32
        %dma_wait3A_184 = tpu.memref_slice %arg5[%dma_wait3A_177, %dma_wait3A_182, %dma_wait3A_183] : memref<4000x80x128xf32, #tpu.memory_space<hbm>> -> memref<1x80x128xf32, #tpu.memory_space<hbm>>
        %dma_wait3A_185 = tpu.memref_squeeze %dma_wait3A_184 : memref<1x80x128xf32, #tpu.memory_space<hbm>> -> memref<80x128xf32, #tpu.memory_space<hbm>>
        tpu.wait_dma2 semaphore(%arg16 : memref<!tpu.dma_semaphore, #tpu.memory_space<semaphore_mem>>) src(%dma_wait3A_185 : memref<80x128xf32, #tpu.memory_space<hbm>>) dst(%arg11 : memref<80x128xf32, #tpu.memory_space<vmem>>)
        %dma_wait3A_186 = arith.constant 0 : i32
        %dma_wait3A_187 = arith.constant 0 : i32
        %dma_wait3A_188 = arith.constant 0 : i32
        %dma_wait3A_189 = tpu.memref_slice %arg5[%dma_wait3A_186, %dma_wait3A_187, %dma_wait3A_188] : memref<4000x80x128xf32, #tpu.memory_space<hbm>> -> memref<1x80x128xf32, #tpu.memory_space<hbm>>
        %dma_wait3A_190 = tpu.memref_squeeze %dma_wait3A_189 : memref<1x80x128xf32, #tpu.memory_space<hbm>> -> memref<80x128xf32, #tpu.memory_space<hbm>>
        %dma_wait3A_191 = arith.constant 0 : i32
        %dma_wait3A_192 = arith.constant 0 : i32
        %dma_wait3A_193 = tpu.memref_slice %arg5[%dma_wait3A_186, %dma_wait3A_191, %dma_wait3A_192] : memref<4000x80x128xf32, #tpu.memory_space<hbm>> -> memref<1x80x128xf32, #tpu.memory_space<hbm>>
        %dma_wait3A_194 = tpu.memref_squeeze %dma_wait3A_193 : memref<1x80x128xf32, #tpu.memory_space<hbm>> -> memref<80x128xf32, #tpu.memory_space<hbm>>
        tpu.wait_dma2 semaphore(%arg14 : memref<!tpu.dma_semaphore, #tpu.memory_space<semaphore_mem>>) src(%dma_wait3A_194 : memref<80x128xf32, #tpu.memory_space<hbm>>) dst(%arg9 : memref<80x128xf32, #tpu.memory_space<vmem>>)
        %add3A_195 = arith.constant 1 : i32
        %add3A_196 = arith.addi %mul3A_176, %add3A_195 : i32
        %lt3A_197 = arith.constant 25 : i32
        %lt3A_198 = arith.cmpi slt, %add3A_196, %lt3A_197 : i32
        %convert_element_type3A_199 = arith.extui %lt3A_198 : i1 to i32
        %cond3A_200 = arith.constant 0 : i32
        %cond3A_201 = arith.cmpi ne, %convert_element_type3A_199, %cond3A_200 : i32
        scf.if %cond3A_201 {
          %add3A_243 = arith.constant 1 : i32
          %add3A_244 = arith.addi %mul3A_176, %add3A_243 : i32
          %mul3A_245 = arith.constant 5 : i32
          %mul3A_246 = arith.muli %add3A, %mul3A_245 : i32
          %add3A_247 = arith.addi %mul3A_246, %scan3A_123 : i32
          %mul3A_248 = arith.constant 25 : i32
          %mul3A_249 = arith.muli %add3A_247, %mul3A_248 : i32
          %add3A_250 = arith.addi %mul3A_249, %add3A_244 : i32
          %dma_start3A_251 = arith.constant 0 : i32
          %dma_start3A_252 = arith.constant 0 : i32
          %dma_start3A_253 = tpu.memref_slice %arg5[%add3A_250, %dma_start3A_251, %dma_start3A_252] : memref<4000x80x128xf32, #tpu.memory_space<hbm>> -> memref<1x80x128xf32, #tpu.memory_space<hbm>>
          %dma_start3A_254 = tpu.memref_squeeze %dma_start3A_253 : memref<1x80x128xf32, #tpu.memory_space<hbm>> -> memref<80x128xf32, #tpu.memory_space<hbm>>
          %dma_start3A_255 = arith.constant 0 : i32
          %dma_start3A_256 = arith.constant 0 : i32
          %dma_start3A_257 = tpu.memref_slice %arg5[%add3A_250, %dma_start3A_255, %dma_start3A_256] : memref<4000x80x128xf32, #tpu.memory_space<hbm>> -> memref<1x80x128xf32, #tpu.memory_space<hbm>>
          %dma_start3A_258 = tpu.memref_squeeze %dma_start3A_257 : memref<1x80x128xf32, #tpu.memory_space<hbm>> -> memref<80x128xf32, #tpu.memory_space<hbm>>
          tpu.enqueue_dma source(%dma_start3A_258 : memref<80x128xf32, #tpu.memory_space<hbm>>) target(%arg12 : memref<80x128xf32, #tpu.memory_space<vmem>>) target_semaphore(%arg17 : memref<!tpu.dma_semaphore, #tpu.memory_space<semaphore_mem>>)
          %dma_start3A_259 = arith.constant 0 : i32
          %dma_start3A_260 = tpu.memref_slice %arg7[%add3A_244, %dma_start3A_259] : memref<25x80xi32, #tpu.memory_space<vmem>> -> memref<1x80xi32, #tpu.memory_space<vmem>>
          %dma_start3A_261 = tpu.memref_squeeze %dma_start3A_260 : memref<1x80xi32, #tpu.memory_space<vmem>> -> memref<80xi32, #tpu.memory_space<vmem>>
          %dma_start3A_262 = arith.constant 0 : i32
          %dma_start3A_263 = arith.constant 0 : i32
          %dma_start3A_264 = tpu.memref_slice %arg2[%dma_start3A_262, %dma_start3A_263] : memref<10000x128xf32, #tpu.memory_space<hbm>> -> memref<10000x128xf32, #tpu.memory_space<hbm>>
          tpu.enqueue_indirect_dma source(%dma_start3A_264 : memref<10000x128xf32, #tpu.memory_space<hbm>>) target(%arg10 : memref<80x128xf32, #tpu.memory_space<vmem>>) offsets(%dma_start3A_261 : memref<80xi32, #tpu.memory_space<vmem>>) semaphore(%arg15 : memref<!tpu.dma_semaphore, #tpu.memory_space<semaphore_mem>>)
        } else {
        }
        %scan3A_202 = arith.constant 0 : i32
        %scan3A_203 = arith.constant 0 : i32
        %scan3A_204 = arith.constant 80 : i32
        %scan3A_205 = arith.addi %scan3A_203, %scan3A_204 : i32
        %scan3A_206 = arith.constant 1 : i32
        scf.for %scan3A_243 = %scan3A_203 to %scan3A_205 step %scan3A_206  : i32 {
          %get3A = arith.index_cast %scan3A_243 : i32 to index
          %get3A_244 = arith.constant 0 : index
          %get3A_245 = tpu.vector_load %arg9[%get3A, %get3A_244] {strides = array<i32>} : memref<80x128xf32, #tpu.memory_space<vmem>>, vector<1x16xf32>,
          %get3A_246 = vector.shape_cast %get3A_245 : vector<1x16xf32> to vector<16xf32>
          %get3A_247 = arith.index_cast %scan3A_243 : i32 to index
          %get3A_248 = arith.constant 0 : index
          %get3A_249 = tpu.vector_load %arg11[%get3A_247, %get3A_248] {strides = array<i32>} : memref<80x128xf32, #tpu.memory_space<vmem>>, vector<1x16xf32>,
          %get3A_250 = vector.shape_cast %get3A_249 : vector<1x16xf32> to vector<16xf32>
          %add3A_251 = arith.addf %get3A_246, %get3A_250 : vector<16xf32>
          %max3A = arith.constant 0.000000e+00 : f32
          %max3A_252 = vector.broadcast %max3A : f32 to vector<16xf32>
          %max3A_253 = arith.maximumf %add3A_251, %max3A_252 : vector<16xf32>
          %swap3A = arith.index_cast %scan3A_243 : i32 to index
          %swap3A_254 = arith.constant 0 : index
          %swap3A_255 = tpu.vector_load %arg9[%swap3A, %swap3A_254] {strides = array<i32>} : memref<80x128xf32, #tpu.memory_space<vmem>>, vector<1x16xf32>,
          %swap3A_256 = vector.shape_cast %swap3A_255 : vector<1x16xf32> to vector<16xf32>
          %swap3A_257 = vector.shape_cast %max3A_253 : vector<16xf32> to vector<1x16xf32>
          tpu.vector_store %arg9[%swap3A, %swap3A_254], %swap3A_257 {strides = array<i32>} : memref<80x128xf32, #tpu.memory_space<vmem>>, vector<1x16xf32>,
          %get3A_258 = arith.index_cast %scan3A_243 : i32 to index
          %get3A_259 = arith.constant 16 : index
          %get3A_260 = tpu.vector_load %arg9[%get3A_258, %get3A_259] {strides = array<i32>} : memref<80x128xf32, #tpu.memory_space<vmem>>, vector<1x16xf32>,
          %get3A_261 = vector.shape_cast %get3A_260 : vector<1x16xf32> to vector<16xf32>
          %get3A_262 = arith.index_cast %scan3A_243 : i32 to index
          %get3A_263 = arith.constant 16 : index
          %get3A_264 = tpu.vector_load %arg11[%get3A_262, %get3A_263] {strides = array<i32>} : memref<80x128xf32, #tpu.memory_space<vmem>>, vector<1x16xf32>,
          %get3A_265 = vector.shape_cast %get3A_264 : vector<1x16xf32> to vector<16xf32>
          %add3A_266 = arith.addf %get3A_261, %get3A_265 : vector<16xf32>
          %max3A_267 = arith.constant 0.000000e+00 : f32
          %max3A_268 = vector.broadcast %max3A_267 : f32 to vector<16xf32>
          %max3A_269 = arith.maximumf %add3A_266, %max3A_268 : vector<16xf32>
          %swap3A_270 = arith.index_cast %scan3A_243 : i32 to index
          %swap3A_271 = arith.constant 16 : index
          %swap3A_272 = tpu.vector_load %arg9[%swap3A_270, %swap3A_271] {strides = array<i32>} : memref<80x128xf32, #tpu.memory_space<vmem>>, vector<1x16xf32>,
          %swap3A_273 = vector.shape_cast %swap3A_272 : vector<1x16xf32> to vector<16xf32>
          %swap3A_274 = vector.shape_cast %max3A_269 : vector<16xf32> to vector<1x16xf32>
          tpu.vector_store %arg9[%swap3A_270, %swap3A_271], %swap3A_274 {strides = array<i32>} : memref<80x128xf32, #tpu.memory_space<vmem>>, vector<1x16xf32>,
          %get3A_275 = arith.index_cast %scan3A_243 : i32 to index
          %get3A_276 = arith.constant 32 : index
          %get3A_277 = tpu.vector_load %arg9[%get3A_275, %get3A_276] {strides = array<i32>} : memref<80x128xf32, #tpu.memory_space<vmem>>, vector<1x16xf32>,
          %get3A_278 = vector.shape_cast %get3A_277 : vector<1x16xf32> to vector<16xf32>
          %get3A_279 = arith.index_cast %scan3A_243 : i32 to index
          %get3A_280 = arith.constant 32 : index
          %get3A_281 = tpu.vector_load %arg11[%get3A_279, %get3A_280] {strides = array<i32>} : memref<80x128xf32, #tpu.memory_space<vmem>>, vector<1x16xf32>,
          %get3A_282 = vector.shape_cast %get3A_281 : vector<1x16xf32> to vector<16xf32>
          %add3A_283 = arith.addf %get3A_278, %get3A_282 : vector<16xf32>
          %max3A_284 = arith.constant 0.000000e+00 : f32
          %max3A_285 = vector.broadcast %max3A_284 : f32 to vector<16xf32>
          %max3A_286 = arith.maximumf %add3A_283, %max3A_285 : vector<16xf32>
          %swap3A_287 = arith.index_cast %scan3A_243 : i32 to index
          %swap3A_288 = arith.constant 32 : index
          %swap3A_289 = tpu.vector_load %arg9[%swap3A_287, %swap3A_288] {strides = array<i32>} : memref<80x128xf32, #tpu.memory_space<vmem>>, vector<1x16xf32>,
          %swap3A_290 = vector.shape_cast %swap3A_289 : vector<1x16xf32> to vector<16xf32>
          %swap3A_291 = vector.shape_cast %max3A_286 : vector<16xf32> to vector<1x16xf32>
          tpu.vector_store %arg9[%swap3A_287, %swap3A_288], %swap3A_291 {strides = array<i32>} : memref<80x128xf32, #tpu.memory_space<vmem>>, vector<1x16xf32>,
          %get3A_292 = arith.index_cast %scan3A_243 : i32 to index
          %get3A_293 = arith.constant 48 : index
          %get3A_294 = tpu.vector_load %arg9[%get3A_292, %get3A_293] {strides = array<i32>} : memref<80x128xf32, #tpu.memory_space<vmem>>, vector<1x16xf32>,
          %get3A_295 = vector.shape_cast %get3A_294 : vector<1x16xf32> to vector<16xf32>
          %get3A_296 = arith.index_cast %scan3A_243 : i32 to index
          %get3A_297 = arith.constant 48 : index
          %get3A_298 = tpu.vector_load %arg11[%get3A_296, %get3A_297] {strides = array<i32>} : memref<80x128xf32, #tpu.memory_space<vmem>>, vector<1x16xf32>,
          %get3A_299 = vector.shape_cast %get3A_298 : vector<1x16xf32> to vector<16xf32>
          %add3A_300 = arith.addf %get3A_295, %get3A_299 : vector<16xf32>
          %max3A_301 = arith.constant 0.000000e+00 : f32
          %max3A_302 = vector.broadcast %max3A_301 : f32 to vector<16xf32>
          %max3A_303 = arith.maximumf %add3A_300, %max3A_302 : vector<16xf32>
          %swap3A_304 = arith.index_cast %scan3A_243 : i32 to index
          %swap3A_305 = arith.constant 48 : index
          %swap3A_306 = tpu.vector_load %arg9[%swap3A_304, %swap3A_305] {strides = array<i32>} : memref<80x128xf32, #tpu.memory_space<vmem>>, vector<1x16xf32>,
          %swap3A_307 = vector.shape_cast %swap3A_306 : vector<1x16xf32> to vector<16xf32>
          %swap3A_308 = vector.shape_cast %max3A_303 : vector<16xf32> to vector<1x16xf32>
          tpu.vector_store %arg9[%swap3A_304, %swap3A_305], %swap3A_308 {strides = array<i32>} : memref<80x128xf32, #tpu.memory_space<vmem>>, vector<1x16xf32>,
          %get3A_309 = arith.index_cast %scan3A_243 : i32 to index
          %get3A_310 = arith.constant 64 : index
          %get3A_311 = tpu.vector_load %arg9[%get3A_309, %get3A_310] {strides = array<i32>} : memref<80x128xf32, #tpu.memory_space<vmem>>, vector<1x16xf32>,
          %get3A_312 = vector.shape_cast %get3A_311 : vector<1x16xf32> to vector<16xf32>
          %get3A_313 = arith.index_cast %scan3A_243 : i32 to index
          %get3A_314 = arith.constant 64 : index
          %get3A_315 = tpu.vector_load %arg11[%get3A_313, %get3A_314] {strides = array<i32>} : memref<80x128xf32, #tpu.memory_space<vmem>>, vector<1x16xf32>,
          %get3A_316 = vector.shape_cast %get3A_315 : vector<1x16xf32> to vector<16xf32>
          %add3A_317 = arith.addf %get3A_312, %get3A_316 : vector<16xf32>
          %max3A_318 = arith.constant 0.000000e+00 : f32
          %max3A_319 = vector.broadcast %max3A_318 : f32 to vector<16xf32>
          %max3A_320 = arith.maximumf %add3A_317, %max3A_319 : vector<16xf32>
          %swap3A_321 = arith.index_cast %scan3A_243 : i32 to index
          %swap3A_322 = arith.constant 64 : index
          %swap3A_323 = tpu.vector_load %arg9[%swap3A_321, %swap3A_322] {strides = array<i32>} : memref<80x128xf32, #tpu.memory_space<vmem>>, vector<1x16xf32>,
          %swap3A_324 = vector.shape_cast %swap3A_323 : vector<1x16xf32> to vector<16xf32>
          %swap3A_325 = vector.shape_cast %max3A_320 : vector<16xf32> to vector<1x16xf32>
          tpu.vector_store %arg9[%swap3A_321, %swap3A_322], %swap3A_325 {strides = array<i32>} : memref<80x128xf32, #tpu.memory_space<vmem>>, vector<1x16xf32>,
          %get3A_326 = arith.index_cast %scan3A_243 : i32 to index
          %get3A_327 = arith.constant 80 : index
          %get3A_328 = tpu.vector_load %arg9[%get3A_326, %get3A_327] {strides = array<i32>} : memref<80x128xf32, #tpu.memory_space<vmem>>, vector<1x16xf32>,
          %get3A_329 = vector.shape_cast %get3A_328 : vector<1x16xf32> to vector<16xf32>
          %get3A_330 = arith.index_cast %scan3A_243 : i32 to index
          %get3A_331 = arith.constant 80 : index
          %get3A_332 = tpu.vector_load %arg11[%get3A_330, %get3A_331] {strides = array<i32>} : memref<80x128xf32, #tpu.memory_space<vmem>>, vector<1x16xf32>,
          %get3A_333 = vector.shape_cast %get3A_332 : vector<1x16xf32> to vector<16xf32>
          %add3A_334 = arith.addf %get3A_329, %get3A_333 : vector<16xf32>
          %max3A_335 = arith.constant 0.000000e+00 : f32
          %max3A_336 = vector.broadcast %max3A_335 : f32 to vector<16xf32>
          %max3A_337 = arith.maximumf %add3A_334, %max3A_336 : vector<16xf32>
          %swap3A_338 = arith.index_cast %scan3A_243 : i32 to index
          %swap3A_339 = arith.constant 80 : index
          %swap3A_340 = tpu.vector_load %arg9[%swap3A_338, %swap3A_339] {strides = array<i32>} : memref<80x128xf32, #tpu.memory_space<vmem>>, vector<1x16xf32>,
          %swap3A_341 = vector.shape_cast %swap3A_340 : vector<1x16xf32> to vector<16xf32>
          %swap3A_342 = vector.shape_cast %max3A_337 : vector<16xf32> to vector<1x16xf32>
          tpu.vector_store %arg9[%swap3A_338, %swap3A_339], %swap3A_342 {strides = array<i32>} : memref<80x128xf32, #tpu.memory_space<vmem>>, vector<1x16xf32>,
          %get3A_343 = arith.index_cast %scan3A_243 : i32 to index
          %get3A_344 = arith.constant 96 : index
          %get3A_345 = tpu.vector_load %arg9[%get3A_343, %get3A_344] {strides = array<i32>} : memref<80x128xf32, #tpu.memory_space<vmem>>, vector<1x16xf32>,
          %get3A_346 = vector.shape_cast %get3A_345 : vector<1x16xf32> to vector<16xf32>
          %get3A_347 = arith.index_cast %scan3A_243 : i32 to index
          %get3A_348 = arith.constant 96 : index
          %get3A_349 = tpu.vector_load %arg11[%get3A_347, %get3A_348] {strides = array<i32>} : memref<80x128xf32, #tpu.memory_space<vmem>>, vector<1x16xf32>,
          %get3A_350 = vector.shape_cast %get3A_349 : vector<1x16xf32> to vector<16xf32>
          %add3A_351 = arith.addf %get3A_346, %get3A_350 : vector<16xf32>
          %max3A_352 = arith.constant 0.000000e+00 : f32
          %max3A_353 = vector.broadcast %max3A_352 : f32 to vector<16xf32>
          %max3A_354 = arith.maximumf %add3A_351, %max3A_353 : vector<16xf32>
          %swap3A_355 = arith.index_cast %scan3A_243 : i32 to index
          %swap3A_356 = arith.constant 96 : index
          %swap3A_357 = tpu.vector_load %arg9[%swap3A_355, %swap3A_356] {strides = array<i32>} : memref<80x128xf32, #tpu.memory_space<vmem>>, vector<1x16xf32>,
          %swap3A_358 = vector.shape_cast %swap3A_357 : vector<1x16xf32> to vector<16xf32>
          %swap3A_359 = vector.shape_cast %max3A_354 : vector<16xf32> to vector<1x16xf32>
          tpu.vector_store %arg9[%swap3A_355, %swap3A_356], %swap3A_359 {strides = array<i32>} : memref<80x128xf32, #tpu.memory_space<vmem>>, vector<1x16xf32>,
          %get3A_360 = arith.index_cast %scan3A_243 : i32 to index
          %get3A_361 = arith.constant 112 : index
          %get3A_362 = tpu.vector_load %arg9[%get3A_360, %get3A_361] {strides = array<i32>} : memref<80x128xf32, #tpu.memory_space<vmem>>, vector<1x16xf32>,
          %get3A_363 = vector.shape_cast %get3A_362 : vector<1x16xf32> to vector<16xf32>
          %get3A_364 = arith.index_cast %scan3A_243 : i32 to index
          %get3A_365 = arith.constant 112 : index
          %get3A_366 = tpu.vector_load %arg11[%get3A_364, %get3A_365] {strides = array<i32>} : memref<80x128xf32, #tpu.memory_space<vmem>>, vector<1x16xf32>,
          %get3A_367 = vector.shape_cast %get3A_366 : vector<1x16xf32> to vector<16xf32>
          %add3A_368 = arith.addf %get3A_363, %get3A_367 : vector<16xf32>
          %max3A_369 = arith.constant 0.000000e+00 : f32
          %max3A_370 = vector.broadcast %max3A_369 : f32 to vector<16xf32>
          %max3A_371 = arith.maximumf %add3A_368, %max3A_370 : vector<16xf32>
          %swap3A_372 = arith.index_cast %scan3A_243 : i32 to index
          %swap3A_373 = arith.constant 112 : index
          %swap3A_374 = tpu.vector_load %arg9[%swap3A_372, %swap3A_373] {strides = array<i32>} : memref<80x128xf32, #tpu.memory_space<vmem>>, vector<1x16xf32>,
          %swap3A_375 = vector.shape_cast %swap3A_374 : vector<1x16xf32> to vector<16xf32>
          %swap3A_376 = vector.shape_cast %max3A_371 : vector<16xf32> to vector<1x16xf32>
          tpu.vector_store %arg9[%swap3A_372, %swap3A_373], %swap3A_376 {strides = array<i32>} : memref<80x128xf32, #tpu.memory_space<vmem>>, vector<1x16xf32>,
        }
        %scan3A_207 = arith.constant 80 : i32
        "tpu.region"() ({
          %run_scoped3A_243 = tpu.sem_alloc : memref<!tpu.dma_semaphore, #tpu.memory_space<semaphore_mem>>
          %dma_start3A_244 = arith.constant 0 : i32
          %dma_start3A_245 = tpu.memref_slice %arg8[%mul3A_176, %dma_start3A_244] : memref<25x80xi32, #tpu.memory_space<vmem>> -> memref<1x80xi32, #tpu.memory_space<vmem>>
          %dma_start3A_246 = tpu.memref_squeeze %dma_start3A_245 : memref<1x80xi32, #tpu.memory_space<vmem>> -> memref<80xi32, #tpu.memory_space<vmem>>
          %dma_start3A_247 = arith.constant 0 : i32
          %dma_start3A_248 = arith.constant 0 : i32
          %dma_start3A_249 = tpu.memref_slice %arg13[%dma_start3A_247, %dma_start3A_248] : memref<10000x128xf32, #tpu.memory_space<vmem_shared>> -> memref<10000x128xf32, #tpu.memory_space<vmem_shared>>
          tpu.enqueue_indirect_dma source(%arg9 : memref<80x128xf32, #tpu.memory_space<vmem>>) target(%dma_start3A_249 : memref<10000x128xf32, #tpu.memory_space<vmem_shared>>) offsets(%dma_start3A_246 : memref<80xi32, #tpu.memory_space<vmem>>) semaphore(%run_scoped3A_243 : memref<!tpu.dma_semaphore, #tpu.memory_space<semaphore_mem>>) {add = true}
          %dma_wait3A_250 = arith.constant 0 : i32
          %dma_wait3A_251 = tpu.memref_slice %arg8[%mul3A_176, %dma_wait3A_250] : memref<25x80xi32, #tpu.memory_space<vmem>> -> memref<1x80xi32, #tpu.memory_space<vmem>>
          %dma_wait3A_252 = tpu.memref_squeeze %dma_wait3A_251 : memref<1x80xi32, #tpu.memory_space<vmem>> -> memref<80xi32, #tpu.memory_space<vmem>>
          %dma_wait3A_253 = arith.constant 0 : i32
          %dma_wait3A_254 = arith.constant 0 : i32
          %dma_wait3A_255 = tpu.memref_slice %arg13[%dma_wait3A_253, %dma_wait3A_254] : memref<10000x128xf32, #tpu.memory_space<vmem_shared>> -> memref<10000x128xf32, #tpu.memory_space<vmem_shared>>
          tpu.wait_indirect_dma semaphore(%run_scoped3A_243 : memref<!tpu.dma_semaphore, #tpu.memory_space<semaphore_mem>>) src(%arg9 : memref<80x128xf32, #tpu.memory_space<vmem>>) dst(%dma_wait3A_255 : memref<10000x128xf32, #tpu.memory_space<vmem_shared>>)
          tpu.yield
        }) : () -> ()
        %mul3A_208 = arith.constant 2 : i32
        %mul3A_209 = arith.muli %mul3A_208, %scan3A_174 : i32
        %add3A_210 = arith.constant 1 : i32
        %add3A_211 = arith.addi %mul3A_209, %add3A_210 : i32
        %dma_wait3A_212 = arith.constant 0 : i32
        %dma_wait3A_213 = arith.constant 0 : i32
        %dma_wait3A_214 = arith.constant 0 : i32
        %dma_wait3A_215 = tpu.memref_slice %arg5[%dma_wait3A_212, %dma_wait3A_213, %dma_wait3A_214] : memref<4000x80x128xf32, #tpu.memory_space<hbm>> -> memref<1x80x128xf32, #tpu.memory_space<hbm>>
        %dma_wait3A_216 = tpu.memref_squeeze %dma_wait3A_215 : memref<1x80x128xf32, #tpu.memory_space<hbm>> -> memref<80x128xf32, #tpu.memory_space<hbm>>
        %dma_wait3A_217 = arith.constant 0 : i32
        %dma_wait3A_218 = arith.constant 0 : i32
        %dma_wait3A_219 = tpu.memref_slice %arg5[%dma_wait3A_212, %dma_wait3A_217, %dma_wait3A_218] : memref<4000x80x128xf32, #tpu.memory_space<hbm>> -> memref<1x80x128xf32, #tpu.memory_space<hbm>>
        %dma_wait3A_220 = tpu.memref_squeeze %dma_wait3A_219 : memref<1x80x128xf32, #tpu.memory_space<hbm>> -> memref<80x128xf32, #tpu.memory_space<hbm>>
        tpu.wait_dma2 semaphore(%arg17 : memref<!tpu.dma_semaphore, #tpu.memory_space<semaphore_mem>>) src(%dma_wait3A_220 : memref<80x128xf32, #tpu.memory_space<hbm>>) dst(%arg12 : memref<80x128xf32, #tpu.memory_space<vmem>>)
        %dma_wait3A_221 = arith.constant 0 : i32
        %dma_wait3A_222 = arith.constant 0 : i32
        %dma_wait3A_223 = arith.constant 0 : i32
        %dma_wait3A_224 = tpu.memref_slice %arg5[%dma_wait3A_221, %dma_wait3A_222, %dma_wait3A_223] : memref<4000x80x128xf32, #tpu.memory_space<hbm>> -> memref<1x80x128xf32, #tpu.memory_space<hbm>>
        %dma_wait3A_225 = tpu.memref_squeeze %dma_wait3A_224 : memref<1x80x128xf32, #tpu.memory_space<hbm>> -> memref<80x128xf32, #tpu.memory_space<hbm>>
        %dma_wait3A_226 = arith.constant 0 : i32
        %dma_wait3A_227 = arith.constant 0 : i32
        %dma_wait3A_228 = tpu.memref_slice %arg5[%dma_wait3A_221, %dma_wait3A_226, %dma_wait3A_227] : memref<4000x80x128xf32, #tpu.memory_space<hbm>> -> memref<1x80x128xf32, #tpu.memory_space<hbm>>
        %dma_wait3A_229 = tpu.memref_squeeze %dma_wait3A_228 : memref<1x80x128xf32, #tpu.memory_space<hbm>> -> memref<80x128xf32, #tpu.memory_space<hbm>>
        tpu.wait_dma2 semaphore(%arg15 : memref<!tpu.dma_semaphore, #tpu.memory_space<semaphore_mem>>) src(%dma_wait3A_229 : memref<80x128xf32, #tpu.memory_space<hbm>>) dst(%arg10 : memref<80x128xf32, #tpu.memory_space<vmem>>)
        %add3A_230 = arith.constant 1 : i32
        %add3A_231 = arith.addi %add3A_211, %add3A_230 : i32
        %lt3A_232 = arith.constant 25 : i32
        %lt3A_233 = arith.cmpi slt, %add3A_231, %lt3A_232 : i32
        %convert_element_type3A_234 = arith.extui %lt3A_233 : i1 to i32
        %cond3A_235 = arith.constant 0 : i32
        %cond3A_236 = arith.cmpi ne, %convert_element_type3A_234, %cond3A_235 : i32
        scf.if %cond3A_236 {
          %add3A_243 = arith.constant 1 : i32
          %add3A_244 = arith.addi %add3A_211, %add3A_243 : i32
          %mul3A_245 = arith.constant 5 : i32
          %mul3A_246 = arith.muli %add3A, %mul3A_245 : i32
          %add3A_247 = arith.addi %mul3A_246, %scan3A_123 : i32
          %mul3A_248 = arith.constant 25 : i32
          %mul3A_249 = arith.muli %add3A_247, %mul3A_248 : i32
          %add3A_250 = arith.addi %mul3A_249, %add3A_244 : i32
          %dma_start3A_251 = arith.constant 0 : i32
          %dma_start3A_252 = arith.constant 0 : i32
          %dma_start3A_253 = tpu.memref_slice %arg5[%add3A_250, %dma_start3A_251, %dma_start3A_252] : memref<4000x80x128xf32, #tpu.memory_space<hbm>> -> memref<1x80x128xf32, #tpu.memory_space<hbm>>
          %dma_start3A_254 = tpu.memref_squeeze %dma_start3A_253 : memref<1x80x128xf32, #tpu.memory_space<hbm>> -> memref<80x128xf32, #tpu.memory_space<hbm>>
          %dma_start3A_255 = arith.constant 0 : i32
          %dma_start3A_256 = arith.constant 0 : i32
          %dma_start3A_257 = tpu.memref_slice %arg5[%add3A_250, %dma_start3A_255, %dma_start3A_256] : memref<4000x80x128xf32, #tpu.memory_space<hbm>> -> memref<1x80x128xf32, #tpu.memory_space<hbm>>
          %dma_start3A_258 = tpu.memref_squeeze %dma_start3A_257 : memref<1x80x128xf32, #tpu.memory_space<hbm>> -> memref<80x128xf32, #tpu.memory_space<hbm>>
          tpu.enqueue_dma source(%dma_start3A_258 : memref<80x128xf32, #tpu.memory_space<hbm>>) target(%arg11 : memref<80x128xf32, #tpu.memory_space<vmem>>) target_semaphore(%arg16 : memref<!tpu.dma_semaphore, #tpu.memory_space<semaphore_mem>>)
          %dma_start3A_259 = arith.constant 0 : i32
          %dma_start3A_260 = tpu.memref_slice %arg7[%add3A_244, %dma_start3A_259] : memref<25x80xi32, #tpu.memory_space<vmem>> -> memref<1x80xi32, #tpu.memory_space<vmem>>
          %dma_start3A_261 = tpu.memref_squeeze %dma_start3A_260 : memref<1x80xi32, #tpu.memory_space<vmem>> -> memref<80xi32, #tpu.memory_space<vmem>>
          %dma_start3A_262 = arith.constant 0 : i32
          %dma_start3A_263 = arith.constant 0 : i32
          %dma_start3A_264 = tpu.memref_slice %arg2[%dma_start3A_262, %dma_start3A_263] : memref<10000x128xf32, #tpu.memory_space<hbm>> -> memref<10000x128xf32, #tpu.memory_space<hbm>>
          tpu.enqueue_indirect_dma source(%dma_start3A_264 : memref<10000x128xf32, #tpu.memory_space<hbm>>) target(%arg9 : memref<80x128xf32, #tpu.memory_space<vmem>>) offsets(%dma_start3A_261 : memref<80xi32, #tpu.memory_space<vmem>>) semaphore(%arg14 : memref<!tpu.dma_semaphore, #tpu.memory_space<semaphore_mem>>)
        } else {
        }
        %scan3A_237 = arith.constant 0 : i32
        %scan3A_238 = arith.constant 0 : i32
        %scan3A_239 = arith.constant 80 : i32
        %scan3A_240 = arith.addi %scan3A_238, %scan3A_239 : i32
        %scan3A_241 = arith.constant 1 : i32
        scf.for %scan3A_243 = %scan3A_238 to %scan3A_240 step %scan3A_241  : i32 {
          %get3A = arith.index_cast %scan3A_243 : i32 to index
          %get3A_244 = arith.constant 0 : index
          %get3A_245 = tpu.vector_load %arg10[%get3A, %get3A_244] {strides = array<i32>} : memref<80x128xf32, #tpu.memory_space<vmem>>, vector<1x16xf32>,
          %get3A_246 = vector.shape_cast %get3A_245 : vector<1x16xf32> to vector<16xf32>
          %get3A_247 = arith.index_cast %scan3A_243 : i32 to index
          %get3A_248 = arith.constant 0 : index
          %get3A_249 = tpu.vector_load %arg12[%get3A_247, %get3A_248] {strides = array<i32>} : memref<80x128xf32, #tpu.memory_space<vmem>>, vector<1x16xf32>,
          %get3A_250 = vector.shape_cast %get3A_249 : vector<1x16xf32> to vector<16xf32>
          %add3A_251 = arith.addf %get3A_246, %get3A_250 : vector<16xf32>
          %max3A = arith.constant 0.000000e+00 : f32
          %max3A_252 = vector.broadcast %max3A : f32 to vector<16xf32>
          %max3A_253 = arith.maximumf %add3A_251, %max3A_252 : vector<16xf32>
          %swap3A = arith.index_cast %scan3A_243 : i32 to index
          %swap3A_254 = arith.constant 0 : index
          %swap3A_255 = tpu.vector_load %arg10[%swap3A, %swap3A_254] {strides = array<i32>} : memref<80x128xf32, #tpu.memory_space<vmem>>, vector<1x16xf32>,
          %swap3A_256 = vector.shape_cast %swap3A_255 : vector<1x16xf32> to vector<16xf32>
          %swap3A_257 = vector.shape_cast %max3A_253 : vector<16xf32> to vector<1x16xf32>
          tpu.vector_store %arg10[%swap3A, %swap3A_254], %swap3A_257 {strides = array<i32>} : memref<80x128xf32, #tpu.memory_space<vmem>>, vector<1x16xf32>,
          %get3A_258 = arith.index_cast %scan3A_243 : i32 to index
          %get3A_259 = arith.constant 16 : index
          %get3A_260 = tpu.vector_load %arg10[%get3A_258, %get3A_259] {strides = array<i32>} : memref<80x128xf32, #tpu.memory_space<vmem>>, vector<1x16xf32>,
          %get3A_261 = vector.shape_cast %get3A_260 : vector<1x16xf32> to vector<16xf32>
          %get3A_262 = arith.index_cast %scan3A_243 : i32 to index
          %get3A_263 = arith.constant 16 : index
          %get3A_264 = tpu.vector_load %arg12[%get3A_262, %get3A_263] {strides = array<i32>} : memref<80x128xf32, #tpu.memory_space<vmem>>, vector<1x16xf32>,
          %get3A_265 = vector.shape_cast %get3A_264 : vector<1x16xf32> to vector<16xf32>
          %add3A_266 = arith.addf %get3A_261, %get3A_265 : vector<16xf32>
          %max3A_267 = arith.constant 0.000000e+00 : f32
          %max3A_268 = vector.broadcast %max3A_267 : f32 to vector<16xf32>
          %max3A_269 = arith.maximumf %add3A_266, %max3A_268 : vector<16xf32>
          %swap3A_270 = arith.index_cast %scan3A_243 : i32 to index
          %swap3A_271 = arith.constant 16 : index
          %swap3A_272 = tpu.vector_load %arg10[%swap3A_270, %swap3A_271] {strides = array<i32>} : memref<80x128xf32, #tpu.memory_space<vmem>>, vector<1x16xf32>,
          %swap3A_273 = vector.shape_cast %swap3A_272 : vector<1x16xf32> to vector<16xf32>
          %swap3A_274 = vector.shape_cast %max3A_269 : vector<16xf32> to vector<1x16xf32>
          tpu.vector_store %arg10[%swap3A_270, %swap3A_271], %swap3A_274 {strides = array<i32>} : memref<80x128xf32, #tpu.memory_space<vmem>>, vector<1x16xf32>,
          %get3A_275 = arith.index_cast %scan3A_243 : i32 to index
          %get3A_276 = arith.constant 32 : index
          %get3A_277 = tpu.vector_load %arg10[%get3A_275, %get3A_276] {strides = array<i32>} : memref<80x128xf32, #tpu.memory_space<vmem>>, vector<1x16xf32>,
          %get3A_278 = vector.shape_cast %get3A_277 : vector<1x16xf32> to vector<16xf32>
          %get3A_279 = arith.index_cast %scan3A_243 : i32 to index
          %get3A_280 = arith.constant 32 : index
          %get3A_281 = tpu.vector_load %arg12[%get3A_279, %get3A_280] {strides = array<i32>} : memref<80x128xf32, #tpu.memory_space<vmem>>, vector<1x16xf32>,
          %get3A_282 = vector.shape_cast %get3A_281 : vector<1x16xf32> to vector<16xf32>
          %add3A_283 = arith.addf %get3A_278, %get3A_282 : vector<16xf32>
          %max3A_284 = arith.constant 0.000000e+00 : f32
          %max3A_285 = vector.broadcast %max3A_284 : f32 to vector<16xf32>
          %max3A_286 = arith.maximumf %add3A_283, %max3A_285 : vector<16xf32>
          %swap3A_287 = arith.index_cast %scan3A_243 : i32 to index
          %swap3A_288 = arith.constant 32 : index
          %swap3A_289 = tpu.vector_load %arg10[%swap3A_287, %swap3A_288] {strides = array<i32>} : memref<80x128xf32, #tpu.memory_space<vmem>>, vector<1x16xf32>,
          %swap3A_290 = vector.shape_cast %swap3A_289 : vector<1x16xf32> to vector<16xf32>
          %swap3A_291 = vector.shape_cast %max3A_286 : vector<16xf32> to vector<1x16xf32>
          tpu.vector_store %arg10[%swap3A_287, %swap3A_288], %swap3A_291 {strides = array<i32>} : memref<80x128xf32, #tpu.memory_space<vmem>>, vector<1x16xf32>,
          %get3A_292 = arith.index_cast %scan3A_243 : i32 to index
          %get3A_293 = arith.constant 48 : index
          %get3A_294 = tpu.vector_load %arg10[%get3A_292, %get3A_293] {strides = array<i32>} : memref<80x128xf32, #tpu.memory_space<vmem>>, vector<1x16xf32>,
          %get3A_295 = vector.shape_cast %get3A_294 : vector<1x16xf32> to vector<16xf32>
          %get3A_296 = arith.index_cast %scan3A_243 : i32 to index
          %get3A_297 = arith.constant 48 : index
          %get3A_298 = tpu.vector_load %arg12[%get3A_296, %get3A_297] {strides = array<i32>} : memref<80x128xf32, #tpu.memory_space<vmem>>, vector<1x16xf32>,
          %get3A_299 = vector.shape_cast %get3A_298 : vector<1x16xf32> to vector<16xf32>
          %add3A_300 = arith.addf %get3A_295, %get3A_299 : vector<16xf32>
          %max3A_301 = arith.constant 0.000000e+00 : f32
          %max3A_302 = vector.broadcast %max3A_301 : f32 to vector<16xf32>
          %max3A_303 = arith.maximumf %add3A_300, %max3A_302 : vector<16xf32>
          %swap3A_304 = arith.index_cast %scan3A_243 : i32 to index
          %swap3A_305 = arith.constant 48 : index
          %swap3A_306 = tpu.vector_load %arg10[%swap3A_304, %swap3A_305] {strides = array<i32>} : memref<80x128xf32, #tpu.memory_space<vmem>>, vector<1x16xf32>,
          %swap3A_307 = vector.shape_cast %swap3A_306 : vector<1x16xf32> to vector<16xf32>
          %swap3A_308 = vector.shape_cast %max3A_303 : vector<16xf32> to vector<1x16xf32>
          tpu.vector_store %arg10[%swap3A_304, %swap3A_305], %swap3A_308 {strides = array<i32>} : memref<80x128xf32, #tpu.memory_space<vmem>>, vector<1x16xf32>,
          %get3A_309 = arith.index_cast %scan3A_243 : i32 to index
          %get3A_310 = arith.constant 64 : index
          %get3A_311 = tpu.vector_load %arg10[%get3A_309, %get3A_310] {strides = array<i32>} : memref<80x128xf32, #tpu.memory_space<vmem>>, vector<1x16xf32>,
          %get3A_312 = vector.shape_cast %get3A_311 : vector<1x16xf32> to vector<16xf32>
          %get3A_313 = arith.index_cast %scan3A_243 : i32 to index
          %get3A_314 = arith.constant 64 : index
          %get3A_315 = tpu.vector_load %arg12[%get3A_313, %get3A_314] {strides = array<i32>} : memref<80x128xf32, #tpu.memory_space<vmem>>, vector<1x16xf32>,
          %get3A_316 = vector.shape_cast %get3A_315 : vector<1x16xf32> to vector<16xf32>
          %add3A_317 = arith.addf %get3A_312, %get3A_316 : vector<16xf32>
          %max3A_318 = arith.constant 0.000000e+00 : f32
          %max3A_319 = vector.broadcast %max3A_318 : f32 to vector<16xf32>
          %max3A_320 = arith.maximumf %add3A_317, %max3A_319 : vector<16xf32>
          %swap3A_321 = arith.index_cast %scan3A_243 : i32 to index
          %swap3A_322 = arith.constant 64 : index
          %swap3A_323 = tpu.vector_load %arg10[%swap3A_321, %swap3A_322] {strides = array<i32>} : memref<80x128xf32, #tpu.memory_space<vmem>>, vector<1x16xf32>,
          %swap3A_324 = vector.shape_cast %swap3A_323 : vector<1x16xf32> to vector<16xf32>
          %swap3A_325 = vector.shape_cast %max3A_320 : vector<16xf32> to vector<1x16xf32>
          tpu.vector_store %arg10[%swap3A_321, %swap3A_322], %swap3A_325 {strides = array<i32>} : memref<80x128xf32, #tpu.memory_space<vmem>>, vector<1x16xf32>,
          %get3A_326 = arith.index_cast %scan3A_243 : i32 to index
          %get3A_327 = arith.constant 80 : index
          %get3A_328 = tpu.vector_load %arg10[%get3A_326, %get3A_327] {strides = array<i32>} : memref<80x128xf32, #tpu.memory_space<vmem>>, vector<1x16xf32>,
          %get3A_329 = vector.shape_cast %get3A_328 : vector<1x16xf32> to vector<16xf32>
          %get3A_330 = arith.index_cast %scan3A_243 : i32 to index
          %get3A_331 = arith.constant 80 : index
          %get3A_332 = tpu.vector_load %arg12[%get3A_330, %get3A_331] {strides = array<i32>} : memref<80x128xf32, #tpu.memory_space<vmem>>, vector<1x16xf32>,
          %get3A_333 = vector.shape_cast %get3A_332 : vector<1x16xf32> to vector<16xf32>
          %add3A_334 = arith.addf %get3A_329, %get3A_333 : vector<16xf32>
          %max3A_335 = arith.constant 0.000000e+00 : f32
          %max3A_336 = vector.broadcast %max3A_335 : f32 to vector<16xf32>
          %max3A_337 = arith.maximumf %add3A_334, %max3A_336 : vector<16xf32>
          %swap3A_338 = arith.index_cast %scan3A_243 : i32 to index
          %swap3A_339 = arith.constant 80 : index
          %swap3A_340 = tpu.vector_load %arg10[%swap3A_338, %swap3A_339] {strides = array<i32>} : memref<80x128xf32, #tpu.memory_space<vmem>>, vector<1x16xf32>,
          %swap3A_341 = vector.shape_cast %swap3A_340 : vector<1x16xf32> to vector<16xf32>
          %swap3A_342 = vector.shape_cast %max3A_337 : vector<16xf32> to vector<1x16xf32>
          tpu.vector_store %arg10[%swap3A_338, %swap3A_339], %swap3A_342 {strides = array<i32>} : memref<80x128xf32, #tpu.memory_space<vmem>>, vector<1x16xf32>,
          %get3A_343 = arith.index_cast %scan3A_243 : i32 to index
          %get3A_344 = arith.constant 96 : index
          %get3A_345 = tpu.vector_load %arg10[%get3A_343, %get3A_344] {strides = array<i32>} : memref<80x128xf32, #tpu.memory_space<vmem>>, vector<1x16xf32>,
          %get3A_346 = vector.shape_cast %get3A_345 : vector<1x16xf32> to vector<16xf32>
          %get3A_347 = arith.index_cast %scan3A_243 : i32 to index
          %get3A_348 = arith.constant 96 : index
          %get3A_349 = tpu.vector_load %arg12[%get3A_347, %get3A_348] {strides = array<i32>} : memref<80x128xf32, #tpu.memory_space<vmem>>, vector<1x16xf32>,
          %get3A_350 = vector.shape_cast %get3A_349 : vector<1x16xf32> to vector<16xf32>
          %add3A_351 = arith.addf %get3A_346, %get3A_350 : vector<16xf32>
          %max3A_352 = arith.constant 0.000000e+00 : f32
          %max3A_353 = vector.broadcast %max3A_352 : f32 to vector<16xf32>
          %max3A_354 = arith.maximumf %add3A_351, %max3A_353 : vector<16xf32>
          %swap3A_355 = arith.index_cast %scan3A_243 : i32 to index
          %swap3A_356 = arith.constant 96 : index
          %swap3A_357 = tpu.vector_load %arg10[%swap3A_355, %swap3A_356] {strides = array<i32>} : memref<80x128xf32, #tpu.memory_space<vmem>>, vector<1x16xf32>,
          %swap3A_358 = vector.shape_cast %swap3A_357 : vector<1x16xf32> to vector<16xf32>
          %swap3A_359 = vector.shape_cast %max3A_354 : vector<16xf32> to vector<1x16xf32>
          tpu.vector_store %arg10[%swap3A_355, %swap3A_356], %swap3A_359 {strides = array<i32>} : memref<80x128xf32, #tpu.memory_space<vmem>>, vector<1x16xf32>,
          %get3A_360 = arith.index_cast %scan3A_243 : i32 to index
          %get3A_361 = arith.constant 112 : index
          %get3A_362 = tpu.vector_load %arg10[%get3A_360, %get3A_361] {strides = array<i32>} : memref<80x128xf32, #tpu.memory_space<vmem>>, vector<1x16xf32>,
          %get3A_363 = vector.shape_cast %get3A_362 : vector<1x16xf32> to vector<16xf32>
          %get3A_364 = arith.index_cast %scan3A_243 : i32 to index
          %get3A_365 = arith.constant 112 : index
          %get3A_366 = tpu.vector_load %arg12[%get3A_364, %get3A_365] {strides = array<i32>} : memref<80x128xf32, #tpu.memory_space<vmem>>, vector<1x16xf32>,
          %get3A_367 = vector.shape_cast %get3A_366 : vector<1x16xf32> to vector<16xf32>
          %add3A_368 = arith.addf %get3A_363, %get3A_367 : vector<16xf32>
          %max3A_369 = arith.constant 0.000000e+00 : f32
          %max3A_370 = vector.broadcast %max3A_369 : f32 to vector<16xf32>
          %max3A_371 = arith.maximumf %add3A_368, %max3A_370 : vector<16xf32>
          %swap3A_372 = arith.index_cast %scan3A_243 : i32 to index
          %swap3A_373 = arith.constant 112 : index
          %swap3A_374 = tpu.vector_load %arg10[%swap3A_372, %swap3A_373] {strides = array<i32>} : memref<80x128xf32, #tpu.memory_space<vmem>>, vector<1x16xf32>,
          %swap3A_375 = vector.shape_cast %swap3A_374 : vector<1x16xf32> to vector<16xf32>
          %swap3A_376 = vector.shape_cast %max3A_371 : vector<16xf32> to vector<1x16xf32>
          tpu.vector_store %arg10[%swap3A_372, %swap3A_373], %swap3A_376 {strides = array<i32>} : memref<80x128xf32, #tpu.memory_space<vmem>>, vector<1x16xf32>,
        }
        %scan3A_242 = arith.constant 80 : i32
        "tpu.region"() ({
          %run_scoped3A_243 = tpu.sem_alloc : memref<!tpu.dma_semaphore, #tpu.memory_space<semaphore_mem>>
          %dma_start3A_244 = arith.constant 0 : i32
          %dma_start3A_245 = tpu.memref_slice %arg8[%add3A_211, %dma_start3A_244] : memref<25x80xi32, #tpu.memory_space<vmem>> -> memref<1x80xi32, #tpu.memory_space<vmem>>
          %dma_start3A_246 = tpu.memref_squeeze %dma_start3A_245 : memref<1x80xi32, #tpu.memory_space<vmem>> -> memref<80xi32, #tpu.memory_space<vmem>>
          %dma_start3A_247 = arith.constant 0 : i32
          %dma_start3A_248 = arith.constant 0 : i32
          %dma_start3A_249 = tpu.memref_slice %arg13[%dma_start3A_247, %dma_start3A_248] : memref<10000x128xf32, #tpu.memory_space<vmem_shared>> -> memref<10000x128xf32, #tpu.memory_space<vmem_shared>>
          tpu.enqueue_indirect_dma source(%arg10 : memref<80x128xf32, #tpu.memory_space<vmem>>) target(%dma_start3A_249 : memref<10000x128xf32, #tpu.memory_space<vmem_shared>>) offsets(%dma_start3A_246 : memref<80xi32, #tpu.memory_space<vmem>>) semaphore(%run_scoped3A_243 : memref<!tpu.dma_semaphore, #tpu.memory_space<semaphore_mem>>) {add = true}
          %dma_wait3A_250 = arith.constant 0 : i32
          %dma_wait3A_251 = tpu.memref_slice %arg8[%add3A_211, %dma_wait3A_250] : memref<25x80xi32, #tpu.memory_space<vmem>> -> memref<1x80xi32, #tpu.memory_space<vmem>>
          %dma_wait3A_252 = tpu.memref_squeeze %dma_wait3A_251 : memref<1x80xi32, #tpu.memory_space<vmem>> -> memref<80xi32, #tpu.memory_space<vmem>>
          %dma_wait3A_253 = arith.constant 0 : i32
          %dma_wait3A_254 = arith.constant 0 : i32
          %dma_wait3A_255 = tpu.memref_slice %arg13[%dma_wait3A_253, %dma_wait3A_254] : memref<10000x128xf32, #tpu.memory_space<vmem_shared>> -> memref<10000x128xf32, #tpu.memory_space<vmem_shared>>
          tpu.wait_indirect_dma semaphore(%run_scoped3A_243 : memref<!tpu.dma_semaphore, #tpu.memory_space<semaphore_mem>>) src(%arg10 : memref<80x128xf32, #tpu.memory_space<vmem>>) dst(%dma_wait3A_255 : memref<10000x128xf32, #tpu.memory_space<vmem_shared>>)
          tpu.yield
        }) : () -> ()
      }
      %scan3A_150 = arith.constant 12 : i32
      %dma_wait3A = arith.constant 0 : i32
      %dma_wait3A_151 = arith.constant 0 : i32
      %dma_wait3A_152 = arith.constant 0 : i32
      %dma_wait3A_153 = tpu.memref_slice %arg5[%dma_wait3A, %dma_wait3A_151, %dma_wait3A_152] : memref<4000x80x128xf32, #tpu.memory_space<hbm>> -> memref<1x80x128xf32, #tpu.memory_space<hbm>>
      %dma_wait3A_154 = tpu.memref_squeeze %dma_wait3A_153 : memref<1x80x128xf32, #tpu.memory_space<hbm>> -> memref<80x128xf32, #tpu.memory_space<hbm>>
      %dma_wait3A_155 = arith.constant 0 : i32
      %dma_wait3A_156 = arith.constant 0 : i32
      %dma_wait3A_157 = tpu.memref_slice %arg5[%dma_wait3A, %dma_wait3A_155, %dma_wait3A_156] : memref<4000x80x128xf32, #tpu.memory_space<hbm>> -> memref<1x80x128xf32, #tpu.memory_space<hbm>>
      %dma_wait3A_158 = tpu.memref_squeeze %dma_wait3A_157 : memref<1x80x128xf32, #tpu.memory_space<hbm>> -> memref<80x128xf32, #tpu.memory_space<hbm>>
      tpu.wait_dma2 semaphore(%arg16 : memref<!tpu.dma_semaphore, #tpu.memory_space<semaphore_mem>>) src(%dma_wait3A_158 : memref<80x128xf32, #tpu.memory_space<hbm>>) dst(%arg11 : memref<80x128xf32, #tpu.memory_space<vmem>>)
      %dma_wait3A_159 = arith.constant 0 : i32
      %dma_wait3A_160 = arith.constant 0 : i32
      %dma_wait3A_161 = arith.constant 0 : i32
      %dma_wait3A_162 = tpu.memref_slice %arg5[%dma_wait3A_159, %dma_wait3A_160, %dma_wait3A_161] : memref<4000x80x128xf32, #tpu.memory_space<hbm>> -> memref<1x80x128xf32, #tpu.memory_space<hbm>>
      %dma_wait3A_163 = tpu.memref_squeeze %dma_wait3A_162 : memref<1x80x128xf32, #tpu.memory_space<hbm>> -> memref<80x128xf32, #tpu.memory_space<hbm>>
      %dma_wait3A_164 = arith.constant 0 : i32
      %dma_wait3A_165 = arith.constant 0 : i32
      %dma_wait3A_166 = tpu.memref_slice %arg5[%dma_wait3A_159, %dma_wait3A_164, %dma_wait3A_165] : memref<4000x80x128xf32, #tpu.memory_space<hbm>> -> memref<1x80x128xf32, #tpu.memory_space<hbm>>
      %dma_wait3A_167 = tpu.memref_squeeze %dma_wait3A_166 : memref<1x80x128xf32, #tpu.memory_space<hbm>> -> memref<80x128xf32, #tpu.memory_space<hbm>>
      tpu.wait_dma2 semaphore(%arg14 : memref<!tpu.dma_semaphore, #tpu.memory_space<semaphore_mem>>) src(%dma_wait3A_167 : memref<80x128xf32, #tpu.memory_space<hbm>>) dst(%arg9 : memref<80x128xf32, #tpu.memory_space<vmem>>)
      %scan3A_168 = arith.constant 0 : i32
      %scan3A_169 = arith.constant 0 : i32
      %scan3A_170 = arith.constant 80 : i32
      %scan3A_171 = arith.addi %scan3A_169, %scan3A_170 : i32
      %scan3A_172 = arith.constant 1 : i32
      scf.for %scan3A_174 = %scan3A_169 to %scan3A_171 step %scan3A_172  : i32 {
        %get3A = arith.index_cast %scan3A_174 : i32 to index
        %get3A_175 = arith.constant 0 : index
        %get3A_176 = tpu.vector_load %arg9[%get3A, %get3A_175] {strides = array<i32>} : memref<80x128xf32, #tpu.memory_space<vmem>>, vector<1x16xf32>,
        %get3A_177 = vector.shape_cast %get3A_176 : vector<1x16xf32> to vector<16xf32>
        %get3A_178 = arith.index_cast %scan3A_174 : i32 to index
        %get3A_179 = arith.constant 0 : index
        %get3A_180 = tpu.vector_load %arg11[%get3A_178, %get3A_179] {strides = array<i32>} : memref<80x128xf32, #tpu.memory_space<vmem>>, vector<1x16xf32>,
        %get3A_181 = vector.shape_cast %get3A_180 : vector<1x16xf32> to vector<16xf32>
        %add3A_182 = arith.addf %get3A_177, %get3A_181 : vector<16xf32>
        %max3A = arith.constant 0.000000e+00 : f32
        %max3A_183 = vector.broadcast %max3A : f32 to vector<16xf32>
        %max3A_184 = arith.maximumf %add3A_182, %max3A_183 : vector<16xf32>
        %swap3A = arith.index_cast %scan3A_174 : i32 to index
        %swap3A_185 = arith.constant 0 : index
        %swap3A_186 = tpu.vector_load %arg9[%swap3A, %swap3A_185] {strides = array<i32>} : memref<80x128xf32, #tpu.memory_space<vmem>>, vector<1x16xf32>,
        %swap3A_187 = vector.shape_cast %swap3A_186 : vector<1x16xf32> to vector<16xf32>
        %swap3A_188 = vector.shape_cast %max3A_184 : vector<16xf32> to vector<1x16xf32>
        tpu.vector_store %arg9[%swap3A, %swap3A_185], %swap3A_188 {strides = array<i32>} : memref<80x128xf32, #tpu.memory_space<vmem>>, vector<1x16xf32>,
        %get3A_189 = arith.index_cast %scan3A_174 : i32 to index
        %get3A_190 = arith.constant 16 : index
        %get3A_191 = tpu.vector_load %arg9[%get3A_189, %get3A_190] {strides = array<i32>} : memref<80x128xf32, #tpu.memory_space<vmem>>, vector<1x16xf32>,
        %get3A_192 = vector.shape_cast %get3A_191 : vector<1x16xf32> to vector<16xf32>
        %get3A_193 = arith.index_cast %scan3A_174 : i32 to index
        %get3A_194 = arith.constant 16 : index
        %get3A_195 = tpu.vector_load %arg11[%get3A_193, %get3A_194] {strides = array<i32>} : memref<80x128xf32, #tpu.memory_space<vmem>>, vector<1x16xf32>,
        %get3A_196 = vector.shape_cast %get3A_195 : vector<1x16xf32> to vector<16xf32>
        %add3A_197 = arith.addf %get3A_192, %get3A_196 : vector<16xf32>
        %max3A_198 = arith.constant 0.000000e+00 : f32
        %max3A_199 = vector.broadcast %max3A_198 : f32 to vector<16xf32>
        %max3A_200 = arith.maximumf %add3A_197, %max3A_199 : vector<16xf32>
        %swap3A_201 = arith.index_cast %scan3A_174 : i32 to index
        %swap3A_202 = arith.constant 16 : index
        %swap3A_203 = tpu.vector_load %arg9[%swap3A_201, %swap3A_202] {strides = array<i32>} : memref<80x128xf32, #tpu.memory_space<vmem>>, vector<1x16xf32>,
        %swap3A_204 = vector.shape_cast %swap3A_203 : vector<1x16xf32> to vector<16xf32>
        %swap3A_205 = vector.shape_cast %max3A_200 : vector<16xf32> to vector<1x16xf32>
        tpu.vector_store %arg9[%swap3A_201, %swap3A_202], %swap3A_205 {strides = array<i32>} : memref<80x128xf32, #tpu.memory_space<vmem>>, vector<1x16xf32>,
        %get3A_206 = arith.index_cast %scan3A_174 : i32 to index
        %get3A_207 = arith.constant 32 : index
        %get3A_208 = tpu.vector_load %arg9[%get3A_206, %get3A_207] {strides = array<i32>} : memref<80x128xf32, #tpu.memory_space<vmem>>, vector<1x16xf32>,
        %get3A_209 = vector.shape_cast %get3A_208 : vector<1x16xf32> to vector<16xf32>
        %get3A_210 = arith.index_cast %scan3A_174 : i32 to index
        %get3A_211 = arith.constant 32 : index
        %get3A_212 = tpu.vector_load %arg11[%get3A_210, %get3A_211] {strides = array<i32>} : memref<80x128xf32, #tpu.memory_space<vmem>>, vector<1x16xf32>,
        %get3A_213 = vector.shape_cast %get3A_212 : vector<1x16xf32> to vector<16xf32>
        %add3A_214 = arith.addf %get3A_209, %get3A_213 : vector<16xf32>
        %max3A_215 = arith.constant 0.000000e+00 : f32
        %max3A_216 = vector.broadcast %max3A_215 : f32 to vector<16xf32>
        %max3A_217 = arith.maximumf %add3A_214, %max3A_216 : vector<16xf32>
        %swap3A_218 = arith.index_cast %scan3A_174 : i32 to index
        %swap3A_219 = arith.constant 32 : index
        %swap3A_220 = tpu.vector_load %arg9[%swap3A_218, %swap3A_219] {strides = array<i32>} : memref<80x128xf32, #tpu.memory_space<vmem>>, vector<1x16xf32>,
        %swap3A_221 = vector.shape_cast %swap3A_220 : vector<1x16xf32> to vector<16xf32>
        %swap3A_222 = vector.shape_cast %max3A_217 : vector<16xf32> to vector<1x16xf32>
        tpu.vector_store %arg9[%swap3A_218, %swap3A_219], %swap3A_222 {strides = array<i32>} : memref<80x128xf32, #tpu.memory_space<vmem>>, vector<1x16xf32>,
        %get3A_223 = arith.index_cast %scan3A_174 : i32 to index
        %get3A_224 = arith.constant 48 : index
        %get3A_225 = tpu.vector_load %arg9[%get3A_223, %get3A_224] {strides = array<i32>} : memref<80x128xf32, #tpu.memory_space<vmem>>, vector<1x16xf32>,
        %get3A_226 = vector.shape_cast %get3A_225 : vector<1x16xf32> to vector<16xf32>
        %get3A_227 = arith.index_cast %scan3A_174 : i32 to index
        %get3A_228 = arith.constant 48 : index
        %get3A_229 = tpu.vector_load %arg11[%get3A_227, %get3A_228] {strides = array<i32>} : memref<80x128xf32, #tpu.memory_space<vmem>>, vector<1x16xf32>,
        %get3A_230 = vector.shape_cast %get3A_229 : vector<1x16xf32> to vector<16xf32>
        %add3A_231 = arith.addf %get3A_226, %get3A_230 : vector<16xf32>
        %max3A_232 = arith.constant 0.000000e+00 : f32
        %max3A_233 = vector.broadcast %max3A_232 : f32 to vector<16xf32>
        %max3A_234 = arith.maximumf %add3A_231, %max3A_233 : vector<16xf32>
        %swap3A_235 = arith.index_cast %scan3A_174 : i32 to index
        %swap3A_236 = arith.constant 48 : index
        %swap3A_237 = tpu.vector_load %arg9[%swap3A_235, %swap3A_236] {strides = array<i32>} : memref<80x128xf32, #tpu.memory_space<vmem>>, vector<1x16xf32>,
        %swap3A_238 = vector.shape_cast %swap3A_237 : vector<1x16xf32> to vector<16xf32>
        %swap3A_239 = vector.shape_cast %max3A_234 : vector<16xf32> to vector<1x16xf32>
        tpu.vector_store %arg9[%swap3A_235, %swap3A_236], %swap3A_239 {strides = array<i32>} : memref<80x128xf32, #tpu.memory_space<vmem>>, vector<1x16xf32>,
        %get3A_240 = arith.index_cast %scan3A_174 : i32 to index
        %get3A_241 = arith.constant 64 : index
        %get3A_242 = tpu.vector_load %arg9[%get3A_240, %get3A_241] {strides = array<i32>} : memref<80x128xf32, #tpu.memory_space<vmem>>, vector<1x16xf32>,
        %get3A_243 = vector.shape_cast %get3A_242 : vector<1x16xf32> to vector<16xf32>
        %get3A_244 = arith.index_cast %scan3A_174 : i32 to index
        %get3A_245 = arith.constant 64 : index
        %get3A_246 = tpu.vector_load %arg11[%get3A_244, %get3A_245] {strides = array<i32>} : memref<80x128xf32, #tpu.memory_space<vmem>>, vector<1x16xf32>,
        %get3A_247 = vector.shape_cast %get3A_246 : vector<1x16xf32> to vector<16xf32>
        %add3A_248 = arith.addf %get3A_243, %get3A_247 : vector<16xf32>
        %max3A_249 = arith.constant 0.000000e+00 : f32
        %max3A_250 = vector.broadcast %max3A_249 : f32 to vector<16xf32>
        %max3A_251 = arith.maximumf %add3A_248, %max3A_250 : vector<16xf32>
        %swap3A_252 = arith.index_cast %scan3A_174 : i32 to index
        %swap3A_253 = arith.constant 64 : index
        %swap3A_254 = tpu.vector_load %arg9[%swap3A_252, %swap3A_253] {strides = array<i32>} : memref<80x128xf32, #tpu.memory_space<vmem>>, vector<1x16xf32>,
        %swap3A_255 = vector.shape_cast %swap3A_254 : vector<1x16xf32> to vector<16xf32>
        %swap3A_256 = vector.shape_cast %max3A_251 : vector<16xf32> to vector<1x16xf32>
        tpu.vector_store %arg9[%swap3A_252, %swap3A_253], %swap3A_256 {strides = array<i32>} : memref<80x128xf32, #tpu.memory_space<vmem>>, vector<1x16xf32>,
        %get3A_257 = arith.index_cast %scan3A_174 : i32 to index
        %get3A_258 = arith.constant 80 : index
        %get3A_259 = tpu.vector_load %arg9[%get3A_257, %get3A_258] {strides = array<i32>} : memref<80x128xf32, #tpu.memory_space<vmem>>, vector<1x16xf32>,
        %get3A_260 = vector.shape_cast %get3A_259 : vector<1x16xf32> to vector<16xf32>
        %get3A_261 = arith.index_cast %scan3A_174 : i32 to index
        %get3A_262 = arith.constant 80 : index
        %get3A_263 = tpu.vector_load %arg11[%get3A_261, %get3A_262] {strides = array<i32>} : memref<80x128xf32, #tpu.memory_space<vmem>>, vector<1x16xf32>,
        %get3A_264 = vector.shape_cast %get3A_263 : vector<1x16xf32> to vector<16xf32>
        %add3A_265 = arith.addf %get3A_260, %get3A_264 : vector<16xf32>
        %max3A_266 = arith.constant 0.000000e+00 : f32
        %max3A_267 = vector.broadcast %max3A_266 : f32 to vector<16xf32>
        %max3A_268 = arith.maximumf %add3A_265, %max3A_267 : vector<16xf32>
        %swap3A_269 = arith.index_cast %scan3A_174 : i32 to index
        %swap3A_270 = arith.constant 80 : index
        %swap3A_271 = tpu.vector_load %arg9[%swap3A_269, %swap3A_270] {strides = array<i32>} : memref<80x128xf32, #tpu.memory_space<vmem>>, vector<1x16xf32>,
        %swap3A_272 = vector.shape_cast %swap3A_271 : vector<1x16xf32> to vector<16xf32>
        %swap3A_273 = vector.shape_cast %max3A_268 : vector<16xf32> to vector<1x16xf32>
        tpu.vector_store %arg9[%swap3A_269, %swap3A_270], %swap3A_273 {strides = array<i32>} : memref<80x128xf32, #tpu.memory_space<vmem>>, vector<1x16xf32>,
        %get3A_274 = arith.index_cast %scan3A_174 : i32 to index
        %get3A_275 = arith.constant 96 : index
        %get3A_276 = tpu.vector_load %arg9[%get3A_274, %get3A_275] {strides = array<i32>} : memref<80x128xf32, #tpu.memory_space<vmem>>, vector<1x16xf32>,
        %get3A_277 = vector.shape_cast %get3A_276 : vector<1x16xf32> to vector<16xf32>
        %get3A_278 = arith.index_cast %scan3A_174 : i32 to index
        %get3A_279 = arith.constant 96 : index
        %get3A_280 = tpu.vector_load %arg11[%get3A_278, %get3A_279] {strides = array<i32>} : memref<80x128xf32, #tpu.memory_space<vmem>>, vector<1x16xf32>,
        %get3A_281 = vector.shape_cast %get3A_280 : vector<1x16xf32> to vector<16xf32>
        %add3A_282 = arith.addf %get3A_277, %get3A_281 : vector<16xf32>
        %max3A_283 = arith.constant 0.000000e+00 : f32
        %max3A_284 = vector.broadcast %max3A_283 : f32 to vector<16xf32>
        %max3A_285 = arith.maximumf %add3A_282, %max3A_284 : vector<16xf32>
        %swap3A_286 = arith.index_cast %scan3A_174 : i32 to index
        %swap3A_287 = arith.constant 96 : index
        %swap3A_288 = tpu.vector_load %arg9[%swap3A_286, %swap3A_287] {strides = array<i32>} : memref<80x128xf32, #tpu.memory_space<vmem>>, vector<1x16xf32>,
        %swap3A_289 = vector.shape_cast %swap3A_288 : vector<1x16xf32> to vector<16xf32>
        %swap3A_290 = vector.shape_cast %max3A_285 : vector<16xf32> to vector<1x16xf32>
        tpu.vector_store %arg9[%swap3A_286, %swap3A_287], %swap3A_290 {strides = array<i32>} : memref<80x128xf32, #tpu.memory_space<vmem>>, vector<1x16xf32>,
        %get3A_291 = arith.index_cast %scan3A_174 : i32 to index
        %get3A_292 = arith.constant 112 : index
        %get3A_293 = tpu.vector_load %arg9[%get3A_291, %get3A_292] {strides = array<i32>} : memref<80x128xf32, #tpu.memory_space<vmem>>, vector<1x16xf32>,
        %get3A_294 = vector.shape_cast %get3A_293 : vector<1x16xf32> to vector<16xf32>
        %get3A_295 = arith.index_cast %scan3A_174 : i32 to index
        %get3A_296 = arith.constant 112 : index
        %get3A_297 = tpu.vector_load %arg11[%get3A_295, %get3A_296] {strides = array<i32>} : memref<80x128xf32, #tpu.memory_space<vmem>>, vector<1x16xf32>,
        %get3A_298 = vector.shape_cast %get3A_297 : vector<1x16xf32> to vector<16xf32>
        %add3A_299 = arith.addf %get3A_294, %get3A_298 : vector<16xf32>
        %max3A_300 = arith.constant 0.000000e+00 : f32
        %max3A_301 = vector.broadcast %max3A_300 : f32 to vector<16xf32>
        %max3A_302 = arith.maximumf %add3A_299, %max3A_301 : vector<16xf32>
        %swap3A_303 = arith.index_cast %scan3A_174 : i32 to index
        %swap3A_304 = arith.constant 112 : index
        %swap3A_305 = tpu.vector_load %arg9[%swap3A_303, %swap3A_304] {strides = array<i32>} : memref<80x128xf32, #tpu.memory_space<vmem>>, vector<1x16xf32>,
        %swap3A_306 = vector.shape_cast %swap3A_305 : vector<1x16xf32> to vector<16xf32>
        %swap3A_307 = vector.shape_cast %max3A_302 : vector<16xf32> to vector<1x16xf32>
        tpu.vector_store %arg9[%swap3A_303, %swap3A_304], %swap3A_307 {strides = array<i32>} : memref<80x128xf32, #tpu.memory_space<vmem>>, vector<1x16xf32>,
      }
      %scan3A_173 = arith.constant 80 : i32
      %run_scoped3A = arith.constant 24 : i32
      "tpu.region"() ({
        %run_scoped3A_174 = tpu.sem_alloc : memref<!tpu.dma_semaphore, #tpu.memory_space<semaphore_mem>>
        %dma_start3A_175 = arith.constant 0 : i32
        %dma_start3A_176 = tpu.memref_slice %arg8[%run_scoped3A, %dma_start3A_175] : memref<25x80xi32, #tpu.memory_space<vmem>> -> memref<1x80xi32, #tpu.memory_space<vmem>>
        %dma_start3A_177 = tpu.memref_squeeze %dma_start3A_176 : memref<1x80xi32, #tpu.memory_space<vmem>> -> memref<80xi32, #tpu.memory_space<vmem>>
        %dma_start3A_178 = arith.constant 0 : i32
        %dma_start3A_179 = arith.constant 0 : i32
        %dma_start3A_180 = tpu.memref_slice %arg13[%dma_start3A_178, %dma_start3A_179] : memref<10000x128xf32, #tpu.memory_space<vmem_shared>> -> memref<10000x128xf32, #tpu.memory_space<vmem_shared>>
        tpu.enqueue_indirect_dma source(%arg9 : memref<80x128xf32, #tpu.memory_space<vmem>>) target(%dma_start3A_180 : memref<10000x128xf32, #tpu.memory_space<vmem_shared>>) offsets(%dma_start3A_177 : memref<80xi32, #tpu.memory_space<vmem>>) semaphore(%run_scoped3A_174 : memref<!tpu.dma_semaphore, #tpu.memory_space<semaphore_mem>>) {add = true}
        %dma_wait3A_181 = arith.constant 0 : i32
        %dma_wait3A_182 = tpu.memref_slice %arg8[%run_scoped3A, %dma_wait3A_181] : memref<25x80xi32, #tpu.memory_space<vmem>> -> memref<1x80xi32, #tpu.memory_space<vmem>>
        %dma_wait3A_183 = tpu.memref_squeeze %dma_wait3A_182 : memref<1x80xi32, #tpu.memory_space<vmem>> -> memref<80xi32, #tpu.memory_space<vmem>>
        %dma_wait3A_184 = arith.constant 0 : i32
        %dma_wait3A_185 = arith.constant 0 : i32
        %dma_wait3A_186 = tpu.memref_slice %arg13[%dma_wait3A_184, %dma_wait3A_185] : memref<10000x128xf32, #tpu.memory_space<vmem_shared>> -> memref<10000x128xf32, #tpu.memory_space<vmem_shared>>
        tpu.wait_indirect_dma semaphore(%run_scoped3A_174 : memref<!tpu.dma_semaphore, #tpu.memory_space<semaphore_mem>>) src(%arg9 : memref<80x128xf32, #tpu.memory_space<vmem>>) dst(%dma_wait3A_186 : memref<10000x128xf32, #tpu.memory_space<vmem_shared>>)
        tpu.yield
      }) : () -> ()
    }
    %scan3A_65 = arith.constant 5 : i32
    %barrier3A_66 = arith.constant 0 : index
    tpu.barrier barrier_id(%barrier3A_66)
    %add3A_67 = arith.constant 0 : i32
    %add3A_68 = arith.addi %arg1, %add3A_67 : i32
    %lt3A_69 = arith.constant 125 : i32
    %lt3A_70 = arith.cmpi slt, %add3A_68, %lt3A_69 : i32
    %convert_element_type3A_71 = arith.extui %lt3A_70 : i1 to i32
    %cond3A_72 = arith.constant 0 : i32
    %cond3A_73 = arith.cmpi ne, %convert_element_type3A_71, %cond3A_72 : i32
    scf.if %cond3A_73 {
      %mul3A_123 = arith.constant 80 : i32
      %mul3A_124 = arith.muli %add3A_68, %mul3A_123 : i32
      %mul3A_125 = arith.constant 80 : i32
      %mul3A_126 = arith.muli %add3A_68, %mul3A_125 : i32
      "tpu.region"() ({
        %run_scoped3A = tpu.sem_alloc : memref<!tpu.dma_semaphore, #tpu.memory_space<semaphore_mem>>
        %dma_start3A = arith.constant 0 : i32
        %dma_start3A_127 = tpu.memref_slice %arg6[%arg0, %mul3A_126, %dma_start3A] : memref<2x10000x128xf32, #tpu.memory_space<hbm>> -> memref<1x80x128xf32, #tpu.memory_space<hbm>>
        %dma_start3A_128 = tpu.memref_squeeze %dma_start3A_127 : memref<1x80x128xf32, #tpu.memory_space<hbm>> -> memref<80x128xf32, #tpu.memory_space<hbm>>
        %dma_start3A_129 = arith.constant 0 : i32
        %dma_start3A_130 = tpu.memref_slice %arg13[%mul3A_124, %dma_start3A_129] : memref<10000x128xf32, #tpu.memory_space<vmem_shared>> -> memref<80x128xf32, #tpu.memory_space<vmem_shared>>
        tpu.enqueue_dma source(%dma_start3A_130 : memref<80x128xf32, #tpu.memory_space<vmem_shared>>) target(%dma_start3A_128 : memref<80x128xf32, #tpu.memory_space<hbm>>) target_semaphore(%run_scoped3A : memref<!tpu.dma_semaphore, #tpu.memory_space<semaphore_mem>>)
        %dma_wait3A = arith.constant 0 : i32
        %dma_wait3A_131 = tpu.memref_slice %arg6[%arg0, %mul3A_126, %dma_wait3A] : memref<2x10000x128xf32, #tpu.memory_space<hbm>> -> memref<1x80x128xf32, #tpu.memory_space<hbm>>
        %dma_wait3A_132 = tpu.memref_squeeze %dma_wait3A_131 : memref<1x80x128xf32, #tpu.memory_space<hbm>> -> memref<80x128xf32, #tpu.memory_space<hbm>>
        %dma_wait3A_133 = arith.constant 0 : i32
        %dma_wait3A_134 = tpu.memref_slice %arg13[%mul3A_124, %dma_wait3A_133] : memref<10000x128xf32, #tpu.memory_space<vmem_shared>> -> memref<80x128xf32, #tpu.memory_space<vmem_shared>>
        tpu.wait_dma2 semaphore(%run_scoped3A : memref<!tpu.dma_semaphore, #tpu.memory_space<semaphore_mem>>) src(%dma_wait3A_134 : memref<80x128xf32, #tpu.memory_space<vmem_shared>>) dst(%dma_wait3A_132 : memref<80x128xf32, #tpu.memory_space<hbm>>)
        tpu.yield
      }) : () -> ()
    } else {
    }
    %add3A_74 = arith.constant 16 : i32
    %add3A_75 = arith.addi %arg1, %add3A_74 : i32
    %lt3A_76 = arith.constant 125 : i32
    %lt3A_77 = arith.cmpi slt, %add3A_75, %lt3A_76 : i32
    %convert_element_type3A_78 = arith.extui %lt3A_77 : i1 to i32
    %cond3A_79 = arith.constant 0 : i32
    %cond3A_80 = arith.cmpi ne, %convert_element_type3A_78, %cond3A_79 : i32
    scf.if %cond3A_80 {
      %mul3A_123 = arith.constant 80 : i32
      %mul3A_124 = arith.muli %add3A_75, %mul3A_123 : i32
      %mul3A_125 = arith.constant 80 : i32
      %mul3A_126 = arith.muli %add3A_75, %mul3A_125 : i32
      "tpu.region"() ({
        %run_scoped3A = tpu.sem_alloc : memref<!tpu.dma_semaphore, #tpu.memory_space<semaphore_mem>>
        %dma_start3A = arith.constant 0 : i32
        %dma_start3A_127 = tpu.memref_slice %arg6[%arg0, %mul3A_126, %dma_start3A] : memref<2x10000x128xf32, #tpu.memory_space<hbm>> -> memref<1x80x128xf32, #tpu.memory_space<hbm>>
        %dma_start3A_128 = tpu.memref_squeeze %dma_start3A_127 : memref<1x80x128xf32, #tpu.memory_space<hbm>> -> memref<80x128xf32, #tpu.memory_space<hbm>>
        %dma_start3A_129 = arith.constant 0 : i32
        %dma_start3A_130 = tpu.memref_slice %arg13[%mul3A_124, %dma_start3A_129] : memref<10000x128xf32, #tpu.memory_space<vmem_shared>> -> memref<80x128xf32, #tpu.memory_space<vmem_shared>>
        tpu.enqueue_dma source(%dma_start3A_130 : memref<80x128xf32, #tpu.memory_space<vmem_shared>>) target(%dma_start3A_128 : memref<80x128xf32, #tpu.memory_space<hbm>>) target_semaphore(%run_scoped3A : memref<!tpu.dma_semaphore, #tpu.memory_space<semaphore_mem>>)
        %dma_wait3A = arith.constant 0 : i32
        %dma_wait3A_131 = tpu.memref_slice %arg6[%arg0, %mul3A_126, %dma_wait3A] : memref<2x10000x128xf32, #tpu.memory_space<hbm>> -> memref<1x80x128xf32, #tpu.memory_space<hbm>>
        %dma_wait3A_132 = tpu.memref_squeeze %dma_wait3A_131 : memref<1x80x128xf32, #tpu.memory_space<hbm>> -> memref<80x128xf32, #tpu.memory_space<hbm>>
        %dma_wait3A_133 = arith.constant 0 : i32
        %dma_wait3A_134 = tpu.memref_slice %arg13[%mul3A_124, %dma_wait3A_133] : memref<10000x128xf32, #tpu.memory_space<vmem_shared>> -> memref<80x128xf32, #tpu.memory_space<vmem_shared>>
        tpu.wait_dma2 semaphore(%run_scoped3A : memref<!tpu.dma_semaphore, #tpu.memory_space<semaphore_mem>>) src(%dma_wait3A_134 : memref<80x128xf32, #tpu.memory_space<vmem_shared>>) dst(%dma_wait3A_132 : memref<80x128xf32, #tpu.memory_space<hbm>>)
        tpu.yield
      }) : () -> ()
    } else {
    }
    %add3A_81 = arith.constant 32 : i32
    %add3A_82 = arith.addi %arg1, %add3A_81 : i32
    %lt3A_83 = arith.constant 125 : i32
    %lt3A_84 = arith.cmpi slt, %add3A_82, %lt3A_83 : i32
    %convert_element_type3A_85 = arith.extui %lt3A_84 : i1 to i32
    %cond3A_86 = arith.constant 0 : i32
    %cond3A_87 = arith.cmpi ne, %convert_element_type3A_85, %cond3A_86 : i32
    scf.if %cond3A_87 {
      %mul3A_123 = arith.constant 80 : i32
      %mul3A_124 = arith.muli %add3A_82, %mul3A_123 : i32
      %mul3A_125 = arith.constant 80 : i32
      %mul3A_126 = arith.muli %add3A_82, %mul3A_125 : i32
      "tpu.region"() ({
        %run_scoped3A = tpu.sem_alloc : memref<!tpu.dma_semaphore, #tpu.memory_space<semaphore_mem>>
        %dma_start3A = arith.constant 0 : i32
        %dma_start3A_127 = tpu.memref_slice %arg6[%arg0, %mul3A_126, %dma_start3A] : memref<2x10000x128xf32, #tpu.memory_space<hbm>> -> memref<1x80x128xf32, #tpu.memory_space<hbm>>
        %dma_start3A_128 = tpu.memref_squeeze %dma_start3A_127 : memref<1x80x128xf32, #tpu.memory_space<hbm>> -> memref<80x128xf32, #tpu.memory_space<hbm>>
        %dma_start3A_129 = arith.constant 0 : i32
        %dma_start3A_130 = tpu.memref_slice %arg13[%mul3A_124, %dma_start3A_129] : memref<10000x128xf32, #tpu.memory_space<vmem_shared>> -> memref<80x128xf32, #tpu.memory_space<vmem_shared>>
        tpu.enqueue_dma source(%dma_start3A_130 : memref<80x128xf32, #tpu.memory_space<vmem_shared>>) target(%dma_start3A_128 : memref<80x128xf32, #tpu.memory_space<hbm>>) target_semaphore(%run_scoped3A : memref<!tpu.dma_semaphore, #tpu.memory_space<semaphore_mem>>)
        %dma_wait3A = arith.constant 0 : i32
        %dma_wait3A_131 = tpu.memref_slice %arg6[%arg0, %mul3A_126, %dma_wait3A] : memref<2x10000x128xf32, #tpu.memory_space<hbm>> -> memref<1x80x128xf32, #tpu.memory_space<hbm>>
        %dma_wait3A_132 = tpu.memref_squeeze %dma_wait3A_131 : memref<1x80x128xf32, #tpu.memory_space<hbm>> -> memref<80x128xf32, #tpu.memory_space<hbm>>
        %dma_wait3A_133 = arith.constant 0 : i32
        %dma_wait3A_134 = tpu.memref_slice %arg13[%mul3A_124, %dma_wait3A_133] : memref<10000x128xf32, #tpu.memory_space<vmem_shared>> -> memref<80x128xf32, #tpu.memory_space<vmem_shared>>
        tpu.wait_dma2 semaphore(%run_scoped3A : memref<!tpu.dma_semaphore, #tpu.memory_space<semaphore_mem>>) src(%dma_wait3A_134 : memref<80x128xf32, #tpu.memory_space<vmem_shared>>) dst(%dma_wait3A_132 : memref<80x128xf32, #tpu.memory_space<hbm>>)
        tpu.yield
      }) : () -> ()
    } else {
    }
    %add3A_88 = arith.constant 48 : i32
    %add3A_89 = arith.addi %arg1, %add3A_88 : i32
    %lt3A_90 = arith.constant 125 : i32
    %lt3A_91 = arith.cmpi slt, %add3A_89, %lt3A_90 : i32
    %convert_element_type3A_92 = arith.extui %lt3A_91 : i1 to i32
    %cond3A_93 = arith.constant 0 : i32
    %cond3A_94 = arith.cmpi ne, %convert_element_type3A_92, %cond3A_93 : i32
    scf.if %cond3A_94 {
      %mul3A_123 = arith.constant 80 : i32
      %mul3A_124 = arith.muli %add3A_89, %mul3A_123 : i32
      %mul3A_125 = arith.constant 80 : i32
      %mul3A_126 = arith.muli %add3A_89, %mul3A_125 : i32
      "tpu.region"() ({
        %run_scoped3A = tpu.sem_alloc : memref<!tpu.dma_semaphore, #tpu.memory_space<semaphore_mem>>
        %dma_start3A = arith.constant 0 : i32
        %dma_start3A_127 = tpu.memref_slice %arg6[%arg0, %mul3A_126, %dma_start3A] : memref<2x10000x128xf32, #tpu.memory_space<hbm>> -> memref<1x80x128xf32, #tpu.memory_space<hbm>>
        %dma_start3A_128 = tpu.memref_squeeze %dma_start3A_127 : memref<1x80x128xf32, #tpu.memory_space<hbm>> -> memref<80x128xf32, #tpu.memory_space<hbm>>
        %dma_start3A_129 = arith.constant 0 : i32
        %dma_start3A_130 = tpu.memref_slice %arg13[%mul3A_124, %dma_start3A_129] : memref<10000x128xf32, #tpu.memory_space<vmem_shared>> -> memref<80x128xf32, #tpu.memory_space<vmem_shared>>
        tpu.enqueue_dma source(%dma_start3A_130 : memref<80x128xf32, #tpu.memory_space<vmem_shared>>) target(%dma_start3A_128 : memref<80x128xf32, #tpu.memory_space<hbm>>) target_semaphore(%run_scoped3A : memref<!tpu.dma_semaphore, #tpu.memory_space<semaphore_mem>>)
        %dma_wait3A = arith.constant 0 : i32
        %dma_wait3A_131 = tpu.memref_slice %arg6[%arg0, %mul3A_126, %dma_wait3A] : memref<2x10000x128xf32, #tpu.memory_space<hbm>> -> memref<1x80x128xf32, #tpu.memory_space<hbm>>
        %dma_wait3A_132 = tpu.memref_squeeze %dma_wait3A_131 : memref<1x80x128xf32, #tpu.memory_space<hbm>> -> memref<80x128xf32, #tpu.memory_space<hbm>>
        %dma_wait3A_133 = arith.constant 0 : i32
        %dma_wait3A_134 = tpu.memref_slice %arg13[%mul3A_124, %dma_wait3A_133] : memref<10000x128xf32, #tpu.memory_space<vmem_shared>> -> memref<80x128xf32, #tpu.memory_space<vmem_shared>>
        tpu.wait_dma2 semaphore(%run_scoped3A : memref<!tpu.dma_semaphore, #tpu.memory_space<semaphore_mem>>) src(%dma_wait3A_134 : memref<80x128xf32, #tpu.memory_space<vmem_shared>>) dst(%dma_wait3A_132 : memref<80x128xf32, #tpu.memory_space<hbm>>)
        tpu.yield
      }) : () -> ()
    } else {
    }
    %add3A_95 = arith.constant 64 : i32
    %add3A_96 = arith.addi %arg1, %add3A_95 : i32
    %lt3A_97 = arith.constant 125 : i32
    %lt3A_98 = arith.cmpi slt, %add3A_96, %lt3A_97 : i32
    %convert_element_type3A_99 = arith.extui %lt3A_98 : i1 to i32
    %cond3A_100 = arith.constant 0 : i32
    %cond3A_101 = arith.cmpi ne, %convert_element_type3A_99, %cond3A_100 : i32
    scf.if %cond3A_101 {
      %mul3A_123 = arith.constant 80 : i32
      %mul3A_124 = arith.muli %add3A_96, %mul3A_123 : i32
      %mul3A_125 = arith.constant 80 : i32
      %mul3A_126 = arith.muli %add3A_96, %mul3A_125 : i32
      "tpu.region"() ({
        %run_scoped3A = tpu.sem_alloc : memref<!tpu.dma_semaphore, #tpu.memory_space<semaphore_mem>>
        %dma_start3A = arith.constant 0 : i32
        %dma_start3A_127 = tpu.memref_slice %arg6[%arg0, %mul3A_126, %dma_start3A] : memref<2x10000x128xf32, #tpu.memory_space<hbm>> -> memref<1x80x128xf32, #tpu.memory_space<hbm>>
        %dma_start3A_128 = tpu.memref_squeeze %dma_start3A_127 : memref<1x80x128xf32, #tpu.memory_space<hbm>> -> memref<80x128xf32, #tpu.memory_space<hbm>>
        %dma_start3A_129 = arith.constant 0 : i32
        %dma_start3A_130 = tpu.memref_slice %arg13[%mul3A_124, %dma_start3A_129] : memref<10000x128xf32, #tpu.memory_space<vmem_shared>> -> memref<80x128xf32, #tpu.memory_space<vmem_shared>>
        tpu.enqueue_dma source(%dma_start3A_130 : memref<80x128xf32, #tpu.memory_space<vmem_shared>>) target(%dma_start3A_128 : memref<80x128xf32, #tpu.memory_space<hbm>>) target_semaphore(%run_scoped3A : memref<!tpu.dma_semaphore, #tpu.memory_space<semaphore_mem>>)
        %dma_wait3A = arith.constant 0 : i32
        %dma_wait3A_131 = tpu.memref_slice %arg6[%arg0, %mul3A_126, %dma_wait3A] : memref<2x10000x128xf32, #tpu.memory_space<hbm>> -> memref<1x80x128xf32, #tpu.memory_space<hbm>>
        %dma_wait3A_132 = tpu.memref_squeeze %dma_wait3A_131 : memref<1x80x128xf32, #tpu.memory_space<hbm>> -> memref<80x128xf32, #tpu.memory_space<hbm>>
        %dma_wait3A_133 = arith.constant 0 : i32
        %dma_wait3A_134 = tpu.memref_slice %arg13[%mul3A_124, %dma_wait3A_133] : memref<10000x128xf32, #tpu.memory_space<vmem_shared>> -> memref<80x128xf32, #tpu.memory_space<vmem_shared>>
        tpu.wait_dma2 semaphore(%run_scoped3A : memref<!tpu.dma_semaphore, #tpu.memory_space<semaphore_mem>>) src(%dma_wait3A_134 : memref<80x128xf32, #tpu.memory_space<vmem_shared>>) dst(%dma_wait3A_132 : memref<80x128xf32, #tpu.memory_space<hbm>>)
        tpu.yield
      }) : () -> ()
    } else {
    }
    %add3A_102 = arith.constant 80 : i32
    %add3A_103 = arith.addi %arg1, %add3A_102 : i32
    %lt3A_104 = arith.constant 125 : i32
    %lt3A_105 = arith.cmpi slt, %add3A_103, %lt3A_104 : i32
    %convert_element_type3A_106 = arith.extui %lt3A_105 : i1 to i32
    %cond3A_107 = arith.constant 0 : i32
    %cond3A_108 = arith.cmpi ne, %convert_element_type3A_106, %cond3A_107 : i32
    scf.if %cond3A_108 {
      %mul3A_123 = arith.constant 80 : i32
      %mul3A_124 = arith.muli %add3A_103, %mul3A_123 : i32
      %mul3A_125 = arith.constant 80 : i32
      %mul3A_126 = arith.muli %add3A_103, %mul3A_125 : i32
      "tpu.region"() ({
        %run_scoped3A = tpu.sem_alloc : memref<!tpu.dma_semaphore, #tpu.memory_space<semaphore_mem>>
        %dma_start3A = arith.constant 0 : i32
        %dma_start3A_127 = tpu.memref_slice %arg6[%arg0, %mul3A_126, %dma_start3A] : memref<2x10000x128xf32, #tpu.memory_space<hbm>> -> memref<1x80x128xf32, #tpu.memory_space<hbm>>
        %dma_start3A_128 = tpu.memref_squeeze %dma_start3A_127 : memref<1x80x128xf32, #tpu.memory_space<hbm>> -> memref<80x128xf32, #tpu.memory_space<hbm>>
        %dma_start3A_129 = arith.constant 0 : i32
        %dma_start3A_130 = tpu.memref_slice %arg13[%mul3A_124, %dma_start3A_129] : memref<10000x128xf32, #tpu.memory_space<vmem_shared>> -> memref<80x128xf32, #tpu.memory_space<vmem_shared>>
        tpu.enqueue_dma source(%dma_start3A_130 : memref<80x128xf32, #tpu.memory_space<vmem_shared>>) target(%dma_start3A_128 : memref<80x128xf32, #tpu.memory_space<hbm>>) target_semaphore(%run_scoped3A : memref<!tpu.dma_semaphore, #tpu.memory_space<semaphore_mem>>)
        %dma_wait3A = arith.constant 0 : i32
        %dma_wait3A_131 = tpu.memref_slice %arg6[%arg0, %mul3A_126, %dma_wait3A] : memref<2x10000x128xf32, #tpu.memory_space<hbm>> -> memref<1x80x128xf32, #tpu.memory_space<hbm>>
        %dma_wait3A_132 = tpu.memref_squeeze %dma_wait3A_131 : memref<1x80x128xf32, #tpu.memory_space<hbm>> -> memref<80x128xf32, #tpu.memory_space<hbm>>
        %dma_wait3A_133 = arith.constant 0 : i32
        %dma_wait3A_134 = tpu.memref_slice %arg13[%mul3A_124, %dma_wait3A_133] : memref<10000x128xf32, #tpu.memory_space<vmem_shared>> -> memref<80x128xf32, #tpu.memory_space<vmem_shared>>
        tpu.wait_dma2 semaphore(%run_scoped3A : memref<!tpu.dma_semaphore, #tpu.memory_space<semaphore_mem>>) src(%dma_wait3A_134 : memref<80x128xf32, #tpu.memory_space<vmem_shared>>) dst(%dma_wait3A_132 : memref<80x128xf32, #tpu.memory_space<hbm>>)
        tpu.yield
      }) : () -> ()
    } else {
    }
    %add3A_109 = arith.constant 96 : i32
    %add3A_110 = arith.addi %arg1, %add3A_109 : i32
    %lt3A_111 = arith.constant 125 : i32
    %lt3A_112 = arith.cmpi slt, %add3A_110, %lt3A_111 : i32
    %convert_element_type3A_113 = arith.extui %lt3A_112 : i1 to i32
    %cond3A_114 = arith.constant 0 : i32
    %cond3A_115 = arith.cmpi ne, %convert_element_type3A_113, %cond3A_114 : i32
    scf.if %cond3A_115 {
      %mul3A_123 = arith.constant 80 : i32
      %mul3A_124 = arith.muli %add3A_110, %mul3A_123 : i32
      %mul3A_125 = arith.constant 80 : i32
      %mul3A_126 = arith.muli %add3A_110, %mul3A_125 : i32
      "tpu.region"() ({
        %run_scoped3A = tpu.sem_alloc : memref<!tpu.dma_semaphore, #tpu.memory_space<semaphore_mem>>
        %dma_start3A = arith.constant 0 : i32
        %dma_start3A_127 = tpu.memref_slice %arg6[%arg0, %mul3A_126, %dma_start3A] : memref<2x10000x128xf32, #tpu.memory_space<hbm>> -> memref<1x80x128xf32, #tpu.memory_space<hbm>>
        %dma_start3A_128 = tpu.memref_squeeze %dma_start3A_127 : memref<1x80x128xf32, #tpu.memory_space<hbm>> -> memref<80x128xf32, #tpu.memory_space<hbm>>
        %dma_start3A_129 = arith.constant 0 : i32
        %dma_start3A_130 = tpu.memref_slice %arg13[%mul3A_124, %dma_start3A_129] : memref<10000x128xf32, #tpu.memory_space<vmem_shared>> -> memref<80x128xf32, #tpu.memory_space<vmem_shared>>
        tpu.enqueue_dma source(%dma_start3A_130 : memref<80x128xf32, #tpu.memory_space<vmem_shared>>) target(%dma_start3A_128 : memref<80x128xf32, #tpu.memory_space<hbm>>) target_semaphore(%run_scoped3A : memref<!tpu.dma_semaphore, #tpu.memory_space<semaphore_mem>>)
        %dma_wait3A = arith.constant 0 : i32
        %dma_wait3A_131 = tpu.memref_slice %arg6[%arg0, %mul3A_126, %dma_wait3A] : memref<2x10000x128xf32, #tpu.memory_space<hbm>> -> memref<1x80x128xf32, #tpu.memory_space<hbm>>
        %dma_wait3A_132 = tpu.memref_squeeze %dma_wait3A_131 : memref<1x80x128xf32, #tpu.memory_space<hbm>> -> memref<80x128xf32, #tpu.memory_space<hbm>>
        %dma_wait3A_133 = arith.constant 0 : i32
        %dma_wait3A_134 = tpu.memref_slice %arg13[%mul3A_124, %dma_wait3A_133] : memref<10000x128xf32, #tpu.memory_space<vmem_shared>> -> memref<80x128xf32, #tpu.memory_space<vmem_shared>>
        tpu.wait_dma2 semaphore(%run_scoped3A : memref<!tpu.dma_semaphore, #tpu.memory_space<semaphore_mem>>) src(%dma_wait3A_134 : memref<80x128xf32, #tpu.memory_space<vmem_shared>>) dst(%dma_wait3A_132 : memref<80x128xf32, #tpu.memory_space<hbm>>)
        tpu.yield
      }) : () -> ()
    } else {
    }
    %add3A_116 = arith.constant 112 : i32
    %add3A_117 = arith.addi %arg1, %add3A_116 : i32
    %lt3A_118 = arith.constant 125 : i32
    %lt3A_119 = arith.cmpi slt, %add3A_117, %lt3A_118 : i32
    %convert_element_type3A_120 = arith.extui %lt3A_119 : i1 to i32
    %cond3A_121 = arith.constant 0 : i32
    %cond3A_122 = arith.cmpi ne, %convert_element_type3A_120, %cond3A_121 : i32
    scf.if %cond3A_122 {
      %mul3A_123 = arith.constant 80 : i32
      %mul3A_124 = arith.muli %add3A_117, %mul3A_123 : i32
      %mul3A_125 = arith.constant 80 : i32
      %mul3A_126 = arith.muli %add3A_117, %mul3A_125 : i32
      "tpu.region"() ({
        %run_scoped3A = tpu.sem_alloc : memref<!tpu.dma_semaphore, #tpu.memory_space<semaphore_mem>>
        %dma_start3A = arith.constant 0 : i32
        %dma_start3A_127 = tpu.memref_slice %arg6[%arg0, %mul3A_126, %dma_start3A] : memref<2x10000x128xf32, #tpu.memory_space<hbm>> -> memref<1x80x128xf32, #tpu.memory_space<hbm>>
        %dma_start3A_128 = tpu.memref_squeeze %dma_start3A_127 : memref<1x80x128xf32, #tpu.memory_space<hbm>> -> memref<80x128xf32, #tpu.memory_space<hbm>>
        %dma_start3A_129 = arith.constant 0 : i32
        %dma_start3A_130 = tpu.memref_slice %arg13[%mul3A_124, %dma_start3A_129] : memref<10000x128xf32, #tpu.memory_space<vmem_shared>> -> memref<80x128xf32, #tpu.memory_space<vmem_shared>>
        tpu.enqueue_dma source(%dma_start3A_130 : memref<80x128xf32, #tpu.memory_space<vmem_shared>>) target(%dma_start3A_128 : memref<80x128xf32, #tpu.memory_space<hbm>>) target_semaphore(%run_scoped3A : memref<!tpu.dma_semaphore, #tpu.memory_space<semaphore_mem>>)
        %dma_wait3A = arith.constant 0 : i32
        %dma_wait3A_131 = tpu.memref_slice %arg6[%arg0, %mul3A_126, %dma_wait3A] : memref<2x10000x128xf32, #tpu.memory_space<hbm>> -> memref<1x80x128xf32, #tpu.memory_space<hbm>>
        %dma_wait3A_132 = tpu.memref_squeeze %dma_wait3A_131 : memref<1x80x128xf32, #tpu.memory_space<hbm>> -> memref<80x128xf32, #tpu.memory_space<hbm>>
        %dma_wait3A_133 = arith.constant 0 : i32
        %dma_wait3A_134 = tpu.memref_slice %arg13[%mul3A_124, %dma_wait3A_133] : memref<10000x128xf32, #tpu.memory_space<vmem_shared>> -> memref<80x128xf32, #tpu.memory_space<vmem_shared>>
        tpu.wait_dma2 semaphore(%run_scoped3A : memref<!tpu.dma_semaphore, #tpu.memory_space<semaphore_mem>>) src(%dma_wait3A_134 : memref<80x128xf32, #tpu.memory_space<vmem_shared>>) dst(%dma_wait3A_132 : memref<80x128xf32, #tpu.memory_space<hbm>>)
        tpu.yield
      }) : () -> ()
    } else {
    }
    return
  }
}

module attributes {stable_mosaic.version = 14 : i64} {
  func.func @_mlp_body(%arg0: i32, %arg1: memref<1000x128xf32, #tpu.memory_space<vmem>>, %arg2: memref<1000x128xf32, #tpu.memory_space<vmem>>, %arg3: memref<1000x128xf32, #tpu.memory_space<vmem>>, %arg4: memref<128x128xf32, #tpu.memory_space<vmem>>, %arg5: memref<1x128xf32, #tpu.memory_space<vmem>>, %arg6: memref<128x128xf32, #tpu.memory_space<vmem>>, %arg7: memref<1x128xf32, #tpu.memory_space<vmem>>, %arg8: memref<1000x128xf32, #tpu.memory_space<vmem>>) attributes {dimension_semantics = [#tpu.dimension_semantics<arbitrary>], iteration_bounds = array<i64: 10>, scalar_prefetch = 0 : i64, scratch_operands = 0 : i64, tpu.core_type = #tpu.core_type<tc>, window_params = [{transform_indices = @transform_0, window_bounds = array<i64: 1000, 128>}, {transform_indices = @transform_1, window_bounds = array<i64: 1000, 128>}, {transform_indices = @transform_2, window_bounds = array<i64: 1000, 128>}, {pipeline_mode = #tpu.pipeline_mode<synchronous>, transform_indices = @transform_3, window_bounds = array<i64: 128, 128>}, {pipeline_mode = #tpu.pipeline_mode<synchronous>, transform_indices = @transform_4, window_bounds = array<i64: 1, 128>}, {pipeline_mode = #tpu.pipeline_mode<synchronous>, transform_indices = @transform_5, window_bounds = array<i64: 128, 128>}, {pipeline_mode = #tpu.pipeline_mode<synchronous>, transform_indices = @transform_6, window_bounds = array<i64: 1, 128>}, {transform_indices = @transform_7, window_bounds = array<i64: 1000, 128>}]} {
    %get3A = arith.constant 0 : index
    %get3A_0 = arith.constant 0 : index
    %get3A_1 = vector.load %arg1[%get3A, %get3A_0] : memref<1000x128xf32, #tpu.memory_space<vmem>>, vector<1000x128xf32>
    %get3A_2 = arith.constant 0 : index
    %get3A_3 = arith.constant 0 : index
    %get3A_4 = vector.load %arg2[%get3A_2, %get3A_3] : memref<1000x128xf32, #tpu.memory_space<vmem>>, vector<1000x128xf32>
    %add3A = arith.addf %get3A_1, %get3A_4 : vector<1000x128xf32>
    %get3A_5 = arith.constant 0 : index
    %get3A_6 = arith.constant 0 : index
    %get3A_7 = vector.load %arg3[%get3A_5, %get3A_6] : memref<1000x128xf32, #tpu.memory_space<vmem>>, vector<1000x128xf32>
    %add3A_8 = arith.addf %add3A, %get3A_7 : vector<1000x128xf32>
    %get3A_9 = arith.constant 0 : index
    %get3A_10 = arith.constant 0 : index
    %get3A_11 = vector.load %arg4[%get3A_9, %get3A_10] : memref<128x128xf32, #tpu.memory_space<vmem>>, vector<128x128xf32>
    %dot_general3A = arith.constant dense<0.000000e+00> : vector<1000x128xf32>
    %dot_general3A_12 = tpu.matmul %add3A_8, %get3A_11, %dot_general3A {dimension_numbers = #tpu.dot_dimension_numbers<[1], [0], [0], [1], [0, 0, 1, 1], [], []>, transpose_lhs_hint = false} : vector<1000x128xf32>, vector<128x128xf32>, vector<1000x128xf32> -> vector<1000x128xf32>
    %get3A_13 = arith.constant 0 : index
    %get3A_14 = arith.constant 0 : index
    %get3A_15 = vector.load %arg5[%get3A_13, %get3A_14] : memref<1x128xf32, #tpu.memory_space<vmem>>, vector<1x128xf32>
    %add3A_16 = vector.broadcast %get3A_15 : vector<1x128xf32> to vector<1000x128xf32>
    %add3A_17 = arith.addf %dot_general3A_12, %add3A_16 : vector<1000x128xf32>
    %max3A = arith.constant 0.000000e+00 : f32
    %max3A_18 = vector.broadcast %max3A : f32 to vector<1000x128xf32>
    %max3A_19 = arith.maximumf %add3A_17, %max3A_18 : vector<1000x128xf32>
    %get3A_20 = arith.constant 0 : index
    %get3A_21 = arith.constant 0 : index
    %get3A_22 = vector.load %arg6[%get3A_20, %get3A_21] : memref<128x128xf32, #tpu.memory_space<vmem>>, vector<128x128xf32>
    %dot_general3A_23 = arith.constant dense<0.000000e+00> : vector<1000x128xf32>
    %dot_general3A_24 = tpu.matmul %max3A_19, %get3A_22, %dot_general3A_23 {dimension_numbers = #tpu.dot_dimension_numbers<[1], [0], [0], [1], [0, 0, 1, 1], [], []>, transpose_lhs_hint = false} : vector<1000x128xf32>, vector<128x128xf32>, vector<1000x128xf32> -> vector<1000x128xf32>
    %get3A_25 = arith.constant 0 : index
    %get3A_26 = arith.constant 0 : index
    %get3A_27 = vector.load %arg7[%get3A_25, %get3A_26] : memref<1x128xf32, #tpu.memory_space<vmem>>, vector<1x128xf32>
    %add3A_28 = vector.broadcast %get3A_27 : vector<1x128xf32> to vector<1000x128xf32>
    %add3A_29 = arith.addf %dot_general3A_24, %add3A_28 : vector<1000x128xf32>
    %max3A_30 = arith.constant 0.000000e+00 : f32
    %max3A_31 = vector.broadcast %max3A_30 : f32 to vector<1000x128xf32>
    %max3A_32 = arith.maximumf %add3A_29, %max3A_31 : vector<1000x128xf32>
    %swap3A = arith.constant 0 : index
    %swap3A_33 = arith.constant 0 : index
    %swap3A_34 = vector.load %arg8[%swap3A, %swap3A_33] : memref<1000x128xf32, #tpu.memory_space<vmem>>, vector<1000x128xf32>
    tpu.vector_store %arg8[%swap3A, %swap3A_33], %max3A_32 {strides = array<i32>} : memref<1000x128xf32, #tpu.memory_space<vmem>>, vector<1000x128xf32>,
    return
  }
  func.func @transform_0(%arg0: i32) -> (i32, i32) {
    %c0_i32 = arith.constant 0 : i32
    %c0_i32_0 = arith.constant 0 : i32
    return %arg0, %c0_i32 : i32, i32
  }
  func.func @transform_1(%arg0: i32) -> (i32, i32) {
    %c0_i32 = arith.constant 0 : i32
    %c0_i32_0 = arith.constant 0 : i32
    return %arg0, %c0_i32 : i32, i32
  }
  func.func @transform_2(%arg0: i32) -> (i32, i32) {
    %c0_i32 = arith.constant 0 : i32
    %c0_i32_0 = arith.constant 0 : i32
    return %arg0, %c0_i32 : i32, i32
  }
  func.func @transform_3(%arg0: i32) -> (i32, i32) {
    %c0_i32 = arith.constant 0 : i32
    %c0_i32_0 = arith.constant 0 : i32
    %c0_i32_1 = arith.constant 0 : i32
    return %c0_i32, %c0_i32_0 : i32, i32
  }
  func.func @transform_4(%arg0: i32) -> (i32, i32) {
    %c0_i32 = arith.constant 0 : i32
    %c0_i32_0 = arith.constant 0 : i32
    %c0_i32_1 = arith.constant 0 : i32
    return %c0_i32, %c0_i32_0 : i32, i32
  }
  func.func @transform_5(%arg0: i32) -> (i32, i32) {
    %c0_i32 = arith.constant 0 : i32
    %c0_i32_0 = arith.constant 0 : i32
    %c0_i32_1 = arith.constant 0 : i32
    return %c0_i32, %c0_i32_0 : i32, i32
  }
  func.func @transform_6(%arg0: i32) -> (i32, i32) {
    %c0_i32 = arith.constant 0 : i32
    %c0_i32_0 = arith.constant 0 : i32
    %c0_i32_1 = arith.constant 0 : i32
    return %c0_i32, %c0_i32_0 : i32, i32
  }
  func.func @transform_7(%arg0: i32) -> (i32, i32) {
    %c0_i32 = arith.constant 0 : i32
    %c0_i32_0 = arith.constant 0 : i32
    return %arg0, %c0_i32 : i32, i32
  }
}

module attributes {stable_mosaic.version = 14 : i64} {
  func.func @_jk_body(%arg0: i32, %arg1: memref<1000x128xf32, #tpu.memory_space<vmem>>, %arg2: memref<1000x128xf32, #tpu.memory_space<vmem>>, %arg3: memref<1000x128xf32, #tpu.memory_space<vmem>>, %arg4: memref<128x128xf32, #tpu.memory_space<vmem>>, %arg5: memref<128x128xf32, #tpu.memory_space<vmem>>, %arg6: memref<128x128xf32, #tpu.memory_space<vmem>>, %arg7: memref<1x128xf32, #tpu.memory_space<vmem>>, %arg8: memref<1000x128xf32, #tpu.memory_space<vmem>>) attributes {dimension_semantics = [#tpu.dimension_semantics<arbitrary>], iteration_bounds = array<i64: 10>, scalar_prefetch = 0 : i64, scratch_operands = 0 : i64, tpu.core_type = #tpu.core_type<tc>, window_params = [{transform_indices = @transform_0, window_bounds = array<i64: 1000, 128>}, {transform_indices = @transform_1, window_bounds = array<i64: 1000, 128>}, {transform_indices = @transform_2, window_bounds = array<i64: 1000, 128>}, {pipeline_mode = #tpu.pipeline_mode<synchronous>, transform_indices = @transform_3, window_bounds = array<i64: 128, 128>}, {pipeline_mode = #tpu.pipeline_mode<synchronous>, transform_indices = @transform_4, window_bounds = array<i64: 128, 128>}, {pipeline_mode = #tpu.pipeline_mode<synchronous>, transform_indices = @transform_5, window_bounds = array<i64: 128, 128>}, {pipeline_mode = #tpu.pipeline_mode<synchronous>, transform_indices = @transform_6, window_bounds = array<i64: 1, 128>}, {transform_indices = @transform_7, window_bounds = array<i64: 1000, 128>}]} {
    %get3A = arith.constant 0 : index
    %get3A_0 = arith.constant 0 : index
    %get3A_1 = vector.load %arg1[%get3A, %get3A_0] : memref<1000x128xf32, #tpu.memory_space<vmem>>, vector<1000x128xf32>
    %get3A_2 = arith.constant 0 : index
    %get3A_3 = arith.constant 0 : index
    %get3A_4 = vector.load %arg4[%get3A_2, %get3A_3] : memref<128x128xf32, #tpu.memory_space<vmem>>, vector<128x128xf32>
    %dot_general3A = arith.constant dense<0.000000e+00> : vector<1000x128xf32>
    %dot_general3A_5 = tpu.matmul %get3A_1, %get3A_4, %dot_general3A {dimension_numbers = #tpu.dot_dimension_numbers<[1], [0], [0], [1], [0, 0, 1, 1], [], []>, transpose_lhs_hint = false} : vector<1000x128xf32>, vector<128x128xf32>, vector<1000x128xf32> -> vector<1000x128xf32>
    %get3A_6 = arith.constant 0 : index
    %get3A_7 = arith.constant 0 : index
    %get3A_8 = vector.load %arg2[%get3A_6, %get3A_7] : memref<1000x128xf32, #tpu.memory_space<vmem>>, vector<1000x128xf32>
    %get3A_9 = arith.constant 0 : index
    %get3A_10 = arith.constant 0 : index
    %get3A_11 = vector.load %arg5[%get3A_9, %get3A_10] : memref<128x128xf32, #tpu.memory_space<vmem>>, vector<128x128xf32>
    %dot_general3A_12 = arith.constant dense<0.000000e+00> : vector<1000x128xf32>
    %dot_general3A_13 = tpu.matmul %get3A_8, %get3A_11, %dot_general3A_12 {dimension_numbers = #tpu.dot_dimension_numbers<[1], [0], [0], [1], [0, 0, 1, 1], [], []>, transpose_lhs_hint = false} : vector<1000x128xf32>, vector<128x128xf32>, vector<1000x128xf32> -> vector<1000x128xf32>
    %add3A = arith.addf %dot_general3A_5, %dot_general3A_13 : vector<1000x128xf32>
    %get3A_14 = arith.constant 0 : index
    %get3A_15 = arith.constant 0 : index
    %get3A_16 = vector.load %arg3[%get3A_14, %get3A_15] : memref<1000x128xf32, #tpu.memory_space<vmem>>, vector<1000x128xf32>
    %get3A_17 = arith.constant 0 : index
    %get3A_18 = arith.constant 0 : index
    %get3A_19 = vector.load %arg6[%get3A_17, %get3A_18] : memref<128x128xf32, #tpu.memory_space<vmem>>, vector<128x128xf32>
    %dot_general3A_20 = arith.constant dense<0.000000e+00> : vector<1000x128xf32>
    %dot_general3A_21 = tpu.matmul %get3A_16, %get3A_19, %dot_general3A_20 {dimension_numbers = #tpu.dot_dimension_numbers<[1], [0], [0], [1], [0, 0, 1, 1], [], []>, transpose_lhs_hint = false} : vector<1000x128xf32>, vector<128x128xf32>, vector<1000x128xf32> -> vector<1000x128xf32>
    %add3A_22 = arith.addf %add3A, %dot_general3A_21 : vector<1000x128xf32>
    %get3A_23 = arith.constant 0 : index
    %get3A_24 = arith.constant 0 : index
    %get3A_25 = vector.load %arg7[%get3A_23, %get3A_24] : memref<1x128xf32, #tpu.memory_space<vmem>>, vector<1x128xf32>
    %add3A_26 = vector.broadcast %get3A_25 : vector<1x128xf32> to vector<1000x128xf32>
    %add3A_27 = arith.addf %add3A_22, %add3A_26 : vector<1000x128xf32>
    %max3A = arith.constant 0.000000e+00 : f32
    %max3A_28 = vector.broadcast %max3A : f32 to vector<1000x128xf32>
    %max3A_29 = arith.maximumf %add3A_27, %max3A_28 : vector<1000x128xf32>
    %swap3A = arith.constant 0 : index
    %swap3A_30 = arith.constant 0 : index
    %swap3A_31 = vector.load %arg8[%swap3A, %swap3A_30] : memref<1000x128xf32, #tpu.memory_space<vmem>>, vector<1000x128xf32>
    tpu.vector_store %arg8[%swap3A, %swap3A_30], %max3A_29 {strides = array<i32>} : memref<1000x128xf32, #tpu.memory_space<vmem>>, vector<1000x128xf32>,
    return
  }
  func.func @transform_0(%arg0: i32) -> (i32, i32) {
    %c0_i32 = arith.constant 0 : i32
    %c0_i32_0 = arith.constant 0 : i32
    return %arg0, %c0_i32 : i32, i32
  }
  func.func @transform_1(%arg0: i32) -> (i32, i32) {
    %c0_i32 = arith.constant 0 : i32
    %c0_i32_0 = arith.constant 0 : i32
    return %arg0, %c0_i32 : i32, i32
  }
  func.func @transform_2(%arg0: i32) -> (i32, i32) {
    %c0_i32 = arith.constant 0 : i32
    %c0_i32_0 = arith.constant 0 : i32
    return %arg0, %c0_i32 : i32, i32
  }
  func.func @transform_3(%arg0: i32) -> (i32, i32) {
    %c0_i32 = arith.constant 0 : i32
    %c0_i32_0 = arith.constant 0 : i32
    %c0_i32_1 = arith.constant 0 : i32
    return %c0_i32, %c0_i32_0 : i32, i32
  }
  func.func @transform_4(%arg0: i32) -> (i32, i32) {
    %c0_i32 = arith.constant 0 : i32
    %c0_i32_0 = arith.constant 0 : i32
    %c0_i32_1 = arith.constant 0 : i32
    return %c0_i32, %c0_i32_0 : i32, i32
  }
  func.func @transform_5(%arg0: i32) -> (i32, i32) {
    %c0_i32 = arith.constant 0 : i32
    %c0_i32_0 = arith.constant 0 : i32
    %c0_i32_1 = arith.constant 0 : i32
    return %c0_i32, %c0_i32_0 : i32, i32
  }
  func.func @transform_6(%arg0: i32) -> (i32, i32) {
    %c0_i32 = arith.constant 0 : i32
    %c0_i32_0 = arith.constant 0 : i32
    %c0_i32_1 = arith.constant 0 : i32
    return %c0_i32, %c0_i32_0 : i32, i32
  }
  func.func @transform_7(%arg0: i32) -> (i32, i32) {
    %c0_i32 = arith.constant 0 : i32
    %c0_i32_0 = arith.constant 0 : i32
    return %arg0, %c0_i32 : i32, i32
  }
}

</mosaic_0001>

<sc_bundles>
// kernel: kernel.12.cloned.1.call-start
scs
__scs_entry_jumppad:
0x0: {  	(pc) =	sbr.rel $0x88, $3  }
0x1: {  	(tag) =	ssettag $0x0;
	lr =	simm.s32 $0x1  }
0x2: {  	[smem:$0x3F90] =	sst lr;
	_ =	strace $0xD0000000  }
0x3: {  	_ = 	snop  }
0x4: {  	_ = 	snop  }
0x5: {  	_ = 	snop  }
0x6: {  	_ = 	snop  }
0x7: {  	_ = 	snop  }
__scs_overlays_trampoline_lowered:
0x8: {  	[smem:$0x3F9F] =	sst s0  }
0x9: {  	[smem:$0x3FA0] =	sst s1  }
0xa: {  	[smem:$0x3FA1] =	sst s2  }
0xb: {  	[smem:$0x3FA2] =	sst s3  }
0xc: {  	[smem:$0x3FA3] =	sst s4  }
0xd: {  	[smem:$0x3FA4] =	sst s5  }
0xe: {  	[smem:$0x3FA5] =	sst s6  }
0xf: {  	[smem:$0x3FA6] =	sst s7  }
0x10: {  	[smem:$0x3FA7] =	sst s8  }
0x11: {  	[smem:$0x3FA8] =	sst s9;
	s0 =	simm.s32 @!p0 $0x0  }
0x12: {  	s1 =	sld [smem:$0x3F8E];
	s0 =	simm.s32 @p0 $0x1  }
0x13: {  	[smem:$0x3FA9] =	sst s0;
	s0 =	simm.s32 @!p1 $0x0  }
0x14: {  	s2 =	sld [smem:$0x3F8D];
	s0 =	simm.s32 @p1 $0x1  }
0x15: {  	[smem:$0x3FAA] =	sst s0;
	s0 =	simm.s32 @!p2 $0x0  }
0x16: {  	s3 =	sld [smem:$0x3FDB];
	s0 =	simm.s32 @p2 $0x1  }
0x17: {  	s4 =	simm.s32 $0x1BF5;
	[smem:$0x3FAC] =	sst s0  }
0x18: {  	s0 =	sld [smem:$0x3F8F];
	_ =	swait.ge [sflag:s4], $0x0  }
0x19: {  	s7 =	sld [smem:$0x3F90]  }
0x1a: {  	s8 =	sadd.s32 $0xFFFFE003, lr  }
0x1b: {  	s9 =	sadd.s32 $0xFFFFFEF7, lr;
	s5 =	simm.s32 $0xFFFFFFFF;
	p2 =	slt.u32 s8, $0xFFFFF086  }
0x1c: {  	p1 =	slt.u32 s9, $0xF7A;
	s5 =	simm.s32 @!p2 $0x0  }
0x1d: {  	s5 =	simm.s32 @p1 $0x1;
	p0 =	seq.s32 s7, s2  }
0x1e: {  	s7 =	smul.u32 @!p0 $0xF7A, s2;
	p2 =	seq.s32 @!p0 s5, $0x0  }
0x1f: {  	s9 =	smul.u32 $0xF7A, s1;
	s8 =	simm.s32 @!p0 $0x1BF5;
	p2 =	por !p2, p0  }
0x20: {  	[sflag:s8] =	ssyncset.s32 @!p0 $0xFFFFF086;
	s6 =	sadd.s32 @!p0 s3, s7;
	s7 =	simm.s32 @!p0 $0x108  }
0x21: {  	s3 =	sadd.s32 s3, s9;
	s6 =	sadd.s32 @!p0 $0x88, s6;
	s7 =	simm.s32 @p2 $0x1082  }
0x22: {  	[simem:s7], [sflag:s8] =	dma.local @!p0 [hbm:s6], $0xF7A  }
0x23: {  	s9 =	sor.u32 $0xD0000000, s2;
	s6 =	simm.s32 $0x108;
	_ =	swait.ge @!p0 [sflag:s8], $0x0  }
0x24: {  	s3 =	sadd.s32 $0x88, s3;
	s6 =	simm.s32 @!p1 $0x1082;
	[sflag:s4] =	ssyncset.s32 $0xFFFFF086  }
0x25: {  	[simem:s6], [sflag:s4] =	dma.local [hbm:s3], $0xF7A  }
0x26: {  	[smem:$0x3F90] =	sst s1;
	(tag) =	ssettag s2;
	_ =	strace s9  }
0x27: {  	s1 =	sld [smem:$0x3FA0]  }
0x28: {  	s2 =	sld [smem:$0x3FA1]  }
0x29: {  	s4 =	sld [smem:$0x3FA3]  }
0x2a: {  	p0 =	seq.s32 s5, $0x0;
	s5 =	sld [smem:$0x3FA4]  }
0x2b: {  	s6 =	sld [smem:$0x3FA5]  }
0x2c: {  	s7 =	sld [smem:$0x3FA6]  }
0x2d: {  	s3 =	simm.s32 $0x108;
	s8 =	sld [smem:$0x3FA7]  }
0x2e: {  	s3 =	simm.s32 @!p0 $0x1082;
	s9 =	sld [smem:$0x3FA8]  }
0x2f: {  	lr =	sadd.s32 s0, s3;
	s0 =	sld [smem:$0x3F9F]  }
0x30: {  	s3 =	sld [smem:$0x3FA2]  }
0x31: {  	[smem:$0x3FAB] =	sst s10  }
0x32: {  	s10 =	sld [smem:$0x3FA9];
	_ =	sdelay $0x3  }
0x33: {  	p0 =	seq.s32 s10, $0x1;
	s10 =	sld [smem:$0x3FAB];
	_ =	sdelay $0x3  }
0x34: {  	[smem:$0x3FAB] =	sst s10  }
0x35: {  	s10 =	sld [smem:$0x3FAA];
	_ =	sdelay $0x3  }
0x36: {  	p1 =	seq.s32 s10, $0x1;
	s10 =	sld [smem:$0x3FAB];
	_ =	sdelay $0x3  }
0x37: {  	[smem:$0x3FAB] =	sst s10  }
0x38: {  	s10 =	sld [smem:$0x3FAC]  }
0x39: {  	_ = 	snop;
	(pc) =	sbr.ind lr, $3  }
0x3a: {  	_ = 	snop  }
0x3b: {  	_ = 	snop  }
0x3c: {  	p2 =	seq.s32 s10, $0x1;
	s10 =	sld [smem:$0x3FAB]  }
0x3d: {  	_ =	shalt  }
0x3e: {  	_ =	shalt  }
0x3f: {  	_ =	shalt  }
0x40: {  	_ =	shalt  }
0x41: {  	_ =	shalt  }
0x42: {  	_ =	shalt  }
0x43: {  	_ =	shalt  }
0x44: {  	_ =	shalt  }
0x45: {  	_ =	shalt  }
0x46: {  	_ =	shalt  }
0x47: {  	_ =	shalt  }
0x48: {  	_ =	shalt  }
0x49: {  	_ =	shalt  }
0x4a: {  	_ =	shalt  }
0x4b: {  	_ =	shalt  }
0x4c: {  	_ =	shalt  }
0x4d: {  	_ =	shalt  }
0x4e: {  	_ =	shalt  }
0x4f: {  	_ =	shalt  }
0x50: {  	_ =	shalt  }
0x51: {  	_ =	shalt  }
0x52: {  	_ =	shalt  }
0x53: {  	_ =	shalt  }
0x54: {  	_ =	shalt  }
0x55: {  	_ =	shalt  }
0x56: {  	_ =	shalt  }
0x57: {  	_ =	shalt  }
0x58: {  	_ =	shalt  }
0x59: {  	_ =	shalt  }
0x5a: {  	_ =	shalt  }
0x5b: {  	_ =	shalt  }
0x5c: {  	_ =	shalt  }
0x5d: {  	_ =	shalt  }
0x5e: {  	_ =	shalt  }
0x5f: {  	_ =	shalt  }
0x60: {  	_ =	shalt  }
0x61: {  	_ =	shalt  }
0x62: {  	_ =	shalt  }
0x63: {  	_ =	shalt  }
0x64: {  	_ =	shalt  }
0x65: {  	_ =	shalt  }
0x66: {  	_ =	shalt  }
0x67: {  	_ =	shalt  }
0x68: {  	_ =	shalt  }
0x69: {  	_ =	shalt  }
0x6a: {  	_ =	shalt  }
0x6b: {  	_ =	shalt  }
0x6c: {  	_ =	shalt  }
0x6d: {  	_ =	shalt  }
0x6e: {  	_ =	shalt  }
0x6f: {  	_ =	shalt  }
0x70: {  	_ =	shalt  }
0x71: {  	_ =	shalt  }
0x72: {  	_ =	shalt  }
0x73: {  	_ =	shalt  }
0x74: {  	_ =	shalt  }
0x75: {  	_ =	shalt  }
0x76: {  	_ =	shalt  }
0x77: {  	_ =	shalt  }
0x78: {  	_ =	shalt  }
0x79: {  	_ =	shalt  }
0x7a: {  	_ =	shalt  }
0x7b: {  	_ =	shalt  }
0x7c: {  	_ =	shalt  }
0x7d: {  	_ =	shalt  }
0x7e: {  	_ =	shalt  }
0x7f: {  	_ =	shalt  }
0x80: {  	_ =	shalt  }
0x81: {  	_ =	shalt  }
0x82: {  	_ =	shalt  }
0x83: {  	_ =	shalt  }
0x84: {  	_ =	shalt  }
0x85: {  	_ =	shalt  }
0x86: {  	_ =	shalt  }
0x87: {  	_ =	shalt  }
.Lfunc_end0:
.L_simem_size_0:
called_computation.1_lowered:
.L_overlay_start_0:
0x88: {  	s2 =	sld [smem:$0x3FD9]  }
0x89: {  	s3 =	sld [smem:$0x3FFE];
	_ =	sdelay $0x1  }
0x8a: {  	s1 =	srdreg.scid  }
0x8b: {  	s0 =	sand.u32 $0x1, s1  }
0x8c: {  	s17 =	sshll.u32 s0, $0xA;
	s2 =	sadd.s32 s3, s2  }
0x8d: {  	s2 =	sadd.s32 s2, s17  }
0x8e: {  	[smem:$0x3FB7] =	sst s2  }
0x8f: {  	_ = 	snop  }
0x90: {  	s2 =	sld [smem:$0x3FC7]  }
0x91: {  	s18 =	sld [smem:$0x3FD0];
	(tm) =	ssettm $0x1  }
0x92: {  	s4 =	sld [smem:$0x3FFB];
	_ =	sdelay $0x3  }
0x93: {  	_ =	strace s4  }
0x94: {  	s4 =	sld [smem:$0x3FFC];
	_ =	sdelay $0x3  }
0x95: {  	_ =	strace s4  }
0x96: {  	s4 =	sld [smem:$0x3FFD];
	_ =	sdelay $0x3  }
0x97: {  	_ =	strace s4  }
0x98: {  	_ =	strace $0x8FFFFFFF  }
0x99: {  	s19 =	sld [smem:$0x3FDB];
	_ =	sdelay $0x1  }
0x9a: {  	s5 =	simm.s32 $_scs_section_size  }
0x9b: {  	s6 =	simm.s32 $_size__tile_overlayer_lowered;
	s7 =	simm.s32 $_tile_overlayer_lowered  }
0x9c: {  	s22 =	simm.s32 $0x1BFF;
	s21 =	sshll.u32 s7, $0x1;
	s4 =	sadd.s32 s5, s19  }
0x9d: {  	s8 =	simm.s32 $0x0;
	s20 =	sshll.u32 s6, $0x1;
	s6 =	sadd.s32 s21, s4  }
0x9e: {  	[timem:s8], [sflag:s22] =	dma.local [hbm:s6], s20  }
0x9f: {  	_ =	swait.ge [sflag:s22], s20  }
0xa0: {  	s5 =	ssub.s32 $0x0, s20;
	[sflag:s22] =	ssyncset.done $0x0  }
0xa1: {  	[sflag:s22] =	ssyncadd.s32 s5;
	_ =	sdelay $0x1  }
0xa2: {  	s23 =	simm.s32 $0x1B8B  }
0xa3: {  	_ =	swait.ge [sflag:s23], $0x1  }
0xa4: {  	[sflag:s23] =	ssyncset.done $0x0  }
0xa5: {  	s25 =	simm.s32 $0x1B8E;
	s24 =	sld [smem:$0x3FFE];
	[sflag:s23] =	ssyncadd.s32 $0xFFFFFFFF  }
0xa6: {  	s26 =	simm.s32 $execute0_lowered;
	[smem:$0x3FD2] =	sst s25  }
0xa7: {  	s6 =	sshll.u32 s26, $0x1;
	_ =	strace $0x80000049;
	[dreg:$0x1] =	wrdreg $0xFFFFFFFF  }
0xa8: {  	s28 =	simm.s32 $_size_execute0_lowered;
	s4 =	sadd.s32 s4, s6;
	[dreg:$0x0] =	wrdreg $0x0  }
0xa9: {  	s6 =	sshll.u32 s28, $0x1;
	[dreg:$0x2] =	wrdreg s4  }
0xaa: {  	[dreg:$0x3] =	wrdreg s6  }
0xab: {  	[dreg:$0x4] =	wrdreg $0xC0  }
0xac: {  	_ =	task [dreg:s8], $0x5FFFF  }
0xad: {  	[dreg:$0x1] =	wrdreg $0xFFFFFFFF  }
0xae: {  	[dreg:$0x0] =	wrdreg $0x60  }
0xaf: {  	[dreg:$0x2] =	wrdreg s18  }
0xb0: {  	[dreg:$0x3] =	wrdreg s24  }
0xb1: {  	[dreg:$0x4] =	wrdreg s2  }
0xb2: {  	[dreg:$0x5] =	wrdreg $0xC0000  }
0xb3: {  	[dreg:$0x6] =	wrdreg $0x9  }
0xb4: {  	_ =	task.clear_ibuf [dreg:s8], $0x7FFFF;
	_ =	strace $0x90000049  }
0xb5: {  	s29 =	simm.s32 $0x9;
	_ =	strace $0x8000004B  }
0xb6: {  	_ =	swait.ge [sflag:s29], $0x1  }
0xb7: {  	[sflag:s29] =	ssyncadd.s32 $0xFFFFFFFF  }
0xb8: {  	_ =	strace $0x9000004B  }
0xb9: {  	_ =	sfence  }
0xba: {  	s30 =	sld [smem:$0x0];
	_ =	sdelay $0x2  }
0xbb: {  	s31 =	sshll.u32 s1, $0xD;
	s1 =	sshrl.u32 s1, $0x2  }
0xbc: {  	s3 =	sand.u32 $0x4000, s31;
	s1 =	sadd.s32 s1, s30  }
0xbd: {  	s0 =	sor.u32 s3, s0;
	s1 =	sshll.u32 s1, $0x11  }
0xbe: {  	s0 =	sor.u32 s1, s0  }
0xbf: {  	s0 =	sadd.s32 $0x8F2B, s0  }
0xc0: {  	[sflag:s0] =	ssyncadd.remote.s32 $0x1  }
0xc1: {  	_ =	sfence.sel $0xFFFF  }
0xc2: {  	[dreg:$0x0] =	wrdreg $0xFFFFFFFF;
	(pc) =	sbr.abs _section_cstart, $3  }
0xc3: {  	[dreg:$0x1] =	wrdreg $0xFFFFFFFF  }
0xc4: {  	_ =	task.clear_ibuf [dreg:s8], $0x2FFFF;
	_ =	strace $0x9FFFFFFF  }
0xc5: {  	(tm) =	ssettm $0x7FFFFFFF  }
tec
execute0_lowered:
.L_overlay_start_1:
0x0: {  	(tag) =	ssettag $0x1  }
0x1: {  	s1 =	rddreg [dreg:$0x0]  }
0x2: {  	s5 =	rddreg [dreg:$0x1]  }
0x3: {  	s2 =	rddreg [dreg:$0x2]  }
0x4: {  	s3 =	rddreg [dreg:$0x3];
	s4 =	simm.s32 $0x0  }
0x5: {  	s0 =	srdreg.scid;
	s26 =	stileid.u32;
	s28 =	simm.s32 $0x2000  }
0x6: {  	s29 =	simm.s32 $0x5;
	s6 =	sand.u32 $0x1, s0;
	s10 =	smul.u32 $0x2800, s26  }
0x7: {  	s30 =	simm.s32 $0x1000;
	s9 =	sor.u32 $0x10, s26;
	s7 =	smul.u32 $0x138800, s6  }
0x8: {  	s31 =	simm.s32 $0x7000;
	s11 =	sor.u32 $0x20, s26;
	s12 =	smul.u32 $0x2800, s9  }
0x9: {  	[smem:$0x7FF] =	sst s4;
	s15 =	sor.u32 $0x30, s26;
	s14 =	smul.u32 $0x2800, s11  }
0xa: {  	s8 =	sadd.s32 $0x2CC00, s5;
	s18 =	sor.u32 $0x50, s26;
	s16 =	smul.u32 $0x2800, s15  }
0xb: {  	s17 =	sshll.u32 s26, $0x1;
	s21 =	sor.u32 $0x70, s26;
	s20 =	smul.u32 $0x2800, s18  }
0xc: {  	p0 =	sgt.u32 s26, $0xC;
	_ =	strace $0x8000004A;
	s23 =	smul.u32 $0x2800, s21  }
0xd: {  	s0 =	ssub.s32 $0x2, s6;
	s6 =	sor.u32 s6, s17;
	s9 =	smul.u32 $0xA000, s9  }
0xe: {  	s17 =	sor.u32 $0x60, s26;
	s11 =	smul.u32 $0xA000, s11;
	s13 =	sshrl.u32 s0, $0x1  }
0xf: {  	s22 =	smul.u32 $0x2800, s17;
	s0 =	ssub.s32 s0, s13;
	s13 =	sor.u32 $0x40, s26  }
0x10: {  	s10 =	sadd.s32 s10, s7;
	s12 =	sadd.s32 s7, s12;
	s14 =	sadd.s32 s7, s14  }
0x11: {  	s16 =	sadd.s32 s7, s16;
	s20 =	sadd.s32 s7, s20;
	s11 =	sshrl.u32 s11, $0x2  }
0x12: {  	s19 =	smul.u32 $0x2800, s13;
	s22 =	sadd.s32 s7, s22;
	s10 =	sshrl.u32 s10, $0x3  }
0x13: {  	s12 =	sshrl.u32 s12, $0x3;
	s14 =	sshrl.u32 s14, $0x3;
	s24 =	sshrl.u32 s16, $0x3  }
0x14: {  	s0 =	smax.u32 s0, $0x1;
	s10 =	sadd.s32 s8, s10;
	s12 =	sadd.s32 s8, s12  }
0x15: {  	[dreg:$0x13] =	wrdreg s0;
	s0 =	simm.s32 $0x50;
	s19 =	sadd.s32 s7, s19  }
0x16: {  	s7 =	sadd.s32 s7, s23;
	s23 =	smul.u32 $0xA000, s26;
	[dreg:$0x5] =	wrdreg s10  }
0x17: {  	[dreg:$0x6] =	wrdreg s12;
	s10 =	sadd.s32 s8, s14;
	s12 =	sadd.s32 s8, s24  }
0x18: {  	s14 =	sadd.s32 $0x4C00, s5;
	s24 =	smul.u32 $0xA000, s15;
	[dreg:$0x7] =	wrdreg s10  }
0x19: {  	s15 =	sadd.s32 $0x18C00, s5;
	s25 =	sshrl.u32 s19, $0x3;
	[dreg:$0x8] =	wrdreg s12  }
0x1a: {  	s19 =	sshrl.u32 s20, $0x3;
	s20 =	sshrl.u32 s22, $0x3;
	s7 =	sshrl.u32 s7, $0x3  }
0x1b: {  	s12 =	smul.u32 $0xA000, s18;
	s16 =	sadd.s32 s8, s25;
	s10 =	sadd.s32 s8, s19  }
0x1c: {  	s22 =	sadd.s32 s8, s20;
	s7 =	sadd.s32 s8, s7;
	[dreg:$0x9] =	wrdreg s16  }
0x1d: {  	s23 =	sshrl.u32 s23, $0x2;
	s25 =	smul.u32 $0xA000, s13;
	[dreg:$0xa] =	wrdreg s10  }
0x1e: {  	s20 =	sadd.s32 s11, s3;
	s13 =	smul.u32 $0xA000, s17;
	[dreg:$0xb] =	wrdreg s22  }
0x1f: {  	s8 =	sshrl.u32 s24, $0x2;
	s11 =	simm.s32 $0x1C00;
	[dreg:$0xc] =	wrdreg s7  }
0x20: {  	s19 =	sadd.s32 s23, s3;
	s10 =	sshrl.u32 s9, $0x2;
	s16 =	smul.u32 $0xA000, s21  }
0x21: {  	s17 =	sadd.s32 s8, s3;
	s22 =	sshrl.u32 s12, $0x2;
	s7 =	simm.s32 $0x9800  }
0x22: {  	s8 =	simm.s32 $0x4800;
	[dreg:$0xd] =	wrdreg s20;
	s5 =	sshrl.u32 s25, $0x2  }
0x23: {  	[dreg:$0xe] =	wrdreg s17;
	s21 =	sadd.s32 s5, s3;
	s5 =	sadd.s32 s22, s3  }
0x24: {  	s9 =	simm.s32 $0x4;
	s23 =	sshrl.u32 s13, $0x2;
	[dreg:$0x10] =	wrdreg s5  }
0x25: {  	s24 =	sshrl.u32 s16, $0x2;
	s5 =	sadd.s32 s23, s3;
	[dreg:$0xf] =	wrdreg s21  }
0x26: {  	s18 =	sadd.s32 s10, s3;
	s25 =	sadd.s32 s24, s3;
	[dreg:$0x11] =	wrdreg s5  }
0x27: {  	s10 =	simm.s32 $0x2;
	s24 =	smul.u32 $0x5000, s6;
	[dreg:$0x12] =	wrdreg s25  }
0x28: {  	v0 =	vimm.f32 $0.0e+00;
	s25 =	smul.u32 $0x5, s6;
	s5 =	simm.s32 $0x3;
	s6 =	simm.s32 $0x1  }
.LBB2_1:
0x29: {  	s12 =	simm.s32 $0x0;
	s13 =	simm.s32 $0x200  }
.LBB2_2:
0x2a: {  	p1 =	sne.s32 s13, $0x9E00;
	[tilespmem:s12+$0x2070] =	vst v0  }
0x2b: {  	[tilespmem:s12+$0x2000] =	vst v0  }
0x2c: {  	[tilespmem:s12+$0x2010] =	vst v0  }
.Ltmp0:
0x2d: {  	[tilespmem:s12+$0x2020] =	vst v0;
	(pc) =	sbr.rel @p1 .LBB2_2-.Ltmp0, $4  }
0x2e: {  	[tilespmem:s12+$0x2030] =	vst v0  }
0x2f: {  	[tilespmem:s12+$0x2040] =	vst v0  }
0x30: {  	[tilespmem:s12+$0x2050] =	vst v0  }
0x31: {  	[tilespmem:s12+$0x2060] =	vst v0;
	s12 =	sshra.s32 s13, $0x2;
	s13 =	sadd.s32 $0x200, s13  }
0x32: {  	[tilespmem:s12+$0x2070] =	vst v0  }
0x33: {  	[tilespmem:s12+$0x2000] =	vst v0  }
0x34: {  	[tilespmem:s12+$0x2010] =	vst v0  }
0x35: {  	[tilespmem:s12+$0x2020] =	vst v0  }
0x36: {  	[tilespmem:s12+$0x2030] =	vst v0  }
0x37: {  	[tilespmem:s12+$0x2040] =	vst v0  }
0x38: {  	[tilespmem:s12+$0x2050] =	vst v0  }
0x39: {  	[tilespmem:s12+$0x2060] =	vst v0  }
0x3a: {  	[spmem:s19] =	stream.linear.scatter [tilespmem:s28], [sflag:$0x5], $0x2800, $0x38;
	[tilespmem:$0x1F880] =	vst v63  }
0x3b: {  	_ =	swait.ge [sflag:s29], $0x2800  }
0x3c: {  	[sflag:s29] =	ssyncset.done $0x0  }
0x3d: {  	[sflag:s29] =	ssyncadd.s32 $0xFFFFD800  }
0x3e: {  	[spmem:s18] =	stream.linear.scatter [tilespmem:s28], [sflag:$0x5], $0x2800, $0x38;
	[tilespmem:$0x1F880] =	vst v63  }
0x3f: {  	_ =	swait.ge [sflag:s29], $0x2800  }
0x40: {  	[sflag:s29] =	ssyncset.done $0x0  }
0x41: {  	[sflag:s29] =	ssyncadd.s32 $0xFFFFD800  }
0x42: {  	[spmem:s20] =	stream.linear.scatter [tilespmem:s28], [sflag:$0x5], $0x2800, $0x38;
	[tilespmem:$0x1F880] =	vst v63  }
0x43: {  	_ =	swait.ge [sflag:s29], $0x2800  }
0x44: {  	[sflag:s29] =	ssyncset.done $0x0  }
0x45: {  	[sflag:s29] =	ssyncadd.s32 $0xFFFFD800  }
0x46: {  	[spmem:s17] =	stream.linear.scatter [tilespmem:s28], [sflag:$0x5], $0x2800, $0x38;
	[tilespmem:$0x1F880] =	vst v63  }
0x47: {  	_ =	swait.ge [sflag:s29], $0x2800  }
0x48: {  	[sflag:s29] =	ssyncset.done $0x0  }
0x49: {  	[sflag:s29] =	ssyncadd.s32 $0xFFFFD800  }
0x4a: {  	[spmem:s21] =	stream.linear.scatter [tilespmem:s28], [sflag:$0x5], $0x2800, $0x38;
	[tilespmem:$0x1F880] =	vst v63  }
0x4b: {  	_ =	swait.ge [sflag:s29], $0x2800  }
0x4c: {  	[sflag:s29] =	ssyncset.done $0x0  }
0x4d: {  	s21 =	rddreg [dreg:$0x10];
	[sflag:s29] =	ssyncadd.s32 $0xFFFFD800  }
0x4e: {  	[spmem:s21] =	stream.linear.scatter [tilespmem:s28], [sflag:$0x5], $0x2800, $0x38;
	[tilespmem:$0x1F880] =	vst v63  }
0x4f: {  	_ =	swait.ge [sflag:s29], $0x2800  }
0x50: {  	[sflag:s29] =	ssyncset.done $0x0  }
0x51: {  	s26 =	rddreg [dreg:$0x11];
	[sflag:s29] =	ssyncadd.s32 $0xFFFFD800  }
0x52: {  	[spmem:s26] =	stream.linear.scatter [tilespmem:s28], [sflag:$0x5], $0x2800, $0x38;
	[tilespmem:$0x1F880] =	vst v63  }
0x53: {  	_ =	swait.ge [sflag:s29], $0x2800  }
0x54: {  	[sflag:s29] =	ssyncset.done $0x0  }
0x55: {  	s12 =	simm.s32 @!p0 $0x2000;
	s13 =	rddreg [dreg:$0x12];
	[sflag:s29] =	ssyncadd.s32 $0xFFFFD800  }
0x56: {  	[spmem:s13] =	stream.linear.scatter @!p0 [tilespmem:s12], [sflag:$0x5], $0x2800, $0x38;
	[tilespmem:$0x1F880] =	vst v63  }
0x57: {  	s12 =	simm.s32 @!p0 $0x5  }
0x58: {  	_ =	swait.ge @!p0 [sflag:s12], $0x2800  }
0x59: {  	[sflag:s12] =	ssyncset.done @!p0 $0x0  }
0x5a: {  	s22 =	smov.u32 s19;
	s23 =	smov.u32 s18;
	[sflag:s12] =	ssyncadd.s32 @!p0 $0xFFFFD800  }
0x5b: {  	s13 =	simm.s32 $0x0;
	s12 =	simm.s32 $0x0;
	[bflag:$0x0] =	sbarrier.arrive $0xFFFF  }
.LBB2_4:
0x5c: {  	s16 =	sshll.u32 s13, $0xC  }
0x5d: {  	s16 =	sadd.s32 s24, s16  }
0x5e: {  	s16 =	sshrl.u32 s16, $0x3  }
0x5f: {  	s17 =	sadd.s32 s14, s16  }
0x60: {  	[tilespmem:s12], [sflag:$0x5] =	stream.linear.gather [hbm4b:s17+s12], $0xC80, $0x38;
	[tilespmem:$0x1F880] =	vst v63  }
0x61: {  	_ =	swait.ge [sflag:s29], $0xC80  }
0x62: {  	[sflag:s29] =	ssyncset.done $0x0  }
0x63: {  	s21 =	sadd.s32 s25, s13;
	s16 =	sadd.s32 s15, s16;
	[sflag:s29] =	ssyncadd.s32 $0xFFFFF380  }
0x64: {  	[tilespmem:s30], [sflag:$0x5] =	stream.linear.gather [hbm4b:s16+s12], $0xC80, $0x38;
	[tilespmem:$0x1F880] =	vst v63  }
0x65: {  	s26 =	smul.u32 $0x7D00, s21;
	_ =	swait.ge [sflag:s29], $0xC80  }
0x66: {  	[sflag:s29] =	ssyncset.done $0x0  }
0x67: {  	s17 =	sadd.s32 s2, s26;
	[sflag:s29] =	ssyncadd.s32 $0xFFFFF380  }
0x68: {  	[tilespmem:s31], [sflag:$0x3] =	stream.linear.gather [hbm4b:s17+s12], $0x2800, $0x38;
	[tilespmem:$0x1F880] =	vst v63  }
0x69: {  	s26 =	smul.u32 $0x19, s21;
	s16 =	simm.s32 $0x0  }
0x6a: {  	[tilespmem:s28], [sflag:$0x1] =	stream.indirect.gather [hbm4b:s1+s0], $0x80, s12, s0, $0xb8;
	[tilespmem:$0x1F880] =	vst v63  }
.LBB2_5:
0x6b: {  	_ =	swait.ge [sflag:s5], $0x2800  }
0x6c: {  	s17 =	sshllo.u32 s16, $0x1;
	[sflag:s5] =	ssyncset.done $0x0  }
0x6d: {  	s18 =	sadd.s32 s26, s17;
	[sflag:s5] =	ssyncadd.s32 $0xFFFFD800  }
0x6e: {  	s18 =	smul.u32 $0x500, s18;
	_ =	swait.ge [sflag:s6], $0x2800  }
0x6f: {  	s19 =	simm.s32 $0x0;
	[sflag:s6] =	ssyncset.done $0x0  }
0x70: {  	s17 =	sshll.u32 s17, $0x9;
	s18 =	sadd.s32 s2, s18;
	[sflag:s6] =	ssyncadd.s32 $0xFFFFD800  }
0x71: {  	[tilespmem:s7], [sflag:$0x4] =	stream.linear.gather [hbm4b:s18+s19], $0x2800, $0x38;
	[tilespmem:$0x1F880] =	vst v63  }
0x72: {  	s17 =	sshrl.u32 s17, $0x2;
	s18 =	simm.s32 $0x0  }
0x73: {  	[tilespmem:s8], [sflag:$0x2] =	stream.indirect.gather [hbm4b:s1+s0], $0x80, s17, s0, $0xb8;
	[tilespmem:$0x1F880] =	vst v63  }
0x74: {  	v7 =	vld [tilespmem:s18+$0x7000]  }
0x75: {  	v12 =	vld [tilespmem:s18+$0x7010]  }
0x76: {  	v6 =	vld [tilespmem:s18+$0x7020]  }
0x77: {  	v5 =	vld [tilespmem:s18+$0x7030]  }
0x78: {  	v4 =	vld [tilespmem:s18+$0x7040]  }
0x79: {  	v3 =	vld [tilespmem:s18+$0x7050]  }
0x7a: {  	v2 =	vld [tilespmem:s18+$0x7060]  }
0x7b: {  	v1 =	vld [tilespmem:s18+$0x7070]  }
0x7c: {  	v13 =	vld [tilespmem:s18+$0x2000]  }
0x7d: {  	v14 =	vld [tilespmem:s18+$0x2010]  }
0x7e: {  	v11 =	vld [tilespmem:s18+$0x2020]  }
0x7f: {  	v10 =	vld [tilespmem:s18+$0x2030]  }
0x80: {  	v9 =	vld [tilespmem:s18+$0x2040]  }
0x81: {  	v8 =	vld [tilespmem:s18+$0x2050];
	v13 =	vadd.f32 v7, v13  }
0x82: {  	s20 =	simm.s32 $0x200;
	s19 =	sshll.u32 s16, $0x1;
	v12 =	vadd.f32 v12, v14;
	v7 =	vld [tilespmem:s18+$0x2060]  }
.LBB2_6:
0x83: {  	s21 =	sshra.s32 s20, $0x2;
	p1 =	sne.s32 s20, $0x9E00;
	v13 =	vmax.f32 v13, $0.0e+00;
	v6 =	vadd.f32 v6, v11;
	v11 =	vld [tilespmem:s18+$0x2070]  }
0x84: {  	v14 =	vld [tilespmem:s21+$0x7000];
	[tilespmem:s18+$0x2000] =	vst v13;
	v12 =	vmax.f32 v12, $0.0e+00;
	v5 =	vadd.f32 v5, v10  }
0x85: {  	v15 =	vld [tilespmem:s21+$0x7010];
	[tilespmem:s18+$0x2010] =	vst v12;
	v10 =	vmax.f32 v6, $0.0e+00;
	v4 =	vadd.f32 v4, v9  }
0x86: {  	v6 =	vld [tilespmem:s21+$0x7020];
	[tilespmem:s18+$0x2020] =	vst v10;
	v9 =	vmax.f32 v5, $0.0e+00;
	v3 =	vadd.f32 v3, v8  }
0x87: {  	v5 =	vld [tilespmem:s21+$0x7030];
	[tilespmem:s18+$0x2030] =	vst v9;
	v8 =	vmax.f32 v4, $0.0e+00;
	v2 =	vadd.f32 v2, v7  }
0x88: {  	v4 =	vld [tilespmem:s21+$0x7040];
	[tilespmem:s18+$0x2040] =	vst v8;
	v7 =	vmax.f32 v3, $0.0e+00;
	v1 =	vadd.f32 v1, v11  }
0x89: {  	v3 =	vld [tilespmem:s21+$0x7050];
	[tilespmem:s18+$0x2050] =	vst v7;
	v7 =	vmax.f32 v2, $0.0e+00  }
0x8a: {  	v2 =	vld [tilespmem:s21+$0x7060];
	[tilespmem:s18+$0x2060] =	vst v7;
	v7 =	vmax.f32 v1, $0.0e+00  }
0x8b: {  	v1 =	vld [tilespmem:s21+$0x7070];
	[tilespmem:s18+$0x2070] =	vst v7;
	s18 =	smov.u32 s21  }
0x8c: {  	v7 =	vld [tilespmem:s18+$0x2000]  }
0x8d: {  	v12 =	vld [tilespmem:s18+$0x2010]  }
.Ltmp1:
0x8e: {  	v11 =	vld [tilespmem:s18+$0x2020];
	(pc) =	sbr.rel @p1 .LBB2_6-.Ltmp1, $4  }
0x8f: {  	v10 =	vld [tilespmem:s18+$0x2030]  }
0x90: {  	v9 =	vld [tilespmem:s18+$0x2040]  }
0x91: {  	v13 =	vadd.f32 v14, v7;
	v8 =	vld [tilespmem:s18+$0x2050]  }
0x92: {  	s20 =	sadd.s32 $0x200, s20;
	v12 =	vadd.f32 v15, v12;
	v7 =	vld [tilespmem:s18+$0x2060]  }
0x93: {  	v13 =	vmax.f32 v13, $0.0e+00;
	v6 =	vadd.f32 v6, v11;
	v11 =	vld [tilespmem:s18+$0x2070]  }
0x94: {  	[tilespmem:s18+$0x2000] =	vst v13;
	v12 =	vmax.f32 v12, $0.0e+00;
	v5 =	vadd.f32 v5, v10  }
0x95: {  	[tilespmem:s18+$0x2010] =	vst v12;
	v6 =	vmax.f32 v6, $0.0e+00;
	v4 =	vadd.f32 v4, v9  }
0x96: {  	[tilespmem:s18+$0x2020] =	vst v6;
	v5 =	vmax.f32 v5, $0.0e+00;
	v3 =	vadd.f32 v3, v8  }
0x97: {  	[tilespmem:s18+$0x2030] =	vst v5;
	v4 =	vmax.f32 v4, $0.0e+00;
	v2 =	vadd.f32 v2, v7  }
0x98: {  	[tilespmem:s18+$0x2040] =	vst v4;
	v3 =	vmax.f32 v3, $0.0e+00;
	v1 =	vadd.f32 v1, v11  }
0x99: {  	s20 =	sshll.u32 s16, $0x8;
	[tilespmem:s18+$0x2050] =	vst v3;
	v2 =	vmax.f32 v2, $0.0e+00  }
0x9a: {  	s20 =	sand.u32 $0x3FFFFF00, s20;
	[tilespmem:s18+$0x2060] =	vst v2;
	v1 =	vmax.f32 v1, $0.0e+00  }
0x9b: {  	s20 =	sadd.s32 $0x1000, s20;
	[tilespmem:s18+$0x2070] =	vst v1  }
0x9c: {  	[spmem:s3] =	stream.indirect.scatter.add.f32 [tilespmem:s28], [sflag:$0x5], $0x80, s20, s0, $0xb8;
	[tilespmem:$0x1F880] =	vst v63  }
0x9d: {  	_ =	swait.ge [sflag:s29], $0x2800  }
0x9e: {  	[sflag:s29] =	ssyncset.done $0x0  }
0x9f: {  	[sflag:s29] =	ssyncadd.s32 $0xFFFFD800  }
0xa0: {  	_ =	swait.ge [sflag:s9], $0x2800  }
0xa1: {  	s18 =	sadd.s32 $0x2, s19;
	[sflag:s9] =	ssyncset.done $0x0  }
0xa2: {  	s19 =	sadd.s32 s26, s18;
	[sflag:s9] =	ssyncadd.s32 $0xFFFFD800  }
0xa3: {  	s19 =	smul.u32 $0x500, s19;
	_ =	swait.ge [sflag:s10], $0x2800  }
0xa4: {  	s21 =	simm.s32 $0x0;
	[sflag:s10] =	ssyncset.done $0x0  }
0xa5: {  	s18 =	sshll.u32 s18, $0x7;
	s19 =	sadd.s32 s2, s19;
	[sflag:s10] =	ssyncadd.s32 $0xFFFFD800  }
0xa6: {  	[tilespmem:s31], [sflag:$0x3] =	stream.linear.gather [hbm4b:s19+s21], $0x2800, $0x38;
	[tilespmem:$0x1F880] =	vst v63  }
0xa7: {  	s18 =	sand.u32 $0x3FFFFF80, s18  }
0xa8: {  	[tilespmem:s28], [sflag:$0x1] =	stream.indirect.gather [hbm4b:s1+s0], $0x80, s18, s0, $0xb8;
	[tilespmem:$0x1F880] =	vst v63  }
0xa9: {  	s18 =	simm.s32 $0x0  }
0xaa: {  	v7 =	vld [tilespmem:s18+$0x9800]  }
0xab: {  	v12 =	vld [tilespmem:s18+$0x9810]  }
0xac: {  	v6 =	vld [tilespmem:s18+$0x9820]  }
0xad: {  	v5 =	vld [tilespmem:s18+$0x9830]  }
0xae: {  	v4 =	vld [tilespmem:s18+$0x9840]  }
0xaf: {  	v3 =	vld [tilespmem:s18+$0x9850]  }
0xb0: {  	v2 =	vld [tilespmem:s18+$0x9860]  }
0xb1: {  	v1 =	vld [tilespmem:s18+$0x9870]  }
0xb2: {  	v13 =	vld [tilespmem:s18+$0x4800]  }
0xb3: {  	v14 =	vld [tilespmem:s18+$0x4810]  }
0xb4: {  	v11 =	vld [tilespmem:s18+$0x4820]  }
0xb5: {  	v10 =	vld [tilespmem:s18+$0x4830]  }
0xb6: {  	v9 =	vld [tilespmem:s18+$0x4840]  }
0xb7: {  	v8 =	vld [tilespmem:s18+$0x4850];
	v13 =	vadd.f32 v7, v13  }
0xb8: {  	s19 =	simm.s32 $0x200;
	v12 =	vadd.f32 v12, v14;
	v7 =	vld [tilespmem:s18+$0x4860]  }
.LBB2_8:
0xb9: {  	s20 =	sshra.s32 s19, $0x2;
	p1 =	sne.s32 s19, $0x9E00;
	v13 =	vmax.f32 v13, $0.0e+00;
	v6 =	vadd.f32 v6, v11;
	v11 =	vld [tilespmem:s18+$0x4870]  }
0xba: {  	v14 =	vld [tilespmem:s20+$0x9800];
	[tilespmem:s18+$0x4800] =	vst v13;
	v12 =	vmax.f32 v12, $0.0e+00;
	v5 =	vadd.f32 v5, v10  }
0xbb: {  	v15 =	vld [tilespmem:s20+$0x9810];
	[tilespmem:s18+$0x4810] =	vst v12;
	v10 =	vmax.f32 v6, $0.0e+00;
	v4 =	vadd.f32 v4, v9  }
0xbc: {  	v6 =	vld [tilespmem:s20+$0x9820];
	[tilespmem:s18+$0x4820] =	vst v10;
	v9 =	vmax.f32 v5, $0.0e+00;
	v3 =	vadd.f32 v3, v8  }
0xbd: {  	v5 =	vld [tilespmem:s20+$0x9830];
	[tilespmem:s18+$0x4830] =	vst v9;
	v8 =	vmax.f32 v4, $0.0e+00;
	v2 =	vadd.f32 v2, v7  }
0xbe: {  	v4 =	vld [tilespmem:s20+$0x9840];
	[tilespmem:s18+$0x4840] =	vst v8;
	v7 =	vmax.f32 v3, $0.0e+00;
	v1 =	vadd.f32 v1, v11  }
0xbf: {  	v3 =	vld [tilespmem:s20+$0x9850];
	[tilespmem:s18+$0x4850] =	vst v7;
	v7 =	vmax.f32 v2, $0.0e+00  }
0xc0: {  	v2 =	vld [tilespmem:s20+$0x9860];
	[tilespmem:s18+$0x4860] =	vst v7;
	v7 =	vmax.f32 v1, $0.0e+00  }
0xc1: {  	v1 =	vld [tilespmem:s20+$0x9870];
	[tilespmem:s18+$0x4870] =	vst v7;
	s18 =	smov.u32 s20  }
0xc2: {  	v7 =	vld [tilespmem:s18+$0x4800]  }
0xc3: {  	v12 =	vld [tilespmem:s18+$0x4810]  }
.Ltmp2:
0xc4: {  	v11 =	vld [tilespmem:s18+$0x4820];
	(pc) =	sbr.rel @p1 .LBB2_8-.Ltmp2, $4  }
0xc5: {  	v10 =	vld [tilespmem:s18+$0x4830]  }
0xc6: {  	v9 =	vld [tilespmem:s18+$0x4840]  }
0xc7: {  	v13 =	vadd.f32 v14, v7;
	v8 =	vld [tilespmem:s18+$0x4850]  }
0xc8: {  	s19 =	sadd.s32 $0x200, s19;
	v12 =	vadd.f32 v15, v12;
	v7 =	vld [tilespmem:s18+$0x4860]  }
0xc9: {  	v13 =	vmax.f32 v13, $0.0e+00;
	v6 =	vadd.f32 v6, v11;
	v63 =	vld [tilespmem:s18+$0x4870]  }
0xca: {  	[tilespmem:s18+$0x4800] =	vst v13;
	v12 =	vmax.f32 v12, $0.0e+00;
	v5 =	vadd.f32 v5, v10  }
0xcb: {  	[tilespmem:s18+$0x4810] =	vst v12;
	v6 =	vmax.f32 v6, $0.0e+00;
	v4 =	vadd.f32 v4, v9  }
0xcc: {  	[tilespmem:s18+$0x4820] =	vst v6;
	v5 =	vmax.f32 v5, $0.0e+00;
	v3 =	vadd.f32 v3, v8  }
0xcd: {  	[tilespmem:s18+$0x4830] =	vst v5;
	v4 =	vmax.f32 v4, $0.0e+00;
	v2 =	vadd.f32 v2, v7  }
0xce: {  	[tilespmem:s18+$0x4840] =	vst v4;
	v3 =	vmax.f32 v3, $0.0e+00;
	v1 =	vadd.f32 v1, v63  }
0xcf: {  	s16 =	sadd.s32 $0x1, s16;
	[tilespmem:s18+$0x4850] =	vst v3;
	v2 =	vmax.f32 v2, $0.0e+00  }
0xd0: {  	p1 =	sne.s32 s16, $0xC;
	[tilespmem:s18+$0x4860] =	vst v2;
	v1 =	vmax.f32 v1, $0.0e+00  }
.Ltmp3:
0xd1: {  	s17 =	sadd.s32 $0x1000, s17;
	[tilespmem:s18+$0x4870] =	vst v1;
	(pc) =	sbr.rel @p1 .LBB2_5-.Ltmp3, $4  }
0xd2: {  	[spmem:s3] =	stream.indirect.scatter.add.f32 [tilespmem:s8], [sflag:$0x5], $0x80, s17, s0, $0xb8;
	[tilespmem:$0x1F880] =	vst v63  }
0xd3: {  	_ =	swait.ge [sflag:s29], $0x2800  }
0xd4: {  	[sflag:s29] =	ssyncset.done $0x0  }
0xd5: {  	[sflag:s29] =	ssyncadd.s32 $0xFFFFD800  }
0xd6: {  	_ =	swait.ge [sflag:s5], $0x2800  }
0xd7: {  	[sflag:s5] =	ssyncset.done $0x0  }
0xd8: {  	[sflag:s5] =	ssyncadd.s32 $0xFFFFD800  }
0xd9: {  	_ =	swait.ge [sflag:s6], $0x2800  }
0xda: {  	[sflag:s6] =	ssyncset.done $0x0  }
0xdb: {  	s16 =	simm.s32 $0x0;
	[sflag:s6] =	ssyncadd.s32 $0xFFFFD800  }
0xdc: {  	v7 =	vld [tilespmem:s16+$0x7000]  }
0xdd: {  	v12 =	vld [tilespmem:s16+$0x7010]  }
0xde: {  	v6 =	vld [tilespmem:s16+$0x7020]  }
0xdf: {  	v5 =	vld [tilespmem:s16+$0x7030]  }
0xe0: {  	v4 =	vld [tilespmem:s16+$0x7040]  }
0xe1: {  	v3 =	vld [tilespmem:s16+$0x7050]  }
0xe2: {  	v2 =	vld [tilespmem:s16+$0x7060]  }
0xe3: {  	v1 =	vld [tilespmem:s16+$0x7070]  }
0xe4: {  	v13 =	vld [tilespmem:s16+$0x2000]  }
0xe5: {  	v14 =	vld [tilespmem:s16+$0x2010]  }
0xe6: {  	v11 =	vld [tilespmem:s16+$0x2020]  }
0xe7: {  	v10 =	vld [tilespmem:s16+$0x2030]  }
0xe8: {  	v9 =	vld [tilespmem:s16+$0x2040]  }
0xe9: {  	v8 =	vld [tilespmem:s16+$0x2050];
	v13 =	vadd.f32 v7, v13  }
0xea: {  	s17 =	simm.s32 $0x200;
	v12 =	vadd.f32 v12, v14;
	v7 =	vld [tilespmem:s16+$0x2060]  }
.LBB2_11:
0xeb: {  	s18 =	sshra.s32 s17, $0x2;
	p1 =	sne.s32 s17, $0x9E00;
	v13 =	vmax.f32 v13, $0.0e+00;
	v6 =	vadd.f32 v6, v11;
	v11 =	vld [tilespmem:s16+$0x2070]  }
0xec: {  	v14 =	vld [tilespmem:s18+$0x7000];
	[tilespmem:s16+$0x2000] =	vst v13;
	v12 =	vmax.f32 v12, $0.0e+00;
	v5 =	vadd.f32 v5, v10  }
0xed: {  	v15 =	vld [tilespmem:s18+$0x7010];
	[tilespmem:s16+$0x2010] =	vst v12;
	v10 =	vmax.f32 v6, $0.0e+00;
	v4 =	vadd.f32 v4, v9  }
0xee: {  	v6 =	vld [tilespmem:s18+$0x7020];
	[tilespmem:s16+$0x2020] =	vst v10;
	v9 =	vmax.f32 v5, $0.0e+00;
	v3 =	vadd.f32 v3, v8  }
0xef: {  	v5 =	vld [tilespmem:s18+$0x7030];
	[tilespmem:s16+$0x2030] =	vst v9;
	v8 =	vmax.f32 v4, $0.0e+00;
	v2 =	vadd.f32 v2, v7  }
0xf0: {  	v4 =	vld [tilespmem:s18+$0x7040];
	[tilespmem:s16+$0x2040] =	vst v8;
	v7 =	vmax.f32 v3, $0.0e+00;
	v1 =	vadd.f32 v1, v11  }
0xf1: {  	v3 =	vld [tilespmem:s18+$0x7050];
	[tilespmem:s16+$0x2050] =	vst v7;
	v7 =	vmax.f32 v2, $0.0e+00  }
0xf2: {  	v2 =	vld [tilespmem:s18+$0x7060];
	[tilespmem:s16+$0x2060] =	vst v7;
	v7 =	vmax.f32 v1, $0.0e+00  }
0xf3: {  	v1 =	vld [tilespmem:s18+$0x7070];
	[tilespmem:s16+$0x2070] =	vst v7;
	s16 =	smov.u32 s18  }
0xf4: {  	v7 =	vld [tilespmem:s16+$0x2000]  }
0xf5: {  	v12 =	vld [tilespmem:s16+$0x2010]  }
.Ltmp4:
0xf6: {  	v11 =	vld [tilespmem:s16+$0x2020];
	(pc) =	sbr.rel @p1 .LBB2_11-.Ltmp4, $4  }
0xf7: {  	v10 =	vld [tilespmem:s16+$0x2030]  }
0xf8: {  	v9 =	vld [tilespmem:s16+$0x2040]  }
0xf9: {  	v13 =	vadd.f32 v14, v7;
	v8 =	vld [tilespmem:s16+$0x2050]  }
0xfa: {  	s17 =	sadd.s32 $0x200, s17;
	v12 =	vadd.f32 v15, v12;
	v7 =	vld [tilespmem:s16+$0x2060]  }
0xfb: {  	v13 =	vmax.f32 v13, $0.0e+00;
	v6 =	vadd.f32 v6, v11;
	v63 =	vld [tilespmem:s16+$0x2070]  }
0xfc: {  	[tilespmem:s16+$0x2000] =	vst v13;
	v12 =	vmax.f32 v12, $0.0e+00;
	v5 =	vadd.f32 v5, v10  }
0xfd: {  	[tilespmem:s16+$0x2010] =	vst v12;
	v6 =	vmax.f32 v6, $0.0e+00;
	v4 =	vadd.f32 v4, v9  }
0xfe: {  	[tilespmem:s16+$0x2020] =	vst v6;
	v5 =	vmax.f32 v5, $0.0e+00;
	v3 =	vadd.f32 v3, v8  }
0xff: {  	[tilespmem:s16+$0x2030] =	vst v5;
	v4 =	vmax.f32 v4, $0.0e+00;
	v2 =	vadd.f32 v2, v7  }
0x100: {  	[tilespmem:s16+$0x2040] =	vst v4;
	v3 =	vmax.f32 v3, $0.0e+00;
	v1 =	vadd.f32 v1, v63  }
0x101: {  	s13 =	sadd.s32 $0x1, s13;
	[tilespmem:s16+$0x2050] =	vst v3;
	v2 =	vmax.f32 v2, $0.0e+00  }
0x102: {  	p1 =	sne.s32 s13, $0x5;
	[tilespmem:s16+$0x2060] =	vst v2;
	v1 =	vmax.f32 v1, $0.0e+00  }
.Ltmp5:
0x103: {  	[tilespmem:s16+$0x2070] =	vst v1;
	(pc) =	sbr.rel @p1 .LBB2_4-.Ltmp5, $4  }
0x104: {  	[spmem:s3] =	stream.indirect.scatter.add.f32 [tilespmem:s28], [sflag:$0x5], $0x80, s11, s0, $0xb8;
	[tilespmem:$0x1F880] =	vst v63  }
0x105: {  	_ =	swait.ge [sflag:s29], $0x2800  }
0x106: {  	[sflag:s29] =	ssyncset.done $0x0  }
0x107: {  	[sflag:s29] =	ssyncadd.s32 $0xFFFFD800  }
0x108: {  	s12 =	stileid.u32  }
0x109: {  	[bflag:$0x0] =	sbarrier.arrive $0xFFFF;
	s12 =	sshll.u32 s12, $0x6  }
0x10a: {  	s13 =	sshrl.u32 s22, $0x3;
	s16 =	rddreg [dreg:$0x5];
	s12 =	sor.u32 $0x1C05, s12  }
0x10b: {  	[hbm:s16], [sflag:s12] =	dma.local [spmem:s13], $0x500  }
0x10c: {  	_ =	swait.ge [sflag:s29], $0x500  }
0x10d: {  	[sflag:s29] =	ssyncset.done $0x0  }
0x10e: {  	s17 =	sshrl.u32 s23, $0x3;
	s20 =	rddreg [dreg:$0x6];
	[sflag:s29] =	ssyncadd.s32 $0xFFFFFB00  }
0x10f: {  	[hbm:s20], [sflag:s12] =	dma.local [spmem:s17], $0x500  }
0x110: {  	_ =	swait.ge [sflag:s29], $0x500  }
0x111: {  	s19 =	smov.u32 s22;
	[sflag:s29] =	ssyncset.done $0x0;
	s20 =	rddreg [dreg:$0xd]  }
0x112: {  	s22 =	rddreg [dreg:$0x7];
	[sflag:s29] =	ssyncadd.s32 $0xFFFFFB00;
	s21 =	sshrl.u32 s20, $0x3  }
0x113: {  	[hbm:s22], [sflag:s12] =	dma.local [spmem:s21], $0x500  }
0x114: {  	_ =	swait.ge [sflag:s29], $0x500  }
0x115: {  	s18 =	smov.u32 s23;
	[sflag:s29] =	ssyncset.done $0x0;
	s17 =	rddreg [dreg:$0xe]  }
0x116: {  	s26 =	rddreg [dreg:$0x8];
	[sflag:s29] =	ssyncadd.s32 $0xFFFFFB00;
	s23 =	sshrl.u32 s17, $0x3  }
0x117: {  	[hbm:s26], [sflag:s12] =	dma.local [spmem:s23], $0x500  }
0x118: {  	_ =	swait.ge [sflag:s29], $0x500  }
0x119: {  	[sflag:s29] =	ssyncset.done $0x0;
	s21 =	rddreg [dreg:$0xf]  }
0x11a: {  	s22 =	rddreg [dreg:$0x9];
	[sflag:s29] =	ssyncadd.s32 $0xFFFFFB00;
	s16 =	sshrl.u32 s21, $0x3  }
0x11b: {  	[hbm:s22], [sflag:s12] =	dma.local [spmem:s16], $0x500  }
0x11c: {  	_ =	swait.ge [sflag:s29], $0x500  }
0x11d: {  	[sflag:s29] =	ssyncset.done $0x0;
	s23 =	rddreg [dreg:$0x10]  }
0x11e: {  	s26 =	rddreg [dreg:$0xa];
	[sflag:s29] =	ssyncadd.s32 $0xFFFFFB00;
	s13 =	sshrl.u32 s23, $0x3  }
0x11f: {  	[hbm:s26], [sflag:s12] =	dma.local [spmem:s13], $0x500  }
0x120: {  	_ =	swait.ge [sflag:s29], $0x500  }
0x121: {  	[sflag:s29] =	ssyncset.done $0x0;
	s22 =	rddreg [dreg:$0x11]  }
0x122: {  	s23 =	rddreg [dreg:$0xb];
	[sflag:s29] =	ssyncadd.s32 $0xFFFFFB00;
	s13 =	sshrl.u32 s22, $0x3  }
0x123: {  	[hbm:s23], [sflag:s12] =	dma.local [spmem:s13], $0x500  }
0x124: {  	_ =	swait.ge [sflag:s29], $0x500  }
0x125: {  	[sflag:s29] =	ssyncset.done $0x0;
	s13 =	rddreg [dreg:$0x12]  }
0x126: {  	s16 =	rddreg [dreg:$0xc];
	[sflag:s29] =	ssyncadd.s32 $0xFFFFFB00;
	s13 =	sshrl.u32 @!p0 s13, $0x3  }
0x127: {  	[hbm:s16], [sflag:s12] =	dma.local @!p0 [spmem:s13], $0x500  }
0x128: {  	s12 =	simm.s32 @!p0 $0x5  }
0x129: {  	_ =	swait.ge @!p0 [sflag:s12], $0x500  }
0x12a: {  	s4 =	sadd.s32 $0x1, s4;
	s26 =	rddreg [dreg:$0x13]  }
0x12b: {  	p1 =	sne.s32 s4, s26  }
.Ltmp6:
0x12c: {  	_ = 	snop;
	(pc) =	sbr.rel @p1 .LBB2_1-.Ltmp6, $3  }
0x12d: {  	_ =	sdelay $0x1  }
0x12e: {  	[sflag:s12] =	ssyncset.done @!p0 $0x0  }
0x12f: {  	[sflag:s12] =	ssyncadd.s32 @!p0 $0xFFFFFB00  }
0x130: {  	_ =	sfence.sel $0x180000  }
0x131: {  	[bflag:$0x0] =	sbarrier.arrive $0xFFFF  }
0x132: {  	_ =	strace $0x9000004A  }
0x133: {  	s0 =	stileid.u32;
	[bflag:$0x2] =	sbarrier.arrive $0xFFFF  }
0x134: {  	p0 =	sne.s32 s0, $0x0;
	s0 =	rddreg [dreg:$0x4]  }
0x135: {  	s0 =	sadd.s32 @!p0 $0x100000, s0  }
0x136: {  	[sflag:s0] =	ssyncadd.tile.s32 @!p0 $0x1;
	_ =	shalt  }
.Lfunc_end2:
_tile_overlayer_lowered:
.L_overlay_start_2:
0x137: {  	(tag) =	ssettag $0x2  }
0x138: {  	s0 =	rddreg [dreg:$0x0];
	s2 =	stileid.u32  }
0x139: {  	s1 =	rddreg [dreg:$0x1];
	p0 =	sne.s32 s2, $0x0  }
0x13a: {  	s3 =	rddreg [dreg:$0x2];
	[bflag:$0x3] =	sbarrier.arrive $0xFFFF;
	s2 =	simm.s32 @!p0 $0x1C05  }
0x13b: {  	[timem:s3], [sflag:s2] =	dma.local @!p0 [hbm:s0], s1  }
0x13c: {  	s0 =	simm.s32 @!p0 $0x5  }
0x13d: {  	_ =	swait.ge @!p0 [sflag:s0], s1  }
0x13e: {  	s1 =	ssub.s32 @!p0 $0x0, s1;
	[sflag:s0] =	ssyncset.done @!p0 $0x0  }
0x13f: {  	[sflag:s0] =	ssyncadd.s32 @!p0 s1  }
0x140: {  	[bflag:$0x3] =	sbarrier.arrive $0xFFFF  }
0x141: {  	_ =	shalt  }

// kernel: kernel.15.cloned.1.call-start
scs
__scs_entry_jumppad:
0x0: {  	(pc) =	sbr.rel $0x88, $3  }
0x1: {  	(tag) =	ssettag $0x0;
	lr =	simm.s32 $0x1  }
0x2: {  	[smem:$0x3F90] =	sst lr;
	_ =	strace $0xD0000000  }
0x3: {  	_ = 	snop  }
0x4: {  	_ = 	snop  }
0x5: {  	_ = 	snop  }
0x6: {  	_ = 	snop  }
0x7: {  	_ = 	snop  }
__scs_overlays_trampoline_lowered:
0x8: {  	[smem:$0x3F9F] =	sst s0  }
0x9: {  	[smem:$0x3FA0] =	sst s1  }
0xa: {  	[smem:$0x3FA1] =	sst s2  }
0xb: {  	[smem:$0x3FA2] =	sst s3  }
0xc: {  	[smem:$0x3FA3] =	sst s4  }
0xd: {  	[smem:$0x3FA4] =	sst s5  }
0xe: {  	[smem:$0x3FA5] =	sst s6  }
0xf: {  	[smem:$0x3FA6] =	sst s7  }
0x10: {  	[smem:$0x3FA7] =	sst s8  }
0x11: {  	[smem:$0x3FA8] =	sst s9;
	s0 =	simm.s32 @!p0 $0x0  }
0x12: {  	s1 =	sld [smem:$0x3F8E];
	s0 =	simm.s32 @p0 $0x1  }
0x13: {  	[smem:$0x3FA9] =	sst s0;
	s0 =	simm.s32 @!p1 $0x0  }
0x14: {  	s2 =	sld [smem:$0x3F8D];
	s0 =	simm.s32 @p1 $0x1  }
0x15: {  	[smem:$0x3FAA] =	sst s0;
	s0 =	simm.s32 @!p2 $0x0  }
0x16: {  	s3 =	sld [smem:$0x3FDB];
	s0 =	simm.s32 @p2 $0x1  }
0x17: {  	s4 =	simm.s32 $0x1BF5;
	[smem:$0x3FAC] =	sst s0  }
0x18: {  	s0 =	sld [smem:$0x3F8F];
	_ =	swait.ge [sflag:s4], $0x0  }
0x19: {  	s7 =	sld [smem:$0x3F90]  }
0x1a: {  	s8 =	sadd.s32 $0xFFFFE003, lr  }
0x1b: {  	s9 =	sadd.s32 $0xFFFFFEF7, lr;
	s5 =	simm.s32 $0xFFFFFFFF;
	p2 =	slt.u32 s8, $0xFFFFF086  }
0x1c: {  	p1 =	slt.u32 s9, $0xF7A;
	s5 =	simm.s32 @!p2 $0x0  }
0x1d: {  	s5 =	simm.s32 @p1 $0x1;
	p0 =	seq.s32 s7, s2  }
0x1e: {  	s7 =	smul.u32 @!p0 $0xF7A, s2;
	p2 =	seq.s32 @!p0 s5, $0x0  }
0x1f: {  	s9 =	smul.u32 $0xF7A, s1;
	s8 =	simm.s32 @!p0 $0x1BF5;
	p2 =	por !p2, p0  }
0x20: {  	[sflag:s8] =	ssyncset.s32 @!p0 $0xFFFFF086;
	s6 =	sadd.s32 @!p0 s3, s7;
	s7 =	simm.s32 @!p0 $0x108  }
0x21: {  	s3 =	sadd.s32 s3, s9;
	s6 =	sadd.s32 @!p0 $0x88, s6;
	s7 =	simm.s32 @p2 $0x1082  }
0x22: {  	[simem:s7], [sflag:s8] =	dma.local @!p0 [hbm:s6], $0xF7A  }
0x23: {  	s9 =	sor.u32 $0xD0000000, s2;
	s6 =	simm.s32 $0x108;
	_ =	swait.ge @!p0 [sflag:s8], $0x0  }
0x24: {  	s3 =	sadd.s32 $0x88, s3;
	s6 =	simm.s32 @!p1 $0x1082;
	[sflag:s4] =	ssyncset.s32 $0xFFFFF086  }
0x25: {  	[simem:s6], [sflag:s4] =	dma.local [hbm:s3], $0xF7A  }
0x26: {  	[smem:$0x3F90] =	sst s1;
	(tag) =	ssettag s2;
	_ =	strace s9  }
0x27: {  	s1 =	sld [smem:$0x3FA0]  }
0x28: {  	s2 =	sld [smem:$0x3FA1]  }
0x29: {  	s4 =	sld [smem:$0x3FA3]  }
0x2a: {  	p0 =	seq.s32 s5, $0x0;
	s5 =	sld [smem:$0x3FA4]  }
0x2b: {  	s6 =	sld [smem:$0x3FA5]  }
0x2c: {  	s7 =	sld [smem:$0x3FA6]  }
0x2d: {  	s3 =	simm.s32 $0x108;
	s8 =	sld [smem:$0x3FA7]  }
0x2e: {  	s3 =	simm.s32 @!p0 $0x1082;
	s9 =	sld [smem:$0x3FA8]  }
0x2f: {  	lr =	sadd.s32 s0, s3;
	s0 =	sld [smem:$0x3F9F]  }
0x30: {  	s3 =	sld [smem:$0x3FA2]  }
0x31: {  	[smem:$0x3FAB] =	sst s10  }
0x32: {  	s10 =	sld [smem:$0x3FA9];
	_ =	sdelay $0x3  }
0x33: {  	p0 =	seq.s32 s10, $0x1;
	s10 =	sld [smem:$0x3FAB];
	_ =	sdelay $0x3  }
0x34: {  	[smem:$0x3FAB] =	sst s10  }
0x35: {  	s10 =	sld [smem:$0x3FAA];
	_ =	sdelay $0x3  }
0x36: {  	p1 =	seq.s32 s10, $0x1;
	s10 =	sld [smem:$0x3FAB];
	_ =	sdelay $0x3  }
0x37: {  	[smem:$0x3FAB] =	sst s10  }
0x38: {  	s10 =	sld [smem:$0x3FAC]  }
0x39: {  	_ = 	snop;
	(pc) =	sbr.ind lr, $3  }
0x3a: {  	_ = 	snop  }
0x3b: {  	_ = 	snop  }
0x3c: {  	p2 =	seq.s32 s10, $0x1;
	s10 =	sld [smem:$0x3FAB]  }
0x3d: {  	_ =	shalt  }
0x3e: {  	_ =	shalt  }
0x3f: {  	_ =	shalt  }
0x40: {  	_ =	shalt  }
0x41: {  	_ =	shalt  }
0x42: {  	_ =	shalt  }
0x43: {  	_ =	shalt  }
0x44: {  	_ =	shalt  }
0x45: {  	_ =	shalt  }
0x46: {  	_ =	shalt  }
0x47: {  	_ =	shalt  }
0x48: {  	_ =	shalt  }
0x49: {  	_ =	shalt  }
0x4a: {  	_ =	shalt  }
0x4b: {  	_ =	shalt  }
0x4c: {  	_ =	shalt  }
0x4d: {  	_ =	shalt  }
0x4e: {  	_ =	shalt  }
0x4f: {  	_ =	shalt  }
0x50: {  	_ =	shalt  }
0x51: {  	_ =	shalt  }
0x52: {  	_ =	shalt  }
0x53: {  	_ =	shalt  }
0x54: {  	_ =	shalt  }
0x55: {  	_ =	shalt  }
0x56: {  	_ =	shalt  }
0x57: {  	_ =	shalt  }
0x58: {  	_ =	shalt  }
0x59: {  	_ =	shalt  }
0x5a: {  	_ =	shalt  }
0x5b: {  	_ =	shalt  }
0x5c: {  	_ =	shalt  }
0x5d: {  	_ =	shalt  }
0x5e: {  	_ =	shalt  }
0x5f: {  	_ =	shalt  }
0x60: {  	_ =	shalt  }
0x61: {  	_ =	shalt  }
0x62: {  	_ =	shalt  }
0x63: {  	_ =	shalt  }
0x64: {  	_ =	shalt  }
0x65: {  	_ =	shalt  }
0x66: {  	_ =	shalt  }
0x67: {  	_ =	shalt  }
0x68: {  	_ =	shalt  }
0x69: {  	_ =	shalt  }
0x6a: {  	_ =	shalt  }
0x6b: {  	_ =	shalt  }
0x6c: {  	_ =	shalt  }
0x6d: {  	_ =	shalt  }
0x6e: {  	_ =	shalt  }
0x6f: {  	_ =	shalt  }
0x70: {  	_ =	shalt  }
0x71: {  	_ =	shalt  }
0x72: {  	_ =	shalt  }
0x73: {  	_ =	shalt  }
0x74: {  	_ =	shalt  }
0x75: {  	_ =	shalt  }
0x76: {  	_ =	shalt  }
0x77: {  	_ =	shalt  }
0x78: {  	_ =	shalt  }
0x79: {  	_ =	shalt  }
0x7a: {  	_ =	shalt  }
0x7b: {  	_ =	shalt  }
0x7c: {  	_ =	shalt  }
0x7d: {  	_ =	shalt  }
0x7e: {  	_ =	shalt  }
0x7f: {  	_ =	shalt  }
0x80: {  	_ =	shalt  }
0x81: {  	_ =	shalt  }
0x82: {  	_ =	shalt  }
0x83: {  	_ =	shalt  }
0x84: {  	_ =	shalt  }
0x85: {  	_ =	shalt  }
0x86: {  	_ =	shalt  }
0x87: {  	_ =	shalt  }
.Lfunc_end0:
.L_simem_size_0:
called_computation.2_lowered:
.L_overlay_start_0:
0x88: {  	s2 =	sld [smem:$0x3FD9]  }
0x89: {  	s3 =	sld [smem:$0x3FFE];
	_ =	sdelay $0x1  }
0x8a: {  	s1 =	srdreg.scid  }
0x8b: {  	s0 =	sand.u32 $0x1, s1  }
0x8c: {  	s17 =	sshll.u32 s0, $0xA;
	s2 =	sadd.s32 s3, s2  }
0x8d: {  	s2 =	sadd.s32 s2, s17  }
0x8e: {  	[smem:$0x3FB7] =	sst s2  }
0x8f: {  	_ = 	snop  }
0x90: {  	s2 =	sld [smem:$0x3FC7];
	(tm) =	ssettm $0x1  }
0x91: {  	s18 =	sld [smem:$0x3FFB];
	_ =	sdelay $0x3  }
0x92: {  	_ =	strace s18  }
0x93: {  	s3 =	sld [smem:$0x3FFC];
	_ =	sdelay $0x3  }
0x94: {  	_ =	strace s3  }
0x95: {  	s3 =	sld [smem:$0x3FFD];
	_ =	sdelay $0x3  }
0x96: {  	_ =	strace s3  }
0x97: {  	_ =	strace $0x8FFFFFFF  }
0x98: {  	s19 =	sld [smem:$0x3FDB];
	_ =	sdelay $0x1  }
0x99: {  	s4 =	simm.s32 $_scs_section_size  }
0x9a: {  	s5 =	simm.s32 $_size__tile_overlayer_lowered;
	s6 =	simm.s32 $_tile_overlayer_lowered  }
0x9b: {  	s22 =	simm.s32 $0x1BFF;
	s21 =	sshll.u32 s6, $0x1;
	s3 =	sadd.s32 s4, s19  }
0x9c: {  	s7 =	simm.s32 $0x0;
	s20 =	sshll.u32 s5, $0x1;
	s5 =	sadd.s32 s21, s3  }
0x9d: {  	[timem:s7], [sflag:s22] =	dma.local [hbm:s5], s20  }
0x9e: {  	_ =	swait.ge [sflag:s22], s20  }
0x9f: {  	s4 =	ssub.s32 $0x0, s20;
	[sflag:s22] =	ssyncset.done $0x0  }
0xa0: {  	[sflag:s22] =	ssyncadd.s32 s4;
	_ =	sdelay $0x1  }
0xa1: {  	s23 =	simm.s32 $0x1B8B  }
0xa2: {  	_ =	swait.ge [sflag:s23], $0x1  }
0xa3: {  	[sflag:s23] =	ssyncset.done $0x0  }
0xa4: {  	s25 =	simm.s32 $0x1B8E;
	s24 =	sld [smem:$0x3FFE];
	[sflag:s23] =	ssyncadd.s32 $0xFFFFFFFF  }
0xa5: {  	s26 =	simm.s32 $execute0_lowered;
	[smem:$0x3FD2] =	sst s25  }
0xa6: {  	s5 =	sshll.u32 s26, $0x1;
	_ =	strace $0x8000004C;
	[dreg:$0x1] =	wrdreg $0xFFFFFFFF  }
0xa7: {  	s28 =	simm.s32 $_size_execute0_lowered;
	s3 =	sadd.s32 s3, s5;
	[dreg:$0x0] =	wrdreg $0x0  }
0xa8: {  	s5 =	sshll.u32 s28, $0x1;
	[dreg:$0x2] =	wrdreg s3  }
0xa9: {  	[dreg:$0x3] =	wrdreg s5  }
0xaa: {  	[dreg:$0x4] =	wrdreg $0xC0  }
0xab: {  	_ =	task [dreg:s7], $0x5FFFF  }
0xac: {  	[dreg:$0x1] =	wrdreg $0xFFFFFFFF  }
0xad: {  	[dreg:$0x0] =	wrdreg $0x60  }
0xae: {  	[dreg:$0x2] =	wrdreg s24  }
0xaf: {  	[dreg:$0x3] =	wrdreg s2  }
0xb0: {  	[dreg:$0x4] =	wrdreg $0xC0000  }
0xb1: {  	[dreg:$0x5] =	wrdreg $0x9  }
0xb2: {  	_ =	task.clear_ibuf [dreg:s7], $0x6FFFF;
	_ =	strace $0x9000004C  }
0xb3: {  	s29 =	simm.s32 $0x9;
	_ =	strace $0x8000004E  }
0xb4: {  	_ =	swait.ge [sflag:s29], $0x1  }
0xb5: {  	[sflag:s29] =	ssyncadd.s32 $0xFFFFFFFF  }
0xb6: {  	_ =	strace $0x9000004E  }
0xb7: {  	_ =	sfence  }
0xb8: {  	s30 =	sld [smem:$0x0];
	_ =	sdelay $0x2  }
0xb9: {  	s31 =	sshll.u32 s1, $0xD;
	s1 =	sshrl.u32 s1, $0x2  }
0xba: {  	s3 =	sand.u32 $0x4000, s31;
	s1 =	sadd.s32 s1, s30  }
0xbb: {  	s0 =	sor.u32 s3, s0;
	s1 =	sshll.u32 s1, $0x11  }
0xbc: {  	s0 =	sor.u32 s1, s0  }
0xbd: {  	s0 =	sadd.s32 $0x8F2B, s0  }
0xbe: {  	[sflag:s0] =	ssyncadd.remote.s32 $0x1  }
0xbf: {  	_ =	sfence.sel $0xFFFF  }
0xc0: {  	[dreg:$0x0] =	wrdreg $0xFFFFFFFF;
	(pc) =	sbr.abs _section_cstart, $3  }
0xc1: {  	[dreg:$0x1] =	wrdreg $0xFFFFFFFF  }
0xc2: {  	_ =	task.clear_ibuf [dreg:s7], $0x2FFFF;
	_ =	strace $0x9FFFFFFF  }
0xc3: {  	(tm) =	ssettm $0x7FFFFFFF  }
tec
execute0_lowered:
.L_overlay_start_1:
0x0: {  	(tag) =	ssettag $0x1  }
0x1: {  	s4 =	rddreg [dreg:$0x0]  }
0x2: {  	s1 =	rddreg [dreg:$0x1]  }
0x3: {  	s2 =	rddreg [dreg:$0x2];
	s3 =	simm.s32 $0x0;
	s0 =	srdreg.scid  }
0x4: {  	s26 =	stileid.u32;
	s28 =	simm.s32 $0x2000;
	s29 =	simm.s32 $0x5  }
0x5: {  	s30 =	simm.s32 $0x1000;
	s6 =	sand.u32 $0x1, s0;
	s10 =	smul.u32 $0x2800, s26  }
0x6: {  	s31 =	simm.s32 $0x7000;
	s9 =	sor.u32 $0x10, s26;
	s7 =	smul.u32 $0x138800, s6  }
0x7: {  	[smem:$0x7FF] =	sst s3;
	s11 =	sor.u32 $0x20, s26;
	s12 =	smul.u32 $0x2800, s9  }
0x8: {  	s5 =	sadd.s32 $0x2CC00, s4;
	s15 =	sor.u32 $0x30, s26;
	s14 =	smul.u32 $0x2800, s11  }
0x9: {  	s8 =	sadd.s32 $0x53E00, s4;
	s18 =	sor.u32 $0x50, s26;
	s16 =	smul.u32 $0x2800, s15  }
0xa: {  	s17 =	sshll.u32 s26, $0x1;
	s21 =	sor.u32 $0x70, s26;
	s20 =	smul.u32 $0x2800, s18  }
0xb: {  	p0 =	sgt.u32 s26, $0xC;
	_ =	strace $0x8000004D;
	s23 =	smul.u32 $0x2800, s21  }
0xc: {  	s0 =	ssub.s32 $0x2, s6;
	s6 =	sor.u32 s6, s17;
	s9 =	smul.u32 $0xA000, s9  }
0xd: {  	s17 =	sor.u32 $0x60, s26;
	s11 =	smul.u32 $0xA000, s11;
	s13 =	sshrl.u32 s0, $0x1  }
0xe: {  	s22 =	smul.u32 $0x2800, s17;
	s0 =	ssub.s32 s0, s13;
	s13 =	sor.u32 $0x40, s26  }
0xf: {  	s10 =	sadd.s32 s10, s7;
	s12 =	sadd.s32 s7, s12;
	s14 =	sadd.s32 s7, s14  }
0x10: {  	s16 =	sadd.s32 s7, s16;
	s20 =	sadd.s32 s7, s20;
	s11 =	sshrl.u32 s11, $0x2  }
0x11: {  	s19 =	smul.u32 $0x2800, s13;
	s22 =	sadd.s32 s7, s22;
	s10 =	sshrl.u32 s10, $0x3  }
0x12: {  	s12 =	sshrl.u32 s12, $0x3;
	s14 =	sshrl.u32 s14, $0x3;
	s24 =	sshrl.u32 s16, $0x3  }
0x13: {  	s0 =	smax.u32 s0, $0x1;
	s10 =	sadd.s32 s8, s10;
	s12 =	sadd.s32 s8, s12  }
0x14: {  	[dreg:$0x12] =	wrdreg s0;
	s0 =	simm.s32 $0x50;
	s19 =	sadd.s32 s7, s19  }
0x15: {  	s7 =	sadd.s32 s7, s23;
	s23 =	smul.u32 $0xA000, s26;
	[dreg:$0x4] =	wrdreg s10  }
0x16: {  	[dreg:$0x5] =	wrdreg s12;
	s10 =	sadd.s32 s8, s14;
	s12 =	sadd.s32 s8, s24  }
0x17: {  	s14 =	sadd.s32 $0x4C00, s4;
	s24 =	smul.u32 $0xA000, s15;
	[dreg:$0x6] =	wrdreg s10  }
0x18: {  	s15 =	sadd.s32 $0x18C00, s4;
	s25 =	sshrl.u32 s19, $0x3;
	[dreg:$0x7] =	wrdreg s12  }
0x19: {  	s19 =	sshrl.u32 s20, $0x3;
	s20 =	sshrl.u32 s22, $0x3;
	s7 =	sshrl.u32 s7, $0x3  }
0x1a: {  	s12 =	smul.u32 $0xA000, s18;
	s16 =	sadd.s32 s8, s25;
	s10 =	sadd.s32 s8, s19  }
0x1b: {  	s22 =	sadd.s32 s8, s20;
	s7 =	sadd.s32 s8, s7;
	[dreg:$0x8] =	wrdreg s16  }
0x1c: {  	s23 =	sshrl.u32 s23, $0x2;
	s25 =	smul.u32 $0xA000, s13;
	[dreg:$0x9] =	wrdreg s10  }
0x1d: {  	s20 =	sadd.s32 s11, s2;
	s13 =	smul.u32 $0xA000, s17;
	[dreg:$0xa] =	wrdreg s22  }
0x1e: {  	s8 =	sshrl.u32 s24, $0x2;
	s11 =	simm.s32 $0x1C00;
	[dreg:$0xb] =	wrdreg s7  }
0x1f: {  	s19 =	sadd.s32 s23, s2;
	s10 =	sshrl.u32 s9, $0x2;
	s16 =	smul.u32 $0xA000, s21  }
0x20: {  	s17 =	sadd.s32 s8, s2;
	s22 =	sshrl.u32 s12, $0x2;
	s7 =	simm.s32 $0x9800  }
0x21: {  	s8 =	simm.s32 $0x4800;
	[dreg:$0xc] =	wrdreg s20;
	s4 =	sshrl.u32 s25, $0x2  }
0x22: {  	[dreg:$0xd] =	wrdreg s17;
	s21 =	sadd.s32 s4, s2;
	s4 =	sadd.s32 s22, s2  }
0x23: {  	s9 =	simm.s32 $0x4;
	s23 =	sshrl.u32 s13, $0x2;
	[dreg:$0xf] =	wrdreg s4  }
0x24: {  	s24 =	sshrl.u32 s16, $0x2;
	s4 =	sadd.s32 s23, s2;
	[dreg:$0xe] =	wrdreg s21  }
0x25: {  	s18 =	sadd.s32 s10, s2;
	s25 =	sadd.s32 s24, s2;
	[dreg:$0x10] =	wrdreg s4  }
0x26: {  	s10 =	simm.s32 $0x2;
	s24 =	smul.u32 $0x5000, s6;
	[dreg:$0x11] =	wrdreg s25  }
0x27: {  	v0 =	vimm.f32 $0.0e+00;
	s25 =	smul.u32 $0x5, s6;
	s4 =	simm.s32 $0x3;
	s6 =	simm.s32 $0x1  }
.LBB2_1:
0x28: {  	s12 =	simm.s32 $0x0;
	s13 =	simm.s32 $0x200  }
.LBB2_2:
0x29: {  	p1 =	sne.s32 s13, $0x9E00;
	[tilespmem:s12+$0x2070] =	vst v0  }
0x2a: {  	[tilespmem:s12+$0x2000] =	vst v0  }
0x2b: {  	[tilespmem:s12+$0x2010] =	vst v0  }
.Ltmp0:
0x2c: {  	[tilespmem:s12+$0x2020] =	vst v0;
	(pc) =	sbr.rel @p1 .LBB2_2-.Ltmp0, $4  }
0x2d: {  	[tilespmem:s12+$0x2030] =	vst v0  }
0x2e: {  	[tilespmem:s12+$0x2040] =	vst v0  }
0x2f: {  	[tilespmem:s12+$0x2050] =	vst v0  }
0x30: {  	[tilespmem:s12+$0x2060] =	vst v0;
	s12 =	sshra.s32 s13, $0x2;
	s13 =	sadd.s32 $0x200, s13  }
0x31: {  	[tilespmem:s12+$0x2070] =	vst v0  }
0x32: {  	[tilespmem:s12+$0x2000] =	vst v0  }
0x33: {  	[tilespmem:s12+$0x2010] =	vst v0  }
0x34: {  	[tilespmem:s12+$0x2020] =	vst v0  }
0x35: {  	[tilespmem:s12+$0x2030] =	vst v0  }
0x36: {  	[tilespmem:s12+$0x2040] =	vst v0  }
0x37: {  	[tilespmem:s12+$0x2050] =	vst v0  }
0x38: {  	[tilespmem:s12+$0x2060] =	vst v0  }
0x39: {  	[spmem:s19] =	stream.linear.scatter [tilespmem:s28], [sflag:$0x5], $0x2800, $0x38;
	[tilespmem:$0x1F880] =	vst v63  }
0x3a: {  	_ =	swait.ge [sflag:s29], $0x2800  }
0x3b: {  	[sflag:s29] =	ssyncset.done $0x0  }
0x3c: {  	[sflag:s29] =	ssyncadd.s32 $0xFFFFD800  }
0x3d: {  	[spmem:s18] =	stream.linear.scatter [tilespmem:s28], [sflag:$0x5], $0x2800, $0x38;
	[tilespmem:$0x1F880] =	vst v63  }
0x3e: {  	_ =	swait.ge [sflag:s29], $0x2800  }
0x3f: {  	[sflag:s29] =	ssyncset.done $0x0  }
0x40: {  	[sflag:s29] =	ssyncadd.s32 $0xFFFFD800  }
0x41: {  	[spmem:s20] =	stream.linear.scatter [tilespmem:s28], [sflag:$0x5], $0x2800, $0x38;
	[tilespmem:$0x1F880] =	vst v63  }
0x42: {  	_ =	swait.ge [sflag:s29], $0x2800  }
0x43: {  	[sflag:s29] =	ssyncset.done $0x0  }
0x44: {  	[sflag:s29] =	ssyncadd.s32 $0xFFFFD800  }
0x45: {  	[spmem:s17] =	stream.linear.scatter [tilespmem:s28], [sflag:$0x5], $0x2800, $0x38;
	[tilespmem:$0x1F880] =	vst v63  }
0x46: {  	_ =	swait.ge [sflag:s29], $0x2800  }
0x47: {  	[sflag:s29] =	ssyncset.done $0x0  }
0x48: {  	[sflag:s29] =	ssyncadd.s32 $0xFFFFD800  }
0x49: {  	[spmem:s21] =	stream.linear.scatter [tilespmem:s28], [sflag:$0x5], $0x2800, $0x38;
	[tilespmem:$0x1F880] =	vst v63  }
0x4a: {  	_ =	swait.ge [sflag:s29], $0x2800  }
0x4b: {  	[sflag:s29] =	ssyncset.done $0x0  }
0x4c: {  	s21 =	rddreg [dreg:$0xf];
	[sflag:s29] =	ssyncadd.s32 $0xFFFFD800  }
0x4d: {  	[spmem:s21] =	stream.linear.scatter [tilespmem:s28], [sflag:$0x5], $0x2800, $0x38;
	[tilespmem:$0x1F880] =	vst v63  }
0x4e: {  	_ =	swait.ge [sflag:s29], $0x2800  }
0x4f: {  	[sflag:s29] =	ssyncset.done $0x0  }
0x50: {  	s26 =	rddreg [dreg:$0x10];
	[sflag:s29] =	ssyncadd.s32 $0xFFFFD800  }
0x51: {  	[spmem:s26] =	stream.linear.scatter [tilespmem:s28], [sflag:$0x5], $0x2800, $0x38;
	[tilespmem:$0x1F880] =	vst v63  }
0x52: {  	_ =	swait.ge [sflag:s29], $0x2800  }
0x53: {  	[sflag:s29] =	ssyncset.done $0x0  }
0x54: {  	s12 =	simm.s32 @!p0 $0x2000;
	s13 =	rddreg [dreg:$0x11];
	[sflag:s29] =	ssyncadd.s32 $0xFFFFD800  }
0x55: {  	[spmem:s13] =	stream.linear.scatter @!p0 [tilespmem:s12], [sflag:$0x5], $0x2800, $0x38;
	[tilespmem:$0x1F880] =	vst v63  }
0x56: {  	s12 =	simm.s32 @!p0 $0x5  }
0x57: {  	_ =	swait.ge @!p0 [sflag:s12], $0x2800  }
0x58: {  	[sflag:s12] =	ssyncset.done @!p0 $0x0  }
0x59: {  	s22 =	smov.u32 s19;
	s23 =	smov.u32 s18;
	[sflag:s12] =	ssyncadd.s32 @!p0 $0xFFFFD800  }
0x5a: {  	s13 =	simm.s32 $0x0;
	s12 =	simm.s32 $0x0;
	[bflag:$0x0] =	sbarrier.arrive $0xFFFF  }
.LBB2_4:
0x5b: {  	s16 =	sshll.u32 s13, $0xC  }
0x5c: {  	s16 =	sadd.s32 s24, s16  }
0x5d: {  	s16 =	sshrl.u32 s16, $0x3  }
0x5e: {  	s17 =	sadd.s32 s14, s16  }
0x5f: {  	[tilespmem:s12], [sflag:$0x5] =	stream.linear.gather [hbm4b:s17+s12], $0xC80, $0x38;
	[tilespmem:$0x1F880] =	vst v63  }
0x60: {  	_ =	swait.ge [sflag:s29], $0xC80  }
0x61: {  	[sflag:s29] =	ssyncset.done $0x0  }
0x62: {  	s21 =	sadd.s32 s25, s13;
	s16 =	sadd.s32 s15, s16;
	[sflag:s29] =	ssyncadd.s32 $0xFFFFF380  }
0x63: {  	[tilespmem:s30], [sflag:$0x5] =	stream.linear.gather [hbm4b:s16+s12], $0xC80, $0x38;
	[tilespmem:$0x1F880] =	vst v63  }
0x64: {  	s26 =	smul.u32 $0x7D00, s21;
	_ =	swait.ge [sflag:s29], $0xC80  }
0x65: {  	[sflag:s29] =	ssyncset.done $0x0  }
0x66: {  	s17 =	sadd.s32 s1, s26;
	[sflag:s29] =	ssyncadd.s32 $0xFFFFF380  }
0x67: {  	[tilespmem:s31], [sflag:$0x3] =	stream.linear.gather [hbm4b:s17+s12], $0x2800, $0x38;
	[tilespmem:$0x1F880] =	vst v63  }
0x68: {  	s26 =	smul.u32 $0x19, s21;
	s16 =	simm.s32 $0x0  }
0x69: {  	[tilespmem:s28], [sflag:$0x1] =	stream.indirect.gather [hbm4b:s5+s0], $0x80, s12, s0, $0xb8;
	[tilespmem:$0x1F880] =	vst v63  }
.LBB2_5:
0x6a: {  	_ =	swait.ge [sflag:s4], $0x2800  }
0x6b: {  	s17 =	sshllo.u32 s16, $0x1;
	[sflag:s4] =	ssyncset.done $0x0  }
0x6c: {  	s18 =	sadd.s32 s26, s17;
	[sflag:s4] =	ssyncadd.s32 $0xFFFFD800  }
0x6d: {  	s18 =	smul.u32 $0x500, s18;
	_ =	swait.ge [sflag:s6], $0x2800  }
0x6e: {  	s19 =	simm.s32 $0x0;
	[sflag:s6] =	ssyncset.done $0x0  }
0x6f: {  	s17 =	sshll.u32 s17, $0x9;
	s18 =	sadd.s32 s1, s18;
	[sflag:s6] =	ssyncadd.s32 $0xFFFFD800  }
0x70: {  	[tilespmem:s7], [sflag:$0x4] =	stream.linear.gather [hbm4b:s18+s19], $0x2800, $0x38;
	[tilespmem:$0x1F880] =	vst v63  }
0x71: {  	s17 =	sshrl.u32 s17, $0x2;
	s18 =	simm.s32 $0x0  }
0x72: {  	[tilespmem:s8], [sflag:$0x2] =	stream.indirect.gather [hbm4b:s5+s0], $0x80, s17, s0, $0xb8;
	[tilespmem:$0x1F880] =	vst v63  }
0x73: {  	v7 =	vld [tilespmem:s18+$0x7000]  }
0x74: {  	v12 =	vld [tilespmem:s18+$0x7010]  }
0x75: {  	v6 =	vld [tilespmem:s18+$0x7020]  }
0x76: {  	v5 =	vld [tilespmem:s18+$0x7030]  }
0x77: {  	v4 =	vld [tilespmem:s18+$0x7040]  }
0x78: {  	v3 =	vld [tilespmem:s18+$0x7050]  }
0x79: {  	v2 =	vld [tilespmem:s18+$0x7060]  }
0x7a: {  	v1 =	vld [tilespmem:s18+$0x7070]  }
0x7b: {  	v13 =	vld [tilespmem:s18+$0x2000]  }
0x7c: {  	v14 =	vld [tilespmem:s18+$0x2010]  }
0x7d: {  	v11 =	vld [tilespmem:s18+$0x2020]  }
0x7e: {  	v10 =	vld [tilespmem:s18+$0x2030]  }
0x7f: {  	v9 =	vld [tilespmem:s18+$0x2040]  }
0x80: {  	v8 =	vld [tilespmem:s18+$0x2050];
	v13 =	vadd.f32 v7, v13  }
0x81: {  	s20 =	simm.s32 $0x200;
	s19 =	sshll.u32 s16, $0x1;
	v12 =	vadd.f32 v12, v14;
	v7 =	vld [tilespmem:s18+$0x2060]  }
.LBB2_6:
0x82: {  	s21 =	sshra.s32 s20, $0x2;
	p1 =	sne.s32 s20, $0x9E00;
	v13 =	vmax.f32 v13, $0.0e+00;
	v6 =	vadd.f32 v6, v11;
	v11 =	vld [tilespmem:s18+$0x2070]  }
0x83: {  	v14 =	vld [tilespmem:s21+$0x7000];
	[tilespmem:s18+$0x2000] =	vst v13;
	v12 =	vmax.f32 v12, $0.0e+00;
	v5 =	vadd.f32 v5, v10  }
0x84: {  	v15 =	vld [tilespmem:s21+$0x7010];
	[tilespmem:s18+$0x2010] =	vst v12;
	v10 =	vmax.f32 v6, $0.0e+00;
	v4 =	vadd.f32 v4, v9  }
0x85: {  	v6 =	vld [tilespmem:s21+$0x7020];
	[tilespmem:s18+$0x2020] =	vst v10;
	v9 =	vmax.f32 v5, $0.0e+00;
	v3 =	vadd.f32 v3, v8  }
0x86: {  	v5 =	vld [tilespmem:s21+$0x7030];
	[tilespmem:s18+$0x2030] =	vst v9;
	v8 =	vmax.f32 v4, $0.0e+00;
	v2 =	vadd.f32 v2, v7  }
0x87: {  	v4 =	vld [tilespmem:s21+$0x7040];
	[tilespmem:s18+$0x2040] =	vst v8;
	v7 =	vmax.f32 v3, $0.0e+00;
	v1 =	vadd.f32 v1, v11  }
0x88: {  	v3 =	vld [tilespmem:s21+$0x7050];
	[tilespmem:s18+$0x2050] =	vst v7;
	v7 =	vmax.f32 v2, $0.0e+00  }
0x89: {  	v2 =	vld [tilespmem:s21+$0x7060];
	[tilespmem:s18+$0x2060] =	vst v7;
	v7 =	vmax.f32 v1, $0.0e+00  }
0x8a: {  	v1 =	vld [tilespmem:s21+$0x7070];
	[tilespmem:s18+$0x2070] =	vst v7;
	s18 =	smov.u32 s21  }
0x8b: {  	v7 =	vld [tilespmem:s18+$0x2000]  }
0x8c: {  	v12 =	vld [tilespmem:s18+$0x2010]  }
.Ltmp1:
0x8d: {  	v11 =	vld [tilespmem:s18+$0x2020];
	(pc) =	sbr.rel @p1 .LBB2_6-.Ltmp1, $4  }
0x8e: {  	v10 =	vld [tilespmem:s18+$0x2030]  }
0x8f: {  	v9 =	vld [tilespmem:s18+$0x2040]  }
0x90: {  	v13 =	vadd.f32 v14, v7;
	v8 =	vld [tilespmem:s18+$0x2050]  }
0x91: {  	s20 =	sadd.s32 $0x200, s20;
	v12 =	vadd.f32 v15, v12;
	v7 =	vld [tilespmem:s18+$0x2060]  }
0x92: {  	v13 =	vmax.f32 v13, $0.0e+00;
	v6 =	vadd.f32 v6, v11;
	v11 =	vld [tilespmem:s18+$0x2070]  }
0x93: {  	[tilespmem:s18+$0x2000] =	vst v13;
	v12 =	vmax.f32 v12, $0.0e+00;
	v5 =	vadd.f32 v5, v10  }
0x94: {  	[tilespmem:s18+$0x2010] =	vst v12;
	v6 =	vmax.f32 v6, $0.0e+00;
	v4 =	vadd.f32 v4, v9  }
0x95: {  	[tilespmem:s18+$0x2020] =	vst v6;
	v5 =	vmax.f32 v5, $0.0e+00;
	v3 =	vadd.f32 v3, v8  }
0x96: {  	[tilespmem:s18+$0x2030] =	vst v5;
	v4 =	vmax.f32 v4, $0.0e+00;
	v2 =	vadd.f32 v2, v7  }
0x97: {  	[tilespmem:s18+$0x2040] =	vst v4;
	v3 =	vmax.f32 v3, $0.0e+00;
	v1 =	vadd.f32 v1, v11  }
0x98: {  	s20 =	sshll.u32 s16, $0x8;
	[tilespmem:s18+$0x2050] =	vst v3;
	v2 =	vmax.f32 v2, $0.0e+00  }
0x99: {  	s20 =	sand.u32 $0x3FFFFF00, s20;
	[tilespmem:s18+$0x2060] =	vst v2;
	v1 =	vmax.f32 v1, $0.0e+00  }
0x9a: {  	s20 =	sadd.s32 $0x1000, s20;
	[tilespmem:s18+$0x2070] =	vst v1  }
0x9b: {  	[spmem:s2] =	stream.indirect.scatter.add.f32 [tilespmem:s28], [sflag:$0x5], $0x80, s20, s0, $0xb8;
	[tilespmem:$0x1F880] =	vst v63  }
0x9c: {  	_ =	swait.ge [sflag:s29], $0x2800  }
0x9d: {  	[sflag:s29] =	ssyncset.done $0x0  }
0x9e: {  	[sflag:s29] =	ssyncadd.s32 $0xFFFFD800  }
0x9f: {  	_ =	swait.ge [sflag:s9], $0x2800  }
0xa0: {  	s18 =	sadd.s32 $0x2, s19;
	[sflag:s9] =	ssyncset.done $0x0  }
0xa1: {  	s19 =	sadd.s32 s26, s18;
	[sflag:s9] =	ssyncadd.s32 $0xFFFFD800  }
0xa2: {  	s19 =	smul.u32 $0x500, s19;
	_ =	swait.ge [sflag:s10], $0x2800  }
0xa3: {  	s21 =	simm.s32 $0x0;
	[sflag:s10] =	ssyncset.done $0x0  }
0xa4: {  	s18 =	sshll.u32 s18, $0x7;
	s19 =	sadd.s32 s1, s19;
	[sflag:s10] =	ssyncadd.s32 $0xFFFFD800  }
0xa5: {  	[tilespmem:s31], [sflag:$0x3] =	stream.linear.gather [hbm4b:s19+s21], $0x2800, $0x38;
	[tilespmem:$0x1F880] =	vst v63  }
0xa6: {  	s18 =	sand.u32 $0x3FFFFF80, s18  }
0xa7: {  	[tilespmem:s28], [sflag:$0x1] =	stream.indirect.gather [hbm4b:s5+s0], $0x80, s18, s0, $0xb8;
	[tilespmem:$0x1F880] =	vst v63  }
0xa8: {  	s18 =	simm.s32 $0x0  }
0xa9: {  	v7 =	vld [tilespmem:s18+$0x9800]  }
0xaa: {  	v12 =	vld [tilespmem:s18+$0x9810]  }
0xab: {  	v6 =	vld [tilespmem:s18+$0x9820]  }
0xac: {  	v5 =	vld [tilespmem:s18+$0x9830]  }
0xad: {  	v4 =	vld [tilespmem:s18+$0x9840]  }
0xae: {  	v3 =	vld [tilespmem:s18+$0x9850]  }
0xaf: {  	v2 =	vld [tilespmem:s18+$0x9860]  }
0xb0: {  	v1 =	vld [tilespmem:s18+$0x9870]  }
0xb1: {  	v13 =	vld [tilespmem:s18+$0x4800]  }
0xb2: {  	v14 =	vld [tilespmem:s18+$0x4810]  }
0xb3: {  	v11 =	vld [tilespmem:s18+$0x4820]  }
0xb4: {  	v10 =	vld [tilespmem:s18+$0x4830]  }
0xb5: {  	v9 =	vld [tilespmem:s18+$0x4840]  }
0xb6: {  	v8 =	vld [tilespmem:s18+$0x4850];
	v13 =	vadd.f32 v7, v13  }
0xb7: {  	s19 =	simm.s32 $0x200;
	v12 =	vadd.f32 v12, v14;
	v7 =	vld [tilespmem:s18+$0x4860]  }
.LBB2_8:
0xb8: {  	s20 =	sshra.s32 s19, $0x2;
	p1 =	sne.s32 s19, $0x9E00;
	v13 =	vmax.f32 v13, $0.0e+00;
	v6 =	vadd.f32 v6, v11;
	v11 =	vld [tilespmem:s18+$0x4870]  }
0xb9: {  	v14 =	vld [tilespmem:s20+$0x9800];
	[tilespmem:s18+$0x4800] =	vst v13;
	v12 =	vmax.f32 v12, $0.0e+00;
	v5 =	vadd.f32 v5, v10  }
0xba: {  	v15 =	vld [tilespmem:s20+$0x9810];
	[tilespmem:s18+$0x4810] =	vst v12;
	v10 =	vmax.f32 v6, $0.0e+00;
	v4 =	vadd.f32 v4, v9  }
0xbb: {  	v6 =	vld [tilespmem:s20+$0x9820];
	[tilespmem:s18+$0x4820] =	vst v10;
	v9 =	vmax.f32 v5, $0.0e+00;
	v3 =	vadd.f32 v3, v8  }
0xbc: {  	v5 =	vld [tilespmem:s20+$0x9830];
	[tilespmem:s18+$0x4830] =	vst v9;
	v8 =	vmax.f32 v4, $0.0e+00;
	v2 =	vadd.f32 v2, v7  }
0xbd: {  	v4 =	vld [tilespmem:s20+$0x9840];
	[tilespmem:s18+$0x4840] =	vst v8;
	v7 =	vmax.f32 v3, $0.0e+00;
	v1 =	vadd.f32 v1, v11  }
0xbe: {  	v3 =	vld [tilespmem:s20+$0x9850];
	[tilespmem:s18+$0x4850] =	vst v7;
	v7 =	vmax.f32 v2, $0.0e+00  }
0xbf: {  	v2 =	vld [tilespmem:s20+$0x9860];
	[tilespmem:s18+$0x4860] =	vst v7;
	v7 =	vmax.f32 v1, $0.0e+00  }
0xc0: {  	v1 =	vld [tilespmem:s20+$0x9870];
	[tilespmem:s18+$0x4870] =	vst v7;
	s18 =	smov.u32 s20  }
0xc1: {  	v7 =	vld [tilespmem:s18+$0x4800]  }
0xc2: {  	v12 =	vld [tilespmem:s18+$0x4810]  }
.Ltmp2:
0xc3: {  	v11 =	vld [tilespmem:s18+$0x4820];
	(pc) =	sbr.rel @p1 .LBB2_8-.Ltmp2, $4  }
0xc4: {  	v10 =	vld [tilespmem:s18+$0x4830]  }
0xc5: {  	v9 =	vld [tilespmem:s18+$0x4840]  }
0xc6: {  	v13 =	vadd.f32 v14, v7;
	v8 =	vld [tilespmem:s18+$0x4850]  }
0xc7: {  	s19 =	sadd.s32 $0x200, s19;
	v12 =	vadd.f32 v15, v12;
	v7 =	vld [tilespmem:s18+$0x4860]  }
0xc8: {  	v13 =	vmax.f32 v13, $0.0e+00;
	v6 =	vadd.f32 v6, v11;
	v63 =	vld [tilespmem:s18+$0x4870]  }
0xc9: {  	[tilespmem:s18+$0x4800] =	vst v13;
	v12 =	vmax.f32 v12, $0.0e+00;
	v5 =	vadd.f32 v5, v10  }
0xca: {  	[tilespmem:s18+$0x4810] =	vst v12;
	v6 =	vmax.f32 v6, $0.0e+00;
	v4 =	vadd.f32 v4, v9  }
0xcb: {  	[tilespmem:s18+$0x4820] =	vst v6;
	v5 =	vmax.f32 v5, $0.0e+00;
	v3 =	vadd.f32 v3, v8  }
0xcc: {  	[tilespmem:s18+$0x4830] =	vst v5;
	v4 =	vmax.f32 v4, $0.0e+00;
	v2 =	vadd.f32 v2, v7  }
0xcd: {  	[tilespmem:s18+$0x4840] =	vst v4;
	v3 =	vmax.f32 v3, $0.0e+00;
	v1 =	vadd.f32 v1, v63  }
0xce: {  	s16 =	sadd.s32 $0x1, s16;
	[tilespmem:s18+$0x4850] =	vst v3;
	v2 =	vmax.f32 v2, $0.0e+00  }
0xcf: {  	p1 =	sne.s32 s16, $0xC;
	[tilespmem:s18+$0x4860] =	vst v2;
	v1 =	vmax.f32 v1, $0.0e+00  }
.Ltmp3:
0xd0: {  	s17 =	sadd.s32 $0x1000, s17;
	[tilespmem:s18+$0x4870] =	vst v1;
	(pc) =	sbr.rel @p1 .LBB2_5-.Ltmp3, $4  }
0xd1: {  	[spmem:s2] =	stream.indirect.scatter.add.f32 [tilespmem:s8], [sflag:$0x5], $0x80, s17, s0, $0xb8;
	[tilespmem:$0x1F880] =	vst v63  }
0xd2: {  	_ =	swait.ge [sflag:s29], $0x2800  }
0xd3: {  	[sflag:s29] =	ssyncset.done $0x0  }
0xd4: {  	[sflag:s29] =	ssyncadd.s32 $0xFFFFD800  }
0xd5: {  	_ =	swait.ge [sflag:s4], $0x2800  }
0xd6: {  	[sflag:s4] =	ssyncset.done $0x0  }
0xd7: {  	[sflag:s4] =	ssyncadd.s32 $0xFFFFD800  }
0xd8: {  	_ =	swait.ge [sflag:s6], $0x2800  }
0xd9: {  	[sflag:s6] =	ssyncset.done $0x0  }
0xda: {  	s16 =	simm.s32 $0x0;
	[sflag:s6] =	ssyncadd.s32 $0xFFFFD800  }
0xdb: {  	v7 =	vld [tilespmem:s16+$0x7000]  }
0xdc: {  	v12 =	vld [tilespmem:s16+$0x7010]  }
0xdd: {  	v6 =	vld [tilespmem:s16+$0x7020]  }
0xde: {  	v5 =	vld [tilespmem:s16+$0x7030]  }
0xdf: {  	v4 =	vld [tilespmem:s16+$0x7040]  }
0xe0: {  	v3 =	vld [tilespmem:s16+$0x7050]  }
0xe1: {  	v2 =	vld [tilespmem:s16+$0x7060]  }
0xe2: {  	v1 =	vld [tilespmem:s16+$0x7070]  }
0xe3: {  	v13 =	vld [tilespmem:s16+$0x2000]  }
0xe4: {  	v14 =	vld [tilespmem:s16+$0x2010]  }
0xe5: {  	v11 =	vld [tilespmem:s16+$0x2020]  }
0xe6: {  	v10 =	vld [tilespmem:s16+$0x2030]  }
0xe7: {  	v9 =	vld [tilespmem:s16+$0x2040]  }
0xe8: {  	v8 =	vld [tilespmem:s16+$0x2050];
	v13 =	vadd.f32 v7, v13  }
0xe9: {  	s17 =	simm.s32 $0x200;
	v12 =	vadd.f32 v12, v14;
	v7 =	vld [tilespmem:s16+$0x2060]  }
.LBB2_11:
0xea: {  	s18 =	sshra.s32 s17, $0x2;
	p1 =	sne.s32 s17, $0x9E00;
	v13 =	vmax.f32 v13, $0.0e+00;
	v6 =	vadd.f32 v6, v11;
	v11 =	vld [tilespmem:s16+$0x2070]  }
0xeb: {  	v14 =	vld [tilespmem:s18+$0x7000];
	[tilespmem:s16+$0x2000] =	vst v13;
	v12 =	vmax.f32 v12, $0.0e+00;
	v5 =	vadd.f32 v5, v10  }
0xec: {  	v15 =	vld [tilespmem:s18+$0x7010];
	[tilespmem:s16+$0x2010] =	vst v12;
	v10 =	vmax.f32 v6, $0.0e+00;
	v4 =	vadd.f32 v4, v9  }
0xed: {  	v6 =	vld [tilespmem:s18+$0x7020];
	[tilespmem:s16+$0x2020] =	vst v10;
	v9 =	vmax.f32 v5, $0.0e+00;
	v3 =	vadd.f32 v3, v8  }
0xee: {  	v5 =	vld [tilespmem:s18+$0x7030];
	[tilespmem:s16+$0x2030] =	vst v9;
	v8 =	vmax.f32 v4, $0.0e+00;
	v2 =	vadd.f32 v2, v7  }
0xef: {  	v4 =	vld [tilespmem:s18+$0x7040];
	[tilespmem:s16+$0x2040] =	vst v8;
	v7 =	vmax.f32 v3, $0.0e+00;
	v1 =	vadd.f32 v1, v11  }
0xf0: {  	v3 =	vld [tilespmem:s18+$0x7050];
	[tilespmem:s16+$0x2050] =	vst v7;
	v7 =	vmax.f32 v2, $0.0e+00  }
0xf1: {  	v2 =	vld [tilespmem:s18+$0x7060];
	[tilespmem:s16+$0x2060] =	vst v7;
	v7 =	vmax.f32 v1, $0.0e+00  }
0xf2: {  	v1 =	vld [tilespmem:s18+$0x7070];
	[tilespmem:s16+$0x2070] =	vst v7;
	s16 =	smov.u32 s18  }
0xf3: {  	v7 =	vld [tilespmem:s16+$0x2000]  }
0xf4: {  	v12 =	vld [tilespmem:s16+$0x2010]  }
.Ltmp4:
0xf5: {  	v11 =	vld [tilespmem:s16+$0x2020];
	(pc) =	sbr.rel @p1 .LBB2_11-.Ltmp4, $4  }
0xf6: {  	v10 =	vld [tilespmem:s16+$0x2030]  }
0xf7: {  	v9 =	vld [tilespmem:s16+$0x2040]  }
0xf8: {  	v13 =	vadd.f32 v14, v7;
	v8 =	vld [tilespmem:s16+$0x2050]  }
0xf9: {  	s17 =	sadd.s32 $0x200, s17;
	v12 =	vadd.f32 v15, v12;
	v7 =	vld [tilespmem:s16+$0x2060]  }
0xfa: {  	v13 =	vmax.f32 v13, $0.0e+00;
	v6 =	vadd.f32 v6, v11;
	v63 =	vld [tilespmem:s16+$0x2070]  }
0xfb: {  	[tilespmem:s16+$0x2000] =	vst v13;
	v12 =	vmax.f32 v12, $0.0e+00;
	v5 =	vadd.f32 v5, v10  }
0xfc: {  	[tilespmem:s16+$0x2010] =	vst v12;
	v6 =	vmax.f32 v6, $0.0e+00;
	v4 =	vadd.f32 v4, v9  }
0xfd: {  	[tilespmem:s16+$0x2020] =	vst v6;
	v5 =	vmax.f32 v5, $0.0e+00;
	v3 =	vadd.f32 v3, v8  }
0xfe: {  	[tilespmem:s16+$0x2030] =	vst v5;
	v4 =	vmax.f32 v4, $0.0e+00;
	v2 =	vadd.f32 v2, v7  }
0xff: {  	[tilespmem:s16+$0x2040] =	vst v4;
	v3 =	vmax.f32 v3, $0.0e+00;
	v1 =	vadd.f32 v1, v63  }
0x100: {  	s13 =	sadd.s32 $0x1, s13;
	[tilespmem:s16+$0x2050] =	vst v3;
	v2 =	vmax.f32 v2, $0.0e+00  }
0x101: {  	p1 =	sne.s32 s13, $0x5;
	[tilespmem:s16+$0x2060] =	vst v2;
	v1 =	vmax.f32 v1, $0.0e+00  }
.Ltmp5:
0x102: {  	[tilespmem:s16+$0x2070] =	vst v1;
	(pc) =	sbr.rel @p1 .LBB2_4-.Ltmp5, $4  }
0x103: {  	[spmem:s2] =	stream.indirect.scatter.add.f32 [tilespmem:s28], [sflag:$0x5], $0x80, s11, s0, $0xb8;
	[tilespmem:$0x1F880] =	vst v63  }
0x104: {  	_ =	swait.ge [sflag:s29], $0x2800  }
0x105: {  	[sflag:s29] =	ssyncset.done $0x0  }
0x106: {  	[sflag:s29] =	ssyncadd.s32 $0xFFFFD800  }
0x107: {  	s12 =	stileid.u32  }
0x108: {  	[bflag:$0x0] =	sbarrier.arrive $0xFFFF;
	s12 =	sshll.u32 s12, $0x6  }
0x109: {  	s13 =	sshrl.u32 s22, $0x3;
	s16 =	rddreg [dreg:$0x4];
	s12 =	sor.u32 $0x1C05, s12  }
0x10a: {  	[hbm:s16], [sflag:s12] =	dma.local [spmem:s13], $0x500  }
0x10b: {  	_ =	swait.ge [sflag:s29], $0x500  }
0x10c: {  	[sflag:s29] =	ssyncset.done $0x0  }
0x10d: {  	s17 =	sshrl.u32 s23, $0x3;
	s20 =	rddreg [dreg:$0x5];
	[sflag:s29] =	ssyncadd.s32 $0xFFFFFB00  }
0x10e: {  	[hbm:s20], [sflag:s12] =	dma.local [spmem:s17], $0x500  }
0x10f: {  	_ =	swait.ge [sflag:s29], $0x500  }
0x110: {  	s19 =	smov.u32 s22;
	[sflag:s29] =	ssyncset.done $0x0;
	s20 =	rddreg [dreg:$0xc]  }
0x111: {  	s22 =	rddreg [dreg:$0x6];
	[sflag:s29] =	ssyncadd.s32 $0xFFFFFB00;
	s21 =	sshrl.u32 s20, $0x3  }
0x112: {  	[hbm:s22], [sflag:s12] =	dma.local [spmem:s21], $0x500  }
0x113: {  	_ =	swait.ge [sflag:s29], $0x500  }
0x114: {  	s18 =	smov.u32 s23;
	[sflag:s29] =	ssyncset.done $0x0;
	s17 =	rddreg [dreg:$0xd]  }
0x115: {  	s26 =	rddreg [dreg:$0x7];
	[sflag:s29] =	ssyncadd.s32 $0xFFFFFB00;
	s23 =	sshrl.u32 s17, $0x3  }
0x116: {  	[hbm:s26], [sflag:s12] =	dma.local [spmem:s23], $0x500  }
0x117: {  	_ =	swait.ge [sflag:s29], $0x500  }
0x118: {  	[sflag:s29] =	ssyncset.done $0x0;
	s21 =	rddreg [dreg:$0xe]  }
0x119: {  	s22 =	rddreg [dreg:$0x8];
	[sflag:s29] =	ssyncadd.s32 $0xFFFFFB00;
	s16 =	sshrl.u32 s21, $0x3  }
0x11a: {  	[hbm:s22], [sflag:s12] =	dma.local [spmem:s16], $0x500  }
0x11b: {  	_ =	swait.ge [sflag:s29], $0x500  }
0x11c: {  	[sflag:s29] =	ssyncset.done $0x0;
	s23 =	rddreg [dreg:$0xf]  }
0x11d: {  	s26 =	rddreg [dreg:$0x9];
	[sflag:s29] =	ssyncadd.s32 $0xFFFFFB00;
	s13 =	sshrl.u32 s23, $0x3  }
0x11e: {  	[hbm:s26], [sflag:s12] =	dma.local [spmem:s13], $0x500  }
0x11f: {  	_ =	swait.ge [sflag:s29], $0x500  }
0x120: {  	[sflag:s29] =	ssyncset.done $0x0;
	s22 =	rddreg [dreg:$0x10]  }
0x121: {  	s23 =	rddreg [dreg:$0xa];
	[sflag:s29] =	ssyncadd.s32 $0xFFFFFB00;
	s13 =	sshrl.u32 s22, $0x3  }
0x122: {  	[hbm:s23], [sflag:s12] =	dma.local [spmem:s13], $0x500  }
0x123: {  	_ =	swait.ge [sflag:s29], $0x500  }
0x124: {  	[sflag:s29] =	ssyncset.done $0x0;
	s13 =	rddreg [dreg:$0x11]  }
0x125: {  	s16 =	rddreg [dreg:$0xb];
	[sflag:s29] =	ssyncadd.s32 $0xFFFFFB00;
	s13 =	sshrl.u32 @!p0 s13, $0x3  }
0x126: {  	[hbm:s16], [sflag:s12] =	dma.local @!p0 [spmem:s13], $0x500  }
0x127: {  	s12 =	simm.s32 @!p0 $0x5  }
0x128: {  	_ =	swait.ge @!p0 [sflag:s12], $0x500  }
0x129: {  	s3 =	sadd.s32 $0x1, s3;
	s26 =	rddreg [dreg:$0x12]  }
0x12a: {  	p1 =	sne.s32 s3, s26  }
.Ltmp6:
0x12b: {  	_ = 	snop;
	(pc) =	sbr.rel @p1 .LBB2_1-.Ltmp6, $3  }
0x12c: {  	_ =	sdelay $0x1  }
0x12d: {  	[sflag:s12] =	ssyncset.done @!p0 $0x0  }
0x12e: {  	[sflag:s12] =	ssyncadd.s32 @!p0 $0xFFFFFB00  }
0x12f: {  	_ =	sfence.sel $0x180000  }
0x130: {  	[bflag:$0x0] =	sbarrier.arrive $0xFFFF  }
0x131: {  	_ =	strace $0x9000004D  }
0x132: {  	s0 =	stileid.u32;
	[bflag:$0x2] =	sbarrier.arrive $0xFFFF  }
0x133: {  	p0 =	sne.s32 s0, $0x0;
	s0 =	rddreg [dreg:$0x3]  }
0x134: {  	s0 =	sadd.s32 @!p0 $0x100000, s0  }
0x135: {  	[sflag:s0] =	ssyncadd.tile.s32 @!p0 $0x1;
	_ =	shalt  }
.Lfunc_end2:
_tile_overlayer_lowered:
.L_overlay_start_2:
0x136: {  	(tag) =	ssettag $0x2  }
0x137: {  	s0 =	rddreg [dreg:$0x0];
	s2 =	stileid.u32  }
0x138: {  	s1 =	rddreg [dreg:$0x1];
	p0 =	sne.s32 s2, $0x0  }
0x139: {  	s3 =	rddreg [dreg:$0x2];
	[bflag:$0x3] =	sbarrier.arrive $0xFFFF;
	s2 =	simm.s32 @!p0 $0x1C05  }
0x13a: {  	[timem:s3], [sflag:s2] =	dma.local @!p0 [hbm:s0], s1  }
0x13b: {  	s0 =	simm.s32 @!p0 $0x5  }
0x13c: {  	_ =	swait.ge @!p0 [sflag:s0], s1  }
0x13d: {  	s1 =	ssub.s32 @!p0 $0x0, s1;
	[sflag:s0] =	ssyncset.done @!p0 $0x0  }
0x13e: {  	[sflag:s0] =	ssyncadd.s32 @!p0 s1  }
0x13f: {  	[bflag:$0x3] =	sbarrier.arrive $0xFFFF  }
0x140: {  	_ =	shalt  }

// kernel: kernel.9.cloned.1.call-start
scs
__scs_entry_jumppad:
0x0: {  	(pc) =	sbr.rel $0x88, $3  }
0x1: {  	(tag) =	ssettag $0x0;
	lr =	simm.s32 $0x1  }
0x2: {  	[smem:$0x3F90] =	sst lr;
	_ =	strace $0xD0000000  }
0x3: {  	_ = 	snop  }
0x4: {  	_ = 	snop  }
0x5: {  	_ = 	snop  }
0x6: {  	_ = 	snop  }
0x7: {  	_ = 	snop  }
__scs_overlays_trampoline_lowered:
0x8: {  	[smem:$0x3F9F] =	sst s0  }
0x9: {  	[smem:$0x3FA0] =	sst s1  }
0xa: {  	[smem:$0x3FA1] =	sst s2  }
0xb: {  	[smem:$0x3FA2] =	sst s3  }
0xc: {  	[smem:$0x3FA3] =	sst s4  }
0xd: {  	[smem:$0x3FA4] =	sst s5  }
0xe: {  	[smem:$0x3FA5] =	sst s6  }
0xf: {  	[smem:$0x3FA6] =	sst s7  }
0x10: {  	[smem:$0x3FA7] =	sst s8  }
0x11: {  	[smem:$0x3FA8] =	sst s9;
	s0 =	simm.s32 @!p0 $0x0  }
0x12: {  	s1 =	sld [smem:$0x3F8E];
	s0 =	simm.s32 @p0 $0x1  }
0x13: {  	[smem:$0x3FA9] =	sst s0;
	s0 =	simm.s32 @!p1 $0x0  }
0x14: {  	s2 =	sld [smem:$0x3F8D];
	s0 =	simm.s32 @p1 $0x1  }
0x15: {  	[smem:$0x3FAA] =	sst s0;
	s0 =	simm.s32 @!p2 $0x0  }
0x16: {  	s3 =	sld [smem:$0x3FDB];
	s0 =	simm.s32 @p2 $0x1  }
0x17: {  	s4 =	simm.s32 $0x1BF5;
	[smem:$0x3FAC] =	sst s0  }
0x18: {  	s0 =	sld [smem:$0x3F8F];
	_ =	swait.ge [sflag:s4], $0x0  }
0x19: {  	s7 =	sld [smem:$0x3F90]  }
0x1a: {  	s8 =	sadd.s32 $0xFFFFE003, lr  }
0x1b: {  	s9 =	sadd.s32 $0xFFFFFEF7, lr;
	s5 =	simm.s32 $0xFFFFFFFF;
	p2 =	slt.u32 s8, $0xFFFFF086  }
0x1c: {  	p1 =	slt.u32 s9, $0xF7A;
	s5 =	simm.s32 @!p2 $0x0  }
0x1d: {  	s5 =	simm.s32 @p1 $0x1;
	p0 =	seq.s32 s7, s2  }
0x1e: {  	s7 =	smul.u32 @!p0 $0xF7A, s2;
	p2 =	seq.s32 @!p0 s5, $0x0  }
0x1f: {  	s9 =	smul.u32 $0xF7A, s1;
	s8 =	simm.s32 @!p0 $0x1BF5;
	p2 =	por !p2, p0  }
0x20: {  	[sflag:s8] =	ssyncset.s32 @!p0 $0xFFFFF086;
	s6 =	sadd.s32 @!p0 s3, s7;
	s7 =	simm.s32 @!p0 $0x108  }
0x21: {  	s3 =	sadd.s32 s3, s9;
	s6 =	sadd.s32 @!p0 $0x88, s6;
	s7 =	simm.s32 @p2 $0x1082  }
0x22: {  	[simem:s7], [sflag:s8] =	dma.local @!p0 [hbm:s6], $0xF7A  }
0x23: {  	s9 =	sor.u32 $0xD0000000, s2;
	s6 =	simm.s32 $0x108;
	_ =	swait.ge @!p0 [sflag:s8], $0x0  }
0x24: {  	s3 =	sadd.s32 $0x88, s3;
	s6 =	simm.s32 @!p1 $0x1082;
	[sflag:s4] =	ssyncset.s32 $0xFFFFF086  }
0x25: {  	[simem:s6], [sflag:s4] =	dma.local [hbm:s3], $0xF7A  }
0x26: {  	[smem:$0x3F90] =	sst s1;
	(tag) =	ssettag s2;
	_ =	strace s9  }
0x27: {  	s1 =	sld [smem:$0x3FA0]  }
0x28: {  	s2 =	sld [smem:$0x3FA1]  }
0x29: {  	s4 =	sld [smem:$0x3FA3]  }
0x2a: {  	p0 =	seq.s32 s5, $0x0;
	s5 =	sld [smem:$0x3FA4]  }
0x2b: {  	s6 =	sld [smem:$0x3FA5]  }
0x2c: {  	s7 =	sld [smem:$0x3FA6]  }
0x2d: {  	s3 =	simm.s32 $0x108;
	s8 =	sld [smem:$0x3FA7]  }
0x2e: {  	s3 =	simm.s32 @!p0 $0x1082;
	s9 =	sld [smem:$0x3FA8]  }
0x2f: {  	lr =	sadd.s32 s0, s3;
	s0 =	sld [smem:$0x3F9F]  }
0x30: {  	s3 =	sld [smem:$0x3FA2]  }
0x31: {  	[smem:$0x3FAB] =	sst s10  }
0x32: {  	s10 =	sld [smem:$0x3FA9];
	_ =	sdelay $0x3  }
0x33: {  	p0 =	seq.s32 s10, $0x1;
	s10 =	sld [smem:$0x3FAB];
	_ =	sdelay $0x3  }
0x34: {  	[smem:$0x3FAB] =	sst s10  }
0x35: {  	s10 =	sld [smem:$0x3FAA];
	_ =	sdelay $0x3  }
0x36: {  	p1 =	seq.s32 s10, $0x1;
	s10 =	sld [smem:$0x3FAB];
	_ =	sdelay $0x3  }
0x37: {  	[smem:$0x3FAB] =	sst s10  }
0x38: {  	s10 =	sld [smem:$0x3FAC]  }
0x39: {  	_ = 	snop;
	(pc) =	sbr.ind lr, $3  }
0x3a: {  	_ = 	snop  }
0x3b: {  	_ = 	snop  }
0x3c: {  	p2 =	seq.s32 s10, $0x1;
	s10 =	sld [smem:$0x3FAB]  }
0x3d: {  	_ =	shalt  }
0x3e: {  	_ =	shalt  }
0x3f: {  	_ =	shalt  }
0x40: {  	_ =	shalt  }
0x41: {  	_ =	shalt  }
0x42: {  	_ =	shalt  }
0x43: {  	_ =	shalt  }
0x44: {  	_ =	shalt  }
0x45: {  	_ =	shalt  }
0x46: {  	_ =	shalt  }
0x47: {  	_ =	shalt  }
0x48: {  	_ =	shalt  }
0x49: {  	_ =	shalt  }
0x4a: {  	_ =	shalt  }
0x4b: {  	_ =	shalt  }
0x4c: {  	_ =	shalt  }
0x4d: {  	_ =	shalt  }
0x4e: {  	_ =	shalt  }
0x4f: {  	_ =	shalt  }
0x50: {  	_ =	shalt  }
0x51: {  	_ =	shalt  }
0x52: {  	_ =	shalt  }
0x53: {  	_ =	shalt  }
0x54: {  	_ =	shalt  }
0x55: {  	_ =	shalt  }
0x56: {  	_ =	shalt  }
0x57: {  	_ =	shalt  }
0x58: {  	_ =	shalt  }
0x59: {  	_ =	shalt  }
0x5a: {  	_ =	shalt  }
0x5b: {  	_ =	shalt  }
0x5c: {  	_ =	shalt  }
0x5d: {  	_ =	shalt  }
0x5e: {  	_ =	shalt  }
0x5f: {  	_ =	shalt  }
0x60: {  	_ =	shalt  }
0x61: {  	_ =	shalt  }
0x62: {  	_ =	shalt  }
0x63: {  	_ =	shalt  }
0x64: {  	_ =	shalt  }
0x65: {  	_ =	shalt  }
0x66: {  	_ =	shalt  }
0x67: {  	_ =	shalt  }
0x68: {  	_ =	shalt  }
0x69: {  	_ =	shalt  }
0x6a: {  	_ =	shalt  }
0x6b: {  	_ =	shalt  }
0x6c: {  	_ =	shalt  }
0x6d: {  	_ =	shalt  }
0x6e: {  	_ =	shalt  }
0x6f: {  	_ =	shalt  }
0x70: {  	_ =	shalt  }
0x71: {  	_ =	shalt  }
0x72: {  	_ =	shalt  }
0x73: {  	_ =	shalt  }
0x74: {  	_ =	shalt  }
0x75: {  	_ =	shalt  }
0x76: {  	_ =	shalt  }
0x77: {  	_ =	shalt  }
0x78: {  	_ =	shalt  }
0x79: {  	_ =	shalt  }
0x7a: {  	_ =	shalt  }
0x7b: {  	_ =	shalt  }
0x7c: {  	_ =	shalt  }
0x7d: {  	_ =	shalt  }
0x7e: {  	_ =	shalt  }
0x7f: {  	_ =	shalt  }
0x80: {  	_ =	shalt  }
0x81: {  	_ =	shalt  }
0x82: {  	_ =	shalt  }
0x83: {  	_ =	shalt  }
0x84: {  	_ =	shalt  }
0x85: {  	_ =	shalt  }
0x86: {  	_ =	shalt  }
0x87: {  	_ =	shalt  }
.Lfunc_end0:
.L_simem_size_0:
called_computation_lowered:
.L_overlay_start_0:
0x88: {  	s2 =	sld [smem:$0x3FD9]  }
0x89: {  	s3 =	sld [smem:$0x3FFE];
	_ =	sdelay $0x1  }
0x8a: {  	s1 =	srdreg.scid  }
0x8b: {  	s0 =	sand.u32 $0x1, s1  }
0x8c: {  	s17 =	sshll.u32 s0, $0xA;
	s2 =	sadd.s32 s3, s2  }
0x8d: {  	s2 =	sadd.s32 s2, s17  }
0x8e: {  	[smem:$0x3FB7] =	sst s2  }
0x8f: {  	_ = 	snop  }
0x90: {  	s2 =	sld [smem:$0x3FC9]  }
0x91: {  	s18 =	sld [smem:$0x3FC7];
	(tm) =	ssettm $0x1  }
0x92: {  	s4 =	sld [smem:$0x3FFB];
	_ =	sdelay $0x3  }
0x93: {  	_ =	strace s4  }
0x94: {  	s4 =	sld [smem:$0x3FFC];
	_ =	sdelay $0x3  }
0x95: {  	_ =	strace s4  }
0x96: {  	s4 =	sld [smem:$0x3FFD];
	_ =	sdelay $0x3  }
0x97: {  	_ =	strace s4  }
0x98: {  	_ =	strace $0x8FFFFFFF  }
0x99: {  	s19 =	sld [smem:$0x3FDB];
	_ =	sdelay $0x1  }
0x9a: {  	s5 =	simm.s32 $_scs_section_size  }
0x9b: {  	s6 =	simm.s32 $_size__tile_overlayer_lowered;
	s7 =	simm.s32 $_tile_overlayer_lowered  }
0x9c: {  	s22 =	simm.s32 $0x1BFF;
	s21 =	sshll.u32 s7, $0x1;
	s4 =	sadd.s32 s5, s19  }
0x9d: {  	s8 =	simm.s32 $0x0;
	s20 =	sshll.u32 s6, $0x1;
	s6 =	sadd.s32 s21, s4  }
0x9e: {  	[timem:s8], [sflag:s22] =	dma.local [hbm:s6], s20  }
0x9f: {  	_ =	swait.ge [sflag:s22], s20  }
0xa0: {  	s5 =	ssub.s32 $0x0, s20;
	[sflag:s22] =	ssyncset.done $0x0  }
0xa1: {  	[sflag:s22] =	ssyncadd.s32 s5;
	_ =	sdelay $0x1  }
0xa2: {  	s23 =	simm.s32 $0x1B8B  }
0xa3: {  	_ =	swait.ge [sflag:s23], $0x1  }
0xa4: {  	[sflag:s23] =	ssyncset.done $0x0  }
0xa5: {  	s25 =	simm.s32 $0x1B8E;
	s24 =	sld [smem:$0x3FFE];
	[sflag:s23] =	ssyncadd.s32 $0xFFFFFFFF  }
0xa6: {  	s26 =	simm.s32 $execute0_lowered;
	[smem:$0x3FD2] =	sst s25  }
0xa7: {  	s6 =	sshll.u32 s26, $0x1;
	_ =	strace $0x80000046;
	[dreg:$0x1] =	wrdreg $0xFFFFFFFF  }
0xa8: {  	s28 =	simm.s32 $_size_execute0_lowered;
	s4 =	sadd.s32 s4, s6;
	[dreg:$0x0] =	wrdreg $0x0  }
0xa9: {  	s6 =	sshll.u32 s28, $0x1;
	[dreg:$0x2] =	wrdreg s4  }
0xaa: {  	[dreg:$0x3] =	wrdreg s6  }
0xab: {  	[dreg:$0x4] =	wrdreg $0xC0  }
0xac: {  	_ =	task [dreg:s8], $0x5FFFF  }
0xad: {  	[dreg:$0x1] =	wrdreg $0xFFFFFFFF  }
0xae: {  	[dreg:$0x0] =	wrdreg $0x60  }
0xaf: {  	[dreg:$0x2] =	wrdreg s2  }
0xb0: {  	[dreg:$0x3] =	wrdreg s24  }
0xb1: {  	[dreg:$0x4] =	wrdreg s18  }
0xb2: {  	[dreg:$0x5] =	wrdreg $0xC0000  }
0xb3: {  	[dreg:$0x6] =	wrdreg $0x9  }
0xb4: {  	_ =	task.clear_ibuf [dreg:s8], $0x7FFFF;
	_ =	strace $0x90000046  }
0xb5: {  	s29 =	simm.s32 $0x9;
	_ =	strace $0x80000048  }
0xb6: {  	_ =	swait.ge [sflag:s29], $0x1  }
0xb7: {  	[sflag:s29] =	ssyncadd.s32 $0xFFFFFFFF  }
0xb8: {  	_ =	strace $0x90000048  }
0xb9: {  	_ =	sfence  }
0xba: {  	s30 =	sld [smem:$0x0];
	_ =	sdelay $0x2  }
0xbb: {  	s31 =	sshll.u32 s1, $0xD;
	s1 =	sshrl.u32 s1, $0x2  }
0xbc: {  	s3 =	sand.u32 $0x4000, s31;
	s1 =	sadd.s32 s1, s30  }
0xbd: {  	s0 =	sor.u32 s3, s0;
	s1 =	sshll.u32 s1, $0x11  }
0xbe: {  	s0 =	sor.u32 s1, s0  }
0xbf: {  	s0 =	sadd.s32 $0x8F2B, s0  }
0xc0: {  	[sflag:s0] =	ssyncadd.remote.s32 $0x1  }
0xc1: {  	_ =	sfence.sel $0xFFFF  }
0xc2: {  	[dreg:$0x0] =	wrdreg $0xFFFFFFFF;
	(pc) =	sbr.abs _section_cstart, $3  }
0xc3: {  	[dreg:$0x1] =	wrdreg $0xFFFFFFFF  }
0xc4: {  	_ =	task.clear_ibuf [dreg:s8], $0x2FFFF;
	_ =	strace $0x9FFFFFFF  }
0xc5: {  	(tm) =	ssettm $0x7FFFFFFF  }
tec
execute0_lowered:
.L_overlay_start_1:
0x0: {  	(tag) =	ssettag $0x1  }
0x1: {  	s1 =	rddreg [dreg:$0x0]  }
0x2: {  	s5 =	rddreg [dreg:$0x1]  }
0x3: {  	s2 =	rddreg [dreg:$0x2]  }
0x4: {  	s3 =	rddreg [dreg:$0x3];
	s4 =	simm.s32 $0x0  }
0x5: {  	s0 =	srdreg.scid;
	s26 =	stileid.u32;
	s28 =	simm.s32 $0x2000  }
0x6: {  	s29 =	simm.s32 $0x5;
	s6 =	sand.u32 $0x1, s0;
	s10 =	smul.u32 $0x2800, s26  }
0x7: {  	s30 =	simm.s32 $0x1000;
	s9 =	sor.u32 $0x10, s26;
	s7 =	smul.u32 $0x138800, s6  }
0x8: {  	s31 =	simm.s32 $0x7000;
	s11 =	sor.u32 $0x20, s26;
	s12 =	smul.u32 $0x2800, s9  }
0x9: {  	[smem:$0x7FF] =	sst s4;
	s15 =	sor.u32 $0x30, s26;
	s14 =	smul.u32 $0x2800, s11  }
0xa: {  	s8 =	sadd.s32 $0x2CC00, s5;
	s18 =	sor.u32 $0x50, s26;
	s16 =	smul.u32 $0x2800, s15  }
0xb: {  	s17 =	sshll.u32 s26, $0x1;
	s21 =	sor.u32 $0x70, s26;
	s20 =	smul.u32 $0x2800, s18  }
0xc: {  	p0 =	sgt.u32 s26, $0xC;
	_ =	strace $0x80000047;
	s23 =	smul.u32 $0x2800, s21  }
0xd: {  	s0 =	ssub.s32 $0x2, s6;
	s6 =	sor.u32 s6, s17;
	s9 =	smul.u32 $0xA000, s9  }
0xe: {  	s17 =	sor.u32 $0x60, s26;
	s11 =	smul.u32 $0xA000, s11;
	s13 =	sshrl.u32 s0, $0x1  }
0xf: {  	s22 =	smul.u32 $0x2800, s17;
	s0 =	ssub.s32 s0, s13;
	s13 =	sor.u32 $0x40, s26  }
0x10: {  	s10 =	sadd.s32 s10, s7;
	s12 =	sadd.s32 s7, s12;
	s14 =	sadd.s32 s7, s14  }
0x11: {  	s16 =	sadd.s32 s7, s16;
	s20 =	sadd.s32 s7, s20;
	s11 =	sshrl.u32 s11, $0x2  }
0x12: {  	s19 =	smul.u32 $0x2800, s13;
	s22 =	sadd.s32 s7, s22;
	s10 =	sshrl.u32 s10, $0x3  }
0x13: {  	s12 =	sshrl.u32 s12, $0x3;
	s14 =	sshrl.u32 s14, $0x3;
	s24 =	sshrl.u32 s16, $0x3  }
0x14: {  	s0 =	smax.u32 s0, $0x1;
	s10 =	sadd.s32 s8, s10;
	s12 =	sadd.s32 s8, s12  }
0x15: {  	[dreg:$0x13] =	wrdreg s0;
	s0 =	simm.s32 $0x50;
	s19 =	sadd.s32 s7, s19  }
0x16: {  	s7 =	sadd.s32 s7, s23;
	s23 =	smul.u32 $0xA000, s26;
	[dreg:$0x5] =	wrdreg s10  }
0x17: {  	[dreg:$0x6] =	wrdreg s12;
	s10 =	sadd.s32 s8, s14;
	s12 =	sadd.s32 s8, s24  }
0x18: {  	s14 =	sadd.s32 $0x4C00, s5;
	s24 =	smul.u32 $0xA000, s15;
	[dreg:$0x7] =	wrdreg s10  }
0x19: {  	s15 =	sadd.s32 $0x18C00, s5;
	s25 =	sshrl.u32 s19, $0x3;
	[dreg:$0x8] =	wrdreg s12  }
0x1a: {  	s19 =	sshrl.u32 s20, $0x3;
	s20 =	sshrl.u32 s22, $0x3;
	s7 =	sshrl.u32 s7, $0x3  }
0x1b: {  	s12 =	smul.u32 $0xA000, s18;
	s16 =	sadd.s32 s8, s25;
	s10 =	sadd.s32 s8, s19  }
0x1c: {  	s22 =	sadd.s32 s8, s20;
	s7 =	sadd.s32 s8, s7;
	[dreg:$0x9] =	wrdreg s16  }
0x1d: {  	s23 =	sshrl.u32 s23, $0x2;
	s25 =	smul.u32 $0xA000, s13;
	[dreg:$0xa] =	wrdreg s10  }
0x1e: {  	s20 =	sadd.s32 s11, s3;
	s13 =	smul.u32 $0xA000, s17;
	[dreg:$0xb] =	wrdreg s22  }
0x1f: {  	s8 =	sshrl.u32 s24, $0x2;
	s11 =	simm.s32 $0x1C00;
	[dreg:$0xc] =	wrdreg s7  }
0x20: {  	s19 =	sadd.s32 s23, s3;
	s10 =	sshrl.u32 s9, $0x2;
	s16 =	smul.u32 $0xA000, s21  }
0x21: {  	s17 =	sadd.s32 s8, s3;
	s22 =	sshrl.u32 s12, $0x2;
	s7 =	simm.s32 $0x9800  }
0x22: {  	s8 =	simm.s32 $0x4800;
	[dreg:$0xd] =	wrdreg s20;
	s5 =	sshrl.u32 s25, $0x2  }
0x23: {  	[dreg:$0xe] =	wrdreg s17;
	s21 =	sadd.s32 s5, s3;
	s5 =	sadd.s32 s22, s3  }
0x24: {  	s9 =	simm.s32 $0x4;
	s23 =	sshrl.u32 s13, $0x2;
	[dreg:$0x10] =	wrdreg s5  }
0x25: {  	s24 =	sshrl.u32 s16, $0x2;
	s5 =	sadd.s32 s23, s3;
	[dreg:$0xf] =	wrdreg s21  }
0x26: {  	s18 =	sadd.s32 s10, s3;
	s25 =	sadd.s32 s24, s3;
	[dreg:$0x11] =	wrdreg s5  }
0x27: {  	s10 =	simm.s32 $0x2;
	s24 =	smul.u32 $0x5000, s6;
	[dreg:$0x12] =	wrdreg s25  }
0x28: {  	v0 =	vimm.f32 $0.0e+00;
	s25 =	smul.u32 $0x5, s6;
	s5 =	simm.s32 $0x3;
	s6 =	simm.s32 $0x1  }
.LBB2_1:
0x29: {  	s12 =	simm.s32 $0x0;
	s13 =	simm.s32 $0x200  }
.LBB2_2:
0x2a: {  	p1 =	sne.s32 s13, $0x9E00;
	[tilespmem:s12+$0x2070] =	vst v0  }
0x2b: {  	[tilespmem:s12+$0x2000] =	vst v0  }
0x2c: {  	[tilespmem:s12+$0x2010] =	vst v0  }
.Ltmp0:
0x2d: {  	[tilespmem:s12+$0x2020] =	vst v0;
	(pc) =	sbr.rel @p1 .LBB2_2-.Ltmp0, $4  }
0x2e: {  	[tilespmem:s12+$0x2030] =	vst v0  }
0x2f: {  	[tilespmem:s12+$0x2040] =	vst v0  }
0x30: {  	[tilespmem:s12+$0x2050] =	vst v0  }
0x31: {  	[tilespmem:s12+$0x2060] =	vst v0;
	s12 =	sshra.s32 s13, $0x2;
	s13 =	sadd.s32 $0x200, s13  }
0x32: {  	[tilespmem:s12+$0x2070] =	vst v0  }
0x33: {  	[tilespmem:s12+$0x2000] =	vst v0  }
0x34: {  	[tilespmem:s12+$0x2010] =	vst v0  }
0x35: {  	[tilespmem:s12+$0x2020] =	vst v0  }
0x36: {  	[tilespmem:s12+$0x2030] =	vst v0  }
0x37: {  	[tilespmem:s12+$0x2040] =	vst v0  }
0x38: {  	[tilespmem:s12+$0x2050] =	vst v0  }
0x39: {  	[tilespmem:s12+$0x2060] =	vst v0  }
0x3a: {  	[spmem:s19] =	stream.linear.scatter [tilespmem:s28], [sflag:$0x5], $0x2800, $0x38;
	[tilespmem:$0x1F880] =	vst v63  }
0x3b: {  	_ =	swait.ge [sflag:s29], $0x2800  }
0x3c: {  	[sflag:s29] =	ssyncset.done $0x0  }
0x3d: {  	[sflag:s29] =	ssyncadd.s32 $0xFFFFD800  }
0x3e: {  	[spmem:s18] =	stream.linear.scatter [tilespmem:s28], [sflag:$0x5], $0x2800, $0x38;
	[tilespmem:$0x1F880] =	vst v63  }
0x3f: {  	_ =	swait.ge [sflag:s29], $0x2800  }
0x40: {  	[sflag:s29] =	ssyncset.done $0x0  }
0x41: {  	[sflag:s29] =	ssyncadd.s32 $0xFFFFD800  }
0x42: {  	[spmem:s20] =	stream.linear.scatter [tilespmem:s28], [sflag:$0x5], $0x2800, $0x38;
	[tilespmem:$0x1F880] =	vst v63  }
0x43: {  	_ =	swait.ge [sflag:s29], $0x2800  }
0x44: {  	[sflag:s29] =	ssyncset.done $0x0  }
0x45: {  	[sflag:s29] =	ssyncadd.s32 $0xFFFFD800  }
0x46: {  	[spmem:s17] =	stream.linear.scatter [tilespmem:s28], [sflag:$0x5], $0x2800, $0x38;
	[tilespmem:$0x1F880] =	vst v63  }
0x47: {  	_ =	swait.ge [sflag:s29], $0x2800  }
0x48: {  	[sflag:s29] =	ssyncset.done $0x0  }
0x49: {  	[sflag:s29] =	ssyncadd.s32 $0xFFFFD800  }
0x4a: {  	[spmem:s21] =	stream.linear.scatter [tilespmem:s28], [sflag:$0x5], $0x2800, $0x38;
	[tilespmem:$0x1F880] =	vst v63  }
0x4b: {  	_ =	swait.ge [sflag:s29], $0x2800  }
0x4c: {  	[sflag:s29] =	ssyncset.done $0x0  }
0x4d: {  	s21 =	rddreg [dreg:$0x10];
	[sflag:s29] =	ssyncadd.s32 $0xFFFFD800  }
0x4e: {  	[spmem:s21] =	stream.linear.scatter [tilespmem:s28], [sflag:$0x5], $0x2800, $0x38;
	[tilespmem:$0x1F880] =	vst v63  }
0x4f: {  	_ =	swait.ge [sflag:s29], $0x2800  }
0x50: {  	[sflag:s29] =	ssyncset.done $0x0  }
0x51: {  	s26 =	rddreg [dreg:$0x11];
	[sflag:s29] =	ssyncadd.s32 $0xFFFFD800  }
0x52: {  	[spmem:s26] =	stream.linear.scatter [tilespmem:s28], [sflag:$0x5], $0x2800, $0x38;
	[tilespmem:$0x1F880] =	vst v63  }
0x53: {  	_ =	swait.ge [sflag:s29], $0x2800  }
0x54: {  	[sflag:s29] =	ssyncset.done $0x0  }
0x55: {  	s12 =	simm.s32 @!p0 $0x2000;
	s13 =	rddreg [dreg:$0x12];
	[sflag:s29] =	ssyncadd.s32 $0xFFFFD800  }
0x56: {  	[spmem:s13] =	stream.linear.scatter @!p0 [tilespmem:s12], [sflag:$0x5], $0x2800, $0x38;
	[tilespmem:$0x1F880] =	vst v63  }
0x57: {  	s12 =	simm.s32 @!p0 $0x5  }
0x58: {  	_ =	swait.ge @!p0 [sflag:s12], $0x2800  }
0x59: {  	[sflag:s12] =	ssyncset.done @!p0 $0x0  }
0x5a: {  	s22 =	smov.u32 s19;
	s23 =	smov.u32 s18;
	[sflag:s12] =	ssyncadd.s32 @!p0 $0xFFFFD800  }
0x5b: {  	s13 =	simm.s32 $0x0;
	s12 =	simm.s32 $0x0;
	[bflag:$0x0] =	sbarrier.arrive $0xFFFF  }
.LBB2_4:
0x5c: {  	s16 =	sshll.u32 s13, $0xC  }
0x5d: {  	s16 =	sadd.s32 s24, s16  }
0x5e: {  	s16 =	sshrl.u32 s16, $0x3  }
0x5f: {  	s17 =	sadd.s32 s14, s16  }
0x60: {  	[tilespmem:s12], [sflag:$0x5] =	stream.linear.gather [hbm4b:s17+s12], $0xC80, $0x38;
	[tilespmem:$0x1F880] =	vst v63  }
0x61: {  	_ =	swait.ge [sflag:s29], $0xC80  }
0x62: {  	[sflag:s29] =	ssyncset.done $0x0  }
0x63: {  	s21 =	sadd.s32 s25, s13;
	s16 =	sadd.s32 s15, s16;
	[sflag:s29] =	ssyncadd.s32 $0xFFFFF380  }
0x64: {  	[tilespmem:s30], [sflag:$0x5] =	stream.linear.gather [hbm4b:s16+s12], $0xC80, $0x38;
	[tilespmem:$0x1F880] =	vst v63  }
0x65: {  	s26 =	smul.u32 $0x7D00, s21;
	_ =	swait.ge [sflag:s29], $0xC80  }
0x66: {  	[sflag:s29] =	ssyncset.done $0x0  }
0x67: {  	s17 =	sadd.s32 s2, s26;
	[sflag:s29] =	ssyncadd.s32 $0xFFFFF380  }
0x68: {  	[tilespmem:s31], [sflag:$0x3] =	stream.linear.gather [hbm4b:s17+s12], $0x2800, $0x38;
	[tilespmem:$0x1F880] =	vst v63  }
0x69: {  	s26 =	smul.u32 $0x19, s21;
	s16 =	simm.s32 $0x0  }
0x6a: {  	[tilespmem:s28], [sflag:$0x1] =	stream.indirect.gather [hbm4b:s1+s0], $0x80, s12, s0, $0xb8;
	[tilespmem:$0x1F880] =	vst v63  }
.LBB2_5:
0x6b: {  	_ =	swait.ge [sflag:s5], $0x2800  }
0x6c: {  	s17 =	sshllo.u32 s16, $0x1;
	[sflag:s5] =	ssyncset.done $0x0  }
0x6d: {  	s18 =	sadd.s32 s26, s17;
	[sflag:s5] =	ssyncadd.s32 $0xFFFFD800  }
0x6e: {  	s18 =	smul.u32 $0x500, s18;
	_ =	swait.ge [sflag:s6], $0x2800  }
0x6f: {  	s19 =	simm.s32 $0x0;
	[sflag:s6] =	ssyncset.done $0x0  }
0x70: {  	s17 =	sshll.u32 s17, $0x9;
	s18 =	sadd.s32 s2, s18;
	[sflag:s6] =	ssyncadd.s32 $0xFFFFD800  }
0x71: {  	[tilespmem:s7], [sflag:$0x4] =	stream.linear.gather [hbm4b:s18+s19], $0x2800, $0x38;
	[tilespmem:$0x1F880] =	vst v63  }
0x72: {  	s17 =	sshrl.u32 s17, $0x2;
	s18 =	simm.s32 $0x0  }
0x73: {  	[tilespmem:s8], [sflag:$0x2] =	stream.indirect.gather [hbm4b:s1+s0], $0x80, s17, s0, $0xb8;
	[tilespmem:$0x1F880] =	vst v63  }
0x74: {  	v7 =	vld [tilespmem:s18+$0x7000]  }
0x75: {  	v12 =	vld [tilespmem:s18+$0x7010]  }
0x76: {  	v6 =	vld [tilespmem:s18+$0x7020]  }
0x77: {  	v5 =	vld [tilespmem:s18+$0x7030]  }
0x78: {  	v4 =	vld [tilespmem:s18+$0x7040]  }
0x79: {  	v3 =	vld [tilespmem:s18+$0x7050]  }
0x7a: {  	v2 =	vld [tilespmem:s18+$0x7060]  }
0x7b: {  	v1 =	vld [tilespmem:s18+$0x7070]  }
0x7c: {  	v13 =	vld [tilespmem:s18+$0x2000]  }
0x7d: {  	v14 =	vld [tilespmem:s18+$0x2010]  }
0x7e: {  	v11 =	vld [tilespmem:s18+$0x2020]  }
0x7f: {  	v10 =	vld [tilespmem:s18+$0x2030]  }
0x80: {  	v9 =	vld [tilespmem:s18+$0x2040]  }
0x81: {  	v8 =	vld [tilespmem:s18+$0x2050];
	v13 =	vadd.f32 v7, v13  }
0x82: {  	s20 =	simm.s32 $0x200;
	s19 =	sshll.u32 s16, $0x1;
	v12 =	vadd.f32 v12, v14;
	v7 =	vld [tilespmem:s18+$0x2060]  }
.LBB2_6:
0x83: {  	s21 =	sshra.s32 s20, $0x2;
	p1 =	sne.s32 s20, $0x9E00;
	v13 =	vmax.f32 v13, $0.0e+00;
	v6 =	vadd.f32 v6, v11;
	v11 =	vld [tilespmem:s18+$0x2070]  }
0x84: {  	v14 =	vld [tilespmem:s21+$0x7000];
	[tilespmem:s18+$0x2000] =	vst v13;
	v12 =	vmax.f32 v12, $0.0e+00;
	v5 =	vadd.f32 v5, v10  }
0x85: {  	v15 =	vld [tilespmem:s21+$0x7010];
	[tilespmem:s18+$0x2010] =	vst v12;
	v10 =	vmax.f32 v6, $0.0e+00;
	v4 =	vadd.f32 v4, v9  }
0x86: {  	v6 =	vld [tilespmem:s21+$0x7020];
	[tilespmem:s18+$0x2020] =	vst v10;
	v9 =	vmax.f32 v5, $0.0e+00;
	v3 =	vadd.f32 v3, v8  }
0x87: {  	v5 =	vld [tilespmem:s21+$0x7030];
	[tilespmem:s18+$0x2030] =	vst v9;
	v8 =	vmax.f32 v4, $0.0e+00;
	v2 =	vadd.f32 v2, v7  }
0x88: {  	v4 =	vld [tilespmem:s21+$0x7040];
	[tilespmem:s18+$0x2040] =	vst v8;
	v7 =	vmax.f32 v3, $0.0e+00;
	v1 =	vadd.f32 v1, v11  }
0x89: {  	v3 =	vld [tilespmem:s21+$0x7050];
	[tilespmem:s18+$0x2050] =	vst v7;
	v7 =	vmax.f32 v2, $0.0e+00  }
0x8a: {  	v2 =	vld [tilespmem:s21+$0x7060];
	[tilespmem:s18+$0x2060] =	vst v7;
	v7 =	vmax.f32 v1, $0.0e+00  }
0x8b: {  	v1 =	vld [tilespmem:s21+$0x7070];
	[tilespmem:s18+$0x2070] =	vst v7;
	s18 =	smov.u32 s21  }
0x8c: {  	v7 =	vld [tilespmem:s18+$0x2000]  }
0x8d: {  	v12 =	vld [tilespmem:s18+$0x2010]  }
.Ltmp1:
0x8e: {  	v11 =	vld [tilespmem:s18+$0x2020];
	(pc) =	sbr.rel @p1 .LBB2_6-.Ltmp1, $4  }
0x8f: {  	v10 =	vld [tilespmem:s18+$0x2030]  }
0x90: {  	v9 =	vld [tilespmem:s18+$0x2040]  }
0x91: {  	v13 =	vadd.f32 v14, v7;
	v8 =	vld [tilespmem:s18+$0x2050]  }
0x92: {  	s20 =	sadd.s32 $0x200, s20;
	v12 =	vadd.f32 v15, v12;
	v7 =	vld [tilespmem:s18+$0x2060]  }
0x93: {  	v13 =	vmax.f32 v13, $0.0e+00;
	v6 =	vadd.f32 v6, v11;
	v11 =	vld [tilespmem:s18+$0x2070]  }
0x94: {  	[tilespmem:s18+$0x2000] =	vst v13;
	v12 =	vmax.f32 v12, $0.0e+00;
	v5 =	vadd.f32 v5, v10  }
0x95: {  	[tilespmem:s18+$0x2010] =	vst v12;
	v6 =	vmax.f32 v6, $0.0e+00;
	v4 =	vadd.f32 v4, v9  }
0x96: {  	[tilespmem:s18+$0x2020] =	vst v6;
	v5 =	vmax.f32 v5, $0.0e+00;
	v3 =	vadd.f32 v3, v8  }
0x97: {  	[tilespmem:s18+$0x2030] =	vst v5;
	v4 =	vmax.f32 v4, $0.0e+00;
	v2 =	vadd.f32 v2, v7  }
0x98: {  	[tilespmem:s18+$0x2040] =	vst v4;
	v3 =	vmax.f32 v3, $0.0e+00;
	v1 =	vadd.f32 v1, v11  }
0x99: {  	s20 =	sshll.u32 s16, $0x8;
	[tilespmem:s18+$0x2050] =	vst v3;
	v2 =	vmax.f32 v2, $0.0e+00  }
0x9a: {  	s20 =	sand.u32 $0x3FFFFF00, s20;
	[tilespmem:s18+$0x2060] =	vst v2;
	v1 =	vmax.f32 v1, $0.0e+00  }
0x9b: {  	s20 =	sadd.s32 $0x1000, s20;
	[tilespmem:s18+$0x2070] =	vst v1  }
0x9c: {  	[spmem:s3] =	stream.indirect.scatter.add.f32 [tilespmem:s28], [sflag:$0x5], $0x80, s20, s0, $0xb8;
	[tilespmem:$0x1F880] =	vst v63  }
0x9d: {  	_ =	swait.ge [sflag:s29], $0x2800  }
0x9e: {  	[sflag:s29] =	ssyncset.done $0x0  }
0x9f: {  	[sflag:s29] =	ssyncadd.s32 $0xFFFFD800  }
0xa0: {  	_ =	swait.ge [sflag:s9], $0x2800  }
0xa1: {  	s18 =	sadd.s32 $0x2, s19;
	[sflag:s9] =	ssyncset.done $0x0  }
0xa2: {  	s19 =	sadd.s32 s26, s18;
	[sflag:s9] =	ssyncadd.s32 $0xFFFFD800  }
0xa3: {  	s19 =	smul.u32 $0x500, s19;
	_ =	swait.ge [sflag:s10], $0x2800  }
0xa4: {  	s21 =	simm.s32 $0x0;
	[sflag:s10] =	ssyncset.done $0x0  }
0xa5: {  	s18 =	sshll.u32 s18, $0x7;
	s19 =	sadd.s32 s2, s19;
	[sflag:s10] =	ssyncadd.s32 $0xFFFFD800  }
0xa6: {  	[tilespmem:s31], [sflag:$0x3] =	stream.linear.gather [hbm4b:s19+s21], $0x2800, $0x38;
	[tilespmem:$0x1F880] =	vst v63  }
0xa7: {  	s18 =	sand.u32 $0x3FFFFF80, s18  }
0xa8: {  	[tilespmem:s28], [sflag:$0x1] =	stream.indirect.gather [hbm4b:s1+s0], $0x80, s18, s0, $0xb8;
	[tilespmem:$0x1F880] =	vst v63  }
0xa9: {  	s18 =	simm.s32 $0x0  }
0xaa: {  	v7 =	vld [tilespmem:s18+$0x9800]  }
0xab: {  	v12 =	vld [tilespmem:s18+$0x9810]  }
0xac: {  	v6 =	vld [tilespmem:s18+$0x9820]  }
0xad: {  	v5 =	vld [tilespmem:s18+$0x9830]  }
0xae: {  	v4 =	vld [tilespmem:s18+$0x9840]  }
0xaf: {  	v3 =	vld [tilespmem:s18+$0x9850]  }
0xb0: {  	v2 =	vld [tilespmem:s18+$0x9860]  }
0xb1: {  	v1 =	vld [tilespmem:s18+$0x9870]  }
0xb2: {  	v13 =	vld [tilespmem:s18+$0x4800]  }
0xb3: {  	v14 =	vld [tilespmem:s18+$0x4810]  }
0xb4: {  	v11 =	vld [tilespmem:s18+$0x4820]  }
0xb5: {  	v10 =	vld [tilespmem:s18+$0x4830]  }
0xb6: {  	v9 =	vld [tilespmem:s18+$0x4840]  }
0xb7: {  	v8 =	vld [tilespmem:s18+$0x4850];
	v13 =	vadd.f32 v7, v13  }
0xb8: {  	s19 =	simm.s32 $0x200;
	v12 =	vadd.f32 v12, v14;
	v7 =	vld [tilespmem:s18+$0x4860]  }
.LBB2_8:
0xb9: {  	s20 =	sshra.s32 s19, $0x2;
	p1 =	sne.s32 s19, $0x9E00;
	v13 =	vmax.f32 v13, $0.0e+00;
	v6 =	vadd.f32 v6, v11;
	v11 =	vld [tilespmem:s18+$0x4870]  }
0xba: {  	v14 =	vld [tilespmem:s20+$0x9800];
	[tilespmem:s18+$0x4800] =	vst v13;
	v12 =	vmax.f32 v12, $0.0e+00;
	v5 =	vadd.f32 v5, v10  }
0xbb: {  	v15 =	vld [tilespmem:s20+$0x9810];
	[tilespmem:s18+$0x4810] =	vst v12;
	v10 =	vmax.f32 v6, $0.0e+00;
	v4 =	vadd.f32 v4, v9  }
0xbc: {  	v6 =	vld [tilespmem:s20+$0x9820];
	[tilespmem:s18+$0x4820] =	vst v10;
	v9 =	vmax.f32 v5, $0.0e+00;
	v3 =	vadd.f32 v3, v8  }
0xbd: {  	v5 =	vld [tilespmem:s20+$0x9830];
	[tilespmem:s18+$0x4830] =	vst v9;
	v8 =	vmax.f32 v4, $0.0e+00;
	v2 =	vadd.f32 v2, v7  }
0xbe: {  	v4 =	vld [tilespmem:s20+$0x9840];
	[tilespmem:s18+$0x4840] =	vst v8;
	v7 =	vmax.f32 v3, $0.0e+00;
	v1 =	vadd.f32 v1, v11  }
0xbf: {  	v3 =	vld [tilespmem:s20+$0x9850];
	[tilespmem:s18+$0x4850] =	vst v7;
	v7 =	vmax.f32 v2, $0.0e+00  }
0xc0: {  	v2 =	vld [tilespmem:s20+$0x9860];
	[tilespmem:s18+$0x4860] =	vst v7;
	v7 =	vmax.f32 v1, $0.0e+00  }
0xc1: {  	v1 =	vld [tilespmem:s20+$0x9870];
	[tilespmem:s18+$0x4870] =	vst v7;
	s18 =	smov.u32 s20  }
0xc2: {  	v7 =	vld [tilespmem:s18+$0x4800]  }
0xc3: {  	v12 =	vld [tilespmem:s18+$0x4810]  }
.Ltmp2:
0xc4: {  	v11 =	vld [tilespmem:s18+$0x4820];
	(pc) =	sbr.rel @p1 .LBB2_8-.Ltmp2, $4  }
0xc5: {  	v10 =	vld [tilespmem:s18+$0x4830]  }
0xc6: {  	v9 =	vld [tilespmem:s18+$0x4840]  }
0xc7: {  	v13 =	vadd.f32 v14, v7;
	v8 =	vld [tilespmem:s18+$0x4850]  }
0xc8: {  	s19 =	sadd.s32 $0x200, s19;
	v12 =	vadd.f32 v15, v12;
	v7 =	vld [tilespmem:s18+$0x4860]  }
0xc9: {  	v13 =	vmax.f32 v13, $0.0e+00;
	v6 =	vadd.f32 v6, v11;
	v63 =	vld [tilespmem:s18+$0x4870]  }
0xca: {  	[tilespmem:s18+$0x4800] =	vst v13;
	v12 =	vmax.f32 v12, $0.0e+00;
	v5 =	vadd.f32 v5, v10  }
0xcb: {  	[tilespmem:s18+$0x4810] =	vst v12;
	v6 =	vmax.f32 v6, $0.0e+00;
	v4 =	vadd.f32 v4, v9  }
0xcc: {  	[tilespmem:s18+$0x4820] =	vst v6;
	v5 =	vmax.f32 v5, $0.0e+00;
	v3 =	vadd.f32 v3, v8  }
0xcd: {  	[tilespmem:s18+$0x4830] =	vst v5;
	v4 =	vmax.f32 v4, $0.0e+00;
	v2 =	vadd.f32 v2, v7  }
0xce: {  	[tilespmem:s18+$0x4840] =	vst v4;
	v3 =	vmax.f32 v3, $0.0e+00;
	v1 =	vadd.f32 v1, v63  }
0xcf: {  	s16 =	sadd.s32 $0x1, s16;
	[tilespmem:s18+$0x4850] =	vst v3;
	v2 =	vmax.f32 v2, $0.0e+00  }
0xd0: {  	p1 =	sne.s32 s16, $0xC;
	[tilespmem:s18+$0x4860] =	vst v2;
	v1 =	vmax.f32 v1, $0.0e+00  }
.Ltmp3:
0xd1: {  	s17 =	sadd.s32 $0x1000, s17;
	[tilespmem:s18+$0x4870] =	vst v1;
	(pc) =	sbr.rel @p1 .LBB2_5-.Ltmp3, $4  }
0xd2: {  	[spmem:s3] =	stream.indirect.scatter.add.f32 [tilespmem:s8], [sflag:$0x5], $0x80, s17, s0, $0xb8;
	[tilespmem:$0x1F880] =	vst v63  }
0xd3: {  	_ =	swait.ge [sflag:s29], $0x2800  }
0xd4: {  	[sflag:s29] =	ssyncset.done $0x0  }
0xd5: {  	[sflag:s29] =	ssyncadd.s32 $0xFFFFD800  }
0xd6: {  	_ =	swait.ge [sflag:s5], $0x2800  }
0xd7: {  	[sflag:s5] =	ssyncset.done $0x0  }
0xd8: {  	[sflag:s5] =	ssyncadd.s32 $0xFFFFD800  }
0xd9: {  	_ =	swait.ge [sflag:s6], $0x2800  }
0xda: {  	[sflag:s6] =	ssyncset.done $0x0  }
0xdb: {  	s16 =	simm.s32 $0x0;
	[sflag:s6] =	ssyncadd.s32 $0xFFFFD800  }
0xdc: {  	v7 =	vld [tilespmem:s16+$0x7000]  }
0xdd: {  	v12 =	vld [tilespmem:s16+$0x7010]  }
0xde: {  	v6 =	vld [tilespmem:s16+$0x7020]  }
0xdf: {  	v5 =	vld [tilespmem:s16+$0x7030]  }
0xe0: {  	v4 =	vld [tilespmem:s16+$0x7040]  }
0xe1: {  	v3 =	vld [tilespmem:s16+$0x7050]  }
0xe2: {  	v2 =	vld [tilespmem:s16+$0x7060]  }
0xe3: {  	v1 =	vld [tilespmem:s16+$0x7070]  }
0xe4: {  	v13 =	vld [tilespmem:s16+$0x2000]  }
0xe5: {  	v14 =	vld [tilespmem:s16+$0x2010]  }
0xe6: {  	v11 =	vld [tilespmem:s16+$0x2020]  }
0xe7: {  	v10 =	vld [tilespmem:s16+$0x2030]  }
0xe8: {  	v9 =	vld [tilespmem:s16+$0x2040]  }
0xe9: {  	v8 =	vld [tilespmem:s16+$0x2050];
	v13 =	vadd.f32 v7, v13  }
0xea: {  	s17 =	simm.s32 $0x200;
	v12 =	vadd.f32 v12, v14;
	v7 =	vld [tilespmem:s16+$0x2060]  }
.LBB2_11:
0xeb: {  	s18 =	sshra.s32 s17, $0x2;
	p1 =	sne.s32 s17, $0x9E00;
	v13 =	vmax.f32 v13, $0.0e+00;
	v6 =	vadd.f32 v6, v11;
	v11 =	vld [tilespmem:s16+$0x2070]  }
0xec: {  	v14 =	vld [tilespmem:s18+$0x7000];
	[tilespmem:s16+$0x2000] =	vst v13;
	v12 =	vmax.f32 v12, $0.0e+00;
	v5 =	vadd.f32 v5, v10  }
0xed: {  	v15 =	vld [tilespmem:s18+$0x7010];
	[tilespmem:s16+$0x2010] =	vst v12;
	v10 =	vmax.f32 v6, $0.0e+00;
	v4 =	vadd.f32 v4, v9  }
0xee: {  	v6 =	vld [tilespmem:s18+$0x7020];
	[tilespmem:s16+$0x2020] =	vst v10;
	v9 =	vmax.f32 v5, $0.0e+00;
	v3 =	vadd.f32 v3, v8  }
0xef: {  	v5 =	vld [tilespmem:s18+$0x7030];
	[tilespmem:s16+$0x2030] =	vst v9;
	v8 =	vmax.f32 v4, $0.0e+00;
	v2 =	vadd.f32 v2, v7  }
0xf0: {  	v4 =	vld [tilespmem:s18+$0x7040];
	[tilespmem:s16+$0x2040] =	vst v8;
	v7 =	vmax.f32 v3, $0.0e+00;
	v1 =	vadd.f32 v1, v11  }
0xf1: {  	v3 =	vld [tilespmem:s18+$0x7050];
	[tilespmem:s16+$0x2050] =	vst v7;
	v7 =	vmax.f32 v2, $0.0e+00  }
0xf2: {  	v2 =	vld [tilespmem:s18+$0x7060];
	[tilespmem:s16+$0x2060] =	vst v7;
	v7 =	vmax.f32 v1, $0.0e+00  }
0xf3: {  	v1 =	vld [tilespmem:s18+$0x7070];
	[tilespmem:s16+$0x2070] =	vst v7;
	s16 =	smov.u32 s18  }
0xf4: {  	v7 =	vld [tilespmem:s16+$0x2000]  }
0xf5: {  	v12 =	vld [tilespmem:s16+$0x2010]  }
.Ltmp4:
0xf6: {  	v11 =	vld [tilespmem:s16+$0x2020];
	(pc) =	sbr.rel @p1 .LBB2_11-.Ltmp4, $4  }
0xf7: {  	v10 =	vld [tilespmem:s16+$0x2030]  }
0xf8: {  	v9 =	vld [tilespmem:s16+$0x2040]  }
0xf9: {  	v13 =	vadd.f32 v14, v7;
	v8 =	vld [tilespmem:s16+$0x2050]  }
0xfa: {  	s17 =	sadd.s32 $0x200, s17;
	v12 =	vadd.f32 v15, v12;
	v7 =	vld [tilespmem:s16+$0x2060]  }
0xfb: {  	v13 =	vmax.f32 v13, $0.0e+00;
	v6 =	vadd.f32 v6, v11;
	v63 =	vld [tilespmem:s16+$0x2070]  }
0xfc: {  	[tilespmem:s16+$0x2000] =	vst v13;
	v12 =	vmax.f32 v12, $0.0e+00;
	v5 =	vadd.f32 v5, v10  }
0xfd: {  	[tilespmem:s16+$0x2010] =	vst v12;
	v6 =	vmax.f32 v6, $0.0e+00;
	v4 =	vadd.f32 v4, v9  }
0xfe: {  	[tilespmem:s16+$0x2020] =	vst v6;
	v5 =	vmax.f32 v5, $0.0e+00;
	v3 =	vadd.f32 v3, v8  }
0xff: {  	[tilespmem:s16+$0x2030] =	vst v5;
	v4 =	vmax.f32 v4, $0.0e+00;
	v2 =	vadd.f32 v2, v7  }
0x100: {  	[tilespmem:s16+$0x2040] =	vst v4;
	v3 =	vmax.f32 v3, $0.0e+00;
	v1 =	vadd.f32 v1, v63  }
0x101: {  	s13 =	sadd.s32 $0x1, s13;
	[tilespmem:s16+$0x2050] =	vst v3;
	v2 =	vmax.f32 v2, $0.0e+00  }
0x102: {  	p1 =	sne.s32 s13, $0x5;
	[tilespmem:s16+$0x2060] =	vst v2;
	v1 =	vmax.f32 v1, $0.0e+00  }
.Ltmp5:
0x103: {  	[tilespmem:s16+$0x2070] =	vst v1;
	(pc) =	sbr.rel @p1 .LBB2_4-.Ltmp5, $4  }
0x104: {  	[spmem:s3] =	stream.indirect.scatter.add.f32 [tilespmem:s28], [sflag:$0x5], $0x80, s11, s0, $0xb8;
	[tilespmem:$0x1F880] =	vst v63  }
0x105: {  	_ =	swait.ge [sflag:s29], $0x2800  }
0x106: {  	[sflag:s29] =	ssyncset.done $0x0  }
0x107: {  	[sflag:s29] =	ssyncadd.s32 $0xFFFFD800  }
0x108: {  	s12 =	stileid.u32  }
0x109: {  	[bflag:$0x0] =	sbarrier.arrive $0xFFFF;
	s12 =	sshll.u32 s12, $0x6  }
0x10a: {  	s13 =	sshrl.u32 s22, $0x3;
	s16 =	rddreg [dreg:$0x5];
	s12 =	sor.u32 $0x1C05, s12  }
0x10b: {  	[hbm:s16], [sflag:s12] =	dma.local [spmem:s13], $0x500  }
0x10c: {  	_ =	swait.ge [sflag:s29], $0x500  }
0x10d: {  	[sflag:s29] =	ssyncset.done $0x0  }
0x10e: {  	s17 =	sshrl.u32 s23, $0x3;
	s20 =	rddreg [dreg:$0x6];
	[sflag:s29] =	ssyncadd.s32 $0xFFFFFB00  }
0x10f: {  	[hbm:s20], [sflag:s12] =	dma.local [spmem:s17], $0x500  }
0x110: {  	_ =	swait.ge [sflag:s29], $0x500  }
0x111: {  	s19 =	smov.u32 s22;
	[sflag:s29] =	ssyncset.done $0x0;
	s20 =	rddreg [dreg:$0xd]  }
0x112: {  	s22 =	rddreg [dreg:$0x7];
	[sflag:s29] =	ssyncadd.s32 $0xFFFFFB00;
	s21 =	sshrl.u32 s20, $0x3  }
0x113: {  	[hbm:s22], [sflag:s12] =	dma.local [spmem:s21], $0x500  }
0x114: {  	_ =	swait.ge [sflag:s29], $0x500  }
0x115: {  	s18 =	smov.u32 s23;
	[sflag:s29] =	ssyncset.done $0x0;
	s17 =	rddreg [dreg:$0xe]  }
0x116: {  	s26 =	rddreg [dreg:$0x8];
	[sflag:s29] =	ssyncadd.s32 $0xFFFFFB00;
	s23 =	sshrl.u32 s17, $0x3  }
0x117: {  	[hbm:s26], [sflag:s12] =	dma.local [spmem:s23], $0x500  }
0x118: {  	_ =	swait.ge [sflag:s29], $0x500  }
0x119: {  	[sflag:s29] =	ssyncset.done $0x0;
	s21 =	rddreg [dreg:$0xf]  }
0x11a: {  	s22 =	rddreg [dreg:$0x9];
	[sflag:s29] =	ssyncadd.s32 $0xFFFFFB00;
	s16 =	sshrl.u32 s21, $0x3  }
0x11b: {  	[hbm:s22], [sflag:s12] =	dma.local [spmem:s16], $0x500  }
0x11c: {  	_ =	swait.ge [sflag:s29], $0x500  }
0x11d: {  	[sflag:s29] =	ssyncset.done $0x0;
	s23 =	rddreg [dreg:$0x10]  }
0x11e: {  	s26 =	rddreg [dreg:$0xa];
	[sflag:s29] =	ssyncadd.s32 $0xFFFFFB00;
	s13 =	sshrl.u32 s23, $0x3  }
0x11f: {  	[hbm:s26], [sflag:s12] =	dma.local [spmem:s13], $0x500  }
0x120: {  	_ =	swait.ge [sflag:s29], $0x500  }
0x121: {  	[sflag:s29] =	ssyncset.done $0x0;
	s22 =	rddreg [dreg:$0x11]  }
0x122: {  	s23 =	rddreg [dreg:$0xb];
	[sflag:s29] =	ssyncadd.s32 $0xFFFFFB00;
	s13 =	sshrl.u32 s22, $0x3  }
0x123: {  	[hbm:s23], [sflag:s12] =	dma.local [spmem:s13], $0x500  }
0x124: {  	_ =	swait.ge [sflag:s29], $0x500  }
0x125: {  	[sflag:s29] =	ssyncset.done $0x0;
	s13 =	rddreg [dreg:$0x12]  }
0x126: {  	s16 =	rddreg [dreg:$0xc];
	[sflag:s29] =	ssyncadd.s32 $0xFFFFFB00;
	s13 =	sshrl.u32 @!p0 s13, $0x3  }
0x127: {  	[hbm:s16], [sflag:s12] =	dma.local @!p0 [spmem:s13], $0x500  }
0x128: {  	s12 =	simm.s32 @!p0 $0x5  }
0x129: {  	_ =	swait.ge @!p0 [sflag:s12], $0x500  }
0x12a: {  	s4 =	sadd.s32 $0x1, s4;
	s26 =	rddreg [dreg:$0x13]  }
0x12b: {  	p1 =	sne.s32 s4, s26  }
.Ltmp6:
0x12c: {  	_ = 	snop;
	(pc) =	sbr.rel @p1 .LBB2_1-.Ltmp6, $3  }
0x12d: {  	_ =	sdelay $0x1  }
0x12e: {  	[sflag:s12] =	ssyncset.done @!p0 $0x0  }
0x12f: {  	[sflag:s12] =	ssyncadd.s32 @!p0 $0xFFFFFB00  }
0x130: {  	_ =	sfence.sel $0x180000  }
0x131: {  	[bflag:$0x0] =	sbarrier.arrive $0xFFFF  }
0x132: {  	_ =	strace $0x90000047  }
0x133: {  	s0 =	stileid.u32;
	[bflag:$0x2] =	sbarrier.arrive $0xFFFF  }
0x134: {  	p0 =	sne.s32 s0, $0x0;
	s0 =	rddreg [dreg:$0x4]  }
0x135: {  	s0 =	sadd.s32 @!p0 $0x100000, s0  }
0x136: {  	[sflag:s0] =	ssyncadd.tile.s32 @!p0 $0x1;
	_ =	shalt  }
.Lfunc_end2:
_tile_overlayer_lowered:
.L_overlay_start_2:
0x137: {  	(tag) =	ssettag $0x2  }
0x138: {  	s0 =	rddreg [dreg:$0x0];
	s2 =	stileid.u32  }
0x139: {  	s1 =	rddreg [dreg:$0x1];
	p0 =	sne.s32 s2, $0x0  }
0x13a: {  	s3 =	rddreg [dreg:$0x2];
	[bflag:$0x3] =	sbarrier.arrive $0xFFFF;
	s2 =	simm.s32 @!p0 $0x1C05  }
0x13b: {  	[timem:s3], [sflag:s2] =	dma.local @!p0 [hbm:s0], s1  }
0x13c: {  	s0 =	simm.s32 @!p0 $0x5  }
0x13d: {  	_ =	swait.ge @!p0 [sflag:s0], s1  }
0x13e: {  	s1 =	ssub.s32 @!p0 $0x0, s1;
	[sflag:s0] =	ssyncset.done @!p0 $0x0  }
0x13f: {  	[sflag:s0] =	ssyncadd.s32 @!p0 s1  }
0x140: {  	[bflag:$0x3] =	sbarrier.arrive $0xFFFF  }
0x141: {  	_ =	shalt  }

</sc_bundles>
